<compile_context>
chip_gen: v7x
topology: tpu7x:2x2x1
jax: 0.10.2.dev20260603
libtpu: 0.0.44.dev20260713+nightly
codegen_flags: <defaults>
</compile_context>

<pallas_src>
import functools

import jax
import jax.numpy as jnp
from jax import lax
from jax.experimental import pallas as pl
from jax.experimental.pallas import tpu as pltpu
from jax.experimental.pallas import tpu_sc as plsc

N = 10000
E = 320000
D = 128
NC, NS, L = 2, 16, 16
NW = NC * NS
EPT = 10240
CH = 128
NCH = EPT // CH
GRP = 8
NG = NCH // GRP
E_PAD = NW * EPT
NCHT = E_PAD // CH
NGRP_TOT = NCHT // GRP
CORE_FAST = 1
CH_FAST = 144
CH_SLOW = 16
N_ACC = 10112
STRIPE = N_ACC // NS
BLK = 632


def _sc_agg_body(h, src, dst, zeros_a, part_out,
                 src_v, dst_v, rows_v, acc_s, gsem):
    c = lax.axis_index("c")
    s = lax.axis_index("s")
    base = s * STRIPE

    cnt = jnp.where(c == CORE_FAST, CH_FAST, CH_SLOW)
    grp0 = (jnp.where(c == CORE_FAST, 0, NS * CH_FAST) + s * cnt) // GRP
    grp0 = jnp.minimum(grp0, NGRP_TOT - 1)
    ngrp = cnt // GRP

    pltpu.sync_copy(zeros_a, acc_s.at[pl.ds(base, STRIPE)])

    pltpu.sync_copy(src.at[grp0], src_v.at[0])
    pltpu.sync_copy(dst.at[grp0], dst_v.at[0])

    plsc.subcore_barrier()

    @pl.when(cnt > 0)
    def _():
        pltpu.async_copy(h.at[src_v.at[0, 0]], rows_v.at[0], gsem)

    def _group(g, _):
        gm = lax.rem(g, 2)
        gp = lax.rem(g + 1, 2)

        @pl.when(g + 1 < ngrp)
        def _():
            pltpu.sync_copy(src.at[grp0 + g + 1], src_v.at[gp])
            pltpu.sync_copy(dst.at[grp0 + g + 1], dst_v.at[gp])

        for k in range(GRP):
            j = g * GRP + k

            @pl.when(j + 1 < cnt)
            def _():
                if k + 1 < GRP:
                    nidx = src_v.at[gm, k + 1]
                else:
                    nidx = src_v.at[gp, 0]
                pltpu.async_copy(h.at[nidx], rows_v.at[(k + 1) % 2], gsem)

            pltpu.make_async_copy(
                h.at[src_v.at[gm, k]], rows_v.at[k % 2], gsem).wait()

            pltpu.sync_copy(rows_v.at[k % 2], acc_s.at[dst_v.at[gm, k]],
                            add=True)
        return 0
    lax.fori_loop(0, ngrp, _group, 0)

    plsc.subcore_barrier()

    pltpu.sync_copy(acc_s.at[pl.ds(base, STRIPE)],
                    part_out.at[c, pl.ds(base, STRIPE)])


def _sc_deg_body(dst, zeros_b, ones_in, deg_out,
                 dst_v, ones_v, dega_s, _sem):
    c = lax.axis_index("c")
    s = lax.axis_index("s")
    wid = c * NS + s
    base = s * STRIPE

    pltpu.sync_copy(zeros_b, dega_s.at[pl.ds(base, STRIPE)])
    pltpu.sync_copy(ones_in, ones_v)
    pltpu.sync_copy(dst.at[wid], dst_v)

    plsc.subcore_barrier()

    def _chunk(j, _):
        pltpu.sync_copy(ones_v, dega_s.at[dst_v.at[j]], add=True)
        return 0
    lax.fori_loop(0, NCH, _chunk, 0)

    plsc.subcore_barrier()

    pltpu.sync_copy(dega_s.at[pl.ds(base, STRIPE)],
                    deg_out.at[c, pl.ds(base, STRIPE)])


def _make_sc_agg():
    mesh = plsc.VectorSubcoreMesh(core_axis_name="c", subcore_axis_name="s")
    return pl.kernel(
        _sc_agg_body,
        out_type=jax.ShapeDtypeStruct((NC, N_ACC, D), jnp.float32),
        mesh=mesh,
        scratch_types=(
            pltpu.VMEM((2, GRP, CH), jnp.int32),
            pltpu.VMEM((2, GRP, CH), jnp.int32),
            pltpu.VMEM((2, CH, D), jnp.float32),
            pltpu.VMEM_SHARED((N_ACC, D), jnp.float32),
            pltpu.SemaphoreType.DMA,
        ),
    )


def _make_sc_deg():
    mesh = plsc.VectorSubcoreMesh(core_axis_name="c", subcore_axis_name="s")
    return pl.kernel(
        _sc_deg_body,
        out_type=jax.ShapeDtypeStruct((NC, N_ACC, D), jnp.float32),
        mesh=mesh,
        scratch_types=(
            pltpu.VMEM((NCH, CH), jnp.int32),
            pltpu.VMEM((CH, D), jnp.float32),
            pltpu.VMEM_SHARED((N_ACC, D), jnp.float32),
            pltpu.SemaphoreType.DMA,
        ),
    )


def _dense_body(relu, h_ref, p_ref, d0_ref, d1_ref, ws_ref, wn_ref, b_ref, o_ref):
    deg = d0_ref[...] + d1_ref[...]
    recip = 1.0 / jnp.maximum(deg, 1.0)
    ssum = p_ref[0] + p_ref[1]
    hn = ssum * recip
    z = (jnp.dot(h_ref[...], ws_ref[...], preferred_element_type=jnp.float32)
         + jnp.dot(hn, wn_ref[...], preferred_element_type=jnp.float32)
         + b_ref[...])
    o_ref[...] = jnp.maximum(z, 0.0) if relu else z


def _dense(h, part, d0, d1, Ws, Wn, b, relu):
    return pl.pallas_call(
        functools.partial(_dense_body, relu),
        grid=(NS,),
        in_specs=[
            pl.BlockSpec((BLK, D), lambda i: (i, 0)),
            pl.BlockSpec((NC, BLK, D), lambda i: (0, i, 0)),
            pl.BlockSpec((BLK, 1), lambda i: (i, 0)),
            pl.BlockSpec((BLK, 1), lambda i: (i, 0)),
            pl.BlockSpec((D, D), lambda i: (0, 0)),
            pl.BlockSpec((D, D), lambda i: (0, 0)),
            pl.BlockSpec((1, D), lambda i: (0, 0)),
        ],
        out_specs=pl.BlockSpec((BLK, D), lambda i: (i, 0)),
        out_shape=jax.ShapeDtypeStruct((N, D), jnp.float32),
    )(h, part, d0, d1, Ws, Wn, b)


_sc_agg = _make_sc_agg()
_sc_deg = _make_sc_deg()


def kernel(x, edge_index, W_self1, W_neigh1, b1, W_self2, W_neigh2, b2):
    src = edge_index[0]
    dst = edge_index[1]
    src_p = jnp.concatenate(
        [src, jnp.zeros((E_PAD - E,), jnp.int32)]).reshape(NW, NCH, CH)
    dst_p = jnp.concatenate(
        [dst, jnp.full((E_PAD - E,), N_ACC - 1, jnp.int32)]).reshape(NW, NCH, CH)

    zeros_a = jnp.zeros((STRIPE, D), jnp.float32)
    ones_c = jnp.ones((CH, D), jnp.float32)

    degp = _sc_deg(dst_p, zeros_a, ones_c)
    d0 = degp[0, :, 0:1]
    d1 = degp[1, :, 0:1]
    b1r = b1.reshape(1, D)
    b2r = b2.reshape(1, D)

    src_g = src_p.reshape(NGRP_TOT, GRP, CH)
    dst_g = dst_p.reshape(NGRP_TOT, GRP, CH)

    part1 = _sc_agg(x, src_g, dst_g, zeros_a)
    h1 = _dense(x, part1, d0, d1, W_self1, W_neigh1, b1r, relu=True)
    part2 = _sc_agg(h1, src_g, dst_g, zeros_a)
    out = _dense(h1, part2, d0, d1, W_self2, W_neigh2, b2r, relu=False)
    return out

# --- scband reference (transcript-rebuilt; emitter-appended) ---
"""Pipeline reference for scband-large-baseline-graph-sagecluster-28707561407278 (READ-ONLY COPY).

The authoritative reference and input builder live on the scoring server;
editing this copy changes nothing except your own understanding.
"""

import jax, jax.numpy as jnp
import numpy as np

N_NODES = 10000
N_EDGES = 320000
D_IN = 128
D_H = 128


def setup_inputs(seed: int = 0) -> dict:
    key = jax.random.key(seed)
    ks = jax.random.split(key, 9)
    x = jax.random.normal(ks[0], (N_NODES, D_IN), dtype=jnp.float32)
    edge_index = jax.random.randint(ks[1], (2, N_EDGES), 0, N_NODES, dtype=jnp.int32)
    s = 0.05
    W_self1 = jax.random.normal(ks[2], (D_IN, D_H), dtype=jnp.float32) * s
    W_neigh1 = jax.random.normal(ks[3], (D_IN, D_H), dtype=jnp.float32) * s
    b1 = jnp.zeros((D_H,), dtype=jnp.float32)
    W_self2 = jax.random.normal(ks[4], (D_H, D_H), dtype=jnp.float32) * s
    W_neigh2 = jax.random.normal(ks[5], (D_H, D_H), dtype=jnp.float32) * s
    b2 = jnp.zeros((D_H,), dtype=jnp.float32)
    return {"x": x, "edge_index": edge_index, "W_self1": W_self1, "W_neigh1": W_neigh1,
            "b1": b1, "W_self2": W_self2, "W_neigh2": W_neigh2, "b2": b2}


def _sage_conv_mean(h, edge_index, W_self, W_neigh, b):
    # DGL SAGEConv with aggregator_type='mean':
    #   h_neigh = mean_{u in N(v)} h_u ;  out = h @ W_self + h_neigh @ W_neigh + b
    src = edge_index[0]
    dst = edge_index[1]
    msgs = jnp.take(h, src, axis=0)
    summed = jax.ops.segment_sum(msgs, dst, num_segments=N_NODES)
    deg = jax.ops.segment_sum(jnp.ones((msgs.shape[0],), dtype=h.dtype), dst, num_segments=N_NODES)
    h_neigh = summed / jnp.maximum(deg, 1.0)[:, None]
    return h @ W_self + h_neigh @ W_neigh + b


def reference(x, edge_index, W_self1, W_neigh1, b1, W_self2, W_neigh2, b2):
    # blocks simplified to the same full-graph edge_index for each layer;
    # dropout is identity in eval mode.
    h = x.astype(jnp.float32)
    h = _sage_conv_mean(h, edge_index, W_self1, W_neigh1, b1)
    h = jax.nn.relu(h)
    h = _sage_conv_mean(h, edge_index, W_self2, W_neigh2, b2)
    return h

if __name__ == "__main__":
    import jax
    _d = setup_inputs()
    print(jax.jit(kernel)(*tuple(_d.values())))

</pallas_src>

<mosaic_0001>
#map = affine_map<(d0, d1) -> (0, 0)>
#map1 = affine_map<(d0, d1) -> (0, 0, 0)>
module attributes {stable_mosaic.version = 14 : i64} {
  func.func @_sc_agg_body(%arg0: i32, %arg1: i32, %arg2: memref<10000x128xf32, #tpu.memory_space<hbm>>, %arg3: memref<320x8x128xi32, #tpu.memory_space<hbm>>, %arg4: memref<320x8x128xi32, #tpu.memory_space<hbm>>, %arg5: memref<632x128xf32, #tpu.memory_space<hbm>>, %arg6: memref<2x10112x128xf32, #tpu.memory_space<hbm>>, %arg7: memref<2x8x128xi32, #tpu.memory_space<vmem>>, %arg8: memref<2x8x128xi32, #tpu.memory_space<vmem>>, %arg9: memref<2x128x128xf32, #tpu.memory_space<vmem>>, %arg10: memref<10112x128xf32, #tpu.memory_space<vmem_shared>>, %arg11: memref<!tpu.dma_semaphore, #tpu.memory_space<semaphore_mem>>) attributes {dimension_semantics = [#tpu.dimension_semantics<core_parallel>, #tpu.dimension_semantics<subcore_parallel>], iteration_bounds = array<i64: 2, 16>, scalar_prefetch = 0 : i64, scratch_operands = 5 : i64, tpu.core_type = #tpu.core_type<sc_vector_subcore>, window_params = [{transform_indices = #map}, {transform_indices = #map1}, {transform_indices = #map1}, {transform_indices = #map}, {transform_indices = #map1}]} {
    %mul3A = arith.constant 632 : i32
    %mul3A_0 = arith.muli %arg1, %mul3A : i32
    %eq3A = arith.constant 1 : i32
    %eq3A_1 = arith.cmpi eq, %arg0, %eq3A : i32
    %jit3A = arith.constant 144 : i32
    %jit3A_2 = arith.constant 16 : i32
    %select_n3A = arith.select %eq3A_1, %jit3A, %jit3A_2 : i32
    %eq3A_3 = arith.constant 1 : i32
    %eq3A_4 = arith.cmpi eq, %arg0, %eq3A_3 : i32
    %jit3A_5 = arith.constant 0 : i32
    %jit3A_6 = arith.constant 2304 : i32
    %select_n3A_7 = arith.select %eq3A_4, %jit3A_5, %jit3A_6 : i32
    %mul3A_8 = arith.muli %arg1, %select_n3A : i32
    %add3A = arith.addi %select_n3A_7, %mul3A_8 : i32
    %jit3A_9 = arith.constant 8 : i32
    %div3A = arith.divsi %add3A, %jit3A_9 : i32
    %sign3A = arith.constant 0 : i32
    %sign3A_10 = arith.cmpi sgt, %add3A, %sign3A : i32
    %sign3A_11 = arith.extui %sign3A_10 : i1 to i32
    %sign3A_12 = arith.constant 0 : i32
    %sign3A_13 = arith.cmpi slt, %add3A, %sign3A_12 : i32
    %sign3A_14 = arith.extui %sign3A_13 : i1 to i32
    %sign3A_15 = arith.subi %sign3A_11, %sign3A_14 : i32
    %sign3A_16 = arith.constant 0 : i32
    %sign3A_17 = arith.cmpi sgt, %jit3A_9, %sign3A_16 : i32
    %sign3A_18 = arith.extui %sign3A_17 : i1 to i32
    %sign3A_19 = arith.constant 0 : i32
    %sign3A_20 = arith.cmpi slt, %jit3A_9, %sign3A_19 : i32
    %sign3A_21 = arith.extui %sign3A_20 : i1 to i32
    %sign3A_22 = arith.subi %sign3A_18, %sign3A_21 : i32
    %ne3A = arith.cmpi ne, %sign3A_15, %sign3A_22 : i32
    %rem3A = arith.remsi %add3A, %jit3A_9 : i32
    %ne3A_23 = arith.constant 0 : i32
    %ne3A_24 = arith.cmpi ne, %rem3A, %ne3A_23 : i32
    %and3A = arith.andi %ne3A, %ne3A_24 : i1
    %sub3A = arith.constant 1 : i32
    %sub3A_25 = arith.subi %div3A, %sub3A : i32
    %select_n3A_26 = arith.select %and3A, %sub3A_25, %div3A : i32
    %min3A = arith.constant 319 : i32
    %min3A_27 = arith.minsi %select_n3A_26, %min3A : i32
    %jit3A_28 = arith.constant 8 : i32
    %div3A_29 = arith.divsi %select_n3A, %jit3A_28 : i32
    %sign3A_30 = arith.constant 0 : i32
    %sign3A_31 = arith.cmpi sgt, %select_n3A, %sign3A_30 : i32
    %sign3A_32 = arith.extui %sign3A_31 : i1 to i32
    %sign3A_33 = arith.constant 0 : i32
    %sign3A_34 = arith.cmpi slt, %select_n3A, %sign3A_33 : i32
    %sign3A_35 = arith.extui %sign3A_34 : i1 to i32
    %sign3A_36 = arith.subi %sign3A_32, %sign3A_35 : i32
    %sign3A_37 = arith.constant 0 : i32
    %sign3A_38 = arith.cmpi sgt, %jit3A_28, %sign3A_37 : i32
    %sign3A_39 = arith.extui %sign3A_38 : i1 to i32
    %sign3A_40 = arith.constant 0 : i32
    %sign3A_41 = arith.cmpi slt, %jit3A_28, %sign3A_40 : i32
    %sign3A_42 = arith.extui %sign3A_41 : i1 to i32
    %sign3A_43 = arith.subi %sign3A_39, %sign3A_42 : i32
    %ne3A_44 = arith.cmpi ne, %sign3A_36, %sign3A_43 : i32
    %rem3A_45 = arith.remsi %select_n3A, %jit3A_28 : i32
    %ne3A_46 = arith.constant 0 : i32
    %ne3A_47 = arith.cmpi ne, %rem3A_45, %ne3A_46 : i32
    %and3A_48 = arith.andi %ne3A_44, %ne3A_47 : i1
    %sub3A_49 = arith.constant 1 : i32
    %sub3A_50 = arith.subi %div3A_29, %sub3A_49 : i32
    %select_n3A_51 = arith.select %and3A_48, %sub3A_50, %div3A_29 : i32
    "tpu.region"() ({
      %run_scoped3A_67 = tpu.sem_alloc : memref<!tpu.dma_semaphore, #tpu.memory_space<semaphore_mem>>
      %dma_start3A = arith.constant 0 : i32
      %dma_start3A_68 = tpu.memref_slice %arg10[%mul3A_0, %dma_start3A] : memref<10112x128xf32, #tpu.memory_space<vmem_shared>> -> memref<632x128xf32, #tpu.memory_space<vmem_shared>>
      tpu.enqueue_dma source(%arg5 : memref<632x128xf32, #tpu.memory_space<hbm>>) target(%dma_start3A_68 : memref<632x128xf32, #tpu.memory_space<vmem_shared>>) target_semaphore(%run_scoped3A_67 : memref<!tpu.dma_semaphore, #tpu.memory_space<semaphore_mem>>)
      %dma_wait3A = arith.constant 0 : i32
      %dma_wait3A_69 = tpu.memref_slice %arg10[%mul3A_0, %dma_wait3A] : memref<10112x128xf32, #tpu.memory_space<vmem_shared>> -> memref<632x128xf32, #tpu.memory_space<vmem_shared>>
      tpu.wait_dma2 semaphore(%run_scoped3A_67 : memref<!tpu.dma_semaphore, #tpu.memory_space<semaphore_mem>>) src(%arg5 : memref<632x128xf32, #tpu.memory_space<hbm>>) dst(%dma_wait3A_69 : memref<632x128xf32, #tpu.memory_space<vmem_shared>>)
      tpu.yield
    }) : () -> ()
    %run_scoped3A = arith.constant 0 : i32
    "tpu.region"() ({
      %run_scoped3A_67 = tpu.sem_alloc : memref<!tpu.dma_semaphore, #tpu.memory_space<semaphore_mem>>
      %dma_start3A = arith.constant 0 : i32
      %dma_start3A_68 = arith.constant 0 : i32
      %dma_start3A_69 = tpu.memref_slice %arg7[%run_scoped3A, %dma_start3A, %dma_start3A_68] : memref<2x8x128xi32, #tpu.memory_space<vmem>> -> memref<1x8x128xi32, #tpu.memory_space<vmem>>
      %dma_start3A_70 = tpu.memref_squeeze %dma_start3A_69 : memref<1x8x128xi32, #tpu.memory_space<vmem>> -> memref<8x128xi32, #tpu.memory_space<vmem>>
      %dma_start3A_71 = arith.constant 0 : i32
      %dma_start3A_72 = arith.constant 0 : i32
      %dma_start3A_73 = tpu.memref_slice %arg3[%min3A_27, %dma_start3A_71, %dma_start3A_72] : memref<320x8x128xi32, #tpu.memory_space<hbm>> -> memref<1x8x128xi32, #tpu.memory_space<hbm>>
      %dma_start3A_74 = tpu.memref_squeeze %dma_start3A_73 : memref<1x8x128xi32, #tpu.memory_space<hbm>> -> memref<8x128xi32, #tpu.memory_space<hbm>>
      %dma_start3A_75 = arith.constant 0 : i32
      %dma_start3A_76 = arith.constant 0 : i32
      %dma_start3A_77 = tpu.memref_slice %arg7[%run_scoped3A, %dma_start3A_75, %dma_start3A_76] : memref<2x8x128xi32, #tpu.memory_space<vmem>> -> memref<1x8x128xi32, #tpu.memory_space<vmem>>
      %dma_start3A_78 = tpu.memref_squeeze %dma_start3A_77 : memref<1x8x128xi32, #tpu.memory_space<vmem>> -> memref<8x128xi32, #tpu.memory_space<vmem>>
      %dma_start3A_79 = arith.constant 0 : i32
      %dma_start3A_80 = arith.constant 0 : i32
      %dma_start3A_81 = tpu.memref_slice %arg3[%min3A_27, %dma_start3A_79, %dma_start3A_80] : memref<320x8x128xi32, #tpu.memory_space<hbm>> -> memref<1x8x128xi32, #tpu.memory_space<hbm>>
      %dma_start3A_82 = tpu.memref_squeeze %dma_start3A_81 : memref<1x8x128xi32, #tpu.memory_space<hbm>> -> memref<8x128xi32, #tpu.memory_space<hbm>>
      tpu.enqueue_dma source(%dma_start3A_82 : memref<8x128xi32, #tpu.memory_space<hbm>>) target(%dma_start3A_78 : memref<8x128xi32, #tpu.memory_space<vmem>>) target_semaphore(%run_scoped3A_67 : memref<!tpu.dma_semaphore, #tpu.memory_space<semaphore_mem>>)
      %dma_wait3A = arith.constant 0 : i32
      %dma_wait3A_83 = arith.constant 0 : i32
      %dma_wait3A_84 = tpu.memref_slice %arg7[%run_scoped3A, %dma_wait3A, %dma_wait3A_83] : memref<2x8x128xi32, #tpu.memory_space<vmem>> -> memref<1x8x128xi32, #tpu.memory_space<vmem>>
      %dma_wait3A_85 = tpu.memref_squeeze %dma_wait3A_84 : memref<1x8x128xi32, #tpu.memory_space<vmem>> -> memref<8x128xi32, #tpu.memory_space<vmem>>
      %dma_wait3A_86 = arith.constant 0 : i32
      %dma_wait3A_87 = arith.constant 0 : i32
      %dma_wait3A_88 = tpu.memref_slice %arg3[%min3A_27, %dma_wait3A_86, %dma_wait3A_87] : memref<320x8x128xi32, #tpu.memory_space<hbm>> -> memref<1x8x128xi32, #tpu.memory_space<hbm>>
      %dma_wait3A_89 = tpu.memref_squeeze %dma_wait3A_88 : memref<1x8x128xi32, #tpu.memory_space<hbm>> -> memref<8x128xi32, #tpu.memory_space<hbm>>
      %dma_wait3A_90 = arith.constant 0 : i32
      %dma_wait3A_91 = arith.constant 0 : i32
      %dma_wait3A_92 = tpu.memref_slice %arg7[%run_scoped3A, %dma_wait3A_90, %dma_wait3A_91] : memref<2x8x128xi32, #tpu.memory_space<vmem>> -> memref<1x8x128xi32, #tpu.memory_space<vmem>>
      %dma_wait3A_93 = tpu.memref_squeeze %dma_wait3A_92 : memref<1x8x128xi32, #tpu.memory_space<vmem>> -> memref<8x128xi32, #tpu.memory_space<vmem>>
      %dma_wait3A_94 = arith.constant 0 : i32
      %dma_wait3A_95 = arith.constant 0 : i32
      %dma_wait3A_96 = tpu.memref_slice %arg3[%min3A_27, %dma_wait3A_94, %dma_wait3A_95] : memref<320x8x128xi32, #tpu.memory_space<hbm>> -> memref<1x8x128xi32, #tpu.memory_space<hbm>>
      %dma_wait3A_97 = tpu.memref_squeeze %dma_wait3A_96 : memref<1x8x128xi32, #tpu.memory_space<hbm>> -> memref<8x128xi32, #tpu.memory_space<hbm>>
      tpu.wait_dma2 semaphore(%run_scoped3A_67 : memref<!tpu.dma_semaphore, #tpu.memory_space<semaphore_mem>>) src(%dma_wait3A_97 : memref<8x128xi32, #tpu.memory_space<hbm>>) dst(%dma_wait3A_93 : memref<8x128xi32, #tpu.memory_space<vmem>>)
      tpu.yield
    }) : () -> ()
    %run_scoped3A_52 = arith.constant 0 : i32
    "tpu.region"() ({
      %run_scoped3A_67 = tpu.sem_alloc : memref<!tpu.dma_semaphore, #tpu.memory_space<semaphore_mem>>
      %dma_start3A = arith.constant 0 : i32
      %dma_start3A_68 = arith.constant 0 : i32
      %dma_start3A_69 = tpu.memref_slice %arg8[%run_scoped3A_52, %dma_start3A, %dma_start3A_68] : memref<2x8x128xi32, #tpu.memory_space<vmem>> -> memref<1x8x128xi32, #tpu.memory_space<vmem>>
      %dma_start3A_70 = tpu.memref_squeeze %dma_start3A_69 : memref<1x8x128xi32, #tpu.memory_space<vmem>> -> memref<8x128xi32, #tpu.memory_space<vmem>>
      %dma_start3A_71 = arith.constant 0 : i32
      %dma_start3A_72 = arith.constant 0 : i32
      %dma_start3A_73 = tpu.memref_slice %arg4[%min3A_27, %dma_start3A_71, %dma_start3A_72] : memref<320x8x128xi32, #tpu.memory_space<hbm>> -> memref<1x8x128xi32, #tpu.memory_space<hbm>>
      %dma_start3A_74 = tpu.memref_squeeze %dma_start3A_73 : memref<1x8x128xi32, #tpu.memory_space<hbm>> -> memref<8x128xi32, #tpu.memory_space<hbm>>
      %dma_start3A_75 = arith.constant 0 : i32
      %dma_start3A_76 = arith.constant 0 : i32
      %dma_start3A_77 = tpu.memref_slice %arg8[%run_scoped3A_52, %dma_start3A_75, %dma_start3A_76] : memref<2x8x128xi32, #tpu.memory_space<vmem>> -> memref<1x8x128xi32, #tpu.memory_space<vmem>>
      %dma_start3A_78 = tpu.memref_squeeze %dma_start3A_77 : memref<1x8x128xi32, #tpu.memory_space<vmem>> -> memref<8x128xi32, #tpu.memory_space<vmem>>
      %dma_start3A_79 = arith.constant 0 : i32
      %dma_start3A_80 = arith.constant 0 : i32
      %dma_start3A_81 = tpu.memref_slice %arg4[%min3A_27, %dma_start3A_79, %dma_start3A_80] : memref<320x8x128xi32, #tpu.memory_space<hbm>> -> memref<1x8x128xi32, #tpu.memory_space<hbm>>
      %dma_start3A_82 = tpu.memref_squeeze %dma_start3A_81 : memref<1x8x128xi32, #tpu.memory_space<hbm>> -> memref<8x128xi32, #tpu.memory_space<hbm>>
      tpu.enqueue_dma source(%dma_start3A_82 : memref<8x128xi32, #tpu.memory_space<hbm>>) target(%dma_start3A_78 : memref<8x128xi32, #tpu.memory_space<vmem>>) target_semaphore(%run_scoped3A_67 : memref<!tpu.dma_semaphore, #tpu.memory_space<semaphore_mem>>)
      %dma_wait3A = arith.constant 0 : i32
      %dma_wait3A_83 = arith.constant 0 : i32
      %dma_wait3A_84 = tpu.memref_slice %arg8[%run_scoped3A_52, %dma_wait3A, %dma_wait3A_83] : memref<2x8x128xi32, #tpu.memory_space<vmem>> -> memref<1x8x128xi32, #tpu.memory_space<vmem>>
      %dma_wait3A_85 = tpu.memref_squeeze %dma_wait3A_84 : memref<1x8x128xi32, #tpu.memory_space<vmem>> -> memref<8x128xi32, #tpu.memory_space<vmem>>
      %dma_wait3A_86 = arith.constant 0 : i32
      %dma_wait3A_87 = arith.constant 0 : i32
      %dma_wait3A_88 = tpu.memref_slice %arg4[%min3A_27, %dma_wait3A_86, %dma_wait3A_87] : memref<320x8x128xi32, #tpu.memory_space<hbm>> -> memref<1x8x128xi32, #tpu.memory_space<hbm>>
      %dma_wait3A_89 = tpu.memref_squeeze %dma_wait3A_88 : memref<1x8x128xi32, #tpu.memory_space<hbm>> -> memref<8x128xi32, #tpu.memory_space<hbm>>
      %dma_wait3A_90 = arith.constant 0 : i32
      %dma_wait3A_91 = arith.constant 0 : i32
      %dma_wait3A_92 = tpu.memref_slice %arg8[%run_scoped3A_52, %dma_wait3A_90, %dma_wait3A_91] : memref<2x8x128xi32, #tpu.memory_space<vmem>> -> memref<1x8x128xi32, #tpu.memory_space<vmem>>
      %dma_wait3A_93 = tpu.memref_squeeze %dma_wait3A_92 : memref<1x8x128xi32, #tpu.memory_space<vmem>> -> memref<8x128xi32, #tpu.memory_space<vmem>>
      %dma_wait3A_94 = arith.constant 0 : i32
      %dma_wait3A_95 = arith.constant 0 : i32
      %dma_wait3A_96 = tpu.memref_slice %arg4[%min3A_27, %dma_wait3A_94, %dma_wait3A_95] : memref<320x8x128xi32, #tpu.memory_space<hbm>> -> memref<1x8x128xi32, #tpu.memory_space<hbm>>
      %dma_wait3A_97 = tpu.memref_squeeze %dma_wait3A_96 : memref<1x8x128xi32, #tpu.memory_space<hbm>> -> memref<8x128xi32, #tpu.memory_space<hbm>>
      tpu.wait_dma2 semaphore(%run_scoped3A_67 : memref<!tpu.dma_semaphore, #tpu.memory_space<semaphore_mem>>) src(%dma_wait3A_97 : memref<8x128xi32, #tpu.memory_space<hbm>>) dst(%dma_wait3A_93 : memref<8x128xi32, #tpu.memory_space<vmem>>)
      tpu.yield
    }) : () -> ()
    %barrier3A = arith.constant 0 : index
    tpu.barrier barrier_id(%barrier3A)
    %gt3A = arith.constant 0 : i32
    %gt3A_53 = arith.cmpi sgt, %select_n3A, %gt3A : i32
    %convert_element_type3A = arith.extui %gt3A_53 : i1 to i32
    %cond3A = arith.constant 0 : i32
    %cond3A_54 = arith.cmpi ne, %convert_element_type3A, %cond3A : i32
    scf.if %cond3A_54 {
      %dma_start3A = arith.constant 0 : i32
      %dma_start3A_67 = arith.constant 0 : i32
      %dma_start3A_68 = arith.constant 0 : i32
      %dma_start3A_69 = arith.constant 0 : i32
      %dma_start3A_70 = arith.constant 0 : i32
      %dma_start3A_71 = tpu.memref_slice %arg9[%dma_start3A_68, %dma_start3A_69, %dma_start3A_70] : memref<2x128x128xf32, #tpu.memory_space<vmem>> -> memref<1x128x128xf32, #tpu.memory_space<vmem>>
      %dma_start3A_72 = tpu.memref_squeeze %dma_start3A_71 : memref<1x128x128xf32, #tpu.memory_space<vmem>> -> memref<128x128xf32, #tpu.memory_space<vmem>>
      %dma_start3A_73 = arith.constant 0 : i32
      %dma_start3A_74 = tpu.memref_slice %arg7[%dma_start3A, %dma_start3A_67, %dma_start3A_73] : memref<2x8x128xi32, #tpu.memory_space<vmem>> -> memref<1x1x128xi32, #tpu.memory_space<vmem>>
      %dma_start3A_75 = tpu.memref_squeeze %dma_start3A_74 : memref<1x1x128xi32, #tpu.memory_space<vmem>> -> memref<128xi32, #tpu.memory_space<vmem>>
      %dma_start3A_76 = arith.constant 0 : i32
      %dma_start3A_77 = arith.constant 0 : i32
      %dma_start3A_78 = tpu.memref_slice %arg2[%dma_start3A_76, %dma_start3A_77] : memref<10000x128xf32, #tpu.memory_space<hbm>> -> memref<10000x128xf32, #tpu.memory_space<hbm>>
      tpu.enqueue_indirect_dma source(%dma_start3A_78 : memref<10000x128xf32, #tpu.memory_space<hbm>>) target(%dma_start3A_72 : memref<128x128xf32, #tpu.memory_space<vmem>>) offsets(%dma_start3A_75 : memref<128xi32, #tpu.memory_space<vmem>>) semaphore(%arg11 : memref<!tpu.dma_semaphore, #tpu.memory_space<semaphore_mem>>)
    } else {
    }
    %while3A = arith.constant 0 : i32
    %while3A_55 = arith.constant 0 : i32
    %while3A_56 = arith.subi %select_n3A_51, %while3A : i32
    %while3A_57 = arith.addi %while3A, %while3A_56 : i32
    %while3A_58 = arith.constant 1 : i32
    %while3A_59 = arith.divsi %while3A_56, %while3A_58 : i32
    %while3A_60 = arith.muli %while3A_59, %while3A_58 : i32
    %while3A_61 = arith.addi %while3A, %while3A_60 : i32
    %while3A_62 = arith.constant 1 : i32
    %while3A_63 = scf.for %while3A_67 = %while3A to %while3A_61 step %while3A_62 iter_args(%while3A_68 = %while3A_55) -> (i32)  : i32 {
      %rem3A_69 = arith.constant 2 : i32
      %rem3A_70 = arith.remsi %while3A_67, %rem3A_69 : i32
      %add3A_71 = arith.constant 1 : i32
      %add3A_72 = arith.addi %while3A_67, %add3A_71 : i32
      %rem3A_73 = arith.constant 2 : i32
      %rem3A_74 = arith.remsi %add3A_72, %rem3A_73 : i32
      %add3A_75 = arith.constant 1 : i32
      %add3A_76 = arith.addi %while3A_67, %add3A_75 : i32
      %lt3A = arith.cmpi slt, %add3A_76, %select_n3A_51 : i32
      %convert_element_type3A_77 = arith.extui %lt3A : i1 to i32
      %cond3A_78 = arith.constant 0 : i32
      %cond3A_79 = arith.cmpi ne, %convert_element_type3A_77, %cond3A_78 : i32
      scf.if %cond3A_79 {
        %add3A_272 = arith.addi %min3A_27, %while3A_67 : i32
        %add3A_273 = arith.constant 1 : i32
        %add3A_274 = arith.addi %add3A_272, %add3A_273 : i32
        "tpu.region"() ({
          %run_scoped3A_278 = tpu.sem_alloc : memref<!tpu.dma_semaphore, #tpu.memory_space<semaphore_mem>>
          %dma_start3A = arith.constant 0 : i32
          %dma_start3A_279 = arith.constant 0 : i32
          %dma_start3A_280 = tpu.memref_slice %arg7[%rem3A_74, %dma_start3A, %dma_start3A_279] : memref<2x8x128xi32, #tpu.memory_space<vmem>> -> memref<1x8x128xi32, #tpu.memory_space<vmem>>
          %dma_start3A_281 = tpu.memref_squeeze %dma_start3A_280 : memref<1x8x128xi32, #tpu.memory_space<vmem>> -> memref<8x128xi32, #tpu.memory_space<vmem>>
          %dma_start3A_282 = arith.constant 0 : i32
          %dma_start3A_283 = arith.constant 0 : i32
          %dma_start3A_284 = tpu.memref_slice %arg3[%add3A_274, %dma_start3A_282, %dma_start3A_283] : memref<320x8x128xi32, #tpu.memory_space<hbm>> -> memref<1x8x128xi32, #tpu.memory_space<hbm>>
          %dma_start3A_285 = tpu.memref_squeeze %dma_start3A_284 : memref<1x8x128xi32, #tpu.memory_space<hbm>> -> memref<8x128xi32, #tpu.memory_space<hbm>>
          %dma_start3A_286 = arith.constant 0 : i32
          %dma_start3A_287 = arith.constant 0 : i32
          %dma_start3A_288 = tpu.memref_slice %arg7[%rem3A_74, %dma_start3A_286, %dma_start3A_287] : memref<2x8x128xi32, #tpu.memory_space<vmem>> -> memref<1x8x128xi32, #tpu.memory_space<vmem>>
          %dma_start3A_289 = tpu.memref_squeeze %dma_start3A_288 : memref<1x8x128xi32, #tpu.memory_space<vmem>> -> memref<8x128xi32, #tpu.memory_space<vmem>>
          %dma_start3A_290 = arith.constant 0 : i32
          %dma_start3A_291 = arith.constant 0 : i32
          %dma_start3A_292 = tpu.memref_slice %arg3[%add3A_274, %dma_start3A_290, %dma_start3A_291] : memref<320x8x128xi32, #tpu.memory_space<hbm>> -> memref<1x8x128xi32, #tpu.memory_space<hbm>>
          %dma_start3A_293 = tpu.memref_squeeze %dma_start3A_292 : memref<1x8x128xi32, #tpu.memory_space<hbm>> -> memref<8x128xi32, #tpu.memory_space<hbm>>
          tpu.enqueue_dma source(%dma_start3A_293 : memref<8x128xi32, #tpu.memory_space<hbm>>) target(%dma_start3A_289 : memref<8x128xi32, #tpu.memory_space<vmem>>) target_semaphore(%run_scoped3A_278 : memref<!tpu.dma_semaphore, #tpu.memory_space<semaphore_mem>>)
          %dma_wait3A_294 = arith.constant 0 : i32
          %dma_wait3A_295 = arith.constant 0 : i32
          %dma_wait3A_296 = tpu.memref_slice %arg7[%rem3A_74, %dma_wait3A_294, %dma_wait3A_295] : memref<2x8x128xi32, #tpu.memory_space<vmem>> -> memref<1x8x128xi32, #tpu.memory_space<vmem>>
          %dma_wait3A_297 = tpu.memref_squeeze %dma_wait3A_296 : memref<1x8x128xi32, #tpu.memory_space<vmem>> -> memref<8x128xi32, #tpu.memory_space<vmem>>
          %dma_wait3A_298 = arith.constant 0 : i32
          %dma_wait3A_299 = arith.constant 0 : i32
          %dma_wait3A_300 = tpu.memref_slice %arg3[%add3A_274, %dma_wait3A_298, %dma_wait3A_299] : memref<320x8x128xi32, #tpu.memory_space<hbm>> -> memref<1x8x128xi32, #tpu.memory_space<hbm>>
          %dma_wait3A_301 = tpu.memref_squeeze %dma_wait3A_300 : memref<1x8x128xi32, #tpu.memory_space<hbm>> -> memref<8x128xi32, #tpu.memory_space<hbm>>
          %dma_wait3A_302 = arith.constant 0 : i32
          %dma_wait3A_303 = arith.constant 0 : i32
          %dma_wait3A_304 = tpu.memref_slice %arg7[%rem3A_74, %dma_wait3A_302, %dma_wait3A_303] : memref<2x8x128xi32, #tpu.memory_space<vmem>> -> memref<1x8x128xi32, #tpu.memory_space<vmem>>
          %dma_wait3A_305 = tpu.memref_squeeze %dma_wait3A_304 : memref<1x8x128xi32, #tpu.memory_space<vmem>> -> memref<8x128xi32, #tpu.memory_space<vmem>>
          %dma_wait3A_306 = arith.constant 0 : i32
          %dma_wait3A_307 = arith.constant 0 : i32
          %dma_wait3A_308 = tpu.memref_slice %arg3[%add3A_274, %dma_wait3A_306, %dma_wait3A_307] : memref<320x8x128xi32, #tpu.memory_space<hbm>> -> memref<1x8x128xi32, #tpu.memory_space<hbm>>
          %dma_wait3A_309 = tpu.memref_squeeze %dma_wait3A_308 : memref<1x8x128xi32, #tpu.memory_space<hbm>> -> memref<8x128xi32, #tpu.memory_space<hbm>>
          tpu.wait_dma2 semaphore(%run_scoped3A_278 : memref<!tpu.dma_semaphore, #tpu.memory_space<semaphore_mem>>) src(%dma_wait3A_309 : memref<8x128xi32, #tpu.memory_space<hbm>>) dst(%dma_wait3A_305 : memref<8x128xi32, #tpu.memory_space<vmem>>)
          tpu.yield
        }) : () -> ()
        %add3A_275 = arith.addi %min3A_27, %while3A_67 : i32
        %add3A_276 = arith.constant 1 : i32
        %add3A_277 = arith.addi %add3A_275, %add3A_276 : i32
        "tpu.region"() ({
          %run_scoped3A_278 = tpu.sem_alloc : memref<!tpu.dma_semaphore, #tpu.memory_space<semaphore_mem>>
          %dma_start3A = arith.constant 0 : i32
          %dma_start3A_279 = arith.constant 0 : i32
          %dma_start3A_280 = tpu.memref_slice %arg8[%rem3A_74, %dma_start3A, %dma_start3A_279] : memref<2x8x128xi32, #tpu.memory_space<vmem>> -> memref<1x8x128xi32, #tpu.memory_space<vmem>>
          %dma_start3A_281 = tpu.memref_squeeze %dma_start3A_280 : memref<1x8x128xi32, #tpu.memory_space<vmem>> -> memref<8x128xi32, #tpu.memory_space<vmem>>
          %dma_start3A_282 = arith.constant 0 : i32
          %dma_start3A_283 = arith.constant 0 : i32
          %dma_start3A_284 = tpu.memref_slice %arg4[%add3A_277, %dma_start3A_282, %dma_start3A_283] : memref<320x8x128xi32, #tpu.memory_space<hbm>> -> memref<1x8x128xi32, #tpu.memory_space<hbm>>
          %dma_start3A_285 = tpu.memref_squeeze %dma_start3A_284 : memref<1x8x128xi32, #tpu.memory_space<hbm>> -> memref<8x128xi32, #tpu.memory_space<hbm>>
          %dma_start3A_286 = arith.constant 0 : i32
          %dma_start3A_287 = arith.constant 0 : i32
          %dma_start3A_288 = tpu.memref_slice %arg8[%rem3A_74, %dma_start3A_286, %dma_start3A_287] : memref<2x8x128xi32, #tpu.memory_space<vmem>> -> memref<1x8x128xi32, #tpu.memory_space<vmem>>
          %dma_start3A_289 = tpu.memref_squeeze %dma_start3A_288 : memref<1x8x128xi32, #tpu.memory_space<vmem>> -> memref<8x128xi32, #tpu.memory_space<vmem>>
          %dma_start3A_290 = arith.constant 0 : i32
          %dma_start3A_291 = arith.constant 0 : i32
          %dma_start3A_292 = tpu.memref_slice %arg4[%add3A_277, %dma_start3A_290, %dma_start3A_291] : memref<320x8x128xi32, #tpu.memory_space<hbm>> -> memref<1x8x128xi32, #tpu.memory_space<hbm>>
          %dma_start3A_293 = tpu.memref_squeeze %dma_start3A_292 : memref<1x8x128xi32, #tpu.memory_space<hbm>> -> memref<8x128xi32, #tpu.memory_space<hbm>>
          tpu.enqueue_dma source(%dma_start3A_293 : memref<8x128xi32, #tpu.memory_space<hbm>>) target(%dma_start3A_289 : memref<8x128xi32, #tpu.memory_space<vmem>>) target_semaphore(%run_scoped3A_278 : memref<!tpu.dma_semaphore, #tpu.memory_space<semaphore_mem>>)
          %dma_wait3A_294 = arith.constant 0 : i32
          %dma_wait3A_295 = arith.constant 0 : i32
          %dma_wait3A_296 = tpu.memref_slice %arg8[%rem3A_74, %dma_wait3A_294, %dma_wait3A_295] : memref<2x8x128xi32, #tpu.memory_space<vmem>> -> memref<1x8x128xi32, #tpu.memory_space<vmem>>
          %dma_wait3A_297 = tpu.memref_squeeze %dma_wait3A_296 : memref<1x8x128xi32, #tpu.memory_space<vmem>> -> memref<8x128xi32, #tpu.memory_space<vmem>>
          %dma_wait3A_298 = arith.constant 0 : i32
          %dma_wait3A_299 = arith.constant 0 : i32
          %dma_wait3A_300 = tpu.memref_slice %arg4[%add3A_277, %dma_wait3A_298, %dma_wait3A_299] : memref<320x8x128xi32, #tpu.memory_space<hbm>> -> memref<1x8x128xi32, #tpu.memory_space<hbm>>
          %dma_wait3A_301 = tpu.memref_squeeze %dma_wait3A_300 : memref<1x8x128xi32, #tpu.memory_space<hbm>> -> memref<8x128xi32, #tpu.memory_space<hbm>>
          %dma_wait3A_302 = arith.constant 0 : i32
          %dma_wait3A_303 = arith.constant 0 : i32
          %dma_wait3A_304 = tpu.memref_slice %arg8[%rem3A_74, %dma_wait3A_302, %dma_wait3A_303] : memref<2x8x128xi32, #tpu.memory_space<vmem>> -> memref<1x8x128xi32, #tpu.memory_space<vmem>>
          %dma_wait3A_305 = tpu.memref_squeeze %dma_wait3A_304 : memref<1x8x128xi32, #tpu.memory_space<vmem>> -> memref<8x128xi32, #tpu.memory_space<vmem>>
          %dma_wait3A_306 = arith.constant 0 : i32
          %dma_wait3A_307 = arith.constant 0 : i32
          %dma_wait3A_308 = tpu.memref_slice %arg4[%add3A_277, %dma_wait3A_306, %dma_wait3A_307] : memref<320x8x128xi32, #tpu.memory_space<hbm>> -> memref<1x8x128xi32, #tpu.memory_space<hbm>>
          %dma_wait3A_309 = tpu.memref_squeeze %dma_wait3A_308 : memref<1x8x128xi32, #tpu.memory_space<hbm>> -> memref<8x128xi32, #tpu.memory_space<hbm>>
          tpu.wait_dma2 semaphore(%run_scoped3A_278 : memref<!tpu.dma_semaphore, #tpu.memory_space<semaphore_mem>>) src(%dma_wait3A_309 : memref<8x128xi32, #tpu.memory_space<hbm>>) dst(%dma_wait3A_305 : memref<8x128xi32, #tpu.memory_space<vmem>>)
          tpu.yield
        }) : () -> ()
      } else {
      }
      %mul3A_80 = arith.constant 8 : i32
      %mul3A_81 = arith.muli %while3A_67, %mul3A_80 : i32
      %add3A_82 = arith.constant 0 : i32
      %add3A_83 = arith.addi %mul3A_81, %add3A_82 : i32
      %add3A_84 = arith.constant 1 : i32
      %add3A_85 = arith.addi %add3A_83, %add3A_84 : i32
      %lt3A_86 = arith.cmpi slt, %add3A_85, %select_n3A : i32
      %convert_element_type3A_87 = arith.extui %lt3A_86 : i1 to i32
      %cond3A_88 = arith.constant 0 : i32
      %cond3A_89 = arith.cmpi ne, %convert_element_type3A_87, %cond3A_88 : i32
      scf.if %cond3A_89 {
        %dma_start3A = arith.constant 1 : i32
        %dma_start3A_272 = arith.constant 1 : i32
        %dma_start3A_273 = arith.constant 0 : i32
        %dma_start3A_274 = arith.constant 0 : i32
        %dma_start3A_275 = tpu.memref_slice %arg9[%dma_start3A_272, %dma_start3A_273, %dma_start3A_274] : memref<2x128x128xf32, #tpu.memory_space<vmem>> -> memref<1x128x128xf32, #tpu.memory_space<vmem>>
        %dma_start3A_276 = tpu.memref_squeeze %dma_start3A_275 : memref<1x128x128xf32, #tpu.memory_space<vmem>> -> memref<128x128xf32, #tpu.memory_space<vmem>>
        %dma_start3A_277 = arith.constant 0 : i32
        %dma_start3A_278 = tpu.memref_slice %arg7[%rem3A_70, %dma_start3A, %dma_start3A_277] : memref<2x8x128xi32, #tpu.memory_space<vmem>> -> memref<1x1x128xi32, #tpu.memory_space<vmem>>
        %dma_start3A_279 = tpu.memref_squeeze %dma_start3A_278 : memref<1x1x128xi32, #tpu.memory_space<vmem>> -> memref<128xi32, #tpu.memory_space<vmem>>
        %dma_start3A_280 = arith.constant 0 : i32
        %dma_start3A_281 = arith.constant 0 : i32
        %dma_start3A_282 = tpu.memref_slice %arg2[%dma_start3A_280, %dma_start3A_281] : memref<10000x128xf32, #tpu.memory_space<hbm>> -> memref<10000x128xf32, #tpu.memory_space<hbm>>
        tpu.enqueue_indirect_dma source(%dma_start3A_282 : memref<10000x128xf32, #tpu.memory_space<hbm>>) target(%dma_start3A_276 : memref<128x128xf32, #tpu.memory_space<vmem>>) offsets(%dma_start3A_279 : memref<128xi32, #tpu.memory_space<vmem>>) semaphore(%arg11 : memref<!tpu.dma_semaphore, #tpu.memory_space<semaphore_mem>>)
      } else {
      }
      %dma_wait3A = arith.constant 0 : i32
      %dma_wait3A_90 = arith.constant 0 : i32
      %dma_wait3A_91 = arith.constant 0 : i32
      %dma_wait3A_92 = arith.constant 0 : i32
      %dma_wait3A_93 = tpu.memref_slice %arg9[%dma_wait3A_90, %dma_wait3A_91, %dma_wait3A_92] : memref<2x128x128xf32, #tpu.memory_space<vmem>> -> memref<1x128x128xf32, #tpu.memory_space<vmem>>
      %dma_wait3A_94 = tpu.memref_squeeze %dma_wait3A_93 : memref<1x128x128xf32, #tpu.memory_space<vmem>> -> memref<128x128xf32, #tpu.memory_space<vmem>>
      %dma_wait3A_95 = arith.constant 0 : i32
      %dma_wait3A_96 = tpu.memref_slice %arg7[%rem3A_70, %dma_wait3A, %dma_wait3A_95] : memref<2x8x128xi32, #tpu.memory_space<vmem>> -> memref<1x1x128xi32, #tpu.memory_space<vmem>>
      %dma_wait3A_97 = tpu.memref_squeeze %dma_wait3A_96 : memref<1x1x128xi32, #tpu.memory_space<vmem>> -> memref<128xi32, #tpu.memory_space<vmem>>
      %dma_wait3A_98 = arith.constant 0 : i32
      %dma_wait3A_99 = arith.constant 0 : i32
      %dma_wait3A_100 = tpu.memref_slice %arg2[%dma_wait3A_98, %dma_wait3A_99] : memref<10000x128xf32, #tpu.memory_space<hbm>> -> memref<10000x128xf32, #tpu.memory_space<hbm>>
      tpu.wait_indirect_dma semaphore(%arg11 : memref<!tpu.dma_semaphore, #tpu.memory_space<semaphore_mem>>) src(%dma_wait3A_100 : memref<10000x128xf32, #tpu.memory_space<hbm>>) dst(%dma_wait3A_94 : memref<128x128xf32, #tpu.memory_space<vmem>>)
      %run_scoped3A_101 = arith.constant 0 : i32
      %run_scoped3A_102 = arith.constant 0 : i32
      "tpu.region"() ({
        %run_scoped3A_272 = tpu.sem_alloc : memref<!tpu.dma_semaphore, #tpu.memory_space<semaphore_mem>>
        %dma_start3A = arith.constant 0 : i32
        %dma_start3A_273 = arith.constant 0 : i32
        %dma_start3A_274 = tpu.memref_slice %arg9[%run_scoped3A_101, %dma_start3A, %dma_start3A_273] : memref<2x128x128xf32, #tpu.memory_space<vmem>> -> memref<1x128x128xf32, #tpu.memory_space<vmem>>
        %dma_start3A_275 = tpu.memref_squeeze %dma_start3A_274 : memref<1x128x128xf32, #tpu.memory_space<vmem>> -> memref<128x128xf32, #tpu.memory_space<vmem>>
        %dma_start3A_276 = arith.constant 0 : i32
        %dma_start3A_277 = tpu.memref_slice %arg8[%rem3A_70, %run_scoped3A_102, %dma_start3A_276] : memref<2x8x128xi32, #tpu.memory_space<vmem>> -> memref<1x1x128xi32, #tpu.memory_space<vmem>>
        %dma_start3A_278 = tpu.memref_squeeze %dma_start3A_277 : memref<1x1x128xi32, #tpu.memory_space<vmem>> -> memref<128xi32, #tpu.memory_space<vmem>>
        %dma_start3A_279 = arith.constant 0 : i32
        %dma_start3A_280 = arith.constant 0 : i32
        %dma_start3A_281 = tpu.memref_slice %arg10[%dma_start3A_279, %dma_start3A_280] : memref<10112x128xf32, #tpu.memory_space<vmem_shared>> -> memref<10112x128xf32, #tpu.memory_space<vmem_shared>>
        tpu.enqueue_indirect_dma source(%dma_start3A_275 : memref<128x128xf32, #tpu.memory_space<vmem>>) target(%dma_start3A_281 : memref<10112x128xf32, #tpu.memory_space<vmem_shared>>) offsets(%dma_start3A_278 : memref<128xi32, #tpu.memory_space<vmem>>) semaphore(%run_scoped3A_272 : memref<!tpu.dma_semaphore, #tpu.memory_space<semaphore_mem>>) {add = true}
        %dma_wait3A_282 = arith.constant 0 : i32
        %dma_wait3A_283 = arith.constant 0 : i32
        %dma_wait3A_284 = tpu.memref_slice %arg9[%run_scoped3A_101, %dma_wait3A_282, %dma_wait3A_283] : memref<2x128x128xf32, #tpu.memory_space<vmem>> -> memref<1x128x128xf32, #tpu.memory_space<vmem>>
        %dma_wait3A_285 = tpu.memref_squeeze %dma_wait3A_284 : memref<1x128x128xf32, #tpu.memory_space<vmem>> -> memref<128x128xf32, #tpu.memory_space<vmem>>
        %dma_wait3A_286 = arith.constant 0 : i32
        %dma_wait3A_287 = tpu.memref_slice %arg8[%rem3A_70, %run_scoped3A_102, %dma_wait3A_286] : memref<2x8x128xi32, #tpu.memory_space<vmem>> -> memref<1x1x128xi32, #tpu.memory_space<vmem>>
        %dma_wait3A_288 = tpu.memref_squeeze %dma_wait3A_287 : memref<1x1x128xi32, #tpu.memory_space<vmem>> -> memref<128xi32, #tpu.memory_space<vmem>>
        %dma_wait3A_289 = arith.constant 0 : i32
        %dma_wait3A_290 = arith.constant 0 : i32
        %dma_wait3A_291 = tpu.memref_slice %arg10[%dma_wait3A_289, %dma_wait3A_290] : memref<10112x128xf32, #tpu.memory_space<vmem_shared>> -> memref<10112x128xf32, #tpu.memory_space<vmem_shared>>
        tpu.wait_indirect_dma semaphore(%run_scoped3A_272 : memref<!tpu.dma_semaphore, #tpu.memory_space<semaphore_mem>>) src(%dma_wait3A_285 : memref<128x128xf32, #tpu.memory_space<vmem>>) dst(%dma_wait3A_291 : memref<10112x128xf32, #tpu.memory_space<vmem_shared>>)
        tpu.yield
      }) : () -> ()
      %mul3A_103 = arith.constant 8 : i32
      %mul3A_104 = arith.muli %while3A_67, %mul3A_103 : i32
      %add3A_105 = arith.constant 1 : i32
      %add3A_106 = arith.addi %mul3A_104, %add3A_105 : i32
      %add3A_107 = arith.constant 1 : i32
      %add3A_108 = arith.addi %add3A_106, %add3A_107 : i32
      %lt3A_109 = arith.cmpi slt, %add3A_108, %select_n3A : i32
      %convert_element_type3A_110 = arith.extui %lt3A_109 : i1 to i32
      %cond3A_111 = arith.constant 0 : i32
      %cond3A_112 = arith.cmpi ne, %convert_element_type3A_110, %cond3A_111 : i32
      scf.if %cond3A_112 {
        %dma_start3A = arith.constant 2 : i32
        %dma_start3A_272 = arith.constant 0 : i32
        %dma_start3A_273 = arith.constant 0 : i32
        %dma_start3A_274 = arith.constant 0 : i32
        %dma_start3A_275 = tpu.memref_slice %arg9[%dma_start3A_272, %dma_start3A_273, %dma_start3A_274] : memref<2x128x128xf32, #tpu.memory_space<vmem>> -> memref<1x128x128xf32, #tpu.memory_space<vmem>>
        %dma_start3A_276 = tpu.memref_squeeze %dma_start3A_275 : memref<1x128x128xf32, #tpu.memory_space<vmem>> -> memref<128x128xf32, #tpu.memory_space<vmem>>
        %dma_start3A_277 = arith.constant 0 : i32
        %dma_start3A_278 = tpu.memref_slice %arg7[%rem3A_70, %dma_start3A, %dma_start3A_277] : memref<2x8x128xi32, #tpu.memory_space<vmem>> -> memref<1x1x128xi32, #tpu.memory_space<vmem>>
        %dma_start3A_279 = tpu.memref_squeeze %dma_start3A_278 : memref<1x1x128xi32, #tpu.memory_space<vmem>> -> memref<128xi32, #tpu.memory_space<vmem>>
        %dma_start3A_280 = arith.constant 0 : i32
        %dma_start3A_281 = arith.constant 0 : i32
        %dma_start3A_282 = tpu.memref_slice %arg2[%dma_start3A_280, %dma_start3A_281] : memref<10000x128xf32, #tpu.memory_space<hbm>> -> memref<10000x128xf32, #tpu.memory_space<hbm>>
        tpu.enqueue_indirect_dma source(%dma_start3A_282 : memref<10000x128xf32, #tpu.memory_space<hbm>>) target(%dma_start3A_276 : memref<128x128xf32, #tpu.memory_space<vmem>>) offsets(%dma_start3A_279 : memref<128xi32, #tpu.memory_space<vmem>>) semaphore(%arg11 : memref<!tpu.dma_semaphore, #tpu.memory_space<semaphore_mem>>)
      } else {
      }
      %dma_wait3A_113 = arith.constant 1 : i32
      %dma_wait3A_114 = arith.constant 1 : i32
      %dma_wait3A_115 = arith.constant 0 : i32
      %dma_wait3A_116 = arith.constant 0 : i32
      %dma_wait3A_117 = tpu.memref_slice %arg9[%dma_wait3A_114, %dma_wait3A_115, %dma_wait3A_116] : memref<2x128x128xf32, #tpu.memory_space<vmem>> -> memref<1x128x128xf32, #tpu.memory_space<vmem>>
      %dma_wait3A_118 = tpu.memref_squeeze %dma_wait3A_117 : memref<1x128x128xf32, #tpu.memory_space<vmem>> -> memref<128x128xf32, #tpu.memory_space<vmem>>
      %dma_wait3A_119 = arith.constant 0 : i32
      %dma_wait3A_120 = tpu.memref_slice %arg7[%rem3A_70, %dma_wait3A_113, %dma_wait3A_119] : memref<2x8x128xi32, #tpu.memory_space<vmem>> -> memref<1x1x128xi32, #tpu.memory_space<vmem>>
      %dma_wait3A_121 = tpu.memref_squeeze %dma_wait3A_120 : memref<1x1x128xi32, #tpu.memory_space<vmem>> -> memref<128xi32, #tpu.memory_space<vmem>>
      %dma_wait3A_122 = arith.constant 0 : i32
      %dma_wait3A_123 = arith.constant 0 : i32
      %dma_wait3A_124 = tpu.memref_slice %arg2[%dma_wait3A_122, %dma_wait3A_123] : memref<10000x128xf32, #tpu.memory_space<hbm>> -> memref<10000x128xf32, #tpu.memory_space<hbm>>
      tpu.wait_indirect_dma semaphore(%arg11 : memref<!tpu.dma_semaphore, #tpu.memory_space<semaphore_mem>>) src(%dma_wait3A_124 : memref<10000x128xf32, #tpu.memory_space<hbm>>) dst(%dma_wait3A_118 : memref<128x128xf32, #tpu.memory_space<vmem>>)
      %run_scoped3A_125 = arith.constant 1 : i32
      %run_scoped3A_126 = arith.constant 1 : i32
      "tpu.region"() ({
        %run_scoped3A_272 = tpu.sem_alloc : memref<!tpu.dma_semaphore, #tpu.memory_space<semaphore_mem>>
        %dma_start3A = arith.constant 0 : i32
        %dma_start3A_273 = arith.constant 0 : i32
        %dma_start3A_274 = tpu.memref_slice %arg9[%run_scoped3A_125, %dma_start3A, %dma_start3A_273] : memref<2x128x128xf32, #tpu.memory_space<vmem>> -> memref<1x128x128xf32, #tpu.memory_space<vmem>>
        %dma_start3A_275 = tpu.memref_squeeze %dma_start3A_274 : memref<1x128x128xf32, #tpu.memory_space<vmem>> -> memref<128x128xf32, #tpu.memory_space<vmem>>
        %dma_start3A_276 = arith.constant 0 : i32
        %dma_start3A_277 = tpu.memref_slice %arg8[%rem3A_70, %run_scoped3A_126, %dma_start3A_276] : memref<2x8x128xi32, #tpu.memory_space<vmem>> -> memref<1x1x128xi32, #tpu.memory_space<vmem>>
        %dma_start3A_278 = tpu.memref_squeeze %dma_start3A_277 : memref<1x1x128xi32, #tpu.memory_space<vmem>> -> memref<128xi32, #tpu.memory_space<vmem>>
        %dma_start3A_279 = arith.constant 0 : i32
        %dma_start3A_280 = arith.constant 0 : i32
        %dma_start3A_281 = tpu.memref_slice %arg10[%dma_start3A_279, %dma_start3A_280] : memref<10112x128xf32, #tpu.memory_space<vmem_shared>> -> memref<10112x128xf32, #tpu.memory_space<vmem_shared>>
        tpu.enqueue_indirect_dma source(%dma_start3A_275 : memref<128x128xf32, #tpu.memory_space<vmem>>) target(%dma_start3A_281 : memref<10112x128xf32, #tpu.memory_space<vmem_shared>>) offsets(%dma_start3A_278 : memref<128xi32, #tpu.memory_space<vmem>>) semaphore(%run_scoped3A_272 : memref<!tpu.dma_semaphore, #tpu.memory_space<semaphore_mem>>) {add = true}
        %dma_wait3A_282 = arith.constant 0 : i32
        %dma_wait3A_283 = arith.constant 0 : i32
        %dma_wait3A_284 = tpu.memref_slice %arg9[%run_scoped3A_125, %dma_wait3A_282, %dma_wait3A_283] : memref<2x128x128xf32, #tpu.memory_space<vmem>> -> memref<1x128x128xf32, #tpu.memory_space<vmem>>
        %dma_wait3A_285 = tpu.memref_squeeze %dma_wait3A_284 : memref<1x128x128xf32, #tpu.memory_space<vmem>> -> memref<128x128xf32, #tpu.memory_space<vmem>>
        %dma_wait3A_286 = arith.constant 0 : i32
        %dma_wait3A_287 = tpu.memref_slice %arg8[%rem3A_70, %run_scoped3A_126, %dma_wait3A_286] : memref<2x8x128xi32, #tpu.memory_space<vmem>> -> memref<1x1x128xi32, #tpu.memory_space<vmem>>
        %dma_wait3A_288 = tpu.memref_squeeze %dma_wait3A_287 : memref<1x1x128xi32, #tpu.memory_space<vmem>> -> memref<128xi32, #tpu.memory_space<vmem>>
        %dma_wait3A_289 = arith.constant 0 : i32
        %dma_wait3A_290 = arith.constant 0 : i32
        %dma_wait3A_291 = tpu.memref_slice %arg10[%dma_wait3A_289, %dma_wait3A_290] : memref<10112x128xf32, #tpu.memory_space<vmem_shared>> -> memref<10112x128xf32, #tpu.memory_space<vmem_shared>>
        tpu.wait_indirect_dma semaphore(%run_scoped3A_272 : memref<!tpu.dma_semaphore, #tpu.memory_space<semaphore_mem>>) src(%dma_wait3A_285 : memref<128x128xf32, #tpu.memory_space<vmem>>) dst(%dma_wait3A_291 : memref<10112x128xf32, #tpu.memory_space<vmem_shared>>)
        tpu.yield
      }) : () -> ()
      %mul3A_127 = arith.constant 8 : i32
      %mul3A_128 = arith.muli %while3A_67, %mul3A_127 : i32
      %add3A_129 = arith.constant 2 : i32
      %add3A_130 = arith.addi %mul3A_128, %add3A_129 : i32
      %add3A_131 = arith.constant 1 : i32
      %add3A_132 = arith.addi %add3A_130, %add3A_131 : i32
      %lt3A_133 = arith.cmpi slt, %add3A_132, %select_n3A : i32
      %convert_element_type3A_134 = arith.extui %lt3A_133 : i1 to i32
      %cond3A_135 = arith.constant 0 : i32
      %cond3A_136 = arith.cmpi ne, %convert_element_type3A_134, %cond3A_135 : i32
      scf.if %cond3A_136 {
        %dma_start3A = arith.constant 3 : i32
        %dma_start3A_272 = arith.constant 1 : i32
        %dma_start3A_273 = arith.constant 0 : i32
        %dma_start3A_274 = arith.constant 0 : i32
        %dma_start3A_275 = tpu.memref_slice %arg9[%dma_start3A_272, %dma_start3A_273, %dma_start3A_274] : memref<2x128x128xf32, #tpu.memory_space<vmem>> -> memref<1x128x128xf32, #tpu.memory_space<vmem>>
        %dma_start3A_276 = tpu.memref_squeeze %dma_start3A_275 : memref<1x128x128xf32, #tpu.memory_space<vmem>> -> memref<128x128xf32, #tpu.memory_space<vmem>>
        %dma_start3A_277 = arith.constant 0 : i32
        %dma_start3A_278 = tpu.memref_slice %arg7[%rem3A_70, %dma_start3A, %dma_start3A_277] : memref<2x8x128xi32, #tpu.memory_space<vmem>> -> memref<1x1x128xi32, #tpu.memory_space<vmem>>
        %dma_start3A_279 = tpu.memref_squeeze %dma_start3A_278 : memref<1x1x128xi32, #tpu.memory_space<vmem>> -> memref<128xi32, #tpu.memory_space<vmem>>
        %dma_start3A_280 = arith.constant 0 : i32
        %dma_start3A_281 = arith.constant 0 : i32
        %dma_start3A_282 = tpu.memref_slice %arg2[%dma_start3A_280, %dma_start3A_281] : memref<10000x128xf32, #tpu.memory_space<hbm>> -> memref<10000x128xf32, #tpu.memory_space<hbm>>
        tpu.enqueue_indirect_dma source(%dma_start3A_282 : memref<10000x128xf32, #tpu.memory_space<hbm>>) target(%dma_start3A_276 : memref<128x128xf32, #tpu.memory_space<vmem>>) offsets(%dma_start3A_279 : memref<128xi32, #tpu.memory_space<vmem>>) semaphore(%arg11 : memref<!tpu.dma_semaphore, #tpu.memory_space<semaphore_mem>>)
      } else {
      }
      %dma_wait3A_137 = arith.constant 2 : i32
      %dma_wait3A_138 = arith.constant 0 : i32
      %dma_wait3A_139 = arith.constant 0 : i32
      %dma_wait3A_140 = arith.constant 0 : i32
      %dma_wait3A_141 = tpu.memref_slice %arg9[%dma_wait3A_138, %dma_wait3A_139, %dma_wait3A_140] : memref<2x128x128xf32, #tpu.memory_space<vmem>> -> memref<1x128x128xf32, #tpu.memory_space<vmem>>
      %dma_wait3A_142 = tpu.memref_squeeze %dma_wait3A_141 : memref<1x128x128xf32, #tpu.memory_space<vmem>> -> memref<128x128xf32, #tpu.memory_space<vmem>>
      %dma_wait3A_143 = arith.constant 0 : i32
      %dma_wait3A_144 = tpu.memref_slice %arg7[%rem3A_70, %dma_wait3A_137, %dma_wait3A_143] : memref<2x8x128xi32, #tpu.memory_space<vmem>> -> memref<1x1x128xi32, #tpu.memory_space<vmem>>
      %dma_wait3A_145 = tpu.memref_squeeze %dma_wait3A_144 : memref<1x1x128xi32, #tpu.memory_space<vmem>> -> memref<128xi32, #tpu.memory_space<vmem>>
      %dma_wait3A_146 = arith.constant 0 : i32
      %dma_wait3A_147 = arith.constant 0 : i32
      %dma_wait3A_148 = tpu.memref_slice %arg2[%dma_wait3A_146, %dma_wait3A_147] : memref<10000x128xf32, #tpu.memory_space<hbm>> -> memref<10000x128xf32, #tpu.memory_space<hbm>>
      tpu.wait_indirect_dma semaphore(%arg11 : memref<!tpu.dma_semaphore, #tpu.memory_space<semaphore_mem>>) src(%dma_wait3A_148 : memref<10000x128xf32, #tpu.memory_space<hbm>>) dst(%dma_wait3A_142 : memref<128x128xf32, #tpu.memory_space<vmem>>)
      %run_scoped3A_149 = arith.constant 0 : i32
      %run_scoped3A_150 = arith.constant 2 : i32
      "tpu.region"() ({
        %run_scoped3A_272 = tpu.sem_alloc : memref<!tpu.dma_semaphore, #tpu.memory_space<semaphore_mem>>
        %dma_start3A = arith.constant 0 : i32
        %dma_start3A_273 = arith.constant 0 : i32
        %dma_start3A_274 = tpu.memref_slice %arg9[%run_scoped3A_149, %dma_start3A, %dma_start3A_273] : memref<2x128x128xf32, #tpu.memory_space<vmem>> -> memref<1x128x128xf32, #tpu.memory_space<vmem>>
        %dma_start3A_275 = tpu.memref_squeeze %dma_start3A_274 : memref<1x128x128xf32, #tpu.memory_space<vmem>> -> memref<128x128xf32, #tpu.memory_space<vmem>>
        %dma_start3A_276 = arith.constant 0 : i32
        %dma_start3A_277 = tpu.memref_slice %arg8[%rem3A_70, %run_scoped3A_150, %dma_start3A_276] : memref<2x8x128xi32, #tpu.memory_space<vmem>> -> memref<1x1x128xi32, #tpu.memory_space<vmem>>
        %dma_start3A_278 = tpu.memref_squeeze %dma_start3A_277 : memref<1x1x128xi32, #tpu.memory_space<vmem>> -> memref<128xi32, #tpu.memory_space<vmem>>
        %dma_start3A_279 = arith.constant 0 : i32
        %dma_start3A_280 = arith.constant 0 : i32
        %dma_start3A_281 = tpu.memref_slice %arg10[%dma_start3A_279, %dma_start3A_280] : memref<10112x128xf32, #tpu.memory_space<vmem_shared>> -> memref<10112x128xf32, #tpu.memory_space<vmem_shared>>
        tpu.enqueue_indirect_dma source(%dma_start3A_275 : memref<128x128xf32, #tpu.memory_space<vmem>>) target(%dma_start3A_281 : memref<10112x128xf32, #tpu.memory_space<vmem_shared>>) offsets(%dma_start3A_278 : memref<128xi32, #tpu.memory_space<vmem>>) semaphore(%run_scoped3A_272 : memref<!tpu.dma_semaphore, #tpu.memory_space<semaphore_mem>>) {add = true}
        %dma_wait3A_282 = arith.constant 0 : i32
        %dma_wait3A_283 = arith.constant 0 : i32
        %dma_wait3A_284 = tpu.memref_slice %arg9[%run_scoped3A_149, %dma_wait3A_282, %dma_wait3A_283] : memref<2x128x128xf32, #tpu.memory_space<vmem>> -> memref<1x128x128xf32, #tpu.memory_space<vmem>>
        %dma_wait3A_285 = tpu.memref_squeeze %dma_wait3A_284 : memref<1x128x128xf32, #tpu.memory_space<vmem>> -> memref<128x128xf32, #tpu.memory_space<vmem>>
        %dma_wait3A_286 = arith.constant 0 : i32
        %dma_wait3A_287 = tpu.memref_slice %arg8[%rem3A_70, %run_scoped3A_150, %dma_wait3A_286] : memref<2x8x128xi32, #tpu.memory_space<vmem>> -> memref<1x1x128xi32, #tpu.memory_space<vmem>>
        %dma_wait3A_288 = tpu.memref_squeeze %dma_wait3A_287 : memref<1x1x128xi32, #tpu.memory_space<vmem>> -> memref<128xi32, #tpu.memory_space<vmem>>
        %dma_wait3A_289 = arith.constant 0 : i32
        %dma_wait3A_290 = arith.constant 0 : i32
        %dma_wait3A_291 = tpu.memref_slice %arg10[%dma_wait3A_289, %dma_wait3A_290] : memref<10112x128xf32, #tpu.memory_space<vmem_shared>> -> memref<10112x128xf32, #tpu.memory_space<vmem_shared>>
        tpu.wait_indirect_dma semaphore(%run_scoped3A_272 : memref<!tpu.dma_semaphore, #tpu.memory_space<semaphore_mem>>) src(%dma_wait3A_285 : memref<128x128xf32, #tpu.memory_space<vmem>>) dst(%dma_wait3A_291 : memref<10112x128xf32, #tpu.memory_space<vmem_shared>>)
        tpu.yield
      }) : () -> ()
      %mul3A_151 = arith.constant 8 : i32
      %mul3A_152 = arith.muli %while3A_67, %mul3A_151 : i32
      %add3A_153 = arith.constant 3 : i32
      %add3A_154 = arith.addi %mul3A_152, %add3A_153 : i32
      %add3A_155 = arith.constant 1 : i32
      %add3A_156 = arith.addi %add3A_154, %add3A_155 : i32
      %lt3A_157 = arith.cmpi slt, %add3A_156, %select_n3A : i32
      %convert_element_type3A_158 = arith.extui %lt3A_157 : i1 to i32
      %cond3A_159 = arith.constant 0 : i32
      %cond3A_160 = arith.cmpi ne, %convert_element_type3A_158, %cond3A_159 : i32
      scf.if %cond3A_160 {
        %dma_start3A = arith.constant 4 : i32
        %dma_start3A_272 = arith.constant 0 : i32
        %dma_start3A_273 = arith.constant 0 : i32
        %dma_start3A_274 = arith.constant 0 : i32
        %dma_start3A_275 = tpu.memref_slice %arg9[%dma_start3A_272, %dma_start3A_273, %dma_start3A_274] : memref<2x128x128xf32, #tpu.memory_space<vmem>> -> memref<1x128x128xf32, #tpu.memory_space<vmem>>
        %dma_start3A_276 = tpu.memref_squeeze %dma_start3A_275 : memref<1x128x128xf32, #tpu.memory_space<vmem>> -> memref<128x128xf32, #tpu.memory_space<vmem>>
        %dma_start3A_277 = arith.constant 0 : i32
        %dma_start3A_278 = tpu.memref_slice %arg7[%rem3A_70, %dma_start3A, %dma_start3A_277] : memref<2x8x128xi32, #tpu.memory_space<vmem>> -> memref<1x1x128xi32, #tpu.memory_space<vmem>>
        %dma_start3A_279 = tpu.memref_squeeze %dma_start3A_278 : memref<1x1x128xi32, #tpu.memory_space<vmem>> -> memref<128xi32, #tpu.memory_space<vmem>>
        %dma_start3A_280 = arith.constant 0 : i32
        %dma_start3A_281 = arith.constant 0 : i32
        %dma_start3A_282 = tpu.memref_slice %arg2[%dma_start3A_280, %dma_start3A_281] : memref<10000x128xf32, #tpu.memory_space<hbm>> -> memref<10000x128xf32, #tpu.memory_space<hbm>>
        tpu.enqueue_indirect_dma source(%dma_start3A_282 : memref<10000x128xf32, #tpu.memory_space<hbm>>) target(%dma_start3A_276 : memref<128x128xf32, #tpu.memory_space<vmem>>) offsets(%dma_start3A_279 : memref<128xi32, #tpu.memory_space<vmem>>) semaphore(%arg11 : memref<!tpu.dma_semaphore, #tpu.memory_space<semaphore_mem>>)
      } else {
      }
      %dma_wait3A_161 = arith.constant 3 : i32
      %dma_wait3A_162 = arith.constant 1 : i32
      %dma_wait3A_163 = arith.constant 0 : i32
      %dma_wait3A_164 = arith.constant 0 : i32
      %dma_wait3A_165 = tpu.memref_slice %arg9[%dma_wait3A_162, %dma_wait3A_163, %dma_wait3A_164] : memref<2x128x128xf32, #tpu.memory_space<vmem>> -> memref<1x128x128xf32, #tpu.memory_space<vmem>>
      %dma_wait3A_166 = tpu.memref_squeeze %dma_wait3A_165 : memref<1x128x128xf32, #tpu.memory_space<vmem>> -> memref<128x128xf32, #tpu.memory_space<vmem>>
      %dma_wait3A_167 = arith.constant 0 : i32
      %dma_wait3A_168 = tpu.memref_slice %arg7[%rem3A_70, %dma_wait3A_161, %dma_wait3A_167] : memref<2x8x128xi32, #tpu.memory_space<vmem>> -> memref<1x1x128xi32, #tpu.memory_space<vmem>>
      %dma_wait3A_169 = tpu.memref_squeeze %dma_wait3A_168 : memref<1x1x128xi32, #tpu.memory_space<vmem>> -> memref<128xi32, #tpu.memory_space<vmem>>
      %dma_wait3A_170 = arith.constant 0 : i32
      %dma_wait3A_171 = arith.constant 0 : i32
      %dma_wait3A_172 = tpu.memref_slice %arg2[%dma_wait3A_170, %dma_wait3A_171] : memref<10000x128xf32, #tpu.memory_space<hbm>> -> memref<10000x128xf32, #tpu.memory_space<hbm>>
      tpu.wait_indirect_dma semaphore(%arg11 : memref<!tpu.dma_semaphore, #tpu.memory_space<semaphore_mem>>) src(%dma_wait3A_172 : memref<10000x128xf32, #tpu.memory_space<hbm>>) dst(%dma_wait3A_166 : memref<128x128xf32, #tpu.memory_space<vmem>>)
      %run_scoped3A_173 = arith.constant 1 : i32
      %run_scoped3A_174 = arith.constant 3 : i32
      "tpu.region"() ({
        %run_scoped3A_272 = tpu.sem_alloc : memref<!tpu.dma_semaphore, #tpu.memory_space<semaphore_mem>>
        %dma_start3A = arith.constant 0 : i32
        %dma_start3A_273 = arith.constant 0 : i32
        %dma_start3A_274 = tpu.memref_slice %arg9[%run_scoped3A_173, %dma_start3A, %dma_start3A_273] : memref<2x128x128xf32, #tpu.memory_space<vmem>> -> memref<1x128x128xf32, #tpu.memory_space<vmem>>
        %dma_start3A_275 = tpu.memref_squeeze %dma_start3A_274 : memref<1x128x128xf32, #tpu.memory_space<vmem>> -> memref<128x128xf32, #tpu.memory_space<vmem>>
        %dma_start3A_276 = arith.constant 0 : i32
        %dma_start3A_277 = tpu.memref_slice %arg8[%rem3A_70, %run_scoped3A_174, %dma_start3A_276] : memref<2x8x128xi32, #tpu.memory_space<vmem>> -> memref<1x1x128xi32, #tpu.memory_space<vmem>>
        %dma_start3A_278 = tpu.memref_squeeze %dma_start3A_277 : memref<1x1x128xi32, #tpu.memory_space<vmem>> -> memref<128xi32, #tpu.memory_space<vmem>>
        %dma_start3A_279 = arith.constant 0 : i32
        %dma_start3A_280 = arith.constant 0 : i32
        %dma_start3A_281 = tpu.memref_slice %arg10[%dma_start3A_279, %dma_start3A_280] : memref<10112x128xf32, #tpu.memory_space<vmem_shared>> -> memref<10112x128xf32, #tpu.memory_space<vmem_shared>>
        tpu.enqueue_indirect_dma source(%dma_start3A_275 : memref<128x128xf32, #tpu.memory_space<vmem>>) target(%dma_start3A_281 : memref<10112x128xf32, #tpu.memory_space<vmem_shared>>) offsets(%dma_start3A_278 : memref<128xi32, #tpu.memory_space<vmem>>) semaphore(%run_scoped3A_272 : memref<!tpu.dma_semaphore, #tpu.memory_space<semaphore_mem>>) {add = true}
        %dma_wait3A_282 = arith.constant 0 : i32
        %dma_wait3A_283 = arith.constant 0 : i32
        %dma_wait3A_284 = tpu.memref_slice %arg9[%run_scoped3A_173, %dma_wait3A_282, %dma_wait3A_283] : memref<2x128x128xf32, #tpu.memory_space<vmem>> -> memref<1x128x128xf32, #tpu.memory_space<vmem>>
        %dma_wait3A_285 = tpu.memref_squeeze %dma_wait3A_284 : memref<1x128x128xf32, #tpu.memory_space<vmem>> -> memref<128x128xf32, #tpu.memory_space<vmem>>
        %dma_wait3A_286 = arith.constant 0 : i32
        %dma_wait3A_287 = tpu.memref_slice %arg8[%rem3A_70, %run_scoped3A_174, %dma_wait3A_286] : memref<2x8x128xi32, #tpu.memory_space<vmem>> -> memref<1x1x128xi32, #tpu.memory_space<vmem>>
        %dma_wait3A_288 = tpu.memref_squeeze %dma_wait3A_287 : memref<1x1x128xi32, #tpu.memory_space<vmem>> -> memref<128xi32, #tpu.memory_space<vmem>>
        %dma_wait3A_289 = arith.constant 0 : i32
        %dma_wait3A_290 = arith.constant 0 : i32
        %dma_wait3A_291 = tpu.memref_slice %arg10[%dma_wait3A_289, %dma_wait3A_290] : memref<10112x128xf32, #tpu.memory_space<vmem_shared>> -> memref<10112x128xf32, #tpu.memory_space<vmem_shared>>
        tpu.wait_indirect_dma semaphore(%run_scoped3A_272 : memref<!tpu.dma_semaphore, #tpu.memory_space<semaphore_mem>>) src(%dma_wait3A_285 : memref<128x128xf32, #tpu.memory_space<vmem>>) dst(%dma_wait3A_291 : memref<10112x128xf32, #tpu.memory_space<vmem_shared>>)
        tpu.yield
      }) : () -> ()
      %mul3A_175 = arith.constant 8 : i32
      %mul3A_176 = arith.muli %while3A_67, %mul3A_175 : i32
      %add3A_177 = arith.constant 4 : i32
      %add3A_178 = arith.addi %mul3A_176, %add3A_177 : i32
      %add3A_179 = arith.constant 1 : i32
      %add3A_180 = arith.addi %add3A_178, %add3A_179 : i32
      %lt3A_181 = arith.cmpi slt, %add3A_180, %select_n3A : i32
      %convert_element_type3A_182 = arith.extui %lt3A_181 : i1 to i32
      %cond3A_183 = arith.constant 0 : i32
      %cond3A_184 = arith.cmpi ne, %convert_element_type3A_182, %cond3A_183 : i32
      scf.if %cond3A_184 {
        %dma_start3A = arith.constant 5 : i32
        %dma_start3A_272 = arith.constant 1 : i32
        %dma_start3A_273 = arith.constant 0 : i32
        %dma_start3A_274 = arith.constant 0 : i32
        %dma_start3A_275 = tpu.memref_slice %arg9[%dma_start3A_272, %dma_start3A_273, %dma_start3A_274] : memref<2x128x128xf32, #tpu.memory_space<vmem>> -> memref<1x128x128xf32, #tpu.memory_space<vmem>>
        %dma_start3A_276 = tpu.memref_squeeze %dma_start3A_275 : memref<1x128x128xf32, #tpu.memory_space<vmem>> -> memref<128x128xf32, #tpu.memory_space<vmem>>
        %dma_start3A_277 = arith.constant 0 : i32
        %dma_start3A_278 = tpu.memref_slice %arg7[%rem3A_70, %dma_start3A, %dma_start3A_277] : memref<2x8x128xi32, #tpu.memory_space<vmem>> -> memref<1x1x128xi32, #tpu.memory_space<vmem>>
        %dma_start3A_279 = tpu.memref_squeeze %dma_start3A_278 : memref<1x1x128xi32, #tpu.memory_space<vmem>> -> memref<128xi32, #tpu.memory_space<vmem>>
        %dma_start3A_280 = arith.constant 0 : i32
        %dma_start3A_281 = arith.constant 0 : i32
        %dma_start3A_282 = tpu.memref_slice %arg2[%dma_start3A_280, %dma_start3A_281] : memref<10000x128xf32, #tpu.memory_space<hbm>> -> memref<10000x128xf32, #tpu.memory_space<hbm>>
        tpu.enqueue_indirect_dma source(%dma_start3A_282 : memref<10000x128xf32, #tpu.memory_space<hbm>>) target(%dma_start3A_276 : memref<128x128xf32, #tpu.memory_space<vmem>>) offsets(%dma_start3A_279 : memref<128xi32, #tpu.memory_space<vmem>>) semaphore(%arg11 : memref<!tpu.dma_semaphore, #tpu.memory_space<semaphore_mem>>)
      } else {
      }
      %dma_wait3A_185 = arith.constant 4 : i32
      %dma_wait3A_186 = arith.constant 0 : i32
      %dma_wait3A_187 = arith.constant 0 : i32
      %dma_wait3A_188 = arith.constant 0 : i32
      %dma_wait3A_189 = tpu.memref_slice %arg9[%dma_wait3A_186, %dma_wait3A_187, %dma_wait3A_188] : memref<2x128x128xf32, #tpu.memory_space<vmem>> -> memref<1x128x128xf32, #tpu.memory_space<vmem>>
      %dma_wait3A_190 = tpu.memref_squeeze %dma_wait3A_189 : memref<1x128x128xf32, #tpu.memory_space<vmem>> -> memref<128x128xf32, #tpu.memory_space<vmem>>
      %dma_wait3A_191 = arith.constant 0 : i32
      %dma_wait3A_192 = tpu.memref_slice %arg7[%rem3A_70, %dma_wait3A_185, %dma_wait3A_191] : memref<2x8x128xi32, #tpu.memory_space<vmem>> -> memref<1x1x128xi32, #tpu.memory_space<vmem>>
      %dma_wait3A_193 = tpu.memref_squeeze %dma_wait3A_192 : memref<1x1x128xi32, #tpu.memory_space<vmem>> -> memref<128xi32, #tpu.memory_space<vmem>>
      %dma_wait3A_194 = arith.constant 0 : i32
      %dma_wait3A_195 = arith.constant 0 : i32
      %dma_wait3A_196 = tpu.memref_slice %arg2[%dma_wait3A_194, %dma_wait3A_195] : memref<10000x128xf32, #tpu.memory_space<hbm>> -> memref<10000x128xf32, #tpu.memory_space<hbm>>
      tpu.wait_indirect_dma semaphore(%arg11 : memref<!tpu.dma_semaphore, #tpu.memory_space<semaphore_mem>>) src(%dma_wait3A_196 : memref<10000x128xf32, #tpu.memory_space<hbm>>) dst(%dma_wait3A_190 : memref<128x128xf32, #tpu.memory_space<vmem>>)
      %run_scoped3A_197 = arith.constant 0 : i32
      %run_scoped3A_198 = arith.constant 4 : i32
      "tpu.region"() ({
        %run_scoped3A_272 = tpu.sem_alloc : memref<!tpu.dma_semaphore, #tpu.memory_space<semaphore_mem>>
        %dma_start3A = arith.constant 0 : i32
        %dma_start3A_273 = arith.constant 0 : i32
        %dma_start3A_274 = tpu.memref_slice %arg9[%run_scoped3A_197, %dma_start3A, %dma_start3A_273] : memref<2x128x128xf32, #tpu.memory_space<vmem>> -> memref<1x128x128xf32, #tpu.memory_space<vmem>>
        %dma_start3A_275 = tpu.memref_squeeze %dma_start3A_274 : memref<1x128x128xf32, #tpu.memory_space<vmem>> -> memref<128x128xf32, #tpu.memory_space<vmem>>
        %dma_start3A_276 = arith.constant 0 : i32
        %dma_start3A_277 = tpu.memref_slice %arg8[%rem3A_70, %run_scoped3A_198, %dma_start3A_276] : memref<2x8x128xi32, #tpu.memory_space<vmem>> -> memref<1x1x128xi32, #tpu.memory_space<vmem>>
        %dma_start3A_278 = tpu.memref_squeeze %dma_start3A_277 : memref<1x1x128xi32, #tpu.memory_space<vmem>> -> memref<128xi32, #tpu.memory_space<vmem>>
        %dma_start3A_279 = arith.constant 0 : i32
        %dma_start3A_280 = arith.constant 0 : i32
        %dma_start3A_281 = tpu.memref_slice %arg10[%dma_start3A_279, %dma_start3A_280] : memref<10112x128xf32, #tpu.memory_space<vmem_shared>> -> memref<10112x128xf32, #tpu.memory_space<vmem_shared>>
        tpu.enqueue_indirect_dma source(%dma_start3A_275 : memref<128x128xf32, #tpu.memory_space<vmem>>) target(%dma_start3A_281 : memref<10112x128xf32, #tpu.memory_space<vmem_shared>>) offsets(%dma_start3A_278 : memref<128xi32, #tpu.memory_space<vmem>>) semaphore(%run_scoped3A_272 : memref<!tpu.dma_semaphore, #tpu.memory_space<semaphore_mem>>) {add = true}
        %dma_wait3A_282 = arith.constant 0 : i32
        %dma_wait3A_283 = arith.constant 0 : i32
        %dma_wait3A_284 = tpu.memref_slice %arg9[%run_scoped3A_197, %dma_wait3A_282, %dma_wait3A_283] : memref<2x128x128xf32, #tpu.memory_space<vmem>> -> memref<1x128x128xf32, #tpu.memory_space<vmem>>
        %dma_wait3A_285 = tpu.memref_squeeze %dma_wait3A_284 : memref<1x128x128xf32, #tpu.memory_space<vmem>> -> memref<128x128xf32, #tpu.memory_space<vmem>>
        %dma_wait3A_286 = arith.constant 0 : i32
        %dma_wait3A_287 = tpu.memref_slice %arg8[%rem3A_70, %run_scoped3A_198, %dma_wait3A_286] : memref<2x8x128xi32, #tpu.memory_space<vmem>> -> memref<1x1x128xi32, #tpu.memory_space<vmem>>
        %dma_wait3A_288 = tpu.memref_squeeze %dma_wait3A_287 : memref<1x1x128xi32, #tpu.memory_space<vmem>> -> memref<128xi32, #tpu.memory_space<vmem>>
        %dma_wait3A_289 = arith.constant 0 : i32
        %dma_wait3A_290 = arith.constant 0 : i32
        %dma_wait3A_291 = tpu.memref_slice %arg10[%dma_wait3A_289, %dma_wait3A_290] : memref<10112x128xf32, #tpu.memory_space<vmem_shared>> -> memref<10112x128xf32, #tpu.memory_space<vmem_shared>>
        tpu.wait_indirect_dma semaphore(%run_scoped3A_272 : memref<!tpu.dma_semaphore, #tpu.memory_space<semaphore_mem>>) src(%dma_wait3A_285 : memref<128x128xf32, #tpu.memory_space<vmem>>) dst(%dma_wait3A_291 : memref<10112x128xf32, #tpu.memory_space<vmem_shared>>)
        tpu.yield
      }) : () -> ()
      %mul3A_199 = arith.constant 8 : i32
      %mul3A_200 = arith.muli %while3A_67, %mul3A_199 : i32
      %add3A_201 = arith.constant 5 : i32
      %add3A_202 = arith.addi %mul3A_200, %add3A_201 : i32
      %add3A_203 = arith.constant 1 : i32
      %add3A_204 = arith.addi %add3A_202, %add3A_203 : i32
      %lt3A_205 = arith.cmpi slt, %add3A_204, %select_n3A : i32
      %convert_element_type3A_206 = arith.extui %lt3A_205 : i1 to i32
      %cond3A_207 = arith.constant 0 : i32
      %cond3A_208 = arith.cmpi ne, %convert_element_type3A_206, %cond3A_207 : i32
      scf.if %cond3A_208 {
        %dma_start3A = arith.constant 6 : i32
        %dma_start3A_272 = arith.constant 0 : i32
        %dma_start3A_273 = arith.constant 0 : i32
        %dma_start3A_274 = arith.constant 0 : i32
        %dma_start3A_275 = tpu.memref_slice %arg9[%dma_start3A_272, %dma_start3A_273, %dma_start3A_274] : memref<2x128x128xf32, #tpu.memory_space<vmem>> -> memref<1x128x128xf32, #tpu.memory_space<vmem>>
        %dma_start3A_276 = tpu.memref_squeeze %dma_start3A_275 : memref<1x128x128xf32, #tpu.memory_space<vmem>> -> memref<128x128xf32, #tpu.memory_space<vmem>>
        %dma_start3A_277 = arith.constant 0 : i32
        %dma_start3A_278 = tpu.memref_slice %arg7[%rem3A_70, %dma_start3A, %dma_start3A_277] : memref<2x8x128xi32, #tpu.memory_space<vmem>> -> memref<1x1x128xi32, #tpu.memory_space<vmem>>
        %dma_start3A_279 = tpu.memref_squeeze %dma_start3A_278 : memref<1x1x128xi32, #tpu.memory_space<vmem>> -> memref<128xi32, #tpu.memory_space<vmem>>
        %dma_start3A_280 = arith.constant 0 : i32
        %dma_start3A_281 = arith.constant 0 : i32
        %dma_start3A_282 = tpu.memref_slice %arg2[%dma_start3A_280, %dma_start3A_281] : memref<10000x128xf32, #tpu.memory_space<hbm>> -> memref<10000x128xf32, #tpu.memory_space<hbm>>
        tpu.enqueue_indirect_dma source(%dma_start3A_282 : memref<10000x128xf32, #tpu.memory_space<hbm>>) target(%dma_start3A_276 : memref<128x128xf32, #tpu.memory_space<vmem>>) offsets(%dma_start3A_279 : memref<128xi32, #tpu.memory_space<vmem>>) semaphore(%arg11 : memref<!tpu.dma_semaphore, #tpu.memory_space<semaphore_mem>>)
      } else {
      }
      %dma_wait3A_209 = arith.constant 5 : i32
      %dma_wait3A_210 = arith.constant 1 : i32
      %dma_wait3A_211 = arith.constant 0 : i32
      %dma_wait3A_212 = arith.constant 0 : i32
      %dma_wait3A_213 = tpu.memref_slice %arg9[%dma_wait3A_210, %dma_wait3A_211, %dma_wait3A_212] : memref<2x128x128xf32, #tpu.memory_space<vmem>> -> memref<1x128x128xf32, #tpu.memory_space<vmem>>
      %dma_wait3A_214 = tpu.memref_squeeze %dma_wait3A_213 : memref<1x128x128xf32, #tpu.memory_space<vmem>> -> memref<128x128xf32, #tpu.memory_space<vmem>>
      %dma_wait3A_215 = arith.constant 0 : i32
      %dma_wait3A_216 = tpu.memref_slice %arg7[%rem3A_70, %dma_wait3A_209, %dma_wait3A_215] : memref<2x8x128xi32, #tpu.memory_space<vmem>> -> memref<1x1x128xi32, #tpu.memory_space<vmem>>
      %dma_wait3A_217 = tpu.memref_squeeze %dma_wait3A_216 : memref<1x1x128xi32, #tpu.memory_space<vmem>> -> memref<128xi32, #tpu.memory_space<vmem>>
      %dma_wait3A_218 = arith.constant 0 : i32
      %dma_wait3A_219 = arith.constant 0 : i32
      %dma_wait3A_220 = tpu.memref_slice %arg2[%dma_wait3A_218, %dma_wait3A_219] : memref<10000x128xf32, #tpu.memory_space<hbm>> -> memref<10000x128xf32, #tpu.memory_space<hbm>>
      tpu.wait_indirect_dma semaphore(%arg11 : memref<!tpu.dma_semaphore, #tpu.memory_space<semaphore_mem>>) src(%dma_wait3A_220 : memref<10000x128xf32, #tpu.memory_space<hbm>>) dst(%dma_wait3A_214 : memref<128x128xf32, #tpu.memory_space<vmem>>)
      %run_scoped3A_221 = arith.constant 1 : i32
      %run_scoped3A_222 = arith.constant 5 : i32
      "tpu.region"() ({
        %run_scoped3A_272 = tpu.sem_alloc : memref<!tpu.dma_semaphore, #tpu.memory_space<semaphore_mem>>
        %dma_start3A = arith.constant 0 : i32
        %dma_start3A_273 = arith.constant 0 : i32
        %dma_start3A_274 = tpu.memref_slice %arg9[%run_scoped3A_221, %dma_start3A, %dma_start3A_273] : memref<2x128x128xf32, #tpu.memory_space<vmem>> -> memref<1x128x128xf32, #tpu.memory_space<vmem>>
        %dma_start3A_275 = tpu.memref_squeeze %dma_start3A_274 : memref<1x128x128xf32, #tpu.memory_space<vmem>> -> memref<128x128xf32, #tpu.memory_space<vmem>>
        %dma_start3A_276 = arith.constant 0 : i32
        %dma_start3A_277 = tpu.memref_slice %arg8[%rem3A_70, %run_scoped3A_222, %dma_start3A_276] : memref<2x8x128xi32, #tpu.memory_space<vmem>> -> memref<1x1x128xi32, #tpu.memory_space<vmem>>
        %dma_start3A_278 = tpu.memref_squeeze %dma_start3A_277 : memref<1x1x128xi32, #tpu.memory_space<vmem>> -> memref<128xi32, #tpu.memory_space<vmem>>
        %dma_start3A_279 = arith.constant 0 : i32
        %dma_start3A_280 = arith.constant 0 : i32
        %dma_start3A_281 = tpu.memref_slice %arg10[%dma_start3A_279, %dma_start3A_280] : memref<10112x128xf32, #tpu.memory_space<vmem_shared>> -> memref<10112x128xf32, #tpu.memory_space<vmem_shared>>
        tpu.enqueue_indirect_dma source(%dma_start3A_275 : memref<128x128xf32, #tpu.memory_space<vmem>>) target(%dma_start3A_281 : memref<10112x128xf32, #tpu.memory_space<vmem_shared>>) offsets(%dma_start3A_278 : memref<128xi32, #tpu.memory_space<vmem>>) semaphore(%run_scoped3A_272 : memref<!tpu.dma_semaphore, #tpu.memory_space<semaphore_mem>>) {add = true}
        %dma_wait3A_282 = arith.constant 0 : i32
        %dma_wait3A_283 = arith.constant 0 : i32
        %dma_wait3A_284 = tpu.memref_slice %arg9[%run_scoped3A_221, %dma_wait3A_282, %dma_wait3A_283] : memref<2x128x128xf32, #tpu.memory_space<vmem>> -> memref<1x128x128xf32, #tpu.memory_space<vmem>>
        %dma_wait3A_285 = tpu.memref_squeeze %dma_wait3A_284 : memref<1x128x128xf32, #tpu.memory_space<vmem>> -> memref<128x128xf32, #tpu.memory_space<vmem>>
        %dma_wait3A_286 = arith.constant 0 : i32
        %dma_wait3A_287 = tpu.memref_slice %arg8[%rem3A_70, %run_scoped3A_222, %dma_wait3A_286] : memref<2x8x128xi32, #tpu.memory_space<vmem>> -> memref<1x1x128xi32, #tpu.memory_space<vmem>>
        %dma_wait3A_288 = tpu.memref_squeeze %dma_wait3A_287 : memref<1x1x128xi32, #tpu.memory_space<vmem>> -> memref<128xi32, #tpu.memory_space<vmem>>
        %dma_wait3A_289 = arith.constant 0 : i32
        %dma_wait3A_290 = arith.constant 0 : i32
        %dma_wait3A_291 = tpu.memref_slice %arg10[%dma_wait3A_289, %dma_wait3A_290] : memref<10112x128xf32, #tpu.memory_space<vmem_shared>> -> memref<10112x128xf32, #tpu.memory_space<vmem_shared>>
        tpu.wait_indirect_dma semaphore(%run_scoped3A_272 : memref<!tpu.dma_semaphore, #tpu.memory_space<semaphore_mem>>) src(%dma_wait3A_285 : memref<128x128xf32, #tpu.memory_space<vmem>>) dst(%dma_wait3A_291 : memref<10112x128xf32, #tpu.memory_space<vmem_shared>>)
        tpu.yield
      }) : () -> ()
      %mul3A_223 = arith.constant 8 : i32
      %mul3A_224 = arith.muli %while3A_67, %mul3A_223 : i32
      %add3A_225 = arith.constant 6 : i32
      %add3A_226 = arith.addi %mul3A_224, %add3A_225 : i32
      %add3A_227 = arith.constant 1 : i32
      %add3A_228 = arith.addi %add3A_226, %add3A_227 : i32
      %lt3A_229 = arith.cmpi slt, %add3A_228, %select_n3A : i32
      %convert_element_type3A_230 = arith.extui %lt3A_229 : i1 to i32
      %cond3A_231 = arith.constant 0 : i32
      %cond3A_232 = arith.cmpi ne, %convert_element_type3A_230, %cond3A_231 : i32
      scf.if %cond3A_232 {
        %dma_start3A = arith.constant 7 : i32
        %dma_start3A_272 = arith.constant 1 : i32
        %dma_start3A_273 = arith.constant 0 : i32
        %dma_start3A_274 = arith.constant 0 : i32
        %dma_start3A_275 = tpu.memref_slice %arg9[%dma_start3A_272, %dma_start3A_273, %dma_start3A_274] : memref<2x128x128xf32, #tpu.memory_space<vmem>> -> memref<1x128x128xf32, #tpu.memory_space<vmem>>
        %dma_start3A_276 = tpu.memref_squeeze %dma_start3A_275 : memref<1x128x128xf32, #tpu.memory_space<vmem>> -> memref<128x128xf32, #tpu.memory_space<vmem>>
        %dma_start3A_277 = arith.constant 0 : i32
        %dma_start3A_278 = tpu.memref_slice %arg7[%rem3A_70, %dma_start3A, %dma_start3A_277] : memref<2x8x128xi32, #tpu.memory_space<vmem>> -> memref<1x1x128xi32, #tpu.memory_space<vmem>>
        %dma_start3A_279 = tpu.memref_squeeze %dma_start3A_278 : memref<1x1x128xi32, #tpu.memory_space<vmem>> -> memref<128xi32, #tpu.memory_space<vmem>>
        %dma_start3A_280 = arith.constant 0 : i32
        %dma_start3A_281 = arith.constant 0 : i32
        %dma_start3A_282 = tpu.memref_slice %arg2[%dma_start3A_280, %dma_start3A_281] : memref<10000x128xf32, #tpu.memory_space<hbm>> -> memref<10000x128xf32, #tpu.memory_space<hbm>>
        tpu.enqueue_indirect_dma source(%dma_start3A_282 : memref<10000x128xf32, #tpu.memory_space<hbm>>) target(%dma_start3A_276 : memref<128x128xf32, #tpu.memory_space<vmem>>) offsets(%dma_start3A_279 : memref<128xi32, #tpu.memory_space<vmem>>) semaphore(%arg11 : memref<!tpu.dma_semaphore, #tpu.memory_space<semaphore_mem>>)
      } else {
      }
      %dma_wait3A_233 = arith.constant 6 : i32
      %dma_wait3A_234 = arith.constant 0 : i32
      %dma_wait3A_235 = arith.constant 0 : i32
      %dma_wait3A_236 = arith.constant 0 : i32
      %dma_wait3A_237 = tpu.memref_slice %arg9[%dma_wait3A_234, %dma_wait3A_235, %dma_wait3A_236] : memref<2x128x128xf32, #tpu.memory_space<vmem>> -> memref<1x128x128xf32, #tpu.memory_space<vmem>>
      %dma_wait3A_238 = tpu.memref_squeeze %dma_wait3A_237 : memref<1x128x128xf32, #tpu.memory_space<vmem>> -> memref<128x128xf32, #tpu.memory_space<vmem>>
      %dma_wait3A_239 = arith.constant 0 : i32
      %dma_wait3A_240 = tpu.memref_slice %arg7[%rem3A_70, %dma_wait3A_233, %dma_wait3A_239] : memref<2x8x128xi32, #tpu.memory_space<vmem>> -> memref<1x1x128xi32, #tpu.memory_space<vmem>>
      %dma_wait3A_241 = tpu.memref_squeeze %dma_wait3A_240 : memref<1x1x128xi32, #tpu.memory_space<vmem>> -> memref<128xi32, #tpu.memory_space<vmem>>
      %dma_wait3A_242 = arith.constant 0 : i32
      %dma_wait3A_243 = arith.constant 0 : i32
      %dma_wait3A_244 = tpu.memref_slice %arg2[%dma_wait3A_242, %dma_wait3A_243] : memref<10000x128xf32, #tpu.memory_space<hbm>> -> memref<10000x128xf32, #tpu.memory_space<hbm>>
      tpu.wait_indirect_dma semaphore(%arg11 : memref<!tpu.dma_semaphore, #tpu.memory_space<semaphore_mem>>) src(%dma_wait3A_244 : memref<10000x128xf32, #tpu.memory_space<hbm>>) dst(%dma_wait3A_238 : memref<128x128xf32, #tpu.memory_space<vmem>>)
      %run_scoped3A_245 = arith.constant 0 : i32
      %run_scoped3A_246 = arith.constant 6 : i32
      "tpu.region"() ({
        %run_scoped3A_272 = tpu.sem_alloc : memref<!tpu.dma_semaphore, #tpu.memory_space<semaphore_mem>>
        %dma_start3A = arith.constant 0 : i32
        %dma_start3A_273 = arith.constant 0 : i32
        %dma_start3A_274 = tpu.memref_slice %arg9[%run_scoped3A_245, %dma_start3A, %dma_start3A_273] : memref<2x128x128xf32, #tpu.memory_space<vmem>> -> memref<1x128x128xf32, #tpu.memory_space<vmem>>
        %dma_start3A_275 = tpu.memref_squeeze %dma_start3A_274 : memref<1x128x128xf32, #tpu.memory_space<vmem>> -> memref<128x128xf32, #tpu.memory_space<vmem>>
        %dma_start3A_276 = arith.constant 0 : i32
        %dma_start3A_277 = tpu.memref_slice %arg8[%rem3A_70, %run_scoped3A_246, %dma_start3A_276] : memref<2x8x128xi32, #tpu.memory_space<vmem>> -> memref<1x1x128xi32, #tpu.memory_space<vmem>>
        %dma_start3A_278 = tpu.memref_squeeze %dma_start3A_277 : memref<1x1x128xi32, #tpu.memory_space<vmem>> -> memref<128xi32, #tpu.memory_space<vmem>>
        %dma_start3A_279 = arith.constant 0 : i32
        %dma_start3A_280 = arith.constant 0 : i32
        %dma_start3A_281 = tpu.memref_slice %arg10[%dma_start3A_279, %dma_start3A_280] : memref<10112x128xf32, #tpu.memory_space<vmem_shared>> -> memref<10112x128xf32, #tpu.memory_space<vmem_shared>>
        tpu.enqueue_indirect_dma source(%dma_start3A_275 : memref<128x128xf32, #tpu.memory_space<vmem>>) target(%dma_start3A_281 : memref<10112x128xf32, #tpu.memory_space<vmem_shared>>) offsets(%dma_start3A_278 : memref<128xi32, #tpu.memory_space<vmem>>) semaphore(%run_scoped3A_272 : memref<!tpu.dma_semaphore, #tpu.memory_space<semaphore_mem>>) {add = true}
        %dma_wait3A_282 = arith.constant 0 : i32
        %dma_wait3A_283 = arith.constant 0 : i32
        %dma_wait3A_284 = tpu.memref_slice %arg9[%run_scoped3A_245, %dma_wait3A_282, %dma_wait3A_283] : memref<2x128x128xf32, #tpu.memory_space<vmem>> -> memref<1x128x128xf32, #tpu.memory_space<vmem>>
        %dma_wait3A_285 = tpu.memref_squeeze %dma_wait3A_284 : memref<1x128x128xf32, #tpu.memory_space<vmem>> -> memref<128x128xf32, #tpu.memory_space<vmem>>
        %dma_wait3A_286 = arith.constant 0 : i32
        %dma_wait3A_287 = tpu.memref_slice %arg8[%rem3A_70, %run_scoped3A_246, %dma_wait3A_286] : memref<2x8x128xi32, #tpu.memory_space<vmem>> -> memref<1x1x128xi32, #tpu.memory_space<vmem>>
        %dma_wait3A_288 = tpu.memref_squeeze %dma_wait3A_287 : memref<1x1x128xi32, #tpu.memory_space<vmem>> -> memref<128xi32, #tpu.memory_space<vmem>>
        %dma_wait3A_289 = arith.constant 0 : i32
        %dma_wait3A_290 = arith.constant 0 : i32
        %dma_wait3A_291 = tpu.memref_slice %arg10[%dma_wait3A_289, %dma_wait3A_290] : memref<10112x128xf32, #tpu.memory_space<vmem_shared>> -> memref<10112x128xf32, #tpu.memory_space<vmem_shared>>
        tpu.wait_indirect_dma semaphore(%run_scoped3A_272 : memref<!tpu.dma_semaphore, #tpu.memory_space<semaphore_mem>>) src(%dma_wait3A_285 : memref<128x128xf32, #tpu.memory_space<vmem>>) dst(%dma_wait3A_291 : memref<10112x128xf32, #tpu.memory_space<vmem_shared>>)
        tpu.yield
      }) : () -> ()
      %mul3A_247 = arith.constant 8 : i32
      %mul3A_248 = arith.muli %while3A_67, %mul3A_247 : i32
      %add3A_249 = arith.constant 7 : i32
      %add3A_250 = arith.addi %mul3A_248, %add3A_249 : i32
      %add3A_251 = arith.constant 1 : i32
      %add3A_252 = arith.addi %add3A_250, %add3A_251 : i32
      %lt3A_253 = arith.cmpi slt, %add3A_252, %select_n3A : i32
      %convert_element_type3A_254 = arith.extui %lt3A_253 : i1 to i32
      %cond3A_255 = arith.constant 0 : i32
      %cond3A_256 = arith.cmpi ne, %convert_element_type3A_254, %cond3A_255 : i32
      scf.if %cond3A_256 {
        %dma_start3A = arith.constant 0 : i32
        %dma_start3A_272 = arith.constant 0 : i32
        %dma_start3A_273 = arith.constant 0 : i32
        %dma_start3A_274 = arith.constant 0 : i32
        %dma_start3A_275 = tpu.memref_slice %arg9[%dma_start3A_272, %dma_start3A_273, %dma_start3A_274] : memref<2x128x128xf32, #tpu.memory_space<vmem>> -> memref<1x128x128xf32, #tpu.memory_space<vmem>>
        %dma_start3A_276 = tpu.memref_squeeze %dma_start3A_275 : memref<1x128x128xf32, #tpu.memory_space<vmem>> -> memref<128x128xf32, #tpu.memory_space<vmem>>
        %dma_start3A_277 = arith.constant 0 : i32
        %dma_start3A_278 = tpu.memref_slice %arg7[%rem3A_74, %dma_start3A, %dma_start3A_277] : memref<2x8x128xi32, #tpu.memory_space<vmem>> -> memref<1x1x128xi32, #tpu.memory_space<vmem>>
        %dma_start3A_279 = tpu.memref_squeeze %dma_start3A_278 : memref<1x1x128xi32, #tpu.memory_space<vmem>> -> memref<128xi32, #tpu.memory_space<vmem>>
        %dma_start3A_280 = arith.constant 0 : i32
        %dma_start3A_281 = arith.constant 0 : i32
        %dma_start3A_282 = tpu.memref_slice %arg2[%dma_start3A_280, %dma_start3A_281] : memref<10000x128xf32, #tpu.memory_space<hbm>> -> memref<10000x128xf32, #tpu.memory_space<hbm>>
        tpu.enqueue_indirect_dma source(%dma_start3A_282 : memref<10000x128xf32, #tpu.memory_space<hbm>>) target(%dma_start3A_276 : memref<128x128xf32, #tpu.memory_space<vmem>>) offsets(%dma_start3A_279 : memref<128xi32, #tpu.memory_space<vmem>>) semaphore(%arg11 : memref<!tpu.dma_semaphore, #tpu.memory_space<semaphore_mem>>)
      } else {
      }
      %dma_wait3A_257 = arith.constant 7 : i32
      %dma_wait3A_258 = arith.constant 1 : i32
      %dma_wait3A_259 = arith.constant 0 : i32
      %dma_wait3A_260 = arith.constant 0 : i32
      %dma_wait3A_261 = tpu.memref_slice %arg9[%dma_wait3A_258, %dma_wait3A_259, %dma_wait3A_260] : memref<2x128x128xf32, #tpu.memory_space<vmem>> -> memref<1x128x128xf32, #tpu.memory_space<vmem>>
      %dma_wait3A_262 = tpu.memref_squeeze %dma_wait3A_261 : memref<1x128x128xf32, #tpu.memory_space<vmem>> -> memref<128x128xf32, #tpu.memory_space<vmem>>
      %dma_wait3A_263 = arith.constant 0 : i32
      %dma_wait3A_264 = tpu.memref_slice %arg7[%rem3A_70, %dma_wait3A_257, %dma_wait3A_263] : memref<2x8x128xi32, #tpu.memory_space<vmem>> -> memref<1x1x128xi32, #tpu.memory_space<vmem>>
      %dma_wait3A_265 = tpu.memref_squeeze %dma_wait3A_264 : memref<1x1x128xi32, #tpu.memory_space<vmem>> -> memref<128xi32, #tpu.memory_space<vmem>>
      %dma_wait3A_266 = arith.constant 0 : i32
      %dma_wait3A_267 = arith.constant 0 : i32
      %dma_wait3A_268 = tpu.memref_slice %arg2[%dma_wait3A_266, %dma_wait3A_267] : memref<10000x128xf32, #tpu.memory_space<hbm>> -> memref<10000x128xf32, #tpu.memory_space<hbm>>
      tpu.wait_indirect_dma semaphore(%arg11 : memref<!tpu.dma_semaphore, #tpu.memory_space<semaphore_mem>>) src(%dma_wait3A_268 : memref<10000x128xf32, #tpu.memory_space<hbm>>) dst(%dma_wait3A_262 : memref<128x128xf32, #tpu.memory_space<vmem>>)
      %run_scoped3A_269 = arith.constant 1 : i32
      %run_scoped3A_270 = arith.constant 7 : i32
      "tpu.region"() ({
        %run_scoped3A_272 = tpu.sem_alloc : memref<!tpu.dma_semaphore, #tpu.memory_space<semaphore_mem>>
        %dma_start3A = arith.constant 0 : i32
        %dma_start3A_273 = arith.constant 0 : i32
        %dma_start3A_274 = tpu.memref_slice %arg9[%run_scoped3A_269, %dma_start3A, %dma_start3A_273] : memref<2x128x128xf32, #tpu.memory_space<vmem>> -> memref<1x128x128xf32, #tpu.memory_space<vmem>>
        %dma_start3A_275 = tpu.memref_squeeze %dma_start3A_274 : memref<1x128x128xf32, #tpu.memory_space<vmem>> -> memref<128x128xf32, #tpu.memory_space<vmem>>
        %dma_start3A_276 = arith.constant 0 : i32
        %dma_start3A_277 = tpu.memref_slice %arg8[%rem3A_70, %run_scoped3A_270, %dma_start3A_276] : memref<2x8x128xi32, #tpu.memory_space<vmem>> -> memref<1x1x128xi32, #tpu.memory_space<vmem>>
        %dma_start3A_278 = tpu.memref_squeeze %dma_start3A_277 : memref<1x1x128xi32, #tpu.memory_space<vmem>> -> memref<128xi32, #tpu.memory_space<vmem>>
        %dma_start3A_279 = arith.constant 0 : i32
        %dma_start3A_280 = arith.constant 0 : i32
        %dma_start3A_281 = tpu.memref_slice %arg10[%dma_start3A_279, %dma_start3A_280] : memref<10112x128xf32, #tpu.memory_space<vmem_shared>> -> memref<10112x128xf32, #tpu.memory_space<vmem_shared>>
        tpu.enqueue_indirect_dma source(%dma_start3A_275 : memref<128x128xf32, #tpu.memory_space<vmem>>) target(%dma_start3A_281 : memref<10112x128xf32, #tpu.memory_space<vmem_shared>>) offsets(%dma_start3A_278 : memref<128xi32, #tpu.memory_space<vmem>>) semaphore(%run_scoped3A_272 : memref<!tpu.dma_semaphore, #tpu.memory_space<semaphore_mem>>) {add = true}
        %dma_wait3A_282 = arith.constant 0 : i32
        %dma_wait3A_283 = arith.constant 0 : i32
        %dma_wait3A_284 = tpu.memref_slice %arg9[%run_scoped3A_269, %dma_wait3A_282, %dma_wait3A_283] : memref<2x128x128xf32, #tpu.memory_space<vmem>> -> memref<1x128x128xf32, #tpu.memory_space<vmem>>
        %dma_wait3A_285 = tpu.memref_squeeze %dma_wait3A_284 : memref<1x128x128xf32, #tpu.memory_space<vmem>> -> memref<128x128xf32, #tpu.memory_space<vmem>>
        %dma_wait3A_286 = arith.constant 0 : i32
        %dma_wait3A_287 = tpu.memref_slice %arg8[%rem3A_70, %run_scoped3A_270, %dma_wait3A_286] : memref<2x8x128xi32, #tpu.memory_space<vmem>> -> memref<1x1x128xi32, #tpu.memory_space<vmem>>
        %dma_wait3A_288 = tpu.memref_squeeze %dma_wait3A_287 : memref<1x1x128xi32, #tpu.memory_space<vmem>> -> memref<128xi32, #tpu.memory_space<vmem>>
        %dma_wait3A_289 = arith.constant 0 : i32
        %dma_wait3A_290 = arith.constant 0 : i32
        %dma_wait3A_291 = tpu.memref_slice %arg10[%dma_wait3A_289, %dma_wait3A_290] : memref<10112x128xf32, #tpu.memory_space<vmem_shared>> -> memref<10112x128xf32, #tpu.memory_space<vmem_shared>>
        tpu.wait_indirect_dma semaphore(%run_scoped3A_272 : memref<!tpu.dma_semaphore, #tpu.memory_space<semaphore_mem>>) src(%dma_wait3A_285 : memref<128x128xf32, #tpu.memory_space<vmem>>) dst(%dma_wait3A_291 : memref<10112x128xf32, #tpu.memory_space<vmem_shared>>)
        tpu.yield
      }) : () -> ()
      %while3A_271 = arith.constant 0 : i32
      scf.yield %while3A_271 : i32
    }
    %while3A_64 = arith.constant 1 : i32
    %while3A_65 = scf.for %while3A_67 = %while3A_61 to %while3A_57 step %while3A_64 iter_args(%while3A_68 = %while3A_63) -> (i32)  : i32 {
      %rem3A_69 = arith.constant 2 : i32
      %rem3A_70 = arith.remsi %while3A_67, %rem3A_69 : i32
      %add3A_71 = arith.constant 1 : i32
      %add3A_72 = arith.addi %while3A_67, %add3A_71 : i32
      %rem3A_73 = arith.constant 2 : i32
      %rem3A_74 = arith.remsi %add3A_72, %rem3A_73 : i32
      %add3A_75 = arith.constant 1 : i32
      %add3A_76 = arith.addi %while3A_67, %add3A_75 : i32
      %lt3A = arith.cmpi slt, %add3A_76, %select_n3A_51 : i32
      %convert_element_type3A_77 = arith.extui %lt3A : i1 to i32
      %cond3A_78 = arith.constant 0 : i32
      %cond3A_79 = arith.cmpi ne, %convert_element_type3A_77, %cond3A_78 : i32
      scf.if %cond3A_79 {
        %add3A_272 = arith.addi %min3A_27, %while3A_67 : i32
        %add3A_273 = arith.constant 1 : i32
        %add3A_274 = arith.addi %add3A_272, %add3A_273 : i32
        "tpu.region"() ({
          %run_scoped3A_278 = tpu.sem_alloc : memref<!tpu.dma_semaphore, #tpu.memory_space<semaphore_mem>>
          %dma_start3A = arith.constant 0 : i32
          %dma_start3A_279 = arith.constant 0 : i32
          %dma_start3A_280 = tpu.memref_slice %arg7[%rem3A_74, %dma_start3A, %dma_start3A_279] : memref<2x8x128xi32, #tpu.memory_space<vmem>> -> memref<1x8x128xi32, #tpu.memory_space<vmem>>
          %dma_start3A_281 = tpu.memref_squeeze %dma_start3A_280 : memref<1x8x128xi32, #tpu.memory_space<vmem>> -> memref<8x128xi32, #tpu.memory_space<vmem>>
          %dma_start3A_282 = arith.constant 0 : i32
          %dma_start3A_283 = arith.constant 0 : i32
          %dma_start3A_284 = tpu.memref_slice %arg3[%add3A_274, %dma_start3A_282, %dma_start3A_283] : memref<320x8x128xi32, #tpu.memory_space<hbm>> -> memref<1x8x128xi32, #tpu.memory_space<hbm>>
          %dma_start3A_285 = tpu.memref_squeeze %dma_start3A_284 : memref<1x8x128xi32, #tpu.memory_space<hbm>> -> memref<8x128xi32, #tpu.memory_space<hbm>>
          %dma_start3A_286 = arith.constant 0 : i32
          %dma_start3A_287 = arith.constant 0 : i32
          %dma_start3A_288 = tpu.memref_slice %arg7[%rem3A_74, %dma_start3A_286, %dma_start3A_287] : memref<2x8x128xi32, #tpu.memory_space<vmem>> -> memref<1x8x128xi32, #tpu.memory_space<vmem>>
          %dma_start3A_289 = tpu.memref_squeeze %dma_start3A_288 : memref<1x8x128xi32, #tpu.memory_space<vmem>> -> memref<8x128xi32, #tpu.memory_space<vmem>>
          %dma_start3A_290 = arith.constant 0 : i32
          %dma_start3A_291 = arith.constant 0 : i32
          %dma_start3A_292 = tpu.memref_slice %arg3[%add3A_274, %dma_start3A_290, %dma_start3A_291] : memref<320x8x128xi32, #tpu.memory_space<hbm>> -> memref<1x8x128xi32, #tpu.memory_space<hbm>>
          %dma_start3A_293 = tpu.memref_squeeze %dma_start3A_292 : memref<1x8x128xi32, #tpu.memory_space<hbm>> -> memref<8x128xi32, #tpu.memory_space<hbm>>
          tpu.enqueue_dma source(%dma_start3A_293 : memref<8x128xi32, #tpu.memory_space<hbm>>) target(%dma_start3A_289 : memref<8x128xi32, #tpu.memory_space<vmem>>) target_semaphore(%run_scoped3A_278 : memref<!tpu.dma_semaphore, #tpu.memory_space<semaphore_mem>>)
          %dma_wait3A_294 = arith.constant 0 : i32
          %dma_wait3A_295 = arith.constant 0 : i32
          %dma_wait3A_296 = tpu.memref_slice %arg7[%rem3A_74, %dma_wait3A_294, %dma_wait3A_295] : memref<2x8x128xi32, #tpu.memory_space<vmem>> -> memref<1x8x128xi32, #tpu.memory_space<vmem>>
          %dma_wait3A_297 = tpu.memref_squeeze %dma_wait3A_296 : memref<1x8x128xi32, #tpu.memory_space<vmem>> -> memref<8x128xi32, #tpu.memory_space<vmem>>
          %dma_wait3A_298 = arith.constant 0 : i32
          %dma_wait3A_299 = arith.constant 0 : i32
          %dma_wait3A_300 = tpu.memref_slice %arg3[%add3A_274, %dma_wait3A_298, %dma_wait3A_299] : memref<320x8x128xi32, #tpu.memory_space<hbm>> -> memref<1x8x128xi32, #tpu.memory_space<hbm>>
          %dma_wait3A_301 = tpu.memref_squeeze %dma_wait3A_300 : memref<1x8x128xi32, #tpu.memory_space<hbm>> -> memref<8x128xi32, #tpu.memory_space<hbm>>
          %dma_wait3A_302 = arith.constant 0 : i32
          %dma_wait3A_303 = arith.constant 0 : i32
          %dma_wait3A_304 = tpu.memref_slice %arg7[%rem3A_74, %dma_wait3A_302, %dma_wait3A_303] : memref<2x8x128xi32, #tpu.memory_space<vmem>> -> memref<1x8x128xi32, #tpu.memory_space<vmem>>
          %dma_wait3A_305 = tpu.memref_squeeze %dma_wait3A_304 : memref<1x8x128xi32, #tpu.memory_space<vmem>> -> memref<8x128xi32, #tpu.memory_space<vmem>>
          %dma_wait3A_306 = arith.constant 0 : i32
          %dma_wait3A_307 = arith.constant 0 : i32
          %dma_wait3A_308 = tpu.memref_slice %arg3[%add3A_274, %dma_wait3A_306, %dma_wait3A_307] : memref<320x8x128xi32, #tpu.memory_space<hbm>> -> memref<1x8x128xi32, #tpu.memory_space<hbm>>
          %dma_wait3A_309 = tpu.memref_squeeze %dma_wait3A_308 : memref<1x8x128xi32, #tpu.memory_space<hbm>> -> memref<8x128xi32, #tpu.memory_space<hbm>>
          tpu.wait_dma2 semaphore(%run_scoped3A_278 : memref<!tpu.dma_semaphore, #tpu.memory_space<semaphore_mem>>) src(%dma_wait3A_309 : memref<8x128xi32, #tpu.memory_space<hbm>>) dst(%dma_wait3A_305 : memref<8x128xi32, #tpu.memory_space<vmem>>)
          tpu.yield
        }) : () -> ()
        %add3A_275 = arith.addi %min3A_27, %while3A_67 : i32
        %add3A_276 = arith.constant 1 : i32
        %add3A_277 = arith.addi %add3A_275, %add3A_276 : i32
        "tpu.region"() ({
          %run_scoped3A_278 = tpu.sem_alloc : memref<!tpu.dma_semaphore, #tpu.memory_space<semaphore_mem>>
          %dma_start3A = arith.constant 0 : i32
          %dma_start3A_279 = arith.constant 0 : i32
          %dma_start3A_280 = tpu.memref_slice %arg8[%rem3A_74, %dma_start3A, %dma_start3A_279] : memref<2x8x128xi32, #tpu.memory_space<vmem>> -> memref<1x8x128xi32, #tpu.memory_space<vmem>>
          %dma_start3A_281 = tpu.memref_squeeze %dma_start3A_280 : memref<1x8x128xi32, #tpu.memory_space<vmem>> -> memref<8x128xi32, #tpu.memory_space<vmem>>
          %dma_start3A_282 = arith.constant 0 : i32
          %dma_start3A_283 = arith.constant 0 : i32
          %dma_start3A_284 = tpu.memref_slice %arg4[%add3A_277, %dma_start3A_282, %dma_start3A_283] : memref<320x8x128xi32, #tpu.memory_space<hbm>> -> memref<1x8x128xi32, #tpu.memory_space<hbm>>
          %dma_start3A_285 = tpu.memref_squeeze %dma_start3A_284 : memref<1x8x128xi32, #tpu.memory_space<hbm>> -> memref<8x128xi32, #tpu.memory_space<hbm>>
          %dma_start3A_286 = arith.constant 0 : i32
          %dma_start3A_287 = arith.constant 0 : i32
          %dma_start3A_288 = tpu.memref_slice %arg8[%rem3A_74, %dma_start3A_286, %dma_start3A_287] : memref<2x8x128xi32, #tpu.memory_space<vmem>> -> memref<1x8x128xi32, #tpu.memory_space<vmem>>
          %dma_start3A_289 = tpu.memref_squeeze %dma_start3A_288 : memref<1x8x128xi32, #tpu.memory_space<vmem>> -> memref<8x128xi32, #tpu.memory_space<vmem>>
          %dma_start3A_290 = arith.constant 0 : i32
          %dma_start3A_291 = arith.constant 0 : i32
          %dma_start3A_292 = tpu.memref_slice %arg4[%add3A_277, %dma_start3A_290, %dma_start3A_291] : memref<320x8x128xi32, #tpu.memory_space<hbm>> -> memref<1x8x128xi32, #tpu.memory_space<hbm>>
          %dma_start3A_293 = tpu.memref_squeeze %dma_start3A_292 : memref<1x8x128xi32, #tpu.memory_space<hbm>> -> memref<8x128xi32, #tpu.memory_space<hbm>>
          tpu.enqueue_dma source(%dma_start3A_293 : memref<8x128xi32, #tpu.memory_space<hbm>>) target(%dma_start3A_289 : memref<8x128xi32, #tpu.memory_space<vmem>>) target_semaphore(%run_scoped3A_278 : memref<!tpu.dma_semaphore, #tpu.memory_space<semaphore_mem>>)
          %dma_wait3A_294 = arith.constant 0 : i32
          %dma_wait3A_295 = arith.constant 0 : i32
          %dma_wait3A_296 = tpu.memref_slice %arg8[%rem3A_74, %dma_wait3A_294, %dma_wait3A_295] : memref<2x8x128xi32, #tpu.memory_space<vmem>> -> memref<1x8x128xi32, #tpu.memory_space<vmem>>
          %dma_wait3A_297 = tpu.memref_squeeze %dma_wait3A_296 : memref<1x8x128xi32, #tpu.memory_space<vmem>> -> memref<8x128xi32, #tpu.memory_space<vmem>>
          %dma_wait3A_298 = arith.constant 0 : i32
          %dma_wait3A_299 = arith.constant 0 : i32
          %dma_wait3A_300 = tpu.memref_slice %arg4[%add3A_277, %dma_wait3A_298, %dma_wait3A_299] : memref<320x8x128xi32, #tpu.memory_space<hbm>> -> memref<1x8x128xi32, #tpu.memory_space<hbm>>
          %dma_wait3A_301 = tpu.memref_squeeze %dma_wait3A_300 : memref<1x8x128xi32, #tpu.memory_space<hbm>> -> memref<8x128xi32, #tpu.memory_space<hbm>>
          %dma_wait3A_302 = arith.constant 0 : i32
          %dma_wait3A_303 = arith.constant 0 : i32
          %dma_wait3A_304 = tpu.memref_slice %arg8[%rem3A_74, %dma_wait3A_302, %dma_wait3A_303] : memref<2x8x128xi32, #tpu.memory_space<vmem>> -> memref<1x8x128xi32, #tpu.memory_space<vmem>>
          %dma_wait3A_305 = tpu.memref_squeeze %dma_wait3A_304 : memref<1x8x128xi32, #tpu.memory_space<vmem>> -> memref<8x128xi32, #tpu.memory_space<vmem>>
          %dma_wait3A_306 = arith.constant 0 : i32
          %dma_wait3A_307 = arith.constant 0 : i32
          %dma_wait3A_308 = tpu.memref_slice %arg4[%add3A_277, %dma_wait3A_306, %dma_wait3A_307] : memref<320x8x128xi32, #tpu.memory_space<hbm>> -> memref<1x8x128xi32, #tpu.memory_space<hbm>>
          %dma_wait3A_309 = tpu.memref_squeeze %dma_wait3A_308 : memref<1x8x128xi32, #tpu.memory_space<hbm>> -> memref<8x128xi32, #tpu.memory_space<hbm>>
          tpu.wait_dma2 semaphore(%run_scoped3A_278 : memref<!tpu.dma_semaphore, #tpu.memory_space<semaphore_mem>>) src(%dma_wait3A_309 : memref<8x128xi32, #tpu.memory_space<hbm>>) dst(%dma_wait3A_305 : memref<8x128xi32, #tpu.memory_space<vmem>>)
          tpu.yield
        }) : () -> ()
      } else {
      }
      %mul3A_80 = arith.constant 8 : i32
      %mul3A_81 = arith.muli %while3A_67, %mul3A_80 : i32
      %add3A_82 = arith.constant 0 : i32
      %add3A_83 = arith.addi %mul3A_81, %add3A_82 : i32
      %add3A_84 = arith.constant 1 : i32
      %add3A_85 = arith.addi %add3A_83, %add3A_84 : i32
      %lt3A_86 = arith.cmpi slt, %add3A_85, %select_n3A : i32
      %convert_element_type3A_87 = arith.extui %lt3A_86 : i1 to i32
      %cond3A_88 = arith.constant 0 : i32
      %cond3A_89 = arith.cmpi ne, %convert_element_type3A_87, %cond3A_88 : i32
      scf.if %cond3A_89 {
        %dma_start3A = arith.constant 1 : i32
        %dma_start3A_272 = arith.constant 1 : i32
        %dma_start3A_273 = arith.constant 0 : i32
        %dma_start3A_274 = arith.constant 0 : i32
        %dma_start3A_275 = tpu.memref_slice %arg9[%dma_start3A_272, %dma_start3A_273, %dma_start3A_274] : memref<2x128x128xf32, #tpu.memory_space<vmem>> -> memref<1x128x128xf32, #tpu.memory_space<vmem>>
        %dma_start3A_276 = tpu.memref_squeeze %dma_start3A_275 : memref<1x128x128xf32, #tpu.memory_space<vmem>> -> memref<128x128xf32, #tpu.memory_space<vmem>>
        %dma_start3A_277 = arith.constant 0 : i32
        %dma_start3A_278 = tpu.memref_slice %arg7[%rem3A_70, %dma_start3A, %dma_start3A_277] : memref<2x8x128xi32, #tpu.memory_space<vmem>> -> memref<1x1x128xi32, #tpu.memory_space<vmem>>
        %dma_start3A_279 = tpu.memref_squeeze %dma_start3A_278 : memref<1x1x128xi32, #tpu.memory_space<vmem>> -> memref<128xi32, #tpu.memory_space<vmem>>
        %dma_start3A_280 = arith.constant 0 : i32
        %dma_start3A_281 = arith.constant 0 : i32
        %dma_start3A_282 = tpu.memref_slice %arg2[%dma_start3A_280, %dma_start3A_281] : memref<10000x128xf32, #tpu.memory_space<hbm>> -> memref<10000x128xf32, #tpu.memory_space<hbm>>
        tpu.enqueue_indirect_dma source(%dma_start3A_282 : memref<10000x128xf32, #tpu.memory_space<hbm>>) target(%dma_start3A_276 : memref<128x128xf32, #tpu.memory_space<vmem>>) offsets(%dma_start3A_279 : memref<128xi32, #tpu.memory_space<vmem>>) semaphore(%arg11 : memref<!tpu.dma_semaphore, #tpu.memory_space<semaphore_mem>>)
      } else {
      }
      %dma_wait3A = arith.constant 0 : i32
      %dma_wait3A_90 = arith.constant 0 : i32
      %dma_wait3A_91 = arith.constant 0 : i32
      %dma_wait3A_92 = arith.constant 0 : i32
      %dma_wait3A_93 = tpu.memref_slice %arg9[%dma_wait3A_90, %dma_wait3A_91, %dma_wait3A_92] : memref<2x128x128xf32, #tpu.memory_space<vmem>> -> memref<1x128x128xf32, #tpu.memory_space<vmem>>
      %dma_wait3A_94 = tpu.memref_squeeze %dma_wait3A_93 : memref<1x128x128xf32, #tpu.memory_space<vmem>> -> memref<128x128xf32, #tpu.memory_space<vmem>>
      %dma_wait3A_95 = arith.constant 0 : i32
      %dma_wait3A_96 = tpu.memref_slice %arg7[%rem3A_70, %dma_wait3A, %dma_wait3A_95] : memref<2x8x128xi32, #tpu.memory_space<vmem>> -> memref<1x1x128xi32, #tpu.memory_space<vmem>>
      %dma_wait3A_97 = tpu.memref_squeeze %dma_wait3A_96 : memref<1x1x128xi32, #tpu.memory_space<vmem>> -> memref<128xi32, #tpu.memory_space<vmem>>
      %dma_wait3A_98 = arith.constant 0 : i32
      %dma_wait3A_99 = arith.constant 0 : i32
      %dma_wait3A_100 = tpu.memref_slice %arg2[%dma_wait3A_98, %dma_wait3A_99] : memref<10000x128xf32, #tpu.memory_space<hbm>> -> memref<10000x128xf32, #tpu.memory_space<hbm>>
      tpu.wait_indirect_dma semaphore(%arg11 : memref<!tpu.dma_semaphore, #tpu.memory_space<semaphore_mem>>) src(%dma_wait3A_100 : memref<10000x128xf32, #tpu.memory_space<hbm>>) dst(%dma_wait3A_94 : memref<128x128xf32, #tpu.memory_space<vmem>>)
      %run_scoped3A_101 = arith.constant 0 : i32
      %run_scoped3A_102 = arith.constant 0 : i32
      "tpu.region"() ({
        %run_scoped3A_272 = tpu.sem_alloc : memref<!tpu.dma_semaphore, #tpu.memory_space<semaphore_mem>>
        %dma_start3A = arith.constant 0 : i32
        %dma_start3A_273 = arith.constant 0 : i32
        %dma_start3A_274 = tpu.memref_slice %arg9[%run_scoped3A_101, %dma_start3A, %dma_start3A_273] : memref<2x128x128xf32, #tpu.memory_space<vmem>> -> memref<1x128x128xf32, #tpu.memory_space<vmem>>
        %dma_start3A_275 = tpu.memref_squeeze %dma_start3A_274 : memref<1x128x128xf32, #tpu.memory_space<vmem>> -> memref<128x128xf32, #tpu.memory_space<vmem>>
        %dma_start3A_276 = arith.constant 0 : i32
        %dma_start3A_277 = tpu.memref_slice %arg8[%rem3A_70, %run_scoped3A_102, %dma_start3A_276] : memref<2x8x128xi32, #tpu.memory_space<vmem>> -> memref<1x1x128xi32, #tpu.memory_space<vmem>>
        %dma_start3A_278 = tpu.memref_squeeze %dma_start3A_277 : memref<1x1x128xi32, #tpu.memory_space<vmem>> -> memref<128xi32, #tpu.memory_space<vmem>>
        %dma_start3A_279 = arith.constant 0 : i32
        %dma_start3A_280 = arith.constant 0 : i32
        %dma_start3A_281 = tpu.memref_slice %arg10[%dma_start3A_279, %dma_start3A_280] : memref<10112x128xf32, #tpu.memory_space<vmem_shared>> -> memref<10112x128xf32, #tpu.memory_space<vmem_shared>>
        tpu.enqueue_indirect_dma source(%dma_start3A_275 : memref<128x128xf32, #tpu.memory_space<vmem>>) target(%dma_start3A_281 : memref<10112x128xf32, #tpu.memory_space<vmem_shared>>) offsets(%dma_start3A_278 : memref<128xi32, #tpu.memory_space<vmem>>) semaphore(%run_scoped3A_272 : memref<!tpu.dma_semaphore, #tpu.memory_space<semaphore_mem>>) {add = true}
        %dma_wait3A_282 = arith.constant 0 : i32
        %dma_wait3A_283 = arith.constant 0 : i32
        %dma_wait3A_284 = tpu.memref_slice %arg9[%run_scoped3A_101, %dma_wait3A_282, %dma_wait3A_283] : memref<2x128x128xf32, #tpu.memory_space<vmem>> -> memref<1x128x128xf32, #tpu.memory_space<vmem>>
        %dma_wait3A_285 = tpu.memref_squeeze %dma_wait3A_284 : memref<1x128x128xf32, #tpu.memory_space<vmem>> -> memref<128x128xf32, #tpu.memory_space<vmem>>
        %dma_wait3A_286 = arith.constant 0 : i32
        %dma_wait3A_287 = tpu.memref_slice %arg8[%rem3A_70, %run_scoped3A_102, %dma_wait3A_286] : memref<2x8x128xi32, #tpu.memory_space<vmem>> -> memref<1x1x128xi32, #tpu.memory_space<vmem>>
        %dma_wait3A_288 = tpu.memref_squeeze %dma_wait3A_287 : memref<1x1x128xi32, #tpu.memory_space<vmem>> -> memref<128xi32, #tpu.memory_space<vmem>>
        %dma_wait3A_289 = arith.constant 0 : i32
        %dma_wait3A_290 = arith.constant 0 : i32
        %dma_wait3A_291 = tpu.memref_slice %arg10[%dma_wait3A_289, %dma_wait3A_290] : memref<10112x128xf32, #tpu.memory_space<vmem_shared>> -> memref<10112x128xf32, #tpu.memory_space<vmem_shared>>
        tpu.wait_indirect_dma semaphore(%run_scoped3A_272 : memref<!tpu.dma_semaphore, #tpu.memory_space<semaphore_mem>>) src(%dma_wait3A_285 : memref<128x128xf32, #tpu.memory_space<vmem>>) dst(%dma_wait3A_291 : memref<10112x128xf32, #tpu.memory_space<vmem_shared>>)
        tpu.yield
      }) : () -> ()
      %mul3A_103 = arith.constant 8 : i32
      %mul3A_104 = arith.muli %while3A_67, %mul3A_103 : i32
      %add3A_105 = arith.constant 1 : i32
      %add3A_106 = arith.addi %mul3A_104, %add3A_105 : i32
      %add3A_107 = arith.constant 1 : i32
      %add3A_108 = arith.addi %add3A_106, %add3A_107 : i32
      %lt3A_109 = arith.cmpi slt, %add3A_108, %select_n3A : i32
      %convert_element_type3A_110 = arith.extui %lt3A_109 : i1 to i32
      %cond3A_111 = arith.constant 0 : i32
      %cond3A_112 = arith.cmpi ne, %convert_element_type3A_110, %cond3A_111 : i32
      scf.if %cond3A_112 {
        %dma_start3A = arith.constant 2 : i32
        %dma_start3A_272 = arith.constant 0 : i32
        %dma_start3A_273 = arith.constant 0 : i32
        %dma_start3A_274 = arith.constant 0 : i32
        %dma_start3A_275 = tpu.memref_slice %arg9[%dma_start3A_272, %dma_start3A_273, %dma_start3A_274] : memref<2x128x128xf32, #tpu.memory_space<vmem>> -> memref<1x128x128xf32, #tpu.memory_space<vmem>>
        %dma_start3A_276 = tpu.memref_squeeze %dma_start3A_275 : memref<1x128x128xf32, #tpu.memory_space<vmem>> -> memref<128x128xf32, #tpu.memory_space<vmem>>
        %dma_start3A_277 = arith.constant 0 : i32
        %dma_start3A_278 = tpu.memref_slice %arg7[%rem3A_70, %dma_start3A, %dma_start3A_277] : memref<2x8x128xi32, #tpu.memory_space<vmem>> -> memref<1x1x128xi32, #tpu.memory_space<vmem>>
        %dma_start3A_279 = tpu.memref_squeeze %dma_start3A_278 : memref<1x1x128xi32, #tpu.memory_space<vmem>> -> memref<128xi32, #tpu.memory_space<vmem>>
        %dma_start3A_280 = arith.constant 0 : i32
        %dma_start3A_281 = arith.constant 0 : i32
        %dma_start3A_282 = tpu.memref_slice %arg2[%dma_start3A_280, %dma_start3A_281] : memref<10000x128xf32, #tpu.memory_space<hbm>> -> memref<10000x128xf32, #tpu.memory_space<hbm>>
        tpu.enqueue_indirect_dma source(%dma_start3A_282 : memref<10000x128xf32, #tpu.memory_space<hbm>>) target(%dma_start3A_276 : memref<128x128xf32, #tpu.memory_space<vmem>>) offsets(%dma_start3A_279 : memref<128xi32, #tpu.memory_space<vmem>>) semaphore(%arg11 : memref<!tpu.dma_semaphore, #tpu.memory_space<semaphore_mem>>)
      } else {
      }
      %dma_wait3A_113 = arith.constant 1 : i32
      %dma_wait3A_114 = arith.constant 1 : i32
      %dma_wait3A_115 = arith.constant 0 : i32
      %dma_wait3A_116 = arith.constant 0 : i32
      %dma_wait3A_117 = tpu.memref_slice %arg9[%dma_wait3A_114, %dma_wait3A_115, %dma_wait3A_116] : memref<2x128x128xf32, #tpu.memory_space<vmem>> -> memref<1x128x128xf32, #tpu.memory_space<vmem>>
      %dma_wait3A_118 = tpu.memref_squeeze %dma_wait3A_117 : memref<1x128x128xf32, #tpu.memory_space<vmem>> -> memref<128x128xf32, #tpu.memory_space<vmem>>
      %dma_wait3A_119 = arith.constant 0 : i32
      %dma_wait3A_120 = tpu.memref_slice %arg7[%rem3A_70, %dma_wait3A_113, %dma_wait3A_119] : memref<2x8x128xi32, #tpu.memory_space<vmem>> -> memref<1x1x128xi32, #tpu.memory_space<vmem>>
      %dma_wait3A_121 = tpu.memref_squeeze %dma_wait3A_120 : memref<1x1x128xi32, #tpu.memory_space<vmem>> -> memref<128xi32, #tpu.memory_space<vmem>>
      %dma_wait3A_122 = arith.constant 0 : i32
      %dma_wait3A_123 = arith.constant 0 : i32
      %dma_wait3A_124 = tpu.memref_slice %arg2[%dma_wait3A_122, %dma_wait3A_123] : memref<10000x128xf32, #tpu.memory_space<hbm>> -> memref<10000x128xf32, #tpu.memory_space<hbm>>
      tpu.wait_indirect_dma semaphore(%arg11 : memref<!tpu.dma_semaphore, #tpu.memory_space<semaphore_mem>>) src(%dma_wait3A_124 : memref<10000x128xf32, #tpu.memory_space<hbm>>) dst(%dma_wait3A_118 : memref<128x128xf32, #tpu.memory_space<vmem>>)
      %run_scoped3A_125 = arith.constant 1 : i32
      %run_scoped3A_126 = arith.constant 1 : i32
      "tpu.region"() ({
        %run_scoped3A_272 = tpu.sem_alloc : memref<!tpu.dma_semaphore, #tpu.memory_space<semaphore_mem>>
        %dma_start3A = arith.constant 0 : i32
        %dma_start3A_273 = arith.constant 0 : i32
        %dma_start3A_274 = tpu.memref_slice %arg9[%run_scoped3A_125, %dma_start3A, %dma_start3A_273] : memref<2x128x128xf32, #tpu.memory_space<vmem>> -> memref<1x128x128xf32, #tpu.memory_space<vmem>>
        %dma_start3A_275 = tpu.memref_squeeze %dma_start3A_274 : memref<1x128x128xf32, #tpu.memory_space<vmem>> -> memref<128x128xf32, #tpu.memory_space<vmem>>
        %dma_start3A_276 = arith.constant 0 : i32
        %dma_start3A_277 = tpu.memref_slice %arg8[%rem3A_70, %run_scoped3A_126, %dma_start3A_276] : memref<2x8x128xi32, #tpu.memory_space<vmem>> -> memref<1x1x128xi32, #tpu.memory_space<vmem>>
        %dma_start3A_278 = tpu.memref_squeeze %dma_start3A_277 : memref<1x1x128xi32, #tpu.memory_space<vmem>> -> memref<128xi32, #tpu.memory_space<vmem>>
        %dma_start3A_279 = arith.constant 0 : i32
        %dma_start3A_280 = arith.constant 0 : i32
        %dma_start3A_281 = tpu.memref_slice %arg10[%dma_start3A_279, %dma_start3A_280] : memref<10112x128xf32, #tpu.memory_space<vmem_shared>> -> memref<10112x128xf32, #tpu.memory_space<vmem_shared>>
        tpu.enqueue_indirect_dma source(%dma_start3A_275 : memref<128x128xf32, #tpu.memory_space<vmem>>) target(%dma_start3A_281 : memref<10112x128xf32, #tpu.memory_space<vmem_shared>>) offsets(%dma_start3A_278 : memref<128xi32, #tpu.memory_space<vmem>>) semaphore(%run_scoped3A_272 : memref<!tpu.dma_semaphore, #tpu.memory_space<semaphore_mem>>) {add = true}
        %dma_wait3A_282 = arith.constant 0 : i32
        %dma_wait3A_283 = arith.constant 0 : i32
        %dma_wait3A_284 = tpu.memref_slice %arg9[%run_scoped3A_125, %dma_wait3A_282, %dma_wait3A_283] : memref<2x128x128xf32, #tpu.memory_space<vmem>> -> memref<1x128x128xf32, #tpu.memory_space<vmem>>
        %dma_wait3A_285 = tpu.memref_squeeze %dma_wait3A_284 : memref<1x128x128xf32, #tpu.memory_space<vmem>> -> memref<128x128xf32, #tpu.memory_space<vmem>>
        %dma_wait3A_286 = arith.constant 0 : i32
        %dma_wait3A_287 = tpu.memref_slice %arg8[%rem3A_70, %run_scoped3A_126, %dma_wait3A_286] : memref<2x8x128xi32, #tpu.memory_space<vmem>> -> memref<1x1x128xi32, #tpu.memory_space<vmem>>
        %dma_wait3A_288 = tpu.memref_squeeze %dma_wait3A_287 : memref<1x1x128xi32, #tpu.memory_space<vmem>> -> memref<128xi32, #tpu.memory_space<vmem>>
        %dma_wait3A_289 = arith.constant 0 : i32
        %dma_wait3A_290 = arith.constant 0 : i32
        %dma_wait3A_291 = tpu.memref_slice %arg10[%dma_wait3A_289, %dma_wait3A_290] : memref<10112x128xf32, #tpu.memory_space<vmem_shared>> -> memref<10112x128xf32, #tpu.memory_space<vmem_shared>>
        tpu.wait_indirect_dma semaphore(%run_scoped3A_272 : memref<!tpu.dma_semaphore, #tpu.memory_space<semaphore_mem>>) src(%dma_wait3A_285 : memref<128x128xf32, #tpu.memory_space<vmem>>) dst(%dma_wait3A_291 : memref<10112x128xf32, #tpu.memory_space<vmem_shared>>)
        tpu.yield
      }) : () -> ()
      %mul3A_127 = arith.constant 8 : i32
      %mul3A_128 = arith.muli %while3A_67, %mul3A_127 : i32
      %add3A_129 = arith.constant 2 : i32
      %add3A_130 = arith.addi %mul3A_128, %add3A_129 : i32
      %add3A_131 = arith.constant 1 : i32
      %add3A_132 = arith.addi %add3A_130, %add3A_131 : i32
      %lt3A_133 = arith.cmpi slt, %add3A_132, %select_n3A : i32
      %convert_element_type3A_134 = arith.extui %lt3A_133 : i1 to i32
      %cond3A_135 = arith.constant 0 : i32
      %cond3A_136 = arith.cmpi ne, %convert_element_type3A_134, %cond3A_135 : i32
      scf.if %cond3A_136 {
        %dma_start3A = arith.constant 3 : i32
        %dma_start3A_272 = arith.constant 1 : i32
        %dma_start3A_273 = arith.constant 0 : i32
        %dma_start3A_274 = arith.constant 0 : i32
        %dma_start3A_275 = tpu.memref_slice %arg9[%dma_start3A_272, %dma_start3A_273, %dma_start3A_274] : memref<2x128x128xf32, #tpu.memory_space<vmem>> -> memref<1x128x128xf32, #tpu.memory_space<vmem>>
        %dma_start3A_276 = tpu.memref_squeeze %dma_start3A_275 : memref<1x128x128xf32, #tpu.memory_space<vmem>> -> memref<128x128xf32, #tpu.memory_space<vmem>>
        %dma_start3A_277 = arith.constant 0 : i32
        %dma_start3A_278 = tpu.memref_slice %arg7[%rem3A_70, %dma_start3A, %dma_start3A_277] : memref<2x8x128xi32, #tpu.memory_space<vmem>> -> memref<1x1x128xi32, #tpu.memory_space<vmem>>
        %dma_start3A_279 = tpu.memref_squeeze %dma_start3A_278 : memref<1x1x128xi32, #tpu.memory_space<vmem>> -> memref<128xi32, #tpu.memory_space<vmem>>
        %dma_start3A_280 = arith.constant 0 : i32
        %dma_start3A_281 = arith.constant 0 : i32
        %dma_start3A_282 = tpu.memref_slice %arg2[%dma_start3A_280, %dma_start3A_281] : memref<10000x128xf32, #tpu.memory_space<hbm>> -> memref<10000x128xf32, #tpu.memory_space<hbm>>
        tpu.enqueue_indirect_dma source(%dma_start3A_282 : memref<10000x128xf32, #tpu.memory_space<hbm>>) target(%dma_start3A_276 : memref<128x128xf32, #tpu.memory_space<vmem>>) offsets(%dma_start3A_279 : memref<128xi32, #tpu.memory_space<vmem>>) semaphore(%arg11 : memref<!tpu.dma_semaphore, #tpu.memory_space<semaphore_mem>>)
      } else {
      }
      %dma_wait3A_137 = arith.constant 2 : i32
      %dma_wait3A_138 = arith.constant 0 : i32
      %dma_wait3A_139 = arith.constant 0 : i32
      %dma_wait3A_140 = arith.constant 0 : i32
      %dma_wait3A_141 = tpu.memref_slice %arg9[%dma_wait3A_138, %dma_wait3A_139, %dma_wait3A_140] : memref<2x128x128xf32, #tpu.memory_space<vmem>> -> memref<1x128x128xf32, #tpu.memory_space<vmem>>
      %dma_wait3A_142 = tpu.memref_squeeze %dma_wait3A_141 : memref<1x128x128xf32, #tpu.memory_space<vmem>> -> memref<128x128xf32, #tpu.memory_space<vmem>>
      %dma_wait3A_143 = arith.constant 0 : i32
      %dma_wait3A_144 = tpu.memref_slice %arg7[%rem3A_70, %dma_wait3A_137, %dma_wait3A_143] : memref<2x8x128xi32, #tpu.memory_space<vmem>> -> memref<1x1x128xi32, #tpu.memory_space<vmem>>
      %dma_wait3A_145 = tpu.memref_squeeze %dma_wait3A_144 : memref<1x1x128xi32, #tpu.memory_space<vmem>> -> memref<128xi32, #tpu.memory_space<vmem>>
      %dma_wait3A_146 = arith.constant 0 : i32
      %dma_wait3A_147 = arith.constant 0 : i32
      %dma_wait3A_148 = tpu.memref_slice %arg2[%dma_wait3A_146, %dma_wait3A_147] : memref<10000x128xf32, #tpu.memory_space<hbm>> -> memref<10000x128xf32, #tpu.memory_space<hbm>>
      tpu.wait_indirect_dma semaphore(%arg11 : memref<!tpu.dma_semaphore, #tpu.memory_space<semaphore_mem>>) src(%dma_wait3A_148 : memref<10000x128xf32, #tpu.memory_space<hbm>>) dst(%dma_wait3A_142 : memref<128x128xf32, #tpu.memory_space<vmem>>)
      %run_scoped3A_149 = arith.constant 0 : i32
      %run_scoped3A_150 = arith.constant 2 : i32
      "tpu.region"() ({
        %run_scoped3A_272 = tpu.sem_alloc : memref<!tpu.dma_semaphore, #tpu.memory_space<semaphore_mem>>
        %dma_start3A = arith.constant 0 : i32
        %dma_start3A_273 = arith.constant 0 : i32
        %dma_start3A_274 = tpu.memref_slice %arg9[%run_scoped3A_149, %dma_start3A, %dma_start3A_273] : memref<2x128x128xf32, #tpu.memory_space<vmem>> -> memref<1x128x128xf32, #tpu.memory_space<vmem>>
        %dma_start3A_275 = tpu.memref_squeeze %dma_start3A_274 : memref<1x128x128xf32, #tpu.memory_space<vmem>> -> memref<128x128xf32, #tpu.memory_space<vmem>>
        %dma_start3A_276 = arith.constant 0 : i32
        %dma_start3A_277 = tpu.memref_slice %arg8[%rem3A_70, %run_scoped3A_150, %dma_start3A_276] : memref<2x8x128xi32, #tpu.memory_space<vmem>> -> memref<1x1x128xi32, #tpu.memory_space<vmem>>
        %dma_start3A_278 = tpu.memref_squeeze %dma_start3A_277 : memref<1x1x128xi32, #tpu.memory_space<vmem>> -> memref<128xi32, #tpu.memory_space<vmem>>
        %dma_start3A_279 = arith.constant 0 : i32
        %dma_start3A_280 = arith.constant 0 : i32
        %dma_start3A_281 = tpu.memref_slice %arg10[%dma_start3A_279, %dma_start3A_280] : memref<10112x128xf32, #tpu.memory_space<vmem_shared>> -> memref<10112x128xf32, #tpu.memory_space<vmem_shared>>
        tpu.enqueue_indirect_dma source(%dma_start3A_275 : memref<128x128xf32, #tpu.memory_space<vmem>>) target(%dma_start3A_281 : memref<10112x128xf32, #tpu.memory_space<vmem_shared>>) offsets(%dma_start3A_278 : memref<128xi32, #tpu.memory_space<vmem>>) semaphore(%run_scoped3A_272 : memref<!tpu.dma_semaphore, #tpu.memory_space<semaphore_mem>>) {add = true}
        %dma_wait3A_282 = arith.constant 0 : i32
        %dma_wait3A_283 = arith.constant 0 : i32
        %dma_wait3A_284 = tpu.memref_slice %arg9[%run_scoped3A_149, %dma_wait3A_282, %dma_wait3A_283] : memref<2x128x128xf32, #tpu.memory_space<vmem>> -> memref<1x128x128xf32, #tpu.memory_space<vmem>>
        %dma_wait3A_285 = tpu.memref_squeeze %dma_wait3A_284 : memref<1x128x128xf32, #tpu.memory_space<vmem>> -> memref<128x128xf32, #tpu.memory_space<vmem>>
        %dma_wait3A_286 = arith.constant 0 : i32
        %dma_wait3A_287 = tpu.memref_slice %arg8[%rem3A_70, %run_scoped3A_150, %dma_wait3A_286] : memref<2x8x128xi32, #tpu.memory_space<vmem>> -> memref<1x1x128xi32, #tpu.memory_space<vmem>>
        %dma_wait3A_288 = tpu.memref_squeeze %dma_wait3A_287 : memref<1x1x128xi32, #tpu.memory_space<vmem>> -> memref<128xi32, #tpu.memory_space<vmem>>
        %dma_wait3A_289 = arith.constant 0 : i32
        %dma_wait3A_290 = arith.constant 0 : i32
        %dma_wait3A_291 = tpu.memref_slice %arg10[%dma_wait3A_289, %dma_wait3A_290] : memref<10112x128xf32, #tpu.memory_space<vmem_shared>> -> memref<10112x128xf32, #tpu.memory_space<vmem_shared>>
        tpu.wait_indirect_dma semaphore(%run_scoped3A_272 : memref<!tpu.dma_semaphore, #tpu.memory_space<semaphore_mem>>) src(%dma_wait3A_285 : memref<128x128xf32, #tpu.memory_space<vmem>>) dst(%dma_wait3A_291 : memref<10112x128xf32, #tpu.memory_space<vmem_shared>>)
        tpu.yield
      }) : () -> ()
      %mul3A_151 = arith.constant 8 : i32
      %mul3A_152 = arith.muli %while3A_67, %mul3A_151 : i32
      %add3A_153 = arith.constant 3 : i32
      %add3A_154 = arith.addi %mul3A_152, %add3A_153 : i32
      %add3A_155 = arith.constant 1 : i32
      %add3A_156 = arith.addi %add3A_154, %add3A_155 : i32
      %lt3A_157 = arith.cmpi slt, %add3A_156, %select_n3A : i32
      %convert_element_type3A_158 = arith.extui %lt3A_157 : i1 to i32
      %cond3A_159 = arith.constant 0 : i32
      %cond3A_160 = arith.cmpi ne, %convert_element_type3A_158, %cond3A_159 : i32
      scf.if %cond3A_160 {
        %dma_start3A = arith.constant 4 : i32
        %dma_start3A_272 = arith.constant 0 : i32
        %dma_start3A_273 = arith.constant 0 : i32
        %dma_start3A_274 = arith.constant 0 : i32
        %dma_start3A_275 = tpu.memref_slice %arg9[%dma_start3A_272, %dma_start3A_273, %dma_start3A_274] : memref<2x128x128xf32, #tpu.memory_space<vmem>> -> memref<1x128x128xf32, #tpu.memory_space<vmem>>
        %dma_start3A_276 = tpu.memref_squeeze %dma_start3A_275 : memref<1x128x128xf32, #tpu.memory_space<vmem>> -> memref<128x128xf32, #tpu.memory_space<vmem>>
        %dma_start3A_277 = arith.constant 0 : i32
        %dma_start3A_278 = tpu.memref_slice %arg7[%rem3A_70, %dma_start3A, %dma_start3A_277] : memref<2x8x128xi32, #tpu.memory_space<vmem>> -> memref<1x1x128xi32, #tpu.memory_space<vmem>>
        %dma_start3A_279 = tpu.memref_squeeze %dma_start3A_278 : memref<1x1x128xi32, #tpu.memory_space<vmem>> -> memref<128xi32, #tpu.memory_space<vmem>>
        %dma_start3A_280 = arith.constant 0 : i32
        %dma_start3A_281 = arith.constant 0 : i32
        %dma_start3A_282 = tpu.memref_slice %arg2[%dma_start3A_280, %dma_start3A_281] : memref<10000x128xf32, #tpu.memory_space<hbm>> -> memref<10000x128xf32, #tpu.memory_space<hbm>>
        tpu.enqueue_indirect_dma source(%dma_start3A_282 : memref<10000x128xf32, #tpu.memory_space<hbm>>) target(%dma_start3A_276 : memref<128x128xf32, #tpu.memory_space<vmem>>) offsets(%dma_start3A_279 : memref<128xi32, #tpu.memory_space<vmem>>) semaphore(%arg11 : memref<!tpu.dma_semaphore, #tpu.memory_space<semaphore_mem>>)
      } else {
      }
      %dma_wait3A_161 = arith.constant 3 : i32
      %dma_wait3A_162 = arith.constant 1 : i32
      %dma_wait3A_163 = arith.constant 0 : i32
      %dma_wait3A_164 = arith.constant 0 : i32
      %dma_wait3A_165 = tpu.memref_slice %arg9[%dma_wait3A_162, %dma_wait3A_163, %dma_wait3A_164] : memref<2x128x128xf32, #tpu.memory_space<vmem>> -> memref<1x128x128xf32, #tpu.memory_space<vmem>>
      %dma_wait3A_166 = tpu.memref_squeeze %dma_wait3A_165 : memref<1x128x128xf32, #tpu.memory_space<vmem>> -> memref<128x128xf32, #tpu.memory_space<vmem>>
      %dma_wait3A_167 = arith.constant 0 : i32
      %dma_wait3A_168 = tpu.memref_slice %arg7[%rem3A_70, %dma_wait3A_161, %dma_wait3A_167] : memref<2x8x128xi32, #tpu.memory_space<vmem>> -> memref<1x1x128xi32, #tpu.memory_space<vmem>>
      %dma_wait3A_169 = tpu.memref_squeeze %dma_wait3A_168 : memref<1x1x128xi32, #tpu.memory_space<vmem>> -> memref<128xi32, #tpu.memory_space<vmem>>
      %dma_wait3A_170 = arith.constant 0 : i32
      %dma_wait3A_171 = arith.constant 0 : i32
      %dma_wait3A_172 = tpu.memref_slice %arg2[%dma_wait3A_170, %dma_wait3A_171] : memref<10000x128xf32, #tpu.memory_space<hbm>> -> memref<10000x128xf32, #tpu.memory_space<hbm>>
      tpu.wait_indirect_dma semaphore(%arg11 : memref<!tpu.dma_semaphore, #tpu.memory_space<semaphore_mem>>) src(%dma_wait3A_172 : memref<10000x128xf32, #tpu.memory_space<hbm>>) dst(%dma_wait3A_166 : memref<128x128xf32, #tpu.memory_space<vmem>>)
      %run_scoped3A_173 = arith.constant 1 : i32
      %run_scoped3A_174 = arith.constant 3 : i32
      "tpu.region"() ({
        %run_scoped3A_272 = tpu.sem_alloc : memref<!tpu.dma_semaphore, #tpu.memory_space<semaphore_mem>>
        %dma_start3A = arith.constant 0 : i32
        %dma_start3A_273 = arith.constant 0 : i32
        %dma_start3A_274 = tpu.memref_slice %arg9[%run_scoped3A_173, %dma_start3A, %dma_start3A_273] : memref<2x128x128xf32, #tpu.memory_space<vmem>> -> memref<1x128x128xf32, #tpu.memory_space<vmem>>
        %dma_start3A_275 = tpu.memref_squeeze %dma_start3A_274 : memref<1x128x128xf32, #tpu.memory_space<vmem>> -> memref<128x128xf32, #tpu.memory_space<vmem>>
        %dma_start3A_276 = arith.constant 0 : i32
        %dma_start3A_277 = tpu.memref_slice %arg8[%rem3A_70, %run_scoped3A_174, %dma_start3A_276] : memref<2x8x128xi32, #tpu.memory_space<vmem>> -> memref<1x1x128xi32, #tpu.memory_space<vmem>>
        %dma_start3A_278 = tpu.memref_squeeze %dma_start3A_277 : memref<1x1x128xi32, #tpu.memory_space<vmem>> -> memref<128xi32, #tpu.memory_space<vmem>>
        %dma_start3A_279 = arith.constant 0 : i32
        %dma_start3A_280 = arith.constant 0 : i32
        %dma_start3A_281 = tpu.memref_slice %arg10[%dma_start3A_279, %dma_start3A_280] : memref<10112x128xf32, #tpu.memory_space<vmem_shared>> -> memref<10112x128xf32, #tpu.memory_space<vmem_shared>>
        tpu.enqueue_indirect_dma source(%dma_start3A_275 : memref<128x128xf32, #tpu.memory_space<vmem>>) target(%dma_start3A_281 : memref<10112x128xf32, #tpu.memory_space<vmem_shared>>) offsets(%dma_start3A_278 : memref<128xi32, #tpu.memory_space<vmem>>) semaphore(%run_scoped3A_272 : memref<!tpu.dma_semaphore, #tpu.memory_space<semaphore_mem>>) {add = true}
        %dma_wait3A_282 = arith.constant 0 : i32
        %dma_wait3A_283 = arith.constant 0 : i32
        %dma_wait3A_284 = tpu.memref_slice %arg9[%run_scoped3A_173, %dma_wait3A_282, %dma_wait3A_283] : memref<2x128x128xf32, #tpu.memory_space<vmem>> -> memref<1x128x128xf32, #tpu.memory_space<vmem>>
        %dma_wait3A_285 = tpu.memref_squeeze %dma_wait3A_284 : memref<1x128x128xf32, #tpu.memory_space<vmem>> -> memref<128x128xf32, #tpu.memory_space<vmem>>
        %dma_wait3A_286 = arith.constant 0 : i32
        %dma_wait3A_287 = tpu.memref_slice %arg8[%rem3A_70, %run_scoped3A_174, %dma_wait3A_286] : memref<2x8x128xi32, #tpu.memory_space<vmem>> -> memref<1x1x128xi32, #tpu.memory_space<vmem>>
        %dma_wait3A_288 = tpu.memref_squeeze %dma_wait3A_287 : memref<1x1x128xi32, #tpu.memory_space<vmem>> -> memref<128xi32, #tpu.memory_space<vmem>>
        %dma_wait3A_289 = arith.constant 0 : i32
        %dma_wait3A_290 = arith.constant 0 : i32
        %dma_wait3A_291 = tpu.memref_slice %arg10[%dma_wait3A_289, %dma_wait3A_290] : memref<10112x128xf32, #tpu.memory_space<vmem_shared>> -> memref<10112x128xf32, #tpu.memory_space<vmem_shared>>
        tpu.wait_indirect_dma semaphore(%run_scoped3A_272 : memref<!tpu.dma_semaphore, #tpu.memory_space<semaphore_mem>>) src(%dma_wait3A_285 : memref<128x128xf32, #tpu.memory_space<vmem>>) dst(%dma_wait3A_291 : memref<10112x128xf32, #tpu.memory_space<vmem_shared>>)
        tpu.yield
      }) : () -> ()
      %mul3A_175 = arith.constant 8 : i32
      %mul3A_176 = arith.muli %while3A_67, %mul3A_175 : i32
      %add3A_177 = arith.constant 4 : i32
      %add3A_178 = arith.addi %mul3A_176, %add3A_177 : i32
      %add3A_179 = arith.constant 1 : i32
      %add3A_180 = arith.addi %add3A_178, %add3A_179 : i32
      %lt3A_181 = arith.cmpi slt, %add3A_180, %select_n3A : i32
      %convert_element_type3A_182 = arith.extui %lt3A_181 : i1 to i32
      %cond3A_183 = arith.constant 0 : i32
      %cond3A_184 = arith.cmpi ne, %convert_element_type3A_182, %cond3A_183 : i32
      scf.if %cond3A_184 {
        %dma_start3A = arith.constant 5 : i32
        %dma_start3A_272 = arith.constant 1 : i32
        %dma_start3A_273 = arith.constant 0 : i32
        %dma_start3A_274 = arith.constant 0 : i32
        %dma_start3A_275 = tpu.memref_slice %arg9[%dma_start3A_272, %dma_start3A_273, %dma_start3A_274] : memref<2x128x128xf32, #tpu.memory_space<vmem>> -> memref<1x128x128xf32, #tpu.memory_space<vmem>>
        %dma_start3A_276 = tpu.memref_squeeze %dma_start3A_275 : memref<1x128x128xf32, #tpu.memory_space<vmem>> -> memref<128x128xf32, #tpu.memory_space<vmem>>
        %dma_start3A_277 = arith.constant 0 : i32
        %dma_start3A_278 = tpu.memref_slice %arg7[%rem3A_70, %dma_start3A, %dma_start3A_277] : memref<2x8x128xi32, #tpu.memory_space<vmem>> -> memref<1x1x128xi32, #tpu.memory_space<vmem>>
        %dma_start3A_279 = tpu.memref_squeeze %dma_start3A_278 : memref<1x1x128xi32, #tpu.memory_space<vmem>> -> memref<128xi32, #tpu.memory_space<vmem>>
        %dma_start3A_280 = arith.constant 0 : i32
        %dma_start3A_281 = arith.constant 0 : i32
        %dma_start3A_282 = tpu.memref_slice %arg2[%dma_start3A_280, %dma_start3A_281] : memref<10000x128xf32, #tpu.memory_space<hbm>> -> memref<10000x128xf32, #tpu.memory_space<hbm>>
        tpu.enqueue_indirect_dma source(%dma_start3A_282 : memref<10000x128xf32, #tpu.memory_space<hbm>>) target(%dma_start3A_276 : memref<128x128xf32, #tpu.memory_space<vmem>>) offsets(%dma_start3A_279 : memref<128xi32, #tpu.memory_space<vmem>>) semaphore(%arg11 : memref<!tpu.dma_semaphore, #tpu.memory_space<semaphore_mem>>)
      } else {
      }
      %dma_wait3A_185 = arith.constant 4 : i32
      %dma_wait3A_186 = arith.constant 0 : i32
      %dma_wait3A_187 = arith.constant 0 : i32
      %dma_wait3A_188 = arith.constant 0 : i32
      %dma_wait3A_189 = tpu.memref_slice %arg9[%dma_wait3A_186, %dma_wait3A_187, %dma_wait3A_188] : memref<2x128x128xf32, #tpu.memory_space<vmem>> -> memref<1x128x128xf32, #tpu.memory_space<vmem>>
      %dma_wait3A_190 = tpu.memref_squeeze %dma_wait3A_189 : memref<1x128x128xf32, #tpu.memory_space<vmem>> -> memref<128x128xf32, #tpu.memory_space<vmem>>
      %dma_wait3A_191 = arith.constant 0 : i32
      %dma_wait3A_192 = tpu.memref_slice %arg7[%rem3A_70, %dma_wait3A_185, %dma_wait3A_191] : memref<2x8x128xi32, #tpu.memory_space<vmem>> -> memref<1x1x128xi32, #tpu.memory_space<vmem>>
      %dma_wait3A_193 = tpu.memref_squeeze %dma_wait3A_192 : memref<1x1x128xi32, #tpu.memory_space<vmem>> -> memref<128xi32, #tpu.memory_space<vmem>>
      %dma_wait3A_194 = arith.constant 0 : i32
      %dma_wait3A_195 = arith.constant 0 : i32
      %dma_wait3A_196 = tpu.memref_slice %arg2[%dma_wait3A_194, %dma_wait3A_195] : memref<10000x128xf32, #tpu.memory_space<hbm>> -> memref<10000x128xf32, #tpu.memory_space<hbm>>
      tpu.wait_indirect_dma semaphore(%arg11 : memref<!tpu.dma_semaphore, #tpu.memory_space<semaphore_mem>>) src(%dma_wait3A_196 : memref<10000x128xf32, #tpu.memory_space<hbm>>) dst(%dma_wait3A_190 : memref<128x128xf32, #tpu.memory_space<vmem>>)
      %run_scoped3A_197 = arith.constant 0 : i32
      %run_scoped3A_198 = arith.constant 4 : i32
      "tpu.region"() ({
        %run_scoped3A_272 = tpu.sem_alloc : memref<!tpu.dma_semaphore, #tpu.memory_space<semaphore_mem>>
        %dma_start3A = arith.constant 0 : i32
        %dma_start3A_273 = arith.constant 0 : i32
        %dma_start3A_274 = tpu.memref_slice %arg9[%run_scoped3A_197, %dma_start3A, %dma_start3A_273] : memref<2x128x128xf32, #tpu.memory_space<vmem>> -> memref<1x128x128xf32, #tpu.memory_space<vmem>>
        %dma_start3A_275 = tpu.memref_squeeze %dma_start3A_274 : memref<1x128x128xf32, #tpu.memory_space<vmem>> -> memref<128x128xf32, #tpu.memory_space<vmem>>
        %dma_start3A_276 = arith.constant 0 : i32
        %dma_start3A_277 = tpu.memref_slice %arg8[%rem3A_70, %run_scoped3A_198, %dma_start3A_276] : memref<2x8x128xi32, #tpu.memory_space<vmem>> -> memref<1x1x128xi32, #tpu.memory_space<vmem>>
        %dma_start3A_278 = tpu.memref_squeeze %dma_start3A_277 : memref<1x1x128xi32, #tpu.memory_space<vmem>> -> memref<128xi32, #tpu.memory_space<vmem>>
        %dma_start3A_279 = arith.constant 0 : i32
        %dma_start3A_280 = arith.constant 0 : i32
        %dma_start3A_281 = tpu.memref_slice %arg10[%dma_start3A_279, %dma_start3A_280] : memref<10112x128xf32, #tpu.memory_space<vmem_shared>> -> memref<10112x128xf32, #tpu.memory_space<vmem_shared>>
        tpu.enqueue_indirect_dma source(%dma_start3A_275 : memref<128x128xf32, #tpu.memory_space<vmem>>) target(%dma_start3A_281 : memref<10112x128xf32, #tpu.memory_space<vmem_shared>>) offsets(%dma_start3A_278 : memref<128xi32, #tpu.memory_space<vmem>>) semaphore(%run_scoped3A_272 : memref<!tpu.dma_semaphore, #tpu.memory_space<semaphore_mem>>) {add = true}
        %dma_wait3A_282 = arith.constant 0 : i32
        %dma_wait3A_283 = arith.constant 0 : i32
        %dma_wait3A_284 = tpu.memref_slice %arg9[%run_scoped3A_197, %dma_wait3A_282, %dma_wait3A_283] : memref<2x128x128xf32, #tpu.memory_space<vmem>> -> memref<1x128x128xf32, #tpu.memory_space<vmem>>
        %dma_wait3A_285 = tpu.memref_squeeze %dma_wait3A_284 : memref<1x128x128xf32, #tpu.memory_space<vmem>> -> memref<128x128xf32, #tpu.memory_space<vmem>>
        %dma_wait3A_286 = arith.constant 0 : i32
        %dma_wait3A_287 = tpu.memref_slice %arg8[%rem3A_70, %run_scoped3A_198, %dma_wait3A_286] : memref<2x8x128xi32, #tpu.memory_space<vmem>> -> memref<1x1x128xi32, #tpu.memory_space<vmem>>
        %dma_wait3A_288 = tpu.memref_squeeze %dma_wait3A_287 : memref<1x1x128xi32, #tpu.memory_space<vmem>> -> memref<128xi32, #tpu.memory_space<vmem>>
        %dma_wait3A_289 = arith.constant 0 : i32
        %dma_wait3A_290 = arith.constant 0 : i32
        %dma_wait3A_291 = tpu.memref_slice %arg10[%dma_wait3A_289, %dma_wait3A_290] : memref<10112x128xf32, #tpu.memory_space<vmem_shared>> -> memref<10112x128xf32, #tpu.memory_space<vmem_shared>>
        tpu.wait_indirect_dma semaphore(%run_scoped3A_272 : memref<!tpu.dma_semaphore, #tpu.memory_space<semaphore_mem>>) src(%dma_wait3A_285 : memref<128x128xf32, #tpu.memory_space<vmem>>) dst(%dma_wait3A_291 : memref<10112x128xf32, #tpu.memory_space<vmem_shared>>)
        tpu.yield
      }) : () -> ()
      %mul3A_199 = arith.constant 8 : i32
      %mul3A_200 = arith.muli %while3A_67, %mul3A_199 : i32
      %add3A_201 = arith.constant 5 : i32
      %add3A_202 = arith.addi %mul3A_200, %add3A_201 : i32
      %add3A_203 = arith.constant 1 : i32
      %add3A_204 = arith.addi %add3A_202, %add3A_203 : i32
      %lt3A_205 = arith.cmpi slt, %add3A_204, %select_n3A : i32
      %convert_element_type3A_206 = arith.extui %lt3A_205 : i1 to i32
      %cond3A_207 = arith.constant 0 : i32
      %cond3A_208 = arith.cmpi ne, %convert_element_type3A_206, %cond3A_207 : i32
      scf.if %cond3A_208 {
        %dma_start3A = arith.constant 6 : i32
        %dma_start3A_272 = arith.constant 0 : i32
        %dma_start3A_273 = arith.constant 0 : i32
        %dma_start3A_274 = arith.constant 0 : i32
        %dma_start3A_275 = tpu.memref_slice %arg9[%dma_start3A_272, %dma_start3A_273, %dma_start3A_274] : memref<2x128x128xf32, #tpu.memory_space<vmem>> -> memref<1x128x128xf32, #tpu.memory_space<vmem>>
        %dma_start3A_276 = tpu.memref_squeeze %dma_start3A_275 : memref<1x128x128xf32, #tpu.memory_space<vmem>> -> memref<128x128xf32, #tpu.memory_space<vmem>>
        %dma_start3A_277 = arith.constant 0 : i32
        %dma_start3A_278 = tpu.memref_slice %arg7[%rem3A_70, %dma_start3A, %dma_start3A_277] : memref<2x8x128xi32, #tpu.memory_space<vmem>> -> memref<1x1x128xi32, #tpu.memory_space<vmem>>
        %dma_start3A_279 = tpu.memref_squeeze %dma_start3A_278 : memref<1x1x128xi32, #tpu.memory_space<vmem>> -> memref<128xi32, #tpu.memory_space<vmem>>
        %dma_start3A_280 = arith.constant 0 : i32
        %dma_start3A_281 = arith.constant 0 : i32
        %dma_start3A_282 = tpu.memref_slice %arg2[%dma_start3A_280, %dma_start3A_281] : memref<10000x128xf32, #tpu.memory_space<hbm>> -> memref<10000x128xf32, #tpu.memory_space<hbm>>
        tpu.enqueue_indirect_dma source(%dma_start3A_282 : memref<10000x128xf32, #tpu.memory_space<hbm>>) target(%dma_start3A_276 : memref<128x128xf32, #tpu.memory_space<vmem>>) offsets(%dma_start3A_279 : memref<128xi32, #tpu.memory_space<vmem>>) semaphore(%arg11 : memref<!tpu.dma_semaphore, #tpu.memory_space<semaphore_mem>>)
      } else {
      }
      %dma_wait3A_209 = arith.constant 5 : i32
      %dma_wait3A_210 = arith.constant 1 : i32
      %dma_wait3A_211 = arith.constant 0 : i32
      %dma_wait3A_212 = arith.constant 0 : i32
      %dma_wait3A_213 = tpu.memref_slice %arg9[%dma_wait3A_210, %dma_wait3A_211, %dma_wait3A_212] : memref<2x128x128xf32, #tpu.memory_space<vmem>> -> memref<1x128x128xf32, #tpu.memory_space<vmem>>
      %dma_wait3A_214 = tpu.memref_squeeze %dma_wait3A_213 : memref<1x128x128xf32, #tpu.memory_space<vmem>> -> memref<128x128xf32, #tpu.memory_space<vmem>>
      %dma_wait3A_215 = arith.constant 0 : i32
      %dma_wait3A_216 = tpu.memref_slice %arg7[%rem3A_70, %dma_wait3A_209, %dma_wait3A_215] : memref<2x8x128xi32, #tpu.memory_space<vmem>> -> memref<1x1x128xi32, #tpu.memory_space<vmem>>
      %dma_wait3A_217 = tpu.memref_squeeze %dma_wait3A_216 : memref<1x1x128xi32, #tpu.memory_space<vmem>> -> memref<128xi32, #tpu.memory_space<vmem>>
      %dma_wait3A_218 = arith.constant 0 : i32
      %dma_wait3A_219 = arith.constant 0 : i32
      %dma_wait3A_220 = tpu.memref_slice %arg2[%dma_wait3A_218, %dma_wait3A_219] : memref<10000x128xf32, #tpu.memory_space<hbm>> -> memref<10000x128xf32, #tpu.memory_space<hbm>>
      tpu.wait_indirect_dma semaphore(%arg11 : memref<!tpu.dma_semaphore, #tpu.memory_space<semaphore_mem>>) src(%dma_wait3A_220 : memref<10000x128xf32, #tpu.memory_space<hbm>>) dst(%dma_wait3A_214 : memref<128x128xf32, #tpu.memory_space<vmem>>)
      %run_scoped3A_221 = arith.constant 1 : i32
      %run_scoped3A_222 = arith.constant 5 : i32
      "tpu.region"() ({
        %run_scoped3A_272 = tpu.sem_alloc : memref<!tpu.dma_semaphore, #tpu.memory_space<semaphore_mem>>
        %dma_start3A = arith.constant 0 : i32
        %dma_start3A_273 = arith.constant 0 : i32
        %dma_start3A_274 = tpu.memref_slice %arg9[%run_scoped3A_221, %dma_start3A, %dma_start3A_273] : memref<2x128x128xf32, #tpu.memory_space<vmem>> -> memref<1x128x128xf32, #tpu.memory_space<vmem>>
        %dma_start3A_275 = tpu.memref_squeeze %dma_start3A_274 : memref<1x128x128xf32, #tpu.memory_space<vmem>> -> memref<128x128xf32, #tpu.memory_space<vmem>>
        %dma_start3A_276 = arith.constant 0 : i32
        %dma_start3A_277 = tpu.memref_slice %arg8[%rem3A_70, %run_scoped3A_222, %dma_start3A_276] : memref<2x8x128xi32, #tpu.memory_space<vmem>> -> memref<1x1x128xi32, #tpu.memory_space<vmem>>
        %dma_start3A_278 = tpu.memref_squeeze %dma_start3A_277 : memref<1x1x128xi32, #tpu.memory_space<vmem>> -> memref<128xi32, #tpu.memory_space<vmem>>
        %dma_start3A_279 = arith.constant 0 : i32
        %dma_start3A_280 = arith.constant 0 : i32
        %dma_start3A_281 = tpu.memref_slice %arg10[%dma_start3A_279, %dma_start3A_280] : memref<10112x128xf32, #tpu.memory_space<vmem_shared>> -> memref<10112x128xf32, #tpu.memory_space<vmem_shared>>
        tpu.enqueue_indirect_dma source(%dma_start3A_275 : memref<128x128xf32, #tpu.memory_space<vmem>>) target(%dma_start3A_281 : memref<10112x128xf32, #tpu.memory_space<vmem_shared>>) offsets(%dma_start3A_278 : memref<128xi32, #tpu.memory_space<vmem>>) semaphore(%run_scoped3A_272 : memref<!tpu.dma_semaphore, #tpu.memory_space<semaphore_mem>>) {add = true}
        %dma_wait3A_282 = arith.constant 0 : i32
        %dma_wait3A_283 = arith.constant 0 : i32
        %dma_wait3A_284 = tpu.memref_slice %arg9[%run_scoped3A_221, %dma_wait3A_282, %dma_wait3A_283] : memref<2x128x128xf32, #tpu.memory_space<vmem>> -> memref<1x128x128xf32, #tpu.memory_space<vmem>>
        %dma_wait3A_285 = tpu.memref_squeeze %dma_wait3A_284 : memref<1x128x128xf32, #tpu.memory_space<vmem>> -> memref<128x128xf32, #tpu.memory_space<vmem>>
        %dma_wait3A_286 = arith.constant 0 : i32
        %dma_wait3A_287 = tpu.memref_slice %arg8[%rem3A_70, %run_scoped3A_222, %dma_wait3A_286] : memref<2x8x128xi32, #tpu.memory_space<vmem>> -> memref<1x1x128xi32, #tpu.memory_space<vmem>>
        %dma_wait3A_288 = tpu.memref_squeeze %dma_wait3A_287 : memref<1x1x128xi32, #tpu.memory_space<vmem>> -> memref<128xi32, #tpu.memory_space<vmem>>
        %dma_wait3A_289 = arith.constant 0 : i32
        %dma_wait3A_290 = arith.constant 0 : i32
        %dma_wait3A_291 = tpu.memref_slice %arg10[%dma_wait3A_289, %dma_wait3A_290] : memref<10112x128xf32, #tpu.memory_space<vmem_shared>> -> memref<10112x128xf32, #tpu.memory_space<vmem_shared>>
        tpu.wait_indirect_dma semaphore(%run_scoped3A_272 : memref<!tpu.dma_semaphore, #tpu.memory_space<semaphore_mem>>) src(%dma_wait3A_285 : memref<128x128xf32, #tpu.memory_space<vmem>>) dst(%dma_wait3A_291 : memref<10112x128xf32, #tpu.memory_space<vmem_shared>>)
        tpu.yield
      }) : () -> ()
      %mul3A_223 = arith.constant 8 : i32
      %mul3A_224 = arith.muli %while3A_67, %mul3A_223 : i32
      %add3A_225 = arith.constant 6 : i32
      %add3A_226 = arith.addi %mul3A_224, %add3A_225 : i32
      %add3A_227 = arith.constant 1 : i32
      %add3A_228 = arith.addi %add3A_226, %add3A_227 : i32
      %lt3A_229 = arith.cmpi slt, %add3A_228, %select_n3A : i32
      %convert_element_type3A_230 = arith.extui %lt3A_229 : i1 to i32
      %cond3A_231 = arith.constant 0 : i32
      %cond3A_232 = arith.cmpi ne, %convert_element_type3A_230, %cond3A_231 : i32
      scf.if %cond3A_232 {
        %dma_start3A = arith.constant 7 : i32
        %dma_start3A_272 = arith.constant 1 : i32
        %dma_start3A_273 = arith.constant 0 : i32
        %dma_start3A_274 = arith.constant 0 : i32
        %dma_start3A_275 = tpu.memref_slice %arg9[%dma_start3A_272, %dma_start3A_273, %dma_start3A_274] : memref<2x128x128xf32, #tpu.memory_space<vmem>> -> memref<1x128x128xf32, #tpu.memory_space<vmem>>
        %dma_start3A_276 = tpu.memref_squeeze %dma_start3A_275 : memref<1x128x128xf32, #tpu.memory_space<vmem>> -> memref<128x128xf32, #tpu.memory_space<vmem>>
        %dma_start3A_277 = arith.constant 0 : i32
        %dma_start3A_278 = tpu.memref_slice %arg7[%rem3A_70, %dma_start3A, %dma_start3A_277] : memref<2x8x128xi32, #tpu.memory_space<vmem>> -> memref<1x1x128xi32, #tpu.memory_space<vmem>>
        %dma_start3A_279 = tpu.memref_squeeze %dma_start3A_278 : memref<1x1x128xi32, #tpu.memory_space<vmem>> -> memref<128xi32, #tpu.memory_space<vmem>>
        %dma_start3A_280 = arith.constant 0 : i32
        %dma_start3A_281 = arith.constant 0 : i32
        %dma_start3A_282 = tpu.memref_slice %arg2[%dma_start3A_280, %dma_start3A_281] : memref<10000x128xf32, #tpu.memory_space<hbm>> -> memref<10000x128xf32, #tpu.memory_space<hbm>>
        tpu.enqueue_indirect_dma source(%dma_start3A_282 : memref<10000x128xf32, #tpu.memory_space<hbm>>) target(%dma_start3A_276 : memref<128x128xf32, #tpu.memory_space<vmem>>) offsets(%dma_start3A_279 : memref<128xi32, #tpu.memory_space<vmem>>) semaphore(%arg11 : memref<!tpu.dma_semaphore, #tpu.memory_space<semaphore_mem>>)
      } else {
      }
      %dma_wait3A_233 = arith.constant 6 : i32
      %dma_wait3A_234 = arith.constant 0 : i32
      %dma_wait3A_235 = arith.constant 0 : i32
      %dma_wait3A_236 = arith.constant 0 : i32
      %dma_wait3A_237 = tpu.memref_slice %arg9[%dma_wait3A_234, %dma_wait3A_235, %dma_wait3A_236] : memref<2x128x128xf32, #tpu.memory_space<vmem>> -> memref<1x128x128xf32, #tpu.memory_space<vmem>>
      %dma_wait3A_238 = tpu.memref_squeeze %dma_wait3A_237 : memref<1x128x128xf32, #tpu.memory_space<vmem>> -> memref<128x128xf32, #tpu.memory_space<vmem>>
      %dma_wait3A_239 = arith.constant 0 : i32
      %dma_wait3A_240 = tpu.memref_slice %arg7[%rem3A_70, %dma_wait3A_233, %dma_wait3A_239] : memref<2x8x128xi32, #tpu.memory_space<vmem>> -> memref<1x1x128xi32, #tpu.memory_space<vmem>>
      %dma_wait3A_241 = tpu.memref_squeeze %dma_wait3A_240 : memref<1x1x128xi32, #tpu.memory_space<vmem>> -> memref<128xi32, #tpu.memory_space<vmem>>
      %dma_wait3A_242 = arith.constant 0 : i32
      %dma_wait3A_243 = arith.constant 0 : i32
      %dma_wait3A_244 = tpu.memref_slice %arg2[%dma_wait3A_242, %dma_wait3A_243] : memref<10000x128xf32, #tpu.memory_space<hbm>> -> memref<10000x128xf32, #tpu.memory_space<hbm>>
      tpu.wait_indirect_dma semaphore(%arg11 : memref<!tpu.dma_semaphore, #tpu.memory_space<semaphore_mem>>) src(%dma_wait3A_244 : memref<10000x128xf32, #tpu.memory_space<hbm>>) dst(%dma_wait3A_238 : memref<128x128xf32, #tpu.memory_space<vmem>>)
      %run_scoped3A_245 = arith.constant 0 : i32
      %run_scoped3A_246 = arith.constant 6 : i32
      "tpu.region"() ({
        %run_scoped3A_272 = tpu.sem_alloc : memref<!tpu.dma_semaphore, #tpu.memory_space<semaphore_mem>>
        %dma_start3A = arith.constant 0 : i32
        %dma_start3A_273 = arith.constant 0 : i32
        %dma_start3A_274 = tpu.memref_slice %arg9[%run_scoped3A_245, %dma_start3A, %dma_start3A_273] : memref<2x128x128xf32, #tpu.memory_space<vmem>> -> memref<1x128x128xf32, #tpu.memory_space<vmem>>
        %dma_start3A_275 = tpu.memref_squeeze %dma_start3A_274 : memref<1x128x128xf32, #tpu.memory_space<vmem>> -> memref<128x128xf32, #tpu.memory_space<vmem>>
        %dma_start3A_276 = arith.constant 0 : i32
        %dma_start3A_277 = tpu.memref_slice %arg8[%rem3A_70, %run_scoped3A_246, %dma_start3A_276] : memref<2x8x128xi32, #tpu.memory_space<vmem>> -> memref<1x1x128xi32, #tpu.memory_space<vmem>>
        %dma_start3A_278 = tpu.memref_squeeze %dma_start3A_277 : memref<1x1x128xi32, #tpu.memory_space<vmem>> -> memref<128xi32, #tpu.memory_space<vmem>>
        %dma_start3A_279 = arith.constant 0 : i32
        %dma_start3A_280 = arith.constant 0 : i32
        %dma_start3A_281 = tpu.memref_slice %arg10[%dma_start3A_279, %dma_start3A_280] : memref<10112x128xf32, #tpu.memory_space<vmem_shared>> -> memref<10112x128xf32, #tpu.memory_space<vmem_shared>>
        tpu.enqueue_indirect_dma source(%dma_start3A_275 : memref<128x128xf32, #tpu.memory_space<vmem>>) target(%dma_start3A_281 : memref<10112x128xf32, #tpu.memory_space<vmem_shared>>) offsets(%dma_start3A_278 : memref<128xi32, #tpu.memory_space<vmem>>) semaphore(%run_scoped3A_272 : memref<!tpu.dma_semaphore, #tpu.memory_space<semaphore_mem>>) {add = true}
        %dma_wait3A_282 = arith.constant 0 : i32
        %dma_wait3A_283 = arith.constant 0 : i32
        %dma_wait3A_284 = tpu.memref_slice %arg9[%run_scoped3A_245, %dma_wait3A_282, %dma_wait3A_283] : memref<2x128x128xf32, #tpu.memory_space<vmem>> -> memref<1x128x128xf32, #tpu.memory_space<vmem>>
        %dma_wait3A_285 = tpu.memref_squeeze %dma_wait3A_284 : memref<1x128x128xf32, #tpu.memory_space<vmem>> -> memref<128x128xf32, #tpu.memory_space<vmem>>
        %dma_wait3A_286 = arith.constant 0 : i32
        %dma_wait3A_287 = tpu.memref_slice %arg8[%rem3A_70, %run_scoped3A_246, %dma_wait3A_286] : memref<2x8x128xi32, #tpu.memory_space<vmem>> -> memref<1x1x128xi32, #tpu.memory_space<vmem>>
        %dma_wait3A_288 = tpu.memref_squeeze %dma_wait3A_287 : memref<1x1x128xi32, #tpu.memory_space<vmem>> -> memref<128xi32, #tpu.memory_space<vmem>>
        %dma_wait3A_289 = arith.constant 0 : i32
        %dma_wait3A_290 = arith.constant 0 : i32
        %dma_wait3A_291 = tpu.memref_slice %arg10[%dma_wait3A_289, %dma_wait3A_290] : memref<10112x128xf32, #tpu.memory_space<vmem_shared>> -> memref<10112x128xf32, #tpu.memory_space<vmem_shared>>
        tpu.wait_indirect_dma semaphore(%run_scoped3A_272 : memref<!tpu.dma_semaphore, #tpu.memory_space<semaphore_mem>>) src(%dma_wait3A_285 : memref<128x128xf32, #tpu.memory_space<vmem>>) dst(%dma_wait3A_291 : memref<10112x128xf32, #tpu.memory_space<vmem_shared>>)
        tpu.yield
      }) : () -> ()
      %mul3A_247 = arith.constant 8 : i32
      %mul3A_248 = arith.muli %while3A_67, %mul3A_247 : i32
      %add3A_249 = arith.constant 7 : i32
      %add3A_250 = arith.addi %mul3A_248, %add3A_249 : i32
      %add3A_251 = arith.constant 1 : i32
      %add3A_252 = arith.addi %add3A_250, %add3A_251 : i32
      %lt3A_253 = arith.cmpi slt, %add3A_252, %select_n3A : i32
      %convert_element_type3A_254 = arith.extui %lt3A_253 : i1 to i32
      %cond3A_255 = arith.constant 0 : i32
      %cond3A_256 = arith.cmpi ne, %convert_element_type3A_254, %cond3A_255 : i32
      scf.if %cond3A_256 {
        %dma_start3A = arith.constant 0 : i32
        %dma_start3A_272 = arith.constant 0 : i32
        %dma_start3A_273 = arith.constant 0 : i32
        %dma_start3A_274 = arith.constant 0 : i32
        %dma_start3A_275 = tpu.memref_slice %arg9[%dma_start3A_272, %dma_start3A_273, %dma_start3A_274] : memref<2x128x128xf32, #tpu.memory_space<vmem>> -> memref<1x128x128xf32, #tpu.memory_space<vmem>>
        %dma_start3A_276 = tpu.memref_squeeze %dma_start3A_275 : memref<1x128x128xf32, #tpu.memory_space<vmem>> -> memref<128x128xf32, #tpu.memory_space<vmem>>
        %dma_start3A_277 = arith.constant 0 : i32
        %dma_start3A_278 = tpu.memref_slice %arg7[%rem3A_74, %dma_start3A, %dma_start3A_277] : memref<2x8x128xi32, #tpu.memory_space<vmem>> -> memref<1x1x128xi32, #tpu.memory_space<vmem>>
        %dma_start3A_279 = tpu.memref_squeeze %dma_start3A_278 : memref<1x1x128xi32, #tpu.memory_space<vmem>> -> memref<128xi32, #tpu.memory_space<vmem>>
        %dma_start3A_280 = arith.constant 0 : i32
        %dma_start3A_281 = arith.constant 0 : i32
        %dma_start3A_282 = tpu.memref_slice %arg2[%dma_start3A_280, %dma_start3A_281] : memref<10000x128xf32, #tpu.memory_space<hbm>> -> memref<10000x128xf32, #tpu.memory_space<hbm>>
        tpu.enqueue_indirect_dma source(%dma_start3A_282 : memref<10000x128xf32, #tpu.memory_space<hbm>>) target(%dma_start3A_276 : memref<128x128xf32, #tpu.memory_space<vmem>>) offsets(%dma_start3A_279 : memref<128xi32, #tpu.memory_space<vmem>>) semaphore(%arg11 : memref<!tpu.dma_semaphore, #tpu.memory_space<semaphore_mem>>)
      } else {
      }
      %dma_wait3A_257 = arith.constant 7 : i32
      %dma_wait3A_258 = arith.constant 1 : i32
      %dma_wait3A_259 = arith.constant 0 : i32
      %dma_wait3A_260 = arith.constant 0 : i32
      %dma_wait3A_261 = tpu.memref_slice %arg9[%dma_wait3A_258, %dma_wait3A_259, %dma_wait3A_260] : memref<2x128x128xf32, #tpu.memory_space<vmem>> -> memref<1x128x128xf32, #tpu.memory_space<vmem>>
      %dma_wait3A_262 = tpu.memref_squeeze %dma_wait3A_261 : memref<1x128x128xf32, #tpu.memory_space<vmem>> -> memref<128x128xf32, #tpu.memory_space<vmem>>
      %dma_wait3A_263 = arith.constant 0 : i32
      %dma_wait3A_264 = tpu.memref_slice %arg7[%rem3A_70, %dma_wait3A_257, %dma_wait3A_263] : memref<2x8x128xi32, #tpu.memory_space<vmem>> -> memref<1x1x128xi32, #tpu.memory_space<vmem>>
      %dma_wait3A_265 = tpu.memref_squeeze %dma_wait3A_264 : memref<1x1x128xi32, #tpu.memory_space<vmem>> -> memref<128xi32, #tpu.memory_space<vmem>>
      %dma_wait3A_266 = arith.constant 0 : i32
      %dma_wait3A_267 = arith.constant 0 : i32
      %dma_wait3A_268 = tpu.memref_slice %arg2[%dma_wait3A_266, %dma_wait3A_267] : memref<10000x128xf32, #tpu.memory_space<hbm>> -> memref<10000x128xf32, #tpu.memory_space<hbm>>
      tpu.wait_indirect_dma semaphore(%arg11 : memref<!tpu.dma_semaphore, #tpu.memory_space<semaphore_mem>>) src(%dma_wait3A_268 : memref<10000x128xf32, #tpu.memory_space<hbm>>) dst(%dma_wait3A_262 : memref<128x128xf32, #tpu.memory_space<vmem>>)
      %run_scoped3A_269 = arith.constant 1 : i32
      %run_scoped3A_270 = arith.constant 7 : i32
      "tpu.region"() ({
        %run_scoped3A_272 = tpu.sem_alloc : memref<!tpu.dma_semaphore, #tpu.memory_space<semaphore_mem>>
        %dma_start3A = arith.constant 0 : i32
        %dma_start3A_273 = arith.constant 0 : i32
        %dma_start3A_274 = tpu.memref_slice %arg9[%run_scoped3A_269, %dma_start3A, %dma_start3A_273] : memref<2x128x128xf32, #tpu.memory_space<vmem>> -> memref<1x128x128xf32, #tpu.memory_space<vmem>>
        %dma_start3A_275 = tpu.memref_squeeze %dma_start3A_274 : memref<1x128x128xf32, #tpu.memory_space<vmem>> -> memref<128x128xf32, #tpu.memory_space<vmem>>
        %dma_start3A_276 = arith.constant 0 : i32
        %dma_start3A_277 = tpu.memref_slice %arg8[%rem3A_70, %run_scoped3A_270, %dma_start3A_276] : memref<2x8x128xi32, #tpu.memory_space<vmem>> -> memref<1x1x128xi32, #tpu.memory_space<vmem>>
        %dma_start3A_278 = tpu.memref_squeeze %dma_start3A_277 : memref<1x1x128xi32, #tpu.memory_space<vmem>> -> memref<128xi32, #tpu.memory_space<vmem>>
        %dma_start3A_279 = arith.constant 0 : i32
        %dma_start3A_280 = arith.constant 0 : i32
        %dma_start3A_281 = tpu.memref_slice %arg10[%dma_start3A_279, %dma_start3A_280] : memref<10112x128xf32, #tpu.memory_space<vmem_shared>> -> memref<10112x128xf32, #tpu.memory_space<vmem_shared>>
        tpu.enqueue_indirect_dma source(%dma_start3A_275 : memref<128x128xf32, #tpu.memory_space<vmem>>) target(%dma_start3A_281 : memref<10112x128xf32, #tpu.memory_space<vmem_shared>>) offsets(%dma_start3A_278 : memref<128xi32, #tpu.memory_space<vmem>>) semaphore(%run_scoped3A_272 : memref<!tpu.dma_semaphore, #tpu.memory_space<semaphore_mem>>) {add = true}
        %dma_wait3A_282 = arith.constant 0 : i32
        %dma_wait3A_283 = arith.constant 0 : i32
        %dma_wait3A_284 = tpu.memref_slice %arg9[%run_scoped3A_269, %dma_wait3A_282, %dma_wait3A_283] : memref<2x128x128xf32, #tpu.memory_space<vmem>> -> memref<1x128x128xf32, #tpu.memory_space<vmem>>
        %dma_wait3A_285 = tpu.memref_squeeze %dma_wait3A_284 : memref<1x128x128xf32, #tpu.memory_space<vmem>> -> memref<128x128xf32, #tpu.memory_space<vmem>>
        %dma_wait3A_286 = arith.constant 0 : i32
        %dma_wait3A_287 = tpu.memref_slice %arg8[%rem3A_70, %run_scoped3A_270, %dma_wait3A_286] : memref<2x8x128xi32, #tpu.memory_space<vmem>> -> memref<1x1x128xi32, #tpu.memory_space<vmem>>
        %dma_wait3A_288 = tpu.memref_squeeze %dma_wait3A_287 : memref<1x1x128xi32, #tpu.memory_space<vmem>> -> memref<128xi32, #tpu.memory_space<vmem>>
        %dma_wait3A_289 = arith.constant 0 : i32
        %dma_wait3A_290 = arith.constant 0 : i32
        %dma_wait3A_291 = tpu.memref_slice %arg10[%dma_wait3A_289, %dma_wait3A_290] : memref<10112x128xf32, #tpu.memory_space<vmem_shared>> -> memref<10112x128xf32, #tpu.memory_space<vmem_shared>>
        tpu.wait_indirect_dma semaphore(%run_scoped3A_272 : memref<!tpu.dma_semaphore, #tpu.memory_space<semaphore_mem>>) src(%dma_wait3A_285 : memref<128x128xf32, #tpu.memory_space<vmem>>) dst(%dma_wait3A_291 : memref<10112x128xf32, #tpu.memory_space<vmem_shared>>)
        tpu.yield
      }) : () -> ()
      %while3A_271 = arith.constant 0 : i32
      scf.yield %while3A_271 : i32
    }
    %barrier3A_66 = arith.constant 0 : index
    tpu.barrier barrier_id(%barrier3A_66)
    "tpu.region"() ({
      %run_scoped3A_67 = tpu.sem_alloc : memref<!tpu.dma_semaphore, #tpu.memory_space<semaphore_mem>>
      %dma_start3A = arith.constant 0 : i32
      %dma_start3A_68 = tpu.memref_slice %arg6[%arg0, %mul3A_0, %dma_start3A] : memref<2x10112x128xf32, #tpu.memory_space<hbm>> -> memref<1x632x128xf32, #tpu.memory_space<hbm>>
      %dma_start3A_69 = tpu.memref_squeeze %dma_start3A_68 : memref<1x632x128xf32, #tpu.memory_space<hbm>> -> memref<632x128xf32, #tpu.memory_space<hbm>>
      %dma_start3A_70 = arith.constant 0 : i32
      %dma_start3A_71 = tpu.memref_slice %arg10[%mul3A_0, %dma_start3A_70] : memref<10112x128xf32, #tpu.memory_space<vmem_shared>> -> memref<632x128xf32, #tpu.memory_space<vmem_shared>>
      tpu.enqueue_dma source(%dma_start3A_71 : memref<632x128xf32, #tpu.memory_space<vmem_shared>>) target(%dma_start3A_69 : memref<632x128xf32, #tpu.memory_space<hbm>>) target_semaphore(%run_scoped3A_67 : memref<!tpu.dma_semaphore, #tpu.memory_space<semaphore_mem>>)
      %dma_wait3A = arith.constant 0 : i32
      %dma_wait3A_72 = tpu.memref_slice %arg6[%arg0, %mul3A_0, %dma_wait3A] : memref<2x10112x128xf32, #tpu.memory_space<hbm>> -> memref<1x632x128xf32, #tpu.memory_space<hbm>>
      %dma_wait3A_73 = tpu.memref_squeeze %dma_wait3A_72 : memref<1x632x128xf32, #tpu.memory_space<hbm>> -> memref<632x128xf32, #tpu.memory_space<hbm>>
      %dma_wait3A_74 = arith.constant 0 : i32
      %dma_wait3A_75 = tpu.memref_slice %arg10[%mul3A_0, %dma_wait3A_74] : memref<10112x128xf32, #tpu.memory_space<vmem_shared>> -> memref<632x128xf32, #tpu.memory_space<vmem_shared>>
      tpu.wait_dma2 semaphore(%run_scoped3A_67 : memref<!tpu.dma_semaphore, #tpu.memory_space<semaphore_mem>>) src(%dma_wait3A_75 : memref<632x128xf32, #tpu.memory_space<vmem_shared>>) dst(%dma_wait3A_73 : memref<632x128xf32, #tpu.memory_space<hbm>>)
      tpu.yield
    }) : () -> ()
    return
  }
}

#map = affine_map<(d0, d1) -> (0, 0, 0)>
#map1 = affine_map<(d0, d1) -> (0, 0)>
module attributes {stable_mosaic.version = 14 : i64} {
  func.func @_sc_deg_body(%arg0: i32, %arg1: i32, %arg2: memref<32x80x128xi32, #tpu.memory_space<hbm>>, %arg3: memref<632x128xf32, #tpu.memory_space<hbm>>, %arg4: memref<128x128xf32, #tpu.memory_space<hbm>>, %arg5: memref<2x10112x128xf32, #tpu.memory_space<hbm>>, %arg6: memref<80x128xi32, #tpu.memory_space<vmem>>, %arg7: memref<128x128xf32, #tpu.memory_space<vmem>>, %arg8: memref<10112x128xf32, #tpu.memory_space<vmem_shared>>, %arg9: memref<!tpu.dma_semaphore, #tpu.memory_space<semaphore_mem>>) attributes {dimension_semantics = [#tpu.dimension_semantics<core_parallel>, #tpu.dimension_semantics<subcore_parallel>], iteration_bounds = array<i64: 2, 16>, scalar_prefetch = 0 : i64, scratch_operands = 4 : i64, tpu.core_type = #tpu.core_type<sc_vector_subcore>, window_params = [{transform_indices = #map}, {transform_indices = #map1}, {transform_indices = #map1}, {transform_indices = #map}]} {
    %mul3A = arith.constant 16 : i32
    %mul3A_0 = arith.muli %arg0, %mul3A : i32
    %add3A = arith.addi %mul3A_0, %arg1 : i32
    %mul3A_1 = arith.constant 632 : i32
    %mul3A_2 = arith.muli %arg1, %mul3A_1 : i32
    "tpu.region"() ({
      %run_scoped3A = tpu.sem_alloc : memref<!tpu.dma_semaphore, #tpu.memory_space<semaphore_mem>>
      %dma_start3A = arith.constant 0 : i32
      %dma_start3A_10 = tpu.memref_slice %arg8[%mul3A_2, %dma_start3A] : memref<10112x128xf32, #tpu.memory_space<vmem_shared>> -> memref<632x128xf32, #tpu.memory_space<vmem_shared>>
      tpu.enqueue_dma source(%arg3 : memref<632x128xf32, #tpu.memory_space<hbm>>) target(%dma_start3A_10 : memref<632x128xf32, #tpu.memory_space<vmem_shared>>) target_semaphore(%run_scoped3A : memref<!tpu.dma_semaphore, #tpu.memory_space<semaphore_mem>>)
      %dma_wait3A = arith.constant 0 : i32
      %dma_wait3A_11 = tpu.memref_slice %arg8[%mul3A_2, %dma_wait3A] : memref<10112x128xf32, #tpu.memory_space<vmem_shared>> -> memref<632x128xf32, #tpu.memory_space<vmem_shared>>
      tpu.wait_dma2 semaphore(%run_scoped3A : memref<!tpu.dma_semaphore, #tpu.memory_space<semaphore_mem>>) src(%arg3 : memref<632x128xf32, #tpu.memory_space<hbm>>) dst(%dma_wait3A_11 : memref<632x128xf32, #tpu.memory_space<vmem_shared>>)
      tpu.yield
    }) : () -> ()
    "tpu.region"() ({
      %run_scoped3A = tpu.sem_alloc : memref<!tpu.dma_semaphore, #tpu.memory_space<semaphore_mem>>
      tpu.enqueue_dma source(%arg4 : memref<128x128xf32, #tpu.memory_space<hbm>>) target(%arg7 : memref<128x128xf32, #tpu.memory_space<vmem>>) target_semaphore(%run_scoped3A : memref<!tpu.dma_semaphore, #tpu.memory_space<semaphore_mem>>)
      tpu.wait_dma2 semaphore(%run_scoped3A : memref<!tpu.dma_semaphore, #tpu.memory_space<semaphore_mem>>) src(%arg4 : memref<128x128xf32, #tpu.memory_space<hbm>>) dst(%arg7 : memref<128x128xf32, #tpu.memory_space<vmem>>)
      tpu.yield
    }) : () -> ()
    "tpu.region"() ({
      %run_scoped3A = tpu.sem_alloc : memref<!tpu.dma_semaphore, #tpu.memory_space<semaphore_mem>>
      %dma_start3A = arith.constant 0 : i32
      %dma_start3A_10 = arith.constant 0 : i32
      %dma_start3A_11 = tpu.memref_slice %arg2[%add3A, %dma_start3A, %dma_start3A_10] : memref<32x80x128xi32, #tpu.memory_space<hbm>> -> memref<1x80x128xi32, #tpu.memory_space<hbm>>
      %dma_start3A_12 = tpu.memref_squeeze %dma_start3A_11 : memref<1x80x128xi32, #tpu.memory_space<hbm>> -> memref<80x128xi32, #tpu.memory_space<hbm>>
      %dma_start3A_13 = arith.constant 0 : i32
      %dma_start3A_14 = arith.constant 0 : i32
      %dma_start3A_15 = tpu.memref_slice %arg2[%add3A, %dma_start3A_13, %dma_start3A_14] : memref<32x80x128xi32, #tpu.memory_space<hbm>> -> memref<1x80x128xi32, #tpu.memory_space<hbm>>
      %dma_start3A_16 = tpu.memref_squeeze %dma_start3A_15 : memref<1x80x128xi32, #tpu.memory_space<hbm>> -> memref<80x128xi32, #tpu.memory_space<hbm>>
      tpu.enqueue_dma source(%dma_start3A_16 : memref<80x128xi32, #tpu.memory_space<hbm>>) target(%arg6 : memref<80x128xi32, #tpu.memory_space<vmem>>) target_semaphore(%run_scoped3A : memref<!tpu.dma_semaphore, #tpu.memory_space<semaphore_mem>>)
      %dma_wait3A = arith.constant 0 : i32
      %dma_wait3A_17 = arith.constant 0 : i32
      %dma_wait3A_18 = tpu.memref_slice %arg2[%add3A, %dma_wait3A, %dma_wait3A_17] : memref<32x80x128xi32, #tpu.memory_space<hbm>> -> memref<1x80x128xi32, #tpu.memory_space<hbm>>
      %dma_wait3A_19 = tpu.memref_squeeze %dma_wait3A_18 : memref<1x80x128xi32, #tpu.memory_space<hbm>> -> memref<80x128xi32, #tpu.memory_space<hbm>>
      %dma_wait3A_20 = arith.constant 0 : i32
      %dma_wait3A_21 = arith.constant 0 : i32
      %dma_wait3A_22 = tpu.memref_slice %arg2[%add3A, %dma_wait3A_20, %dma_wait3A_21] : memref<32x80x128xi32, #tpu.memory_space<hbm>> -> memref<1x80x128xi32, #tpu.memory_space<hbm>>
      %dma_wait3A_23 = tpu.memref_squeeze %dma_wait3A_22 : memref<1x80x128xi32, #tpu.memory_space<hbm>> -> memref<80x128xi32, #tpu.memory_space<hbm>>
      tpu.wait_dma2 semaphore(%run_scoped3A : memref<!tpu.dma_semaphore, #tpu.memory_space<semaphore_mem>>) src(%dma_wait3A_23 : memref<80x128xi32, #tpu.memory_space<hbm>>) dst(%arg6 : memref<80x128xi32, #tpu.memory_space<vmem>>)
      tpu.yield
    }) : () -> ()
    %barrier3A = arith.constant 0 : index
    tpu.barrier barrier_id(%barrier3A)
    %scan3A = arith.constant 0 : i32
    %scan3A_3 = arith.constant 0 : i32
    %scan3A_4 = arith.constant 80 : i32
    %scan3A_5 = arith.addi %scan3A_3, %scan3A_4 : i32
    %scan3A_6 = arith.constant 1 : i32
    %scan3A_7 = scf.for %scan3A_10 = %scan3A_3 to %scan3A_5 step %scan3A_6 iter_args(%scan3A_11 = %scan3A) -> (i32)  : i32 {
      "tpu.region"() ({
        %run_scoped3A = tpu.sem_alloc : memref<!tpu.dma_semaphore, #tpu.memory_space<semaphore_mem>>
        %dma_start3A = arith.constant 0 : i32
        %dma_start3A_13 = tpu.memref_slice %arg6[%scan3A_10, %dma_start3A] : memref<80x128xi32, #tpu.memory_space<vmem>> -> memref<1x128xi32, #tpu.memory_space<vmem>>
        %dma_start3A_14 = tpu.memref_squeeze %dma_start3A_13 : memref<1x128xi32, #tpu.memory_space<vmem>> -> memref<128xi32, #tpu.memory_space<vmem>>
        %dma_start3A_15 = arith.constant 0 : i32
        %dma_start3A_16 = arith.constant 0 : i32
        %dma_start3A_17 = tpu.memref_slice %arg8[%dma_start3A_15, %dma_start3A_16] : memref<10112x128xf32, #tpu.memory_space<vmem_shared>> -> memref<10112x128xf32, #tpu.memory_space<vmem_shared>>
        tpu.enqueue_indirect_dma source(%arg7 : memref<128x128xf32, #tpu.memory_space<vmem>>) target(%dma_start3A_17 : memref<10112x128xf32, #tpu.memory_space<vmem_shared>>) offsets(%dma_start3A_14 : memref<128xi32, #tpu.memory_space<vmem>>) semaphore(%run_scoped3A : memref<!tpu.dma_semaphore, #tpu.memory_space<semaphore_mem>>) {add = true}
        %dma_wait3A = arith.constant 0 : i32
        %dma_wait3A_18 = tpu.memref_slice %arg6[%scan3A_10, %dma_wait3A] : memref<80x128xi32, #tpu.memory_space<vmem>> -> memref<1x128xi32, #tpu.memory_space<vmem>>
        %dma_wait3A_19 = tpu.memref_squeeze %dma_wait3A_18 : memref<1x128xi32, #tpu.memory_space<vmem>> -> memref<128xi32, #tpu.memory_space<vmem>>
        %dma_wait3A_20 = arith.constant 0 : i32
        %dma_wait3A_21 = arith.constant 0 : i32
        %dma_wait3A_22 = tpu.memref_slice %arg8[%dma_wait3A_20, %dma_wait3A_21] : memref<10112x128xf32, #tpu.memory_space<vmem_shared>> -> memref<10112x128xf32, #tpu.memory_space<vmem_shared>>
        tpu.wait_indirect_dma semaphore(%run_scoped3A : memref<!tpu.dma_semaphore, #tpu.memory_space<semaphore_mem>>) src(%arg7 : memref<128x128xf32, #tpu.memory_space<vmem>>) dst(%dma_wait3A_22 : memref<10112x128xf32, #tpu.memory_space<vmem_shared>>)
        tpu.yield
      }) : () -> ()
      %scan3A_12 = arith.constant 0 : i32
      scf.yield %scan3A_12 : i32
    }
    %scan3A_8 = arith.constant 80 : i32
    %barrier3A_9 = arith.constant 0 : index
    tpu.barrier barrier_id(%barrier3A_9)
    "tpu.region"() ({
      %run_scoped3A = tpu.sem_alloc : memref<!tpu.dma_semaphore, #tpu.memory_space<semaphore_mem>>
      %dma_start3A = arith.constant 0 : i32
      %dma_start3A_10 = tpu.memref_slice %arg5[%arg0, %mul3A_2, %dma_start3A] : memref<2x10112x128xf32, #tpu.memory_space<hbm>> -> memref<1x632x128xf32, #tpu.memory_space<hbm>>
      %dma_start3A_11 = tpu.memref_squeeze %dma_start3A_10 : memref<1x632x128xf32, #tpu.memory_space<hbm>> -> memref<632x128xf32, #tpu.memory_space<hbm>>
      %dma_start3A_12 = arith.constant 0 : i32
      %dma_start3A_13 = tpu.memref_slice %arg8[%mul3A_2, %dma_start3A_12] : memref<10112x128xf32, #tpu.memory_space<vmem_shared>> -> memref<632x128xf32, #tpu.memory_space<vmem_shared>>
      tpu.enqueue_dma source(%dma_start3A_13 : memref<632x128xf32, #tpu.memory_space<vmem_shared>>) target(%dma_start3A_11 : memref<632x128xf32, #tpu.memory_space<hbm>>) target_semaphore(%run_scoped3A : memref<!tpu.dma_semaphore, #tpu.memory_space<semaphore_mem>>)
      %dma_wait3A = arith.constant 0 : i32
      %dma_wait3A_14 = tpu.memref_slice %arg5[%arg0, %mul3A_2, %dma_wait3A] : memref<2x10112x128xf32, #tpu.memory_space<hbm>> -> memref<1x632x128xf32, #tpu.memory_space<hbm>>
      %dma_wait3A_15 = tpu.memref_squeeze %dma_wait3A_14 : memref<1x632x128xf32, #tpu.memory_space<hbm>> -> memref<632x128xf32, #tpu.memory_space<hbm>>
      %dma_wait3A_16 = arith.constant 0 : i32
      %dma_wait3A_17 = tpu.memref_slice %arg8[%mul3A_2, %dma_wait3A_16] : memref<10112x128xf32, #tpu.memory_space<vmem_shared>> -> memref<632x128xf32, #tpu.memory_space<vmem_shared>>
      tpu.wait_dma2 semaphore(%run_scoped3A : memref<!tpu.dma_semaphore, #tpu.memory_space<semaphore_mem>>) src(%dma_wait3A_17 : memref<632x128xf32, #tpu.memory_space<vmem_shared>>) dst(%dma_wait3A_15 : memref<632x128xf32, #tpu.memory_space<hbm>>)
      tpu.yield
    }) : () -> ()
    return
  }
}

#map = affine_map<(d0, d1) -> (0, 0)>
#map1 = affine_map<(d0, d1) -> (0, 0, 0)>
module attributes {stable_mosaic.version = 14 : i64} {
  func.func @_sc_agg_body(%arg0: i32, %arg1: i32, %arg2: memref<10000x128xf32, #tpu.memory_space<hbm>>, %arg3: memref<320x8x128xi32, #tpu.memory_space<hbm>>, %arg4: memref<320x8x128xi32, #tpu.memory_space<hbm>>, %arg5: memref<632x128xf32, #tpu.memory_space<hbm>>, %arg6: memref<2x10112x128xf32, #tpu.memory_space<hbm>>, %arg7: memref<2x8x128xi32, #tpu.memory_space<vmem>>, %arg8: memref<2x8x128xi32, #tpu.memory_space<vmem>>, %arg9: memref<2x128x128xf32, #tpu.memory_space<vmem>>, %arg10: memref<10112x128xf32, #tpu.memory_space<vmem_shared>>, %arg11: memref<!tpu.dma_semaphore, #tpu.memory_space<semaphore_mem>>) attributes {dimension_semantics = [#tpu.dimension_semantics<core_parallel>, #tpu.dimension_semantics<subcore_parallel>], iteration_bounds = array<i64: 2, 16>, scalar_prefetch = 0 : i64, scratch_operands = 5 : i64, tpu.core_type = #tpu.core_type<sc_vector_subcore>, window_params = [{transform_indices = #map}, {transform_indices = #map1}, {transform_indices = #map1}, {transform_indices = #map}, {transform_indices = #map1}]} {
    %mul3A = arith.constant 632 : i32
    %mul3A_0 = arith.muli %arg1, %mul3A : i32
    %eq3A = arith.constant 1 : i32
    %eq3A_1 = arith.cmpi eq, %arg0, %eq3A : i32
    %jit3A = arith.constant 144 : i32
    %jit3A_2 = arith.constant 16 : i32
    %select_n3A = arith.select %eq3A_1, %jit3A, %jit3A_2 : i32
    %eq3A_3 = arith.constant 1 : i32
    %eq3A_4 = arith.cmpi eq, %arg0, %eq3A_3 : i32
    %jit3A_5 = arith.constant 0 : i32
    %jit3A_6 = arith.constant 2304 : i32
    %select_n3A_7 = arith.select %eq3A_4, %jit3A_5, %jit3A_6 : i32
    %mul3A_8 = arith.muli %arg1, %select_n3A : i32
    %add3A = arith.addi %select_n3A_7, %mul3A_8 : i32
    %jit3A_9 = arith.constant 8 : i32
    %div3A = arith.divsi %add3A, %jit3A_9 : i32
    %sign3A = arith.constant 0 : i32
    %sign3A_10 = arith.cmpi sgt, %add3A, %sign3A : i32
    %sign3A_11 = arith.extui %sign3A_10 : i1 to i32
    %sign3A_12 = arith.constant 0 : i32
    %sign3A_13 = arith.cmpi slt, %add3A, %sign3A_12 : i32
    %sign3A_14 = arith.extui %sign3A_13 : i1 to i32
    %sign3A_15 = arith.subi %sign3A_11, %sign3A_14 : i32
    %sign3A_16 = arith.constant 0 : i32
    %sign3A_17 = arith.cmpi sgt, %jit3A_9, %sign3A_16 : i32
    %sign3A_18 = arith.extui %sign3A_17 : i1 to i32
    %sign3A_19 = arith.constant 0 : i32
    %sign3A_20 = arith.cmpi slt, %jit3A_9, %sign3A_19 : i32
    %sign3A_21 = arith.extui %sign3A_20 : i1 to i32
    %sign3A_22 = arith.subi %sign3A_18, %sign3A_21 : i32
    %ne3A = arith.cmpi ne, %sign3A_15, %sign3A_22 : i32
    %rem3A = arith.remsi %add3A, %jit3A_9 : i32
    %ne3A_23 = arith.constant 0 : i32
    %ne3A_24 = arith.cmpi ne, %rem3A, %ne3A_23 : i32
    %and3A = arith.andi %ne3A, %ne3A_24 : i1
    %sub3A = arith.constant 1 : i32
    %sub3A_25 = arith.subi %div3A, %sub3A : i32
    %select_n3A_26 = arith.select %and3A, %sub3A_25, %div3A : i32
    %min3A = arith.constant 319 : i32
    %min3A_27 = arith.minsi %select_n3A_26, %min3A : i32
    %jit3A_28 = arith.constant 8 : i32
    %div3A_29 = arith.divsi %select_n3A, %jit3A_28 : i32
    %sign3A_30 = arith.constant 0 : i32
    %sign3A_31 = arith.cmpi sgt, %select_n3A, %sign3A_30 : i32
    %sign3A_32 = arith.extui %sign3A_31 : i1 to i32
    %sign3A_33 = arith.constant 0 : i32
    %sign3A_34 = arith.cmpi slt, %select_n3A, %sign3A_33 : i32
    %sign3A_35 = arith.extui %sign3A_34 : i1 to i32
    %sign3A_36 = arith.subi %sign3A_32, %sign3A_35 : i32
    %sign3A_37 = arith.constant 0 : i32
    %sign3A_38 = arith.cmpi sgt, %jit3A_28, %sign3A_37 : i32
    %sign3A_39 = arith.extui %sign3A_38 : i1 to i32
    %sign3A_40 = arith.constant 0 : i32
    %sign3A_41 = arith.cmpi slt, %jit3A_28, %sign3A_40 : i32
    %sign3A_42 = arith.extui %sign3A_41 : i1 to i32
    %sign3A_43 = arith.subi %sign3A_39, %sign3A_42 : i32
    %ne3A_44 = arith.cmpi ne, %sign3A_36, %sign3A_43 : i32
    %rem3A_45 = arith.remsi %select_n3A, %jit3A_28 : i32
    %ne3A_46 = arith.constant 0 : i32
    %ne3A_47 = arith.cmpi ne, %rem3A_45, %ne3A_46 : i32
    %and3A_48 = arith.andi %ne3A_44, %ne3A_47 : i1
    %sub3A_49 = arith.constant 1 : i32
    %sub3A_50 = arith.subi %div3A_29, %sub3A_49 : i32
    %select_n3A_51 = arith.select %and3A_48, %sub3A_50, %div3A_29 : i32
    "tpu.region"() ({
      %run_scoped3A_67 = tpu.sem_alloc : memref<!tpu.dma_semaphore, #tpu.memory_space<semaphore_mem>>
      %dma_start3A = arith.constant 0 : i32
      %dma_start3A_68 = tpu.memref_slice %arg10[%mul3A_0, %dma_start3A] : memref<10112x128xf32, #tpu.memory_space<vmem_shared>> -> memref<632x128xf32, #tpu.memory_space<vmem_shared>>
      tpu.enqueue_dma source(%arg5 : memref<632x128xf32, #tpu.memory_space<hbm>>) target(%dma_start3A_68 : memref<632x128xf32, #tpu.memory_space<vmem_shared>>) target_semaphore(%run_scoped3A_67 : memref<!tpu.dma_semaphore, #tpu.memory_space<semaphore_mem>>)
      %dma_wait3A = arith.constant 0 : i32
      %dma_wait3A_69 = tpu.memref_slice %arg10[%mul3A_0, %dma_wait3A] : memref<10112x128xf32, #tpu.memory_space<vmem_shared>> -> memref<632x128xf32, #tpu.memory_space<vmem_shared>>
      tpu.wait_dma2 semaphore(%run_scoped3A_67 : memref<!tpu.dma_semaphore, #tpu.memory_space<semaphore_mem>>) src(%arg5 : memref<632x128xf32, #tpu.memory_space<hbm>>) dst(%dma_wait3A_69 : memref<632x128xf32, #tpu.memory_space<vmem_shared>>)
      tpu.yield
    }) : () -> ()
    %run_scoped3A = arith.constant 0 : i32
    "tpu.region"() ({
      %run_scoped3A_67 = tpu.sem_alloc : memref<!tpu.dma_semaphore, #tpu.memory_space<semaphore_mem>>
      %dma_start3A = arith.constant 0 : i32
      %dma_start3A_68 = arith.constant 0 : i32
      %dma_start3A_69 = tpu.memref_slice %arg7[%run_scoped3A, %dma_start3A, %dma_start3A_68] : memref<2x8x128xi32, #tpu.memory_space<vmem>> -> memref<1x8x128xi32, #tpu.memory_space<vmem>>
      %dma_start3A_70 = tpu.memref_squeeze %dma_start3A_69 : memref<1x8x128xi32, #tpu.memory_space<vmem>> -> memref<8x128xi32, #tpu.memory_space<vmem>>
      %dma_start3A_71 = arith.constant 0 : i32
      %dma_start3A_72 = arith.constant 0 : i32
      %dma_start3A_73 = tpu.memref_slice %arg3[%min3A_27, %dma_start3A_71, %dma_start3A_72] : memref<320x8x128xi32, #tpu.memory_space<hbm>> -> memref<1x8x128xi32, #tpu.memory_space<hbm>>
      %dma_start3A_74 = tpu.memref_squeeze %dma_start3A_73 : memref<1x8x128xi32, #tpu.memory_space<hbm>> -> memref<8x128xi32, #tpu.memory_space<hbm>>
      %dma_start3A_75 = arith.constant 0 : i32
      %dma_start3A_76 = arith.constant 0 : i32
      %dma_start3A_77 = tpu.memref_slice %arg7[%run_scoped3A, %dma_start3A_75, %dma_start3A_76] : memref<2x8x128xi32, #tpu.memory_space<vmem>> -> memref<1x8x128xi32, #tpu.memory_space<vmem>>
      %dma_start3A_78 = tpu.memref_squeeze %dma_start3A_77 : memref<1x8x128xi32, #tpu.memory_space<vmem>> -> memref<8x128xi32, #tpu.memory_space<vmem>>
      %dma_start3A_79 = arith.constant 0 : i32
      %dma_start3A_80 = arith.constant 0 : i32
      %dma_start3A_81 = tpu.memref_slice %arg3[%min3A_27, %dma_start3A_79, %dma_start3A_80] : memref<320x8x128xi32, #tpu.memory_space<hbm>> -> memref<1x8x128xi32, #tpu.memory_space<hbm>>
      %dma_start3A_82 = tpu.memref_squeeze %dma_start3A_81 : memref<1x8x128xi32, #tpu.memory_space<hbm>> -> memref<8x128xi32, #tpu.memory_space<hbm>>
      tpu.enqueue_dma source(%dma_start3A_82 : memref<8x128xi32, #tpu.memory_space<hbm>>) target(%dma_start3A_78 : memref<8x128xi32, #tpu.memory_space<vmem>>) target_semaphore(%run_scoped3A_67 : memref<!tpu.dma_semaphore, #tpu.memory_space<semaphore_mem>>)
      %dma_wait3A = arith.constant 0 : i32
      %dma_wait3A_83 = arith.constant 0 : i32
      %dma_wait3A_84 = tpu.memref_slice %arg7[%run_scoped3A, %dma_wait3A, %dma_wait3A_83] : memref<2x8x128xi32, #tpu.memory_space<vmem>> -> memref<1x8x128xi32, #tpu.memory_space<vmem>>
      %dma_wait3A_85 = tpu.memref_squeeze %dma_wait3A_84 : memref<1x8x128xi32, #tpu.memory_space<vmem>> -> memref<8x128xi32, #tpu.memory_space<vmem>>
      %dma_wait3A_86 = arith.constant 0 : i32
      %dma_wait3A_87 = arith.constant 0 : i32
      %dma_wait3A_88 = tpu.memref_slice %arg3[%min3A_27, %dma_wait3A_86, %dma_wait3A_87] : memref<320x8x128xi32, #tpu.memory_space<hbm>> -> memref<1x8x128xi32, #tpu.memory_space<hbm>>
      %dma_wait3A_89 = tpu.memref_squeeze %dma_wait3A_88 : memref<1x8x128xi32, #tpu.memory_space<hbm>> -> memref<8x128xi32, #tpu.memory_space<hbm>>
      %dma_wait3A_90 = arith.constant 0 : i32
      %dma_wait3A_91 = arith.constant 0 : i32
      %dma_wait3A_92 = tpu.memref_slice %arg7[%run_scoped3A, %dma_wait3A_90, %dma_wait3A_91] : memref<2x8x128xi32, #tpu.memory_space<vmem>> -> memref<1x8x128xi32, #tpu.memory_space<vmem>>
      %dma_wait3A_93 = tpu.memref_squeeze %dma_wait3A_92 : memref<1x8x128xi32, #tpu.memory_space<vmem>> -> memref<8x128xi32, #tpu.memory_space<vmem>>
      %dma_wait3A_94 = arith.constant 0 : i32
      %dma_wait3A_95 = arith.constant 0 : i32
      %dma_wait3A_96 = tpu.memref_slice %arg3[%min3A_27, %dma_wait3A_94, %dma_wait3A_95] : memref<320x8x128xi32, #tpu.memory_space<hbm>> -> memref<1x8x128xi32, #tpu.memory_space<hbm>>
      %dma_wait3A_97 = tpu.memref_squeeze %dma_wait3A_96 : memref<1x8x128xi32, #tpu.memory_space<hbm>> -> memref<8x128xi32, #tpu.memory_space<hbm>>
      tpu.wait_dma2 semaphore(%run_scoped3A_67 : memref<!tpu.dma_semaphore, #tpu.memory_space<semaphore_mem>>) src(%dma_wait3A_97 : memref<8x128xi32, #tpu.memory_space<hbm>>) dst(%dma_wait3A_93 : memref<8x128xi32, #tpu.memory_space<vmem>>)
      tpu.yield
    }) : () -> ()
    %run_scoped3A_52 = arith.constant 0 : i32
    "tpu.region"() ({
      %run_scoped3A_67 = tpu.sem_alloc : memref<!tpu.dma_semaphore, #tpu.memory_space<semaphore_mem>>
      %dma_start3A = arith.constant 0 : i32
      %dma_start3A_68 = arith.constant 0 : i32
      %dma_start3A_69 = tpu.memref_slice %arg8[%run_scoped3A_52, %dma_start3A, %dma_start3A_68] : memref<2x8x128xi32, #tpu.memory_space<vmem>> -> memref<1x8x128xi32, #tpu.memory_space<vmem>>
      %dma_start3A_70 = tpu.memref_squeeze %dma_start3A_69 : memref<1x8x128xi32, #tpu.memory_space<vmem>> -> memref<8x128xi32, #tpu.memory_space<vmem>>
      %dma_start3A_71 = arith.constant 0 : i32
      %dma_start3A_72 = arith.constant 0 : i32
      %dma_start3A_73 = tpu.memref_slice %arg4[%min3A_27, %dma_start3A_71, %dma_start3A_72] : memref<320x8x128xi32, #tpu.memory_space<hbm>> -> memref<1x8x128xi32, #tpu.memory_space<hbm>>
      %dma_start3A_74 = tpu.memref_squeeze %dma_start3A_73 : memref<1x8x128xi32, #tpu.memory_space<hbm>> -> memref<8x128xi32, #tpu.memory_space<hbm>>
      %dma_start3A_75 = arith.constant 0 : i32
      %dma_start3A_76 = arith.constant 0 : i32
      %dma_start3A_77 = tpu.memref_slice %arg8[%run_scoped3A_52, %dma_start3A_75, %dma_start3A_76] : memref<2x8x128xi32, #tpu.memory_space<vmem>> -> memref<1x8x128xi32, #tpu.memory_space<vmem>>
      %dma_start3A_78 = tpu.memref_squeeze %dma_start3A_77 : memref<1x8x128xi32, #tpu.memory_space<vmem>> -> memref<8x128xi32, #tpu.memory_space<vmem>>
      %dma_start3A_79 = arith.constant 0 : i32
      %dma_start3A_80 = arith.constant 0 : i32
      %dma_start3A_81 = tpu.memref_slice %arg4[%min3A_27, %dma_start3A_79, %dma_start3A_80] : memref<320x8x128xi32, #tpu.memory_space<hbm>> -> memref<1x8x128xi32, #tpu.memory_space<hbm>>
      %dma_start3A_82 = tpu.memref_squeeze %dma_start3A_81 : memref<1x8x128xi32, #tpu.memory_space<hbm>> -> memref<8x128xi32, #tpu.memory_space<hbm>>
      tpu.enqueue_dma source(%dma_start3A_82 : memref<8x128xi32, #tpu.memory_space<hbm>>) target(%dma_start3A_78 : memref<8x128xi32, #tpu.memory_space<vmem>>) target_semaphore(%run_scoped3A_67 : memref<!tpu.dma_semaphore, #tpu.memory_space<semaphore_mem>>)
      %dma_wait3A = arith.constant 0 : i32
      %dma_wait3A_83 = arith.constant 0 : i32
      %dma_wait3A_84 = tpu.memref_slice %arg8[%run_scoped3A_52, %dma_wait3A, %dma_wait3A_83] : memref<2x8x128xi32, #tpu.memory_space<vmem>> -> memref<1x8x128xi32, #tpu.memory_space<vmem>>
      %dma_wait3A_85 = tpu.memref_squeeze %dma_wait3A_84 : memref<1x8x128xi32, #tpu.memory_space<vmem>> -> memref<8x128xi32, #tpu.memory_space<vmem>>
      %dma_wait3A_86 = arith.constant 0 : i32
      %dma_wait3A_87 = arith.constant 0 : i32
      %dma_wait3A_88 = tpu.memref_slice %arg4[%min3A_27, %dma_wait3A_86, %dma_wait3A_87] : memref<320x8x128xi32, #tpu.memory_space<hbm>> -> memref<1x8x128xi32, #tpu.memory_space<hbm>>
      %dma_wait3A_89 = tpu.memref_squeeze %dma_wait3A_88 : memref<1x8x128xi32, #tpu.memory_space<hbm>> -> memref<8x128xi32, #tpu.memory_space<hbm>>
      %dma_wait3A_90 = arith.constant 0 : i32
      %dma_wait3A_91 = arith.constant 0 : i32
      %dma_wait3A_92 = tpu.memref_slice %arg8[%run_scoped3A_52, %dma_wait3A_90, %dma_wait3A_91] : memref<2x8x128xi32, #tpu.memory_space<vmem>> -> memref<1x8x128xi32, #tpu.memory_space<vmem>>
      %dma_wait3A_93 = tpu.memref_squeeze %dma_wait3A_92 : memref<1x8x128xi32, #tpu.memory_space<vmem>> -> memref<8x128xi32, #tpu.memory_space<vmem>>
      %dma_wait3A_94 = arith.constant 0 : i32
      %dma_wait3A_95 = arith.constant 0 : i32
      %dma_wait3A_96 = tpu.memref_slice %arg4[%min3A_27, %dma_wait3A_94, %dma_wait3A_95] : memref<320x8x128xi32, #tpu.memory_space<hbm>> -> memref<1x8x128xi32, #tpu.memory_space<hbm>>
      %dma_wait3A_97 = tpu.memref_squeeze %dma_wait3A_96 : memref<1x8x128xi32, #tpu.memory_space<hbm>> -> memref<8x128xi32, #tpu.memory_space<hbm>>
      tpu.wait_dma2 semaphore(%run_scoped3A_67 : memref<!tpu.dma_semaphore, #tpu.memory_space<semaphore_mem>>) src(%dma_wait3A_97 : memref<8x128xi32, #tpu.memory_space<hbm>>) dst(%dma_wait3A_93 : memref<8x128xi32, #tpu.memory_space<vmem>>)
      tpu.yield
    }) : () -> ()
    %barrier3A = arith.constant 0 : index
    tpu.barrier barrier_id(%barrier3A)
    %gt3A = arith.constant 0 : i32
    %gt3A_53 = arith.cmpi sgt, %select_n3A, %gt3A : i32
    %convert_element_type3A = arith.extui %gt3A_53 : i1 to i32
    %cond3A = arith.constant 0 : i32
    %cond3A_54 = arith.cmpi ne, %convert_element_type3A, %cond3A : i32
    scf.if %cond3A_54 {
      %dma_start3A = arith.constant 0 : i32
      %dma_start3A_67 = arith.constant 0 : i32
      %dma_start3A_68 = arith.constant 0 : i32
      %dma_start3A_69 = arith.constant 0 : i32
      %dma_start3A_70 = arith.constant 0 : i32
      %dma_start3A_71 = tpu.memref_slice %arg9[%dma_start3A_68, %dma_start3A_69, %dma_start3A_70] : memref<2x128x128xf32, #tpu.memory_space<vmem>> -> memref<1x128x128xf32, #tpu.memory_space<vmem>>
      %dma_start3A_72 = tpu.memref_squeeze %dma_start3A_71 : memref<1x128x128xf32, #tpu.memory_space<vmem>> -> memref<128x128xf32, #tpu.memory_space<vmem>>
      %dma_start3A_73 = arith.constant 0 : i32
      %dma_start3A_74 = tpu.memref_slice %arg7[%dma_start3A, %dma_start3A_67, %dma_start3A_73] : memref<2x8x128xi32, #tpu.memory_space<vmem>> -> memref<1x1x128xi32, #tpu.memory_space<vmem>>
      %dma_start3A_75 = tpu.memref_squeeze %dma_start3A_74 : memref<1x1x128xi32, #tpu.memory_space<vmem>> -> memref<128xi32, #tpu.memory_space<vmem>>
      %dma_start3A_76 = arith.constant 0 : i32
      %dma_start3A_77 = arith.constant 0 : i32
      %dma_start3A_78 = tpu.memref_slice %arg2[%dma_start3A_76, %dma_start3A_77] : memref<10000x128xf32, #tpu.memory_space<hbm>> -> memref<10000x128xf32, #tpu.memory_space<hbm>>
      tpu.enqueue_indirect_dma source(%dma_start3A_78 : memref<10000x128xf32, #tpu.memory_space<hbm>>) target(%dma_start3A_72 : memref<128x128xf32, #tpu.memory_space<vmem>>) offsets(%dma_start3A_75 : memref<128xi32, #tpu.memory_space<vmem>>) semaphore(%arg11 : memref<!tpu.dma_semaphore, #tpu.memory_space<semaphore_mem>>)
    } else {
    }
    %while3A = arith.constant 0 : i32
    %while3A_55 = arith.constant 0 : i32
    %while3A_56 = arith.subi %select_n3A_51, %while3A : i32
    %while3A_57 = arith.addi %while3A, %while3A_56 : i32
    %while3A_58 = arith.constant 1 : i32
    %while3A_59 = arith.divsi %while3A_56, %while3A_58 : i32
    %while3A_60 = arith.muli %while3A_59, %while3A_58 : i32
    %while3A_61 = arith.addi %while3A, %while3A_60 : i32
    %while3A_62 = arith.constant 1 : i32
    %while3A_63 = scf.for %while3A_67 = %while3A to %while3A_61 step %while3A_62 iter_args(%while3A_68 = %while3A_55) -> (i32)  : i32 {
      %rem3A_69 = arith.constant 2 : i32
      %rem3A_70 = arith.remsi %while3A_67, %rem3A_69 : i32
      %add3A_71 = arith.constant 1 : i32
      %add3A_72 = arith.addi %while3A_67, %add3A_71 : i32
      %rem3A_73 = arith.constant 2 : i32
      %rem3A_74 = arith.remsi %add3A_72, %rem3A_73 : i32
      %add3A_75 = arith.constant 1 : i32
      %add3A_76 = arith.addi %while3A_67, %add3A_75 : i32
      %lt3A = arith.cmpi slt, %add3A_76, %select_n3A_51 : i32
      %convert_element_type3A_77 = arith.extui %lt3A : i1 to i32
      %cond3A_78 = arith.constant 0 : i32
      %cond3A_79 = arith.cmpi ne, %convert_element_type3A_77, %cond3A_78 : i32
      scf.if %cond3A_79 {
        %add3A_272 = arith.addi %min3A_27, %while3A_67 : i32
        %add3A_273 = arith.constant 1 : i32
        %add3A_274 = arith.addi %add3A_272, %add3A_273 : i32
        "tpu.region"() ({
          %run_scoped3A_278 = tpu.sem_alloc : memref<!tpu.dma_semaphore, #tpu.memory_space<semaphore_mem>>
          %dma_start3A = arith.constant 0 : i32
          %dma_start3A_279 = arith.constant 0 : i32
          %dma_start3A_280 = tpu.memref_slice %arg7[%rem3A_74, %dma_start3A, %dma_start3A_279] : memref<2x8x128xi32, #tpu.memory_space<vmem>> -> memref<1x8x128xi32, #tpu.memory_space<vmem>>
          %dma_start3A_281 = tpu.memref_squeeze %dma_start3A_280 : memref<1x8x128xi32, #tpu.memory_space<vmem>> -> memref<8x128xi32, #tpu.memory_space<vmem>>
          %dma_start3A_282 = arith.constant 0 : i32
          %dma_start3A_283 = arith.constant 0 : i32
          %dma_start3A_284 = tpu.memref_slice %arg3[%add3A_274, %dma_start3A_282, %dma_start3A_283] : memref<320x8x128xi32, #tpu.memory_space<hbm>> -> memref<1x8x128xi32, #tpu.memory_space<hbm>>
          %dma_start3A_285 = tpu.memref_squeeze %dma_start3A_284 : memref<1x8x128xi32, #tpu.memory_space<hbm>> -> memref<8x128xi32, #tpu.memory_space<hbm>>
          %dma_start3A_286 = arith.constant 0 : i32
          %dma_start3A_287 = arith.constant 0 : i32
          %dma_start3A_288 = tpu.memref_slice %arg7[%rem3A_74, %dma_start3A_286, %dma_start3A_287] : memref<2x8x128xi32, #tpu.memory_space<vmem>> -> memref<1x8x128xi32, #tpu.memory_space<vmem>>
          %dma_start3A_289 = tpu.memref_squeeze %dma_start3A_288 : memref<1x8x128xi32, #tpu.memory_space<vmem>> -> memref<8x128xi32, #tpu.memory_space<vmem>>
          %dma_start3A_290 = arith.constant 0 : i32
          %dma_start3A_291 = arith.constant 0 : i32
          %dma_start3A_292 = tpu.memref_slice %arg3[%add3A_274, %dma_start3A_290, %dma_start3A_291] : memref<320x8x128xi32, #tpu.memory_space<hbm>> -> memref<1x8x128xi32, #tpu.memory_space<hbm>>
          %dma_start3A_293 = tpu.memref_squeeze %dma_start3A_292 : memref<1x8x128xi32, #tpu.memory_space<hbm>> -> memref<8x128xi32, #tpu.memory_space<hbm>>
          tpu.enqueue_dma source(%dma_start3A_293 : memref<8x128xi32, #tpu.memory_space<hbm>>) target(%dma_start3A_289 : memref<8x128xi32, #tpu.memory_space<vmem>>) target_semaphore(%run_scoped3A_278 : memref<!tpu.dma_semaphore, #tpu.memory_space<semaphore_mem>>)
          %dma_wait3A_294 = arith.constant 0 : i32
          %dma_wait3A_295 = arith.constant 0 : i32
          %dma_wait3A_296 = tpu.memref_slice %arg7[%rem3A_74, %dma_wait3A_294, %dma_wait3A_295] : memref<2x8x128xi32, #tpu.memory_space<vmem>> -> memref<1x8x128xi32, #tpu.memory_space<vmem>>
          %dma_wait3A_297 = tpu.memref_squeeze %dma_wait3A_296 : memref<1x8x128xi32, #tpu.memory_space<vmem>> -> memref<8x128xi32, #tpu.memory_space<vmem>>
          %dma_wait3A_298 = arith.constant 0 : i32
          %dma_wait3A_299 = arith.constant 0 : i32
          %dma_wait3A_300 = tpu.memref_slice %arg3[%add3A_274, %dma_wait3A_298, %dma_wait3A_299] : memref<320x8x128xi32, #tpu.memory_space<hbm>> -> memref<1x8x128xi32, #tpu.memory_space<hbm>>
          %dma_wait3A_301 = tpu.memref_squeeze %dma_wait3A_300 : memref<1x8x128xi32, #tpu.memory_space<hbm>> -> memref<8x128xi32, #tpu.memory_space<hbm>>
          %dma_wait3A_302 = arith.constant 0 : i32
          %dma_wait3A_303 = arith.constant 0 : i32
          %dma_wait3A_304 = tpu.memref_slice %arg7[%rem3A_74, %dma_wait3A_302, %dma_wait3A_303] : memref<2x8x128xi32, #tpu.memory_space<vmem>> -> memref<1x8x128xi32, #tpu.memory_space<vmem>>
          %dma_wait3A_305 = tpu.memref_squeeze %dma_wait3A_304 : memref<1x8x128xi32, #tpu.memory_space<vmem>> -> memref<8x128xi32, #tpu.memory_space<vmem>>
          %dma_wait3A_306 = arith.constant 0 : i32
          %dma_wait3A_307 = arith.constant 0 : i32
          %dma_wait3A_308 = tpu.memref_slice %arg3[%add3A_274, %dma_wait3A_306, %dma_wait3A_307] : memref<320x8x128xi32, #tpu.memory_space<hbm>> -> memref<1x8x128xi32, #tpu.memory_space<hbm>>
          %dma_wait3A_309 = tpu.memref_squeeze %dma_wait3A_308 : memref<1x8x128xi32, #tpu.memory_space<hbm>> -> memref<8x128xi32, #tpu.memory_space<hbm>>
          tpu.wait_dma2 semaphore(%run_scoped3A_278 : memref<!tpu.dma_semaphore, #tpu.memory_space<semaphore_mem>>) src(%dma_wait3A_309 : memref<8x128xi32, #tpu.memory_space<hbm>>) dst(%dma_wait3A_305 : memref<8x128xi32, #tpu.memory_space<vmem>>)
          tpu.yield
        }) : () -> ()
        %add3A_275 = arith.addi %min3A_27, %while3A_67 : i32
        %add3A_276 = arith.constant 1 : i32
        %add3A_277 = arith.addi %add3A_275, %add3A_276 : i32
        "tpu.region"() ({
          %run_scoped3A_278 = tpu.sem_alloc : memref<!tpu.dma_semaphore, #tpu.memory_space<semaphore_mem>>
          %dma_start3A = arith.constant 0 : i32
          %dma_start3A_279 = arith.constant 0 : i32
          %dma_start3A_280 = tpu.memref_slice %arg8[%rem3A_74, %dma_start3A, %dma_start3A_279] : memref<2x8x128xi32, #tpu.memory_space<vmem>> -> memref<1x8x128xi32, #tpu.memory_space<vmem>>
          %dma_start3A_281 = tpu.memref_squeeze %dma_start3A_280 : memref<1x8x128xi32, #tpu.memory_space<vmem>> -> memref<8x128xi32, #tpu.memory_space<vmem>>
          %dma_start3A_282 = arith.constant 0 : i32
          %dma_start3A_283 = arith.constant 0 : i32
          %dma_start3A_284 = tpu.memref_slice %arg4[%add3A_277, %dma_start3A_282, %dma_start3A_283] : memref<320x8x128xi32, #tpu.memory_space<hbm>> -> memref<1x8x128xi32, #tpu.memory_space<hbm>>
          %dma_start3A_285 = tpu.memref_squeeze %dma_start3A_284 : memref<1x8x128xi32, #tpu.memory_space<hbm>> -> memref<8x128xi32, #tpu.memory_space<hbm>>
          %dma_start3A_286 = arith.constant 0 : i32
          %dma_start3A_287 = arith.constant 0 : i32
          %dma_start3A_288 = tpu.memref_slice %arg8[%rem3A_74, %dma_start3A_286, %dma_start3A_287] : memref<2x8x128xi32, #tpu.memory_space<vmem>> -> memref<1x8x128xi32, #tpu.memory_space<vmem>>
          %dma_start3A_289 = tpu.memref_squeeze %dma_start3A_288 : memref<1x8x128xi32, #tpu.memory_space<vmem>> -> memref<8x128xi32, #tpu.memory_space<vmem>>
          %dma_start3A_290 = arith.constant 0 : i32
          %dma_start3A_291 = arith.constant 0 : i32
          %dma_start3A_292 = tpu.memref_slice %arg4[%add3A_277, %dma_start3A_290, %dma_start3A_291] : memref<320x8x128xi32, #tpu.memory_space<hbm>> -> memref<1x8x128xi32, #tpu.memory_space<hbm>>
          %dma_start3A_293 = tpu.memref_squeeze %dma_start3A_292 : memref<1x8x128xi32, #tpu.memory_space<hbm>> -> memref<8x128xi32, #tpu.memory_space<hbm>>
          tpu.enqueue_dma source(%dma_start3A_293 : memref<8x128xi32, #tpu.memory_space<hbm>>) target(%dma_start3A_289 : memref<8x128xi32, #tpu.memory_space<vmem>>) target_semaphore(%run_scoped3A_278 : memref<!tpu.dma_semaphore, #tpu.memory_space<semaphore_mem>>)
          %dma_wait3A_294 = arith.constant 0 : i32
          %dma_wait3A_295 = arith.constant 0 : i32
          %dma_wait3A_296 = tpu.memref_slice %arg8[%rem3A_74, %dma_wait3A_294, %dma_wait3A_295] : memref<2x8x128xi32, #tpu.memory_space<vmem>> -> memref<1x8x128xi32, #tpu.memory_space<vmem>>
          %dma_wait3A_297 = tpu.memref_squeeze %dma_wait3A_296 : memref<1x8x128xi32, #tpu.memory_space<vmem>> -> memref<8x128xi32, #tpu.memory_space<vmem>>
          %dma_wait3A_298 = arith.constant 0 : i32
          %dma_wait3A_299 = arith.constant 0 : i32
          %dma_wait3A_300 = tpu.memref_slice %arg4[%add3A_277, %dma_wait3A_298, %dma_wait3A_299] : memref<320x8x128xi32, #tpu.memory_space<hbm>> -> memref<1x8x128xi32, #tpu.memory_space<hbm>>
          %dma_wait3A_301 = tpu.memref_squeeze %dma_wait3A_300 : memref<1x8x128xi32, #tpu.memory_space<hbm>> -> memref<8x128xi32, #tpu.memory_space<hbm>>
          %dma_wait3A_302 = arith.constant 0 : i32
          %dma_wait3A_303 = arith.constant 0 : i32
          %dma_wait3A_304 = tpu.memref_slice %arg8[%rem3A_74, %dma_wait3A_302, %dma_wait3A_303] : memref<2x8x128xi32, #tpu.memory_space<vmem>> -> memref<1x8x128xi32, #tpu.memory_space<vmem>>
          %dma_wait3A_305 = tpu.memref_squeeze %dma_wait3A_304 : memref<1x8x128xi32, #tpu.memory_space<vmem>> -> memref<8x128xi32, #tpu.memory_space<vmem>>
          %dma_wait3A_306 = arith.constant 0 : i32
          %dma_wait3A_307 = arith.constant 0 : i32
          %dma_wait3A_308 = tpu.memref_slice %arg4[%add3A_277, %dma_wait3A_306, %dma_wait3A_307] : memref<320x8x128xi32, #tpu.memory_space<hbm>> -> memref<1x8x128xi32, #tpu.memory_space<hbm>>
          %dma_wait3A_309 = tpu.memref_squeeze %dma_wait3A_308 : memref<1x8x128xi32, #tpu.memory_space<hbm>> -> memref<8x128xi32, #tpu.memory_space<hbm>>
          tpu.wait_dma2 semaphore(%run_scoped3A_278 : memref<!tpu.dma_semaphore, #tpu.memory_space<semaphore_mem>>) src(%dma_wait3A_309 : memref<8x128xi32, #tpu.memory_space<hbm>>) dst(%dma_wait3A_305 : memref<8x128xi32, #tpu.memory_space<vmem>>)
          tpu.yield
        }) : () -> ()
      } else {
      }
      %mul3A_80 = arith.constant 8 : i32
      %mul3A_81 = arith.muli %while3A_67, %mul3A_80 : i32
      %add3A_82 = arith.constant 0 : i32
      %add3A_83 = arith.addi %mul3A_81, %add3A_82 : i32
      %add3A_84 = arith.constant 1 : i32
      %add3A_85 = arith.addi %add3A_83, %add3A_84 : i32
      %lt3A_86 = arith.cmpi slt, %add3A_85, %select_n3A : i32
      %convert_element_type3A_87 = arith.extui %lt3A_86 : i1 to i32
      %cond3A_88 = arith.constant 0 : i32
      %cond3A_89 = arith.cmpi ne, %convert_element_type3A_87, %cond3A_88 : i32
      scf.if %cond3A_89 {
        %dma_start3A = arith.constant 1 : i32
        %dma_start3A_272 = arith.constant 1 : i32
        %dma_start3A_273 = arith.constant 0 : i32
        %dma_start3A_274 = arith.constant 0 : i32
        %dma_start3A_275 = tpu.memref_slice %arg9[%dma_start3A_272, %dma_start3A_273, %dma_start3A_274] : memref<2x128x128xf32, #tpu.memory_space<vmem>> -> memref<1x128x128xf32, #tpu.memory_space<vmem>>
        %dma_start3A_276 = tpu.memref_squeeze %dma_start3A_275 : memref<1x128x128xf32, #tpu.memory_space<vmem>> -> memref<128x128xf32, #tpu.memory_space<vmem>>
        %dma_start3A_277 = arith.constant 0 : i32
        %dma_start3A_278 = tpu.memref_slice %arg7[%rem3A_70, %dma_start3A, %dma_start3A_277] : memref<2x8x128xi32, #tpu.memory_space<vmem>> -> memref<1x1x128xi32, #tpu.memory_space<vmem>>
        %dma_start3A_279 = tpu.memref_squeeze %dma_start3A_278 : memref<1x1x128xi32, #tpu.memory_space<vmem>> -> memref<128xi32, #tpu.memory_space<vmem>>
        %dma_start3A_280 = arith.constant 0 : i32
        %dma_start3A_281 = arith.constant 0 : i32
        %dma_start3A_282 = tpu.memref_slice %arg2[%dma_start3A_280, %dma_start3A_281] : memref<10000x128xf32, #tpu.memory_space<hbm>> -> memref<10000x128xf32, #tpu.memory_space<hbm>>
        tpu.enqueue_indirect_dma source(%dma_start3A_282 : memref<10000x128xf32, #tpu.memory_space<hbm>>) target(%dma_start3A_276 : memref<128x128xf32, #tpu.memory_space<vmem>>) offsets(%dma_start3A_279 : memref<128xi32, #tpu.memory_space<vmem>>) semaphore(%arg11 : memref<!tpu.dma_semaphore, #tpu.memory_space<semaphore_mem>>)
      } else {
      }
      %dma_wait3A = arith.constant 0 : i32
      %dma_wait3A_90 = arith.constant 0 : i32
      %dma_wait3A_91 = arith.constant 0 : i32
      %dma_wait3A_92 = arith.constant 0 : i32
      %dma_wait3A_93 = tpu.memref_slice %arg9[%dma_wait3A_90, %dma_wait3A_91, %dma_wait3A_92] : memref<2x128x128xf32, #tpu.memory_space<vmem>> -> memref<1x128x128xf32, #tpu.memory_space<vmem>>
      %dma_wait3A_94 = tpu.memref_squeeze %dma_wait3A_93 : memref<1x128x128xf32, #tpu.memory_space<vmem>> -> memref<128x128xf32, #tpu.memory_space<vmem>>
      %dma_wait3A_95 = arith.constant 0 : i32
      %dma_wait3A_96 = tpu.memref_slice %arg7[%rem3A_70, %dma_wait3A, %dma_wait3A_95] : memref<2x8x128xi32, #tpu.memory_space<vmem>> -> memref<1x1x128xi32, #tpu.memory_space<vmem>>
      %dma_wait3A_97 = tpu.memref_squeeze %dma_wait3A_96 : memref<1x1x128xi32, #tpu.memory_space<vmem>> -> memref<128xi32, #tpu.memory_space<vmem>>
      %dma_wait3A_98 = arith.constant 0 : i32
      %dma_wait3A_99 = arith.constant 0 : i32
      %dma_wait3A_100 = tpu.memref_slice %arg2[%dma_wait3A_98, %dma_wait3A_99] : memref<10000x128xf32, #tpu.memory_space<hbm>> -> memref<10000x128xf32, #tpu.memory_space<hbm>>
      tpu.wait_indirect_dma semaphore(%arg11 : memref<!tpu.dma_semaphore, #tpu.memory_space<semaphore_mem>>) src(%dma_wait3A_100 : memref<10000x128xf32, #tpu.memory_space<hbm>>) dst(%dma_wait3A_94 : memref<128x128xf32, #tpu.memory_space<vmem>>)
      %run_scoped3A_101 = arith.constant 0 : i32
      %run_scoped3A_102 = arith.constant 0 : i32
      "tpu.region"() ({
        %run_scoped3A_272 = tpu.sem_alloc : memref<!tpu.dma_semaphore, #tpu.memory_space<semaphore_mem>>
        %dma_start3A = arith.constant 0 : i32
        %dma_start3A_273 = arith.constant 0 : i32
        %dma_start3A_274 = tpu.memref_slice %arg9[%run_scoped3A_101, %dma_start3A, %dma_start3A_273] : memref<2x128x128xf32, #tpu.memory_space<vmem>> -> memref<1x128x128xf32, #tpu.memory_space<vmem>>
        %dma_start3A_275 = tpu.memref_squeeze %dma_start3A_274 : memref<1x128x128xf32, #tpu.memory_space<vmem>> -> memref<128x128xf32, #tpu.memory_space<vmem>>
        %dma_start3A_276 = arith.constant 0 : i32
        %dma_start3A_277 = tpu.memref_slice %arg8[%rem3A_70, %run_scoped3A_102, %dma_start3A_276] : memref<2x8x128xi32, #tpu.memory_space<vmem>> -> memref<1x1x128xi32, #tpu.memory_space<vmem>>
        %dma_start3A_278 = tpu.memref_squeeze %dma_start3A_277 : memref<1x1x128xi32, #tpu.memory_space<vmem>> -> memref<128xi32, #tpu.memory_space<vmem>>
        %dma_start3A_279 = arith.constant 0 : i32
        %dma_start3A_280 = arith.constant 0 : i32
        %dma_start3A_281 = tpu.memref_slice %arg10[%dma_start3A_279, %dma_start3A_280] : memref<10112x128xf32, #tpu.memory_space<vmem_shared>> -> memref<10112x128xf32, #tpu.memory_space<vmem_shared>>
        tpu.enqueue_indirect_dma source(%dma_start3A_275 : memref<128x128xf32, #tpu.memory_space<vmem>>) target(%dma_start3A_281 : memref<10112x128xf32, #tpu.memory_space<vmem_shared>>) offsets(%dma_start3A_278 : memref<128xi32, #tpu.memory_space<vmem>>) semaphore(%run_scoped3A_272 : memref<!tpu.dma_semaphore, #tpu.memory_space<semaphore_mem>>) {add = true}
        %dma_wait3A_282 = arith.constant 0 : i32
        %dma_wait3A_283 = arith.constant 0 : i32
        %dma_wait3A_284 = tpu.memref_slice %arg9[%run_scoped3A_101, %dma_wait3A_282, %dma_wait3A_283] : memref<2x128x128xf32, #tpu.memory_space<vmem>> -> memref<1x128x128xf32, #tpu.memory_space<vmem>>
        %dma_wait3A_285 = tpu.memref_squeeze %dma_wait3A_284 : memref<1x128x128xf32, #tpu.memory_space<vmem>> -> memref<128x128xf32, #tpu.memory_space<vmem>>
        %dma_wait3A_286 = arith.constant 0 : i32
        %dma_wait3A_287 = tpu.memref_slice %arg8[%rem3A_70, %run_scoped3A_102, %dma_wait3A_286] : memref<2x8x128xi32, #tpu.memory_space<vmem>> -> memref<1x1x128xi32, #tpu.memory_space<vmem>>
        %dma_wait3A_288 = tpu.memref_squeeze %dma_wait3A_287 : memref<1x1x128xi32, #tpu.memory_space<vmem>> -> memref<128xi32, #tpu.memory_space<vmem>>
        %dma_wait3A_289 = arith.constant 0 : i32
        %dma_wait3A_290 = arith.constant 0 : i32
        %dma_wait3A_291 = tpu.memref_slice %arg10[%dma_wait3A_289, %dma_wait3A_290] : memref<10112x128xf32, #tpu.memory_space<vmem_shared>> -> memref<10112x128xf32, #tpu.memory_space<vmem_shared>>
        tpu.wait_indirect_dma semaphore(%run_scoped3A_272 : memref<!tpu.dma_semaphore, #tpu.memory_space<semaphore_mem>>) src(%dma_wait3A_285 : memref<128x128xf32, #tpu.memory_space<vmem>>) dst(%dma_wait3A_291 : memref<10112x128xf32, #tpu.memory_space<vmem_shared>>)
        tpu.yield
      }) : () -> ()
      %mul3A_103 = arith.constant 8 : i32
      %mul3A_104 = arith.muli %while3A_67, %mul3A_103 : i32
      %add3A_105 = arith.constant 1 : i32
      %add3A_106 = arith.addi %mul3A_104, %add3A_105 : i32
      %add3A_107 = arith.constant 1 : i32
      %add3A_108 = arith.addi %add3A_106, %add3A_107 : i32
      %lt3A_109 = arith.cmpi slt, %add3A_108, %select_n3A : i32
      %convert_element_type3A_110 = arith.extui %lt3A_109 : i1 to i32
      %cond3A_111 = arith.constant 0 : i32
      %cond3A_112 = arith.cmpi ne, %convert_element_type3A_110, %cond3A_111 : i32
      scf.if %cond3A_112 {
        %dma_start3A = arith.constant 2 : i32
        %dma_start3A_272 = arith.constant 0 : i32
        %dma_start3A_273 = arith.constant 0 : i32
        %dma_start3A_274 = arith.constant 0 : i32
        %dma_start3A_275 = tpu.memref_slice %arg9[%dma_start3A_272, %dma_start3A_273, %dma_start3A_274] : memref<2x128x128xf32, #tpu.memory_space<vmem>> -> memref<1x128x128xf32, #tpu.memory_space<vmem>>
        %dma_start3A_276 = tpu.memref_squeeze %dma_start3A_275 : memref<1x128x128xf32, #tpu.memory_space<vmem>> -> memref<128x128xf32, #tpu.memory_space<vmem>>
        %dma_start3A_277 = arith.constant 0 : i32
        %dma_start3A_278 = tpu.memref_slice %arg7[%rem3A_70, %dma_start3A, %dma_start3A_277] : memref<2x8x128xi32, #tpu.memory_space<vmem>> -> memref<1x1x128xi32, #tpu.memory_space<vmem>>
        %dma_start3A_279 = tpu.memref_squeeze %dma_start3A_278 : memref<1x1x128xi32, #tpu.memory_space<vmem>> -> memref<128xi32, #tpu.memory_space<vmem>>
        %dma_start3A_280 = arith.constant 0 : i32
        %dma_start3A_281 = arith.constant 0 : i32
        %dma_start3A_282 = tpu.memref_slice %arg2[%dma_start3A_280, %dma_start3A_281] : memref<10000x128xf32, #tpu.memory_space<hbm>> -> memref<10000x128xf32, #tpu.memory_space<hbm>>
        tpu.enqueue_indirect_dma source(%dma_start3A_282 : memref<10000x128xf32, #tpu.memory_space<hbm>>) target(%dma_start3A_276 : memref<128x128xf32, #tpu.memory_space<vmem>>) offsets(%dma_start3A_279 : memref<128xi32, #tpu.memory_space<vmem>>) semaphore(%arg11 : memref<!tpu.dma_semaphore, #tpu.memory_space<semaphore_mem>>)
      } else {
      }
      %dma_wait3A_113 = arith.constant 1 : i32
      %dma_wait3A_114 = arith.constant 1 : i32
      %dma_wait3A_115 = arith.constant 0 : i32
      %dma_wait3A_116 = arith.constant 0 : i32
      %dma_wait3A_117 = tpu.memref_slice %arg9[%dma_wait3A_114, %dma_wait3A_115, %dma_wait3A_116] : memref<2x128x128xf32, #tpu.memory_space<vmem>> -> memref<1x128x128xf32, #tpu.memory_space<vmem>>
      %dma_wait3A_118 = tpu.memref_squeeze %dma_wait3A_117 : memref<1x128x128xf32, #tpu.memory_space<vmem>> -> memref<128x128xf32, #tpu.memory_space<vmem>>
      %dma_wait3A_119 = arith.constant 0 : i32
      %dma_wait3A_120 = tpu.memref_slice %arg7[%rem3A_70, %dma_wait3A_113, %dma_wait3A_119] : memref<2x8x128xi32, #tpu.memory_space<vmem>> -> memref<1x1x128xi32, #tpu.memory_space<vmem>>
      %dma_wait3A_121 = tpu.memref_squeeze %dma_wait3A_120 : memref<1x1x128xi32, #tpu.memory_space<vmem>> -> memref<128xi32, #tpu.memory_space<vmem>>
      %dma_wait3A_122 = arith.constant 0 : i32
      %dma_wait3A_123 = arith.constant 0 : i32
      %dma_wait3A_124 = tpu.memref_slice %arg2[%dma_wait3A_122, %dma_wait3A_123] : memref<10000x128xf32, #tpu.memory_space<hbm>> -> memref<10000x128xf32, #tpu.memory_space<hbm>>
      tpu.wait_indirect_dma semaphore(%arg11 : memref<!tpu.dma_semaphore, #tpu.memory_space<semaphore_mem>>) src(%dma_wait3A_124 : memref<10000x128xf32, #tpu.memory_space<hbm>>) dst(%dma_wait3A_118 : memref<128x128xf32, #tpu.memory_space<vmem>>)
      %run_scoped3A_125 = arith.constant 1 : i32
      %run_scoped3A_126 = arith.constant 1 : i32
      "tpu.region"() ({
        %run_scoped3A_272 = tpu.sem_alloc : memref<!tpu.dma_semaphore, #tpu.memory_space<semaphore_mem>>
        %dma_start3A = arith.constant 0 : i32
        %dma_start3A_273 = arith.constant 0 : i32
        %dma_start3A_274 = tpu.memref_slice %arg9[%run_scoped3A_125, %dma_start3A, %dma_start3A_273] : memref<2x128x128xf32, #tpu.memory_space<vmem>> -> memref<1x128x128xf32, #tpu.memory_space<vmem>>
        %dma_start3A_275 = tpu.memref_squeeze %dma_start3A_274 : memref<1x128x128xf32, #tpu.memory_space<vmem>> -> memref<128x128xf32, #tpu.memory_space<vmem>>
        %dma_start3A_276 = arith.constant 0 : i32
        %dma_start3A_277 = tpu.memref_slice %arg8[%rem3A_70, %run_scoped3A_126, %dma_start3A_276] : memref<2x8x128xi32, #tpu.memory_space<vmem>> -> memref<1x1x128xi32, #tpu.memory_space<vmem>>
        %dma_start3A_278 = tpu.memref_squeeze %dma_start3A_277 : memref<1x1x128xi32, #tpu.memory_space<vmem>> -> memref<128xi32, #tpu.memory_space<vmem>>
        %dma_start3A_279 = arith.constant 0 : i32
        %dma_start3A_280 = arith.constant 0 : i32
        %dma_start3A_281 = tpu.memref_slice %arg10[%dma_start3A_279, %dma_start3A_280] : memref<10112x128xf32, #tpu.memory_space<vmem_shared>> -> memref<10112x128xf32, #tpu.memory_space<vmem_shared>>
        tpu.enqueue_indirect_dma source(%dma_start3A_275 : memref<128x128xf32, #tpu.memory_space<vmem>>) target(%dma_start3A_281 : memref<10112x128xf32, #tpu.memory_space<vmem_shared>>) offsets(%dma_start3A_278 : memref<128xi32, #tpu.memory_space<vmem>>) semaphore(%run_scoped3A_272 : memref<!tpu.dma_semaphore, #tpu.memory_space<semaphore_mem>>) {add = true}
        %dma_wait3A_282 = arith.constant 0 : i32
        %dma_wait3A_283 = arith.constant 0 : i32
        %dma_wait3A_284 = tpu.memref_slice %arg9[%run_scoped3A_125, %dma_wait3A_282, %dma_wait3A_283] : memref<2x128x128xf32, #tpu.memory_space<vmem>> -> memref<1x128x128xf32, #tpu.memory_space<vmem>>
        %dma_wait3A_285 = tpu.memref_squeeze %dma_wait3A_284 : memref<1x128x128xf32, #tpu.memory_space<vmem>> -> memref<128x128xf32, #tpu.memory_space<vmem>>
        %dma_wait3A_286 = arith.constant 0 : i32
        %dma_wait3A_287 = tpu.memref_slice %arg8[%rem3A_70, %run_scoped3A_126, %dma_wait3A_286] : memref<2x8x128xi32, #tpu.memory_space<vmem>> -> memref<1x1x128xi32, #tpu.memory_space<vmem>>
        %dma_wait3A_288 = tpu.memref_squeeze %dma_wait3A_287 : memref<1x1x128xi32, #tpu.memory_space<vmem>> -> memref<128xi32, #tpu.memory_space<vmem>>
        %dma_wait3A_289 = arith.constant 0 : i32
        %dma_wait3A_290 = arith.constant 0 : i32
        %dma_wait3A_291 = tpu.memref_slice %arg10[%dma_wait3A_289, %dma_wait3A_290] : memref<10112x128xf32, #tpu.memory_space<vmem_shared>> -> memref<10112x128xf32, #tpu.memory_space<vmem_shared>>
        tpu.wait_indirect_dma semaphore(%run_scoped3A_272 : memref<!tpu.dma_semaphore, #tpu.memory_space<semaphore_mem>>) src(%dma_wait3A_285 : memref<128x128xf32, #tpu.memory_space<vmem>>) dst(%dma_wait3A_291 : memref<10112x128xf32, #tpu.memory_space<vmem_shared>>)
        tpu.yield
      }) : () -> ()
      %mul3A_127 = arith.constant 8 : i32
      %mul3A_128 = arith.muli %while3A_67, %mul3A_127 : i32
      %add3A_129 = arith.constant 2 : i32
      %add3A_130 = arith.addi %mul3A_128, %add3A_129 : i32
      %add3A_131 = arith.constant 1 : i32
      %add3A_132 = arith.addi %add3A_130, %add3A_131 : i32
      %lt3A_133 = arith.cmpi slt, %add3A_132, %select_n3A : i32
      %convert_element_type3A_134 = arith.extui %lt3A_133 : i1 to i32
      %cond3A_135 = arith.constant 0 : i32
      %cond3A_136 = arith.cmpi ne, %convert_element_type3A_134, %cond3A_135 : i32
      scf.if %cond3A_136 {
        %dma_start3A = arith.constant 3 : i32
        %dma_start3A_272 = arith.constant 1 : i32
        %dma_start3A_273 = arith.constant 0 : i32
        %dma_start3A_274 = arith.constant 0 : i32
        %dma_start3A_275 = tpu.memref_slice %arg9[%dma_start3A_272, %dma_start3A_273, %dma_start3A_274] : memref<2x128x128xf32, #tpu.memory_space<vmem>> -> memref<1x128x128xf32, #tpu.memory_space<vmem>>
        %dma_start3A_276 = tpu.memref_squeeze %dma_start3A_275 : memref<1x128x128xf32, #tpu.memory_space<vmem>> -> memref<128x128xf32, #tpu.memory_space<vmem>>
        %dma_start3A_277 = arith.constant 0 : i32
        %dma_start3A_278 = tpu.memref_slice %arg7[%rem3A_70, %dma_start3A, %dma_start3A_277] : memref<2x8x128xi32, #tpu.memory_space<vmem>> -> memref<1x1x128xi32, #tpu.memory_space<vmem>>
        %dma_start3A_279 = tpu.memref_squeeze %dma_start3A_278 : memref<1x1x128xi32, #tpu.memory_space<vmem>> -> memref<128xi32, #tpu.memory_space<vmem>>
        %dma_start3A_280 = arith.constant 0 : i32
        %dma_start3A_281 = arith.constant 0 : i32
        %dma_start3A_282 = tpu.memref_slice %arg2[%dma_start3A_280, %dma_start3A_281] : memref<10000x128xf32, #tpu.memory_space<hbm>> -> memref<10000x128xf32, #tpu.memory_space<hbm>>
        tpu.enqueue_indirect_dma source(%dma_start3A_282 : memref<10000x128xf32, #tpu.memory_space<hbm>>) target(%dma_start3A_276 : memref<128x128xf32, #tpu.memory_space<vmem>>) offsets(%dma_start3A_279 : memref<128xi32, #tpu.memory_space<vmem>>) semaphore(%arg11 : memref<!tpu.dma_semaphore, #tpu.memory_space<semaphore_mem>>)
      } else {
      }
      %dma_wait3A_137 = arith.constant 2 : i32
      %dma_wait3A_138 = arith.constant 0 : i32
      %dma_wait3A_139 = arith.constant 0 : i32
      %dma_wait3A_140 = arith.constant 0 : i32
      %dma_wait3A_141 = tpu.memref_slice %arg9[%dma_wait3A_138, %dma_wait3A_139, %dma_wait3A_140] : memref<2x128x128xf32, #tpu.memory_space<vmem>> -> memref<1x128x128xf32, #tpu.memory_space<vmem>>
      %dma_wait3A_142 = tpu.memref_squeeze %dma_wait3A_141 : memref<1x128x128xf32, #tpu.memory_space<vmem>> -> memref<128x128xf32, #tpu.memory_space<vmem>>
      %dma_wait3A_143 = arith.constant 0 : i32
      %dma_wait3A_144 = tpu.memref_slice %arg7[%rem3A_70, %dma_wait3A_137, %dma_wait3A_143] : memref<2x8x128xi32, #tpu.memory_space<vmem>> -> memref<1x1x128xi32, #tpu.memory_space<vmem>>
      %dma_wait3A_145 = tpu.memref_squeeze %dma_wait3A_144 : memref<1x1x128xi32, #tpu.memory_space<vmem>> -> memref<128xi32, #tpu.memory_space<vmem>>
      %dma_wait3A_146 = arith.constant 0 : i32
      %dma_wait3A_147 = arith.constant 0 : i32
      %dma_wait3A_148 = tpu.memref_slice %arg2[%dma_wait3A_146, %dma_wait3A_147] : memref<10000x128xf32, #tpu.memory_space<hbm>> -> memref<10000x128xf32, #tpu.memory_space<hbm>>
      tpu.wait_indirect_dma semaphore(%arg11 : memref<!tpu.dma_semaphore, #tpu.memory_space<semaphore_mem>>) src(%dma_wait3A_148 : memref<10000x128xf32, #tpu.memory_space<hbm>>) dst(%dma_wait3A_142 : memref<128x128xf32, #tpu.memory_space<vmem>>)
      %run_scoped3A_149 = arith.constant 0 : i32
      %run_scoped3A_150 = arith.constant 2 : i32
      "tpu.region"() ({
        %run_scoped3A_272 = tpu.sem_alloc : memref<!tpu.dma_semaphore, #tpu.memory_space<semaphore_mem>>
        %dma_start3A = arith.constant 0 : i32
        %dma_start3A_273 = arith.constant 0 : i32
        %dma_start3A_274 = tpu.memref_slice %arg9[%run_scoped3A_149, %dma_start3A, %dma_start3A_273] : memref<2x128x128xf32, #tpu.memory_space<vmem>> -> memref<1x128x128xf32, #tpu.memory_space<vmem>>
        %dma_start3A_275 = tpu.memref_squeeze %dma_start3A_274 : memref<1x128x128xf32, #tpu.memory_space<vmem>> -> memref<128x128xf32, #tpu.memory_space<vmem>>
        %dma_start3A_276 = arith.constant 0 : i32
        %dma_start3A_277 = tpu.memref_slice %arg8[%rem3A_70, %run_scoped3A_150, %dma_start3A_276] : memref<2x8x128xi32, #tpu.memory_space<vmem>> -> memref<1x1x128xi32, #tpu.memory_space<vmem>>
        %dma_start3A_278 = tpu.memref_squeeze %dma_start3A_277 : memref<1x1x128xi32, #tpu.memory_space<vmem>> -> memref<128xi32, #tpu.memory_space<vmem>>
        %dma_start3A_279 = arith.constant 0 : i32
        %dma_start3A_280 = arith.constant 0 : i32
        %dma_start3A_281 = tpu.memref_slice %arg10[%dma_start3A_279, %dma_start3A_280] : memref<10112x128xf32, #tpu.memory_space<vmem_shared>> -> memref<10112x128xf32, #tpu.memory_space<vmem_shared>>
        tpu.enqueue_indirect_dma source(%dma_start3A_275 : memref<128x128xf32, #tpu.memory_space<vmem>>) target(%dma_start3A_281 : memref<10112x128xf32, #tpu.memory_space<vmem_shared>>) offsets(%dma_start3A_278 : memref<128xi32, #tpu.memory_space<vmem>>) semaphore(%run_scoped3A_272 : memref<!tpu.dma_semaphore, #tpu.memory_space<semaphore_mem>>) {add = true}
        %dma_wait3A_282 = arith.constant 0 : i32
        %dma_wait3A_283 = arith.constant 0 : i32
        %dma_wait3A_284 = tpu.memref_slice %arg9[%run_scoped3A_149, %dma_wait3A_282, %dma_wait3A_283] : memref<2x128x128xf32, #tpu.memory_space<vmem>> -> memref<1x128x128xf32, #tpu.memory_space<vmem>>
        %dma_wait3A_285 = tpu.memref_squeeze %dma_wait3A_284 : memref<1x128x128xf32, #tpu.memory_space<vmem>> -> memref<128x128xf32, #tpu.memory_space<vmem>>
        %dma_wait3A_286 = arith.constant 0 : i32
        %dma_wait3A_287 = tpu.memref_slice %arg8[%rem3A_70, %run_scoped3A_150, %dma_wait3A_286] : memref<2x8x128xi32, #tpu.memory_space<vmem>> -> memref<1x1x128xi32, #tpu.memory_space<vmem>>
        %dma_wait3A_288 = tpu.memref_squeeze %dma_wait3A_287 : memref<1x1x128xi32, #tpu.memory_space<vmem>> -> memref<128xi32, #tpu.memory_space<vmem>>
        %dma_wait3A_289 = arith.constant 0 : i32
        %dma_wait3A_290 = arith.constant 0 : i32
        %dma_wait3A_291 = tpu.memref_slice %arg10[%dma_wait3A_289, %dma_wait3A_290] : memref<10112x128xf32, #tpu.memory_space<vmem_shared>> -> memref<10112x128xf32, #tpu.memory_space<vmem_shared>>
        tpu.wait_indirect_dma semaphore(%run_scoped3A_272 : memref<!tpu.dma_semaphore, #tpu.memory_space<semaphore_mem>>) src(%dma_wait3A_285 : memref<128x128xf32, #tpu.memory_space<vmem>>) dst(%dma_wait3A_291 : memref<10112x128xf32, #tpu.memory_space<vmem_shared>>)
        tpu.yield
      }) : () -> ()
      %mul3A_151 = arith.constant 8 : i32
      %mul3A_152 = arith.muli %while3A_67, %mul3A_151 : i32
      %add3A_153 = arith.constant 3 : i32
      %add3A_154 = arith.addi %mul3A_152, %add3A_153 : i32
      %add3A_155 = arith.constant 1 : i32
      %add3A_156 = arith.addi %add3A_154, %add3A_155 : i32
      %lt3A_157 = arith.cmpi slt, %add3A_156, %select_n3A : i32
      %convert_element_type3A_158 = arith.extui %lt3A_157 : i1 to i32
      %cond3A_159 = arith.constant 0 : i32
      %cond3A_160 = arith.cmpi ne, %convert_element_type3A_158, %cond3A_159 : i32
      scf.if %cond3A_160 {
        %dma_start3A = arith.constant 4 : i32
        %dma_start3A_272 = arith.constant 0 : i32
        %dma_start3A_273 = arith.constant 0 : i32
        %dma_start3A_274 = arith.constant 0 : i32
        %dma_start3A_275 = tpu.memref_slice %arg9[%dma_start3A_272, %dma_start3A_273, %dma_start3A_274] : memref<2x128x128xf32, #tpu.memory_space<vmem>> -> memref<1x128x128xf32, #tpu.memory_space<vmem>>
        %dma_start3A_276 = tpu.memref_squeeze %dma_start3A_275 : memref<1x128x128xf32, #tpu.memory_space<vmem>> -> memref<128x128xf32, #tpu.memory_space<vmem>>
        %dma_start3A_277 = arith.constant 0 : i32
        %dma_start3A_278 = tpu.memref_slice %arg7[%rem3A_70, %dma_start3A, %dma_start3A_277] : memref<2x8x128xi32, #tpu.memory_space<vmem>> -> memref<1x1x128xi32, #tpu.memory_space<vmem>>
        %dma_start3A_279 = tpu.memref_squeeze %dma_start3A_278 : memref<1x1x128xi32, #tpu.memory_space<vmem>> -> memref<128xi32, #tpu.memory_space<vmem>>
        %dma_start3A_280 = arith.constant 0 : i32
        %dma_start3A_281 = arith.constant 0 : i32
        %dma_start3A_282 = tpu.memref_slice %arg2[%dma_start3A_280, %dma_start3A_281] : memref<10000x128xf32, #tpu.memory_space<hbm>> -> memref<10000x128xf32, #tpu.memory_space<hbm>>
        tpu.enqueue_indirect_dma source(%dma_start3A_282 : memref<10000x128xf32, #tpu.memory_space<hbm>>) target(%dma_start3A_276 : memref<128x128xf32, #tpu.memory_space<vmem>>) offsets(%dma_start3A_279 : memref<128xi32, #tpu.memory_space<vmem>>) semaphore(%arg11 : memref<!tpu.dma_semaphore, #tpu.memory_space<semaphore_mem>>)
      } else {
      }
      %dma_wait3A_161 = arith.constant 3 : i32
      %dma_wait3A_162 = arith.constant 1 : i32
      %dma_wait3A_163 = arith.constant 0 : i32
      %dma_wait3A_164 = arith.constant 0 : i32
      %dma_wait3A_165 = tpu.memref_slice %arg9[%dma_wait3A_162, %dma_wait3A_163, %dma_wait3A_164] : memref<2x128x128xf32, #tpu.memory_space<vmem>> -> memref<1x128x128xf32, #tpu.memory_space<vmem>>
      %dma_wait3A_166 = tpu.memref_squeeze %dma_wait3A_165 : memref<1x128x128xf32, #tpu.memory_space<vmem>> -> memref<128x128xf32, #tpu.memory_space<vmem>>
      %dma_wait3A_167 = arith.constant 0 : i32
      %dma_wait3A_168 = tpu.memref_slice %arg7[%rem3A_70, %dma_wait3A_161, %dma_wait3A_167] : memref<2x8x128xi32, #tpu.memory_space<vmem>> -> memref<1x1x128xi32, #tpu.memory_space<vmem>>
      %dma_wait3A_169 = tpu.memref_squeeze %dma_wait3A_168 : memref<1x1x128xi32, #tpu.memory_space<vmem>> -> memref<128xi32, #tpu.memory_space<vmem>>
      %dma_wait3A_170 = arith.constant 0 : i32
      %dma_wait3A_171 = arith.constant 0 : i32
      %dma_wait3A_172 = tpu.memref_slice %arg2[%dma_wait3A_170, %dma_wait3A_171] : memref<10000x128xf32, #tpu.memory_space<hbm>> -> memref<10000x128xf32, #tpu.memory_space<hbm>>
      tpu.wait_indirect_dma semaphore(%arg11 : memref<!tpu.dma_semaphore, #tpu.memory_space<semaphore_mem>>) src(%dma_wait3A_172 : memref<10000x128xf32, #tpu.memory_space<hbm>>) dst(%dma_wait3A_166 : memref<128x128xf32, #tpu.memory_space<vmem>>)
      %run_scoped3A_173 = arith.constant 1 : i32
      %run_scoped3A_174 = arith.constant 3 : i32
      "tpu.region"() ({
        %run_scoped3A_272 = tpu.sem_alloc : memref<!tpu.dma_semaphore, #tpu.memory_space<semaphore_mem>>
        %dma_start3A = arith.constant 0 : i32
        %dma_start3A_273 = arith.constant 0 : i32
        %dma_start3A_274 = tpu.memref_slice %arg9[%run_scoped3A_173, %dma_start3A, %dma_start3A_273] : memref<2x128x128xf32, #tpu.memory_space<vmem>> -> memref<1x128x128xf32, #tpu.memory_space<vmem>>
        %dma_start3A_275 = tpu.memref_squeeze %dma_start3A_274 : memref<1x128x128xf32, #tpu.memory_space<vmem>> -> memref<128x128xf32, #tpu.memory_space<vmem>>
        %dma_start3A_276 = arith.constant 0 : i32
        %dma_start3A_277 = tpu.memref_slice %arg8[%rem3A_70, %run_scoped3A_174, %dma_start3A_276] : memref<2x8x128xi32, #tpu.memory_space<vmem>> -> memref<1x1x128xi32, #tpu.memory_space<vmem>>
        %dma_start3A_278 = tpu.memref_squeeze %dma_start3A_277 : memref<1x1x128xi32, #tpu.memory_space<vmem>> -> memref<128xi32, #tpu.memory_space<vmem>>
        %dma_start3A_279 = arith.constant 0 : i32
        %dma_start3A_280 = arith.constant 0 : i32
        %dma_start3A_281 = tpu.memref_slice %arg10[%dma_start3A_279, %dma_start3A_280] : memref<10112x128xf32, #tpu.memory_space<vmem_shared>> -> memref<10112x128xf32, #tpu.memory_space<vmem_shared>>
        tpu.enqueue_indirect_dma source(%dma_start3A_275 : memref<128x128xf32, #tpu.memory_space<vmem>>) target(%dma_start3A_281 : memref<10112x128xf32, #tpu.memory_space<vmem_shared>>) offsets(%dma_start3A_278 : memref<128xi32, #tpu.memory_space<vmem>>) semaphore(%run_scoped3A_272 : memref<!tpu.dma_semaphore, #tpu.memory_space<semaphore_mem>>) {add = true}
        %dma_wait3A_282 = arith.constant 0 : i32
        %dma_wait3A_283 = arith.constant 0 : i32
        %dma_wait3A_284 = tpu.memref_slice %arg9[%run_scoped3A_173, %dma_wait3A_282, %dma_wait3A_283] : memref<2x128x128xf32, #tpu.memory_space<vmem>> -> memref<1x128x128xf32, #tpu.memory_space<vmem>>
        %dma_wait3A_285 = tpu.memref_squeeze %dma_wait3A_284 : memref<1x128x128xf32, #tpu.memory_space<vmem>> -> memref<128x128xf32, #tpu.memory_space<vmem>>
        %dma_wait3A_286 = arith.constant 0 : i32
        %dma_wait3A_287 = tpu.memref_slice %arg8[%rem3A_70, %run_scoped3A_174, %dma_wait3A_286] : memref<2x8x128xi32, #tpu.memory_space<vmem>> -> memref<1x1x128xi32, #tpu.memory_space<vmem>>
        %dma_wait3A_288 = tpu.memref_squeeze %dma_wait3A_287 : memref<1x1x128xi32, #tpu.memory_space<vmem>> -> memref<128xi32, #tpu.memory_space<vmem>>
        %dma_wait3A_289 = arith.constant 0 : i32
        %dma_wait3A_290 = arith.constant 0 : i32
        %dma_wait3A_291 = tpu.memref_slice %arg10[%dma_wait3A_289, %dma_wait3A_290] : memref<10112x128xf32, #tpu.memory_space<vmem_shared>> -> memref<10112x128xf32, #tpu.memory_space<vmem_shared>>
        tpu.wait_indirect_dma semaphore(%run_scoped3A_272 : memref<!tpu.dma_semaphore, #tpu.memory_space<semaphore_mem>>) src(%dma_wait3A_285 : memref<128x128xf32, #tpu.memory_space<vmem>>) dst(%dma_wait3A_291 : memref<10112x128xf32, #tpu.memory_space<vmem_shared>>)
        tpu.yield
      }) : () -> ()
      %mul3A_175 = arith.constant 8 : i32
      %mul3A_176 = arith.muli %while3A_67, %mul3A_175 : i32
      %add3A_177 = arith.constant 4 : i32
      %add3A_178 = arith.addi %mul3A_176, %add3A_177 : i32
      %add3A_179 = arith.constant 1 : i32
      %add3A_180 = arith.addi %add3A_178, %add3A_179 : i32
      %lt3A_181 = arith.cmpi slt, %add3A_180, %select_n3A : i32
      %convert_element_type3A_182 = arith.extui %lt3A_181 : i1 to i32
      %cond3A_183 = arith.constant 0 : i32
      %cond3A_184 = arith.cmpi ne, %convert_element_type3A_182, %cond3A_183 : i32
      scf.if %cond3A_184 {
        %dma_start3A = arith.constant 5 : i32
        %dma_start3A_272 = arith.constant 1 : i32
        %dma_start3A_273 = arith.constant 0 : i32
        %dma_start3A_274 = arith.constant 0 : i32
        %dma_start3A_275 = tpu.memref_slice %arg9[%dma_start3A_272, %dma_start3A_273, %dma_start3A_274] : memref<2x128x128xf32, #tpu.memory_space<vmem>> -> memref<1x128x128xf32, #tpu.memory_space<vmem>>
        %dma_start3A_276 = tpu.memref_squeeze %dma_start3A_275 : memref<1x128x128xf32, #tpu.memory_space<vmem>> -> memref<128x128xf32, #tpu.memory_space<vmem>>
        %dma_start3A_277 = arith.constant 0 : i32
        %dma_start3A_278 = tpu.memref_slice %arg7[%rem3A_70, %dma_start3A, %dma_start3A_277] : memref<2x8x128xi32, #tpu.memory_space<vmem>> -> memref<1x1x128xi32, #tpu.memory_space<vmem>>
        %dma_start3A_279 = tpu.memref_squeeze %dma_start3A_278 : memref<1x1x128xi32, #tpu.memory_space<vmem>> -> memref<128xi32, #tpu.memory_space<vmem>>
        %dma_start3A_280 = arith.constant 0 : i32
        %dma_start3A_281 = arith.constant 0 : i32
        %dma_start3A_282 = tpu.memref_slice %arg2[%dma_start3A_280, %dma_start3A_281] : memref<10000x128xf32, #tpu.memory_space<hbm>> -> memref<10000x128xf32, #tpu.memory_space<hbm>>
        tpu.enqueue_indirect_dma source(%dma_start3A_282 : memref<10000x128xf32, #tpu.memory_space<hbm>>) target(%dma_start3A_276 : memref<128x128xf32, #tpu.memory_space<vmem>>) offsets(%dma_start3A_279 : memref<128xi32, #tpu.memory_space<vmem>>) semaphore(%arg11 : memref<!tpu.dma_semaphore, #tpu.memory_space<semaphore_mem>>)
      } else {
      }
      %dma_wait3A_185 = arith.constant 4 : i32
      %dma_wait3A_186 = arith.constant 0 : i32
      %dma_wait3A_187 = arith.constant 0 : i32
      %dma_wait3A_188 = arith.constant 0 : i32
      %dma_wait3A_189 = tpu.memref_slice %arg9[%dma_wait3A_186, %dma_wait3A_187, %dma_wait3A_188] : memref<2x128x128xf32, #tpu.memory_space<vmem>> -> memref<1x128x128xf32, #tpu.memory_space<vmem>>
      %dma_wait3A_190 = tpu.memref_squeeze %dma_wait3A_189 : memref<1x128x128xf32, #tpu.memory_space<vmem>> -> memref<128x128xf32, #tpu.memory_space<vmem>>
      %dma_wait3A_191 = arith.constant 0 : i32
      %dma_wait3A_192 = tpu.memref_slice %arg7[%rem3A_70, %dma_wait3A_185, %dma_wait3A_191] : memref<2x8x128xi32, #tpu.memory_space<vmem>> -> memref<1x1x128xi32, #tpu.memory_space<vmem>>
      %dma_wait3A_193 = tpu.memref_squeeze %dma_wait3A_192 : memref<1x1x128xi32, #tpu.memory_space<vmem>> -> memref<128xi32, #tpu.memory_space<vmem>>
      %dma_wait3A_194 = arith.constant 0 : i32
      %dma_wait3A_195 = arith.constant 0 : i32
      %dma_wait3A_196 = tpu.memref_slice %arg2[%dma_wait3A_194, %dma_wait3A_195] : memref<10000x128xf32, #tpu.memory_space<hbm>> -> memref<10000x128xf32, #tpu.memory_space<hbm>>
      tpu.wait_indirect_dma semaphore(%arg11 : memref<!tpu.dma_semaphore, #tpu.memory_space<semaphore_mem>>) src(%dma_wait3A_196 : memref<10000x128xf32, #tpu.memory_space<hbm>>) dst(%dma_wait3A_190 : memref<128x128xf32, #tpu.memory_space<vmem>>)
      %run_scoped3A_197 = arith.constant 0 : i32
      %run_scoped3A_198 = arith.constant 4 : i32
      "tpu.region"() ({
        %run_scoped3A_272 = tpu.sem_alloc : memref<!tpu.dma_semaphore, #tpu.memory_space<semaphore_mem>>
        %dma_start3A = arith.constant 0 : i32
        %dma_start3A_273 = arith.constant 0 : i32
        %dma_start3A_274 = tpu.memref_slice %arg9[%run_scoped3A_197, %dma_start3A, %dma_start3A_273] : memref<2x128x128xf32, #tpu.memory_space<vmem>> -> memref<1x128x128xf32, #tpu.memory_space<vmem>>
        %dma_start3A_275 = tpu.memref_squeeze %dma_start3A_274 : memref<1x128x128xf32, #tpu.memory_space<vmem>> -> memref<128x128xf32, #tpu.memory_space<vmem>>
        %dma_start3A_276 = arith.constant 0 : i32
        %dma_start3A_277 = tpu.memref_slice %arg8[%rem3A_70, %run_scoped3A_198, %dma_start3A_276] : memref<2x8x128xi32, #tpu.memory_space<vmem>> -> memref<1x1x128xi32, #tpu.memory_space<vmem>>
        %dma_start3A_278 = tpu.memref_squeeze %dma_start3A_277 : memref<1x1x128xi32, #tpu.memory_space<vmem>> -> memref<128xi32, #tpu.memory_space<vmem>>
        %dma_start3A_279 = arith.constant 0 : i32
        %dma_start3A_280 = arith.constant 0 : i32
        %dma_start3A_281 = tpu.memref_slice %arg10[%dma_start3A_279, %dma_start3A_280] : memref<10112x128xf32, #tpu.memory_space<vmem_shared>> -> memref<10112x128xf32, #tpu.memory_space<vmem_shared>>
        tpu.enqueue_indirect_dma source(%dma_start3A_275 : memref<128x128xf32, #tpu.memory_space<vmem>>) target(%dma_start3A_281 : memref<10112x128xf32, #tpu.memory_space<vmem_shared>>) offsets(%dma_start3A_278 : memref<128xi32, #tpu.memory_space<vmem>>) semaphore(%run_scoped3A_272 : memref<!tpu.dma_semaphore, #tpu.memory_space<semaphore_mem>>) {add = true}
        %dma_wait3A_282 = arith.constant 0 : i32
        %dma_wait3A_283 = arith.constant 0 : i32
        %dma_wait3A_284 = tpu.memref_slice %arg9[%run_scoped3A_197, %dma_wait3A_282, %dma_wait3A_283] : memref<2x128x128xf32, #tpu.memory_space<vmem>> -> memref<1x128x128xf32, #tpu.memory_space<vmem>>
        %dma_wait3A_285 = tpu.memref_squeeze %dma_wait3A_284 : memref<1x128x128xf32, #tpu.memory_space<vmem>> -> memref<128x128xf32, #tpu.memory_space<vmem>>
        %dma_wait3A_286 = arith.constant 0 : i32
        %dma_wait3A_287 = tpu.memref_slice %arg8[%rem3A_70, %run_scoped3A_198, %dma_wait3A_286] : memref<2x8x128xi32, #tpu.memory_space<vmem>> -> memref<1x1x128xi32, #tpu.memory_space<vmem>>
        %dma_wait3A_288 = tpu.memref_squeeze %dma_wait3A_287 : memref<1x1x128xi32, #tpu.memory_space<vmem>> -> memref<128xi32, #tpu.memory_space<vmem>>
        %dma_wait3A_289 = arith.constant 0 : i32
        %dma_wait3A_290 = arith.constant 0 : i32
        %dma_wait3A_291 = tpu.memref_slice %arg10[%dma_wait3A_289, %dma_wait3A_290] : memref<10112x128xf32, #tpu.memory_space<vmem_shared>> -> memref<10112x128xf32, #tpu.memory_space<vmem_shared>>
        tpu.wait_indirect_dma semaphore(%run_scoped3A_272 : memref<!tpu.dma_semaphore, #tpu.memory_space<semaphore_mem>>) src(%dma_wait3A_285 : memref<128x128xf32, #tpu.memory_space<vmem>>) dst(%dma_wait3A_291 : memref<10112x128xf32, #tpu.memory_space<vmem_shared>>)
        tpu.yield
      }) : () -> ()
      %mul3A_199 = arith.constant 8 : i32
      %mul3A_200 = arith.muli %while3A_67, %mul3A_199 : i32
      %add3A_201 = arith.constant 5 : i32
      %add3A_202 = arith.addi %mul3A_200, %add3A_201 : i32
      %add3A_203 = arith.constant 1 : i32
      %add3A_204 = arith.addi %add3A_202, %add3A_203 : i32
      %lt3A_205 = arith.cmpi slt, %add3A_204, %select_n3A : i32
      %convert_element_type3A_206 = arith.extui %lt3A_205 : i1 to i32
      %cond3A_207 = arith.constant 0 : i32
      %cond3A_208 = arith.cmpi ne, %convert_element_type3A_206, %cond3A_207 : i32
      scf.if %cond3A_208 {
        %dma_start3A = arith.constant 6 : i32
        %dma_start3A_272 = arith.constant 0 : i32
        %dma_start3A_273 = arith.constant 0 : i32
        %dma_start3A_274 = arith.constant 0 : i32
        %dma_start3A_275 = tpu.memref_slice %arg9[%dma_start3A_272, %dma_start3A_273, %dma_start3A_274] : memref<2x128x128xf32, #tpu.memory_space<vmem>> -> memref<1x128x128xf32, #tpu.memory_space<vmem>>
        %dma_start3A_276 = tpu.memref_squeeze %dma_start3A_275 : memref<1x128x128xf32, #tpu.memory_space<vmem>> -> memref<128x128xf32, #tpu.memory_space<vmem>>
        %dma_start3A_277 = arith.constant 0 : i32
        %dma_start3A_278 = tpu.memref_slice %arg7[%rem3A_70, %dma_start3A, %dma_start3A_277] : memref<2x8x128xi32, #tpu.memory_space<vmem>> -> memref<1x1x128xi32, #tpu.memory_space<vmem>>
        %dma_start3A_279 = tpu.memref_squeeze %dma_start3A_278 : memref<1x1x128xi32, #tpu.memory_space<vmem>> -> memref<128xi32, #tpu.memory_space<vmem>>
        %dma_start3A_280 = arith.constant 0 : i32
        %dma_start3A_281 = arith.constant 0 : i32
        %dma_start3A_282 = tpu.memref_slice %arg2[%dma_start3A_280, %dma_start3A_281] : memref<10000x128xf32, #tpu.memory_space<hbm>> -> memref<10000x128xf32, #tpu.memory_space<hbm>>
        tpu.enqueue_indirect_dma source(%dma_start3A_282 : memref<10000x128xf32, #tpu.memory_space<hbm>>) target(%dma_start3A_276 : memref<128x128xf32, #tpu.memory_space<vmem>>) offsets(%dma_start3A_279 : memref<128xi32, #tpu.memory_space<vmem>>) semaphore(%arg11 : memref<!tpu.dma_semaphore, #tpu.memory_space<semaphore_mem>>)
      } else {
      }
      %dma_wait3A_209 = arith.constant 5 : i32
      %dma_wait3A_210 = arith.constant 1 : i32
      %dma_wait3A_211 = arith.constant 0 : i32
      %dma_wait3A_212 = arith.constant 0 : i32
      %dma_wait3A_213 = tpu.memref_slice %arg9[%dma_wait3A_210, %dma_wait3A_211, %dma_wait3A_212] : memref<2x128x128xf32, #tpu.memory_space<vmem>> -> memref<1x128x128xf32, #tpu.memory_space<vmem>>
      %dma_wait3A_214 = tpu.memref_squeeze %dma_wait3A_213 : memref<1x128x128xf32, #tpu.memory_space<vmem>> -> memref<128x128xf32, #tpu.memory_space<vmem>>
      %dma_wait3A_215 = arith.constant 0 : i32
      %dma_wait3A_216 = tpu.memref_slice %arg7[%rem3A_70, %dma_wait3A_209, %dma_wait3A_215] : memref<2x8x128xi32, #tpu.memory_space<vmem>> -> memref<1x1x128xi32, #tpu.memory_space<vmem>>
      %dma_wait3A_217 = tpu.memref_squeeze %dma_wait3A_216 : memref<1x1x128xi32, #tpu.memory_space<vmem>> -> memref<128xi32, #tpu.memory_space<vmem>>
      %dma_wait3A_218 = arith.constant 0 : i32
      %dma_wait3A_219 = arith.constant 0 : i32
      %dma_wait3A_220 = tpu.memref_slice %arg2[%dma_wait3A_218, %dma_wait3A_219] : memref<10000x128xf32, #tpu.memory_space<hbm>> -> memref<10000x128xf32, #tpu.memory_space<hbm>>
      tpu.wait_indirect_dma semaphore(%arg11 : memref<!tpu.dma_semaphore, #tpu.memory_space<semaphore_mem>>) src(%dma_wait3A_220 : memref<10000x128xf32, #tpu.memory_space<hbm>>) dst(%dma_wait3A_214 : memref<128x128xf32, #tpu.memory_space<vmem>>)
      %run_scoped3A_221 = arith.constant 1 : i32
      %run_scoped3A_222 = arith.constant 5 : i32
      "tpu.region"() ({
        %run_scoped3A_272 = tpu.sem_alloc : memref<!tpu.dma_semaphore, #tpu.memory_space<semaphore_mem>>
        %dma_start3A = arith.constant 0 : i32
        %dma_start3A_273 = arith.constant 0 : i32
        %dma_start3A_274 = tpu.memref_slice %arg9[%run_scoped3A_221, %dma_start3A, %dma_start3A_273] : memref<2x128x128xf32, #tpu.memory_space<vmem>> -> memref<1x128x128xf32, #tpu.memory_space<vmem>>
        %dma_start3A_275 = tpu.memref_squeeze %dma_start3A_274 : memref<1x128x128xf32, #tpu.memory_space<vmem>> -> memref<128x128xf32, #tpu.memory_space<vmem>>
        %dma_start3A_276 = arith.constant 0 : i32
        %dma_start3A_277 = tpu.memref_slice %arg8[%rem3A_70, %run_scoped3A_222, %dma_start3A_276] : memref<2x8x128xi32, #tpu.memory_space<vmem>> -> memref<1x1x128xi32, #tpu.memory_space<vmem>>
        %dma_start3A_278 = tpu.memref_squeeze %dma_start3A_277 : memref<1x1x128xi32, #tpu.memory_space<vmem>> -> memref<128xi32, #tpu.memory_space<vmem>>
        %dma_start3A_279 = arith.constant 0 : i32
        %dma_start3A_280 = arith.constant 0 : i32
        %dma_start3A_281 = tpu.memref_slice %arg10[%dma_start3A_279, %dma_start3A_280] : memref<10112x128xf32, #tpu.memory_space<vmem_shared>> -> memref<10112x128xf32, #tpu.memory_space<vmem_shared>>
        tpu.enqueue_indirect_dma source(%dma_start3A_275 : memref<128x128xf32, #tpu.memory_space<vmem>>) target(%dma_start3A_281 : memref<10112x128xf32, #tpu.memory_space<vmem_shared>>) offsets(%dma_start3A_278 : memref<128xi32, #tpu.memory_space<vmem>>) semaphore(%run_scoped3A_272 : memref<!tpu.dma_semaphore, #tpu.memory_space<semaphore_mem>>) {add = true}
        %dma_wait3A_282 = arith.constant 0 : i32
        %dma_wait3A_283 = arith.constant 0 : i32
        %dma_wait3A_284 = tpu.memref_slice %arg9[%run_scoped3A_221, %dma_wait3A_282, %dma_wait3A_283] : memref<2x128x128xf32, #tpu.memory_space<vmem>> -> memref<1x128x128xf32, #tpu.memory_space<vmem>>
        %dma_wait3A_285 = tpu.memref_squeeze %dma_wait3A_284 : memref<1x128x128xf32, #tpu.memory_space<vmem>> -> memref<128x128xf32, #tpu.memory_space<vmem>>
        %dma_wait3A_286 = arith.constant 0 : i32
        %dma_wait3A_287 = tpu.memref_slice %arg8[%rem3A_70, %run_scoped3A_222, %dma_wait3A_286] : memref<2x8x128xi32, #tpu.memory_space<vmem>> -> memref<1x1x128xi32, #tpu.memory_space<vmem>>
        %dma_wait3A_288 = tpu.memref_squeeze %dma_wait3A_287 : memref<1x1x128xi32, #tpu.memory_space<vmem>> -> memref<128xi32, #tpu.memory_space<vmem>>
        %dma_wait3A_289 = arith.constant 0 : i32
        %dma_wait3A_290 = arith.constant 0 : i32
        %dma_wait3A_291 = tpu.memref_slice %arg10[%dma_wait3A_289, %dma_wait3A_290] : memref<10112x128xf32, #tpu.memory_space<vmem_shared>> -> memref<10112x128xf32, #tpu.memory_space<vmem_shared>>
        tpu.wait_indirect_dma semaphore(%run_scoped3A_272 : memref<!tpu.dma_semaphore, #tpu.memory_space<semaphore_mem>>) src(%dma_wait3A_285 : memref<128x128xf32, #tpu.memory_space<vmem>>) dst(%dma_wait3A_291 : memref<10112x128xf32, #tpu.memory_space<vmem_shared>>)
        tpu.yield
      }) : () -> ()
      %mul3A_223 = arith.constant 8 : i32
      %mul3A_224 = arith.muli %while3A_67, %mul3A_223 : i32
      %add3A_225 = arith.constant 6 : i32
      %add3A_226 = arith.addi %mul3A_224, %add3A_225 : i32
      %add3A_227 = arith.constant 1 : i32
      %add3A_228 = arith.addi %add3A_226, %add3A_227 : i32
      %lt3A_229 = arith.cmpi slt, %add3A_228, %select_n3A : i32
      %convert_element_type3A_230 = arith.extui %lt3A_229 : i1 to i32
      %cond3A_231 = arith.constant 0 : i32
      %cond3A_232 = arith.cmpi ne, %convert_element_type3A_230, %cond3A_231 : i32
      scf.if %cond3A_232 {
        %dma_start3A = arith.constant 7 : i32
        %dma_start3A_272 = arith.constant 1 : i32
        %dma_start3A_273 = arith.constant 0 : i32
        %dma_start3A_274 = arith.constant 0 : i32
        %dma_start3A_275 = tpu.memref_slice %arg9[%dma_start3A_272, %dma_start3A_273, %dma_start3A_274] : memref<2x128x128xf32, #tpu.memory_space<vmem>> -> memref<1x128x128xf32, #tpu.memory_space<vmem>>
        %dma_start3A_276 = tpu.memref_squeeze %dma_start3A_275 : memref<1x128x128xf32, #tpu.memory_space<vmem>> -> memref<128x128xf32, #tpu.memory_space<vmem>>
        %dma_start3A_277 = arith.constant 0 : i32
        %dma_start3A_278 = tpu.memref_slice %arg7[%rem3A_70, %dma_start3A, %dma_start3A_277] : memref<2x8x128xi32, #tpu.memory_space<vmem>> -> memref<1x1x128xi32, #tpu.memory_space<vmem>>
        %dma_start3A_279 = tpu.memref_squeeze %dma_start3A_278 : memref<1x1x128xi32, #tpu.memory_space<vmem>> -> memref<128xi32, #tpu.memory_space<vmem>>
        %dma_start3A_280 = arith.constant 0 : i32
        %dma_start3A_281 = arith.constant 0 : i32
        %dma_start3A_282 = tpu.memref_slice %arg2[%dma_start3A_280, %dma_start3A_281] : memref<10000x128xf32, #tpu.memory_space<hbm>> -> memref<10000x128xf32, #tpu.memory_space<hbm>>
        tpu.enqueue_indirect_dma source(%dma_start3A_282 : memref<10000x128xf32, #tpu.memory_space<hbm>>) target(%dma_start3A_276 : memref<128x128xf32, #tpu.memory_space<vmem>>) offsets(%dma_start3A_279 : memref<128xi32, #tpu.memory_space<vmem>>) semaphore(%arg11 : memref<!tpu.dma_semaphore, #tpu.memory_space<semaphore_mem>>)
      } else {
      }
      %dma_wait3A_233 = arith.constant 6 : i32
      %dma_wait3A_234 = arith.constant 0 : i32
      %dma_wait3A_235 = arith.constant 0 : i32
      %dma_wait3A_236 = arith.constant 0 : i32
      %dma_wait3A_237 = tpu.memref_slice %arg9[%dma_wait3A_234, %dma_wait3A_235, %dma_wait3A_236] : memref<2x128x128xf32, #tpu.memory_space<vmem>> -> memref<1x128x128xf32, #tpu.memory_space<vmem>>
      %dma_wait3A_238 = tpu.memref_squeeze %dma_wait3A_237 : memref<1x128x128xf32, #tpu.memory_space<vmem>> -> memref<128x128xf32, #tpu.memory_space<vmem>>
      %dma_wait3A_239 = arith.constant 0 : i32
      %dma_wait3A_240 = tpu.memref_slice %arg7[%rem3A_70, %dma_wait3A_233, %dma_wait3A_239] : memref<2x8x128xi32, #tpu.memory_space<vmem>> -> memref<1x1x128xi32, #tpu.memory_space<vmem>>
      %dma_wait3A_241 = tpu.memref_squeeze %dma_wait3A_240 : memref<1x1x128xi32, #tpu.memory_space<vmem>> -> memref<128xi32, #tpu.memory_space<vmem>>
      %dma_wait3A_242 = arith.constant 0 : i32
      %dma_wait3A_243 = arith.constant 0 : i32
      %dma_wait3A_244 = tpu.memref_slice %arg2[%dma_wait3A_242, %dma_wait3A_243] : memref<10000x128xf32, #tpu.memory_space<hbm>> -> memref<10000x128xf32, #tpu.memory_space<hbm>>
      tpu.wait_indirect_dma semaphore(%arg11 : memref<!tpu.dma_semaphore, #tpu.memory_space<semaphore_mem>>) src(%dma_wait3A_244 : memref<10000x128xf32, #tpu.memory_space<hbm>>) dst(%dma_wait3A_238 : memref<128x128xf32, #tpu.memory_space<vmem>>)
      %run_scoped3A_245 = arith.constant 0 : i32
      %run_scoped3A_246 = arith.constant 6 : i32
      "tpu.region"() ({
        %run_scoped3A_272 = tpu.sem_alloc : memref<!tpu.dma_semaphore, #tpu.memory_space<semaphore_mem>>
        %dma_start3A = arith.constant 0 : i32
        %dma_start3A_273 = arith.constant 0 : i32
        %dma_start3A_274 = tpu.memref_slice %arg9[%run_scoped3A_245, %dma_start3A, %dma_start3A_273] : memref<2x128x128xf32, #tpu.memory_space<vmem>> -> memref<1x128x128xf32, #tpu.memory_space<vmem>>
        %dma_start3A_275 = tpu.memref_squeeze %dma_start3A_274 : memref<1x128x128xf32, #tpu.memory_space<vmem>> -> memref<128x128xf32, #tpu.memory_space<vmem>>
        %dma_start3A_276 = arith.constant 0 : i32
        %dma_start3A_277 = tpu.memref_slice %arg8[%rem3A_70, %run_scoped3A_246, %dma_start3A_276] : memref<2x8x128xi32, #tpu.memory_space<vmem>> -> memref<1x1x128xi32, #tpu.memory_space<vmem>>
        %dma_start3A_278 = tpu.memref_squeeze %dma_start3A_277 : memref<1x1x128xi32, #tpu.memory_space<vmem>> -> memref<128xi32, #tpu.memory_space<vmem>>
        %dma_start3A_279 = arith.constant 0 : i32
        %dma_start3A_280 = arith.constant 0 : i32
        %dma_start3A_281 = tpu.memref_slice %arg10[%dma_start3A_279, %dma_start3A_280] : memref<10112x128xf32, #tpu.memory_space<vmem_shared>> -> memref<10112x128xf32, #tpu.memory_space<vmem_shared>>
        tpu.enqueue_indirect_dma source(%dma_start3A_275 : memref<128x128xf32, #tpu.memory_space<vmem>>) target(%dma_start3A_281 : memref<10112x128xf32, #tpu.memory_space<vmem_shared>>) offsets(%dma_start3A_278 : memref<128xi32, #tpu.memory_space<vmem>>) semaphore(%run_scoped3A_272 : memref<!tpu.dma_semaphore, #tpu.memory_space<semaphore_mem>>) {add = true}
        %dma_wait3A_282 = arith.constant 0 : i32
        %dma_wait3A_283 = arith.constant 0 : i32
        %dma_wait3A_284 = tpu.memref_slice %arg9[%run_scoped3A_245, %dma_wait3A_282, %dma_wait3A_283] : memref<2x128x128xf32, #tpu.memory_space<vmem>> -> memref<1x128x128xf32, #tpu.memory_space<vmem>>
        %dma_wait3A_285 = tpu.memref_squeeze %dma_wait3A_284 : memref<1x128x128xf32, #tpu.memory_space<vmem>> -> memref<128x128xf32, #tpu.memory_space<vmem>>
        %dma_wait3A_286 = arith.constant 0 : i32
        %dma_wait3A_287 = tpu.memref_slice %arg8[%rem3A_70, %run_scoped3A_246, %dma_wait3A_286] : memref<2x8x128xi32, #tpu.memory_space<vmem>> -> memref<1x1x128xi32, #tpu.memory_space<vmem>>
        %dma_wait3A_288 = tpu.memref_squeeze %dma_wait3A_287 : memref<1x1x128xi32, #tpu.memory_space<vmem>> -> memref<128xi32, #tpu.memory_space<vmem>>
        %dma_wait3A_289 = arith.constant 0 : i32
        %dma_wait3A_290 = arith.constant 0 : i32
        %dma_wait3A_291 = tpu.memref_slice %arg10[%dma_wait3A_289, %dma_wait3A_290] : memref<10112x128xf32, #tpu.memory_space<vmem_shared>> -> memref<10112x128xf32, #tpu.memory_space<vmem_shared>>
        tpu.wait_indirect_dma semaphore(%run_scoped3A_272 : memref<!tpu.dma_semaphore, #tpu.memory_space<semaphore_mem>>) src(%dma_wait3A_285 : memref<128x128xf32, #tpu.memory_space<vmem>>) dst(%dma_wait3A_291 : memref<10112x128xf32, #tpu.memory_space<vmem_shared>>)
        tpu.yield
      }) : () -> ()
      %mul3A_247 = arith.constant 8 : i32
      %mul3A_248 = arith.muli %while3A_67, %mul3A_247 : i32
      %add3A_249 = arith.constant 7 : i32
      %add3A_250 = arith.addi %mul3A_248, %add3A_249 : i32
      %add3A_251 = arith.constant 1 : i32
      %add3A_252 = arith.addi %add3A_250, %add3A_251 : i32
      %lt3A_253 = arith.cmpi slt, %add3A_252, %select_n3A : i32
      %convert_element_type3A_254 = arith.extui %lt3A_253 : i1 to i32
      %cond3A_255 = arith.constant 0 : i32
      %cond3A_256 = arith.cmpi ne, %convert_element_type3A_254, %cond3A_255 : i32
      scf.if %cond3A_256 {
        %dma_start3A = arith.constant 0 : i32
        %dma_start3A_272 = arith.constant 0 : i32
        %dma_start3A_273 = arith.constant 0 : i32
        %dma_start3A_274 = arith.constant 0 : i32
        %dma_start3A_275 = tpu.memref_slice %arg9[%dma_start3A_272, %dma_start3A_273, %dma_start3A_274] : memref<2x128x128xf32, #tpu.memory_space<vmem>> -> memref<1x128x128xf32, #tpu.memory_space<vmem>>
        %dma_start3A_276 = tpu.memref_squeeze %dma_start3A_275 : memref<1x128x128xf32, #tpu.memory_space<vmem>> -> memref<128x128xf32, #tpu.memory_space<vmem>>
        %dma_start3A_277 = arith.constant 0 : i32
        %dma_start3A_278 = tpu.memref_slice %arg7[%rem3A_74, %dma_start3A, %dma_start3A_277] : memref<2x8x128xi32, #tpu.memory_space<vmem>> -> memref<1x1x128xi32, #tpu.memory_space<vmem>>
        %dma_start3A_279 = tpu.memref_squeeze %dma_start3A_278 : memref<1x1x128xi32, #tpu.memory_space<vmem>> -> memref<128xi32, #tpu.memory_space<vmem>>
        %dma_start3A_280 = arith.constant 0 : i32
        %dma_start3A_281 = arith.constant 0 : i32
        %dma_start3A_282 = tpu.memref_slice %arg2[%dma_start3A_280, %dma_start3A_281] : memref<10000x128xf32, #tpu.memory_space<hbm>> -> memref<10000x128xf32, #tpu.memory_space<hbm>>
        tpu.enqueue_indirect_dma source(%dma_start3A_282 : memref<10000x128xf32, #tpu.memory_space<hbm>>) target(%dma_start3A_276 : memref<128x128xf32, #tpu.memory_space<vmem>>) offsets(%dma_start3A_279 : memref<128xi32, #tpu.memory_space<vmem>>) semaphore(%arg11 : memref<!tpu.dma_semaphore, #tpu.memory_space<semaphore_mem>>)
      } else {
      }
      %dma_wait3A_257 = arith.constant 7 : i32
      %dma_wait3A_258 = arith.constant 1 : i32
      %dma_wait3A_259 = arith.constant 0 : i32
      %dma_wait3A_260 = arith.constant 0 : i32
      %dma_wait3A_261 = tpu.memref_slice %arg9[%dma_wait3A_258, %dma_wait3A_259, %dma_wait3A_260] : memref<2x128x128xf32, #tpu.memory_space<vmem>> -> memref<1x128x128xf32, #tpu.memory_space<vmem>>
      %dma_wait3A_262 = tpu.memref_squeeze %dma_wait3A_261 : memref<1x128x128xf32, #tpu.memory_space<vmem>> -> memref<128x128xf32, #tpu.memory_space<vmem>>
      %dma_wait3A_263 = arith.constant 0 : i32
      %dma_wait3A_264 = tpu.memref_slice %arg7[%rem3A_70, %dma_wait3A_257, %dma_wait3A_263] : memref<2x8x128xi32, #tpu.memory_space<vmem>> -> memref<1x1x128xi32, #tpu.memory_space<vmem>>
      %dma_wait3A_265 = tpu.memref_squeeze %dma_wait3A_264 : memref<1x1x128xi32, #tpu.memory_space<vmem>> -> memref<128xi32, #tpu.memory_space<vmem>>
      %dma_wait3A_266 = arith.constant 0 : i32
      %dma_wait3A_267 = arith.constant 0 : i32
      %dma_wait3A_268 = tpu.memref_slice %arg2[%dma_wait3A_266, %dma_wait3A_267] : memref<10000x128xf32, #tpu.memory_space<hbm>> -> memref<10000x128xf32, #tpu.memory_space<hbm>>
      tpu.wait_indirect_dma semaphore(%arg11 : memref<!tpu.dma_semaphore, #tpu.memory_space<semaphore_mem>>) src(%dma_wait3A_268 : memref<10000x128xf32, #tpu.memory_space<hbm>>) dst(%dma_wait3A_262 : memref<128x128xf32, #tpu.memory_space<vmem>>)
      %run_scoped3A_269 = arith.constant 1 : i32
      %run_scoped3A_270 = arith.constant 7 : i32
      "tpu.region"() ({
        %run_scoped3A_272 = tpu.sem_alloc : memref<!tpu.dma_semaphore, #tpu.memory_space<semaphore_mem>>
        %dma_start3A = arith.constant 0 : i32
        %dma_start3A_273 = arith.constant 0 : i32
        %dma_start3A_274 = tpu.memref_slice %arg9[%run_scoped3A_269, %dma_start3A, %dma_start3A_273] : memref<2x128x128xf32, #tpu.memory_space<vmem>> -> memref<1x128x128xf32, #tpu.memory_space<vmem>>
        %dma_start3A_275 = tpu.memref_squeeze %dma_start3A_274 : memref<1x128x128xf32, #tpu.memory_space<vmem>> -> memref<128x128xf32, #tpu.memory_space<vmem>>
        %dma_start3A_276 = arith.constant 0 : i32
        %dma_start3A_277 = tpu.memref_slice %arg8[%rem3A_70, %run_scoped3A_270, %dma_start3A_276] : memref<2x8x128xi32, #tpu.memory_space<vmem>> -> memref<1x1x128xi32, #tpu.memory_space<vmem>>
        %dma_start3A_278 = tpu.memref_squeeze %dma_start3A_277 : memref<1x1x128xi32, #tpu.memory_space<vmem>> -> memref<128xi32, #tpu.memory_space<vmem>>
        %dma_start3A_279 = arith.constant 0 : i32
        %dma_start3A_280 = arith.constant 0 : i32
        %dma_start3A_281 = tpu.memref_slice %arg10[%dma_start3A_279, %dma_start3A_280] : memref<10112x128xf32, #tpu.memory_space<vmem_shared>> -> memref<10112x128xf32, #tpu.memory_space<vmem_shared>>
        tpu.enqueue_indirect_dma source(%dma_start3A_275 : memref<128x128xf32, #tpu.memory_space<vmem>>) target(%dma_start3A_281 : memref<10112x128xf32, #tpu.memory_space<vmem_shared>>) offsets(%dma_start3A_278 : memref<128xi32, #tpu.memory_space<vmem>>) semaphore(%run_scoped3A_272 : memref<!tpu.dma_semaphore, #tpu.memory_space<semaphore_mem>>) {add = true}
        %dma_wait3A_282 = arith.constant 0 : i32
        %dma_wait3A_283 = arith.constant 0 : i32
        %dma_wait3A_284 = tpu.memref_slice %arg9[%run_scoped3A_269, %dma_wait3A_282, %dma_wait3A_283] : memref<2x128x128xf32, #tpu.memory_space<vmem>> -> memref<1x128x128xf32, #tpu.memory_space<vmem>>
        %dma_wait3A_285 = tpu.memref_squeeze %dma_wait3A_284 : memref<1x128x128xf32, #tpu.memory_space<vmem>> -> memref<128x128xf32, #tpu.memory_space<vmem>>
        %dma_wait3A_286 = arith.constant 0 : i32
        %dma_wait3A_287 = tpu.memref_slice %arg8[%rem3A_70, %run_scoped3A_270, %dma_wait3A_286] : memref<2x8x128xi32, #tpu.memory_space<vmem>> -> memref<1x1x128xi32, #tpu.memory_space<vmem>>
        %dma_wait3A_288 = tpu.memref_squeeze %dma_wait3A_287 : memref<1x1x128xi32, #tpu.memory_space<vmem>> -> memref<128xi32, #tpu.memory_space<vmem>>
        %dma_wait3A_289 = arith.constant 0 : i32
        %dma_wait3A_290 = arith.constant 0 : i32
        %dma_wait3A_291 = tpu.memref_slice %arg10[%dma_wait3A_289, %dma_wait3A_290] : memref<10112x128xf32, #tpu.memory_space<vmem_shared>> -> memref<10112x128xf32, #tpu.memory_space<vmem_shared>>
        tpu.wait_indirect_dma semaphore(%run_scoped3A_272 : memref<!tpu.dma_semaphore, #tpu.memory_space<semaphore_mem>>) src(%dma_wait3A_285 : memref<128x128xf32, #tpu.memory_space<vmem>>) dst(%dma_wait3A_291 : memref<10112x128xf32, #tpu.memory_space<vmem_shared>>)
        tpu.yield
      }) : () -> ()
      %while3A_271 = arith.constant 0 : i32
      scf.yield %while3A_271 : i32
    }
    %while3A_64 = arith.constant 1 : i32
    %while3A_65 = scf.for %while3A_67 = %while3A_61 to %while3A_57 step %while3A_64 iter_args(%while3A_68 = %while3A_63) -> (i32)  : i32 {
      %rem3A_69 = arith.constant 2 : i32
      %rem3A_70 = arith.remsi %while3A_67, %rem3A_69 : i32
      %add3A_71 = arith.constant 1 : i32
      %add3A_72 = arith.addi %while3A_67, %add3A_71 : i32
      %rem3A_73 = arith.constant 2 : i32
      %rem3A_74 = arith.remsi %add3A_72, %rem3A_73 : i32
      %add3A_75 = arith.constant 1 : i32
      %add3A_76 = arith.addi %while3A_67, %add3A_75 : i32
      %lt3A = arith.cmpi slt, %add3A_76, %select_n3A_51 : i32
      %convert_element_type3A_77 = arith.extui %lt3A : i1 to i32
      %cond3A_78 = arith.constant 0 : i32
      %cond3A_79 = arith.cmpi ne, %convert_element_type3A_77, %cond3A_78 : i32
      scf.if %cond3A_79 {
        %add3A_272 = arith.addi %min3A_27, %while3A_67 : i32
        %add3A_273 = arith.constant 1 : i32
        %add3A_274 = arith.addi %add3A_272, %add3A_273 : i32
        "tpu.region"() ({
          %run_scoped3A_278 = tpu.sem_alloc : memref<!tpu.dma_semaphore, #tpu.memory_space<semaphore_mem>>
          %dma_start3A = arith.constant 0 : i32
          %dma_start3A_279 = arith.constant 0 : i32
          %dma_start3A_280 = tpu.memref_slice %arg7[%rem3A_74, %dma_start3A, %dma_start3A_279] : memref<2x8x128xi32, #tpu.memory_space<vmem>> -> memref<1x8x128xi32, #tpu.memory_space<vmem>>
          %dma_start3A_281 = tpu.memref_squeeze %dma_start3A_280 : memref<1x8x128xi32, #tpu.memory_space<vmem>> -> memref<8x128xi32, #tpu.memory_space<vmem>>
          %dma_start3A_282 = arith.constant 0 : i32
          %dma_start3A_283 = arith.constant 0 : i32
          %dma_start3A_284 = tpu.memref_slice %arg3[%add3A_274, %dma_start3A_282, %dma_start3A_283] : memref<320x8x128xi32, #tpu.memory_space<hbm>> -> memref<1x8x128xi32, #tpu.memory_space<hbm>>
          %dma_start3A_285 = tpu.memref_squeeze %dma_start3A_284 : memref<1x8x128xi32, #tpu.memory_space<hbm>> -> memref<8x128xi32, #tpu.memory_space<hbm>>
          %dma_start3A_286 = arith.constant 0 : i32
          %dma_start3A_287 = arith.constant 0 : i32
          %dma_start3A_288 = tpu.memref_slice %arg7[%rem3A_74, %dma_start3A_286, %dma_start3A_287] : memref<2x8x128xi32, #tpu.memory_space<vmem>> -> memref<1x8x128xi32, #tpu.memory_space<vmem>>
          %dma_start3A_289 = tpu.memref_squeeze %dma_start3A_288 : memref<1x8x128xi32, #tpu.memory_space<vmem>> -> memref<8x128xi32, #tpu.memory_space<vmem>>
          %dma_start3A_290 = arith.constant 0 : i32
          %dma_start3A_291 = arith.constant 0 : i32
          %dma_start3A_292 = tpu.memref_slice %arg3[%add3A_274, %dma_start3A_290, %dma_start3A_291] : memref<320x8x128xi32, #tpu.memory_space<hbm>> -> memref<1x8x128xi32, #tpu.memory_space<hbm>>
          %dma_start3A_293 = tpu.memref_squeeze %dma_start3A_292 : memref<1x8x128xi32, #tpu.memory_space<hbm>> -> memref<8x128xi32, #tpu.memory_space<hbm>>
          tpu.enqueue_dma source(%dma_start3A_293 : memref<8x128xi32, #tpu.memory_space<hbm>>) target(%dma_start3A_289 : memref<8x128xi32, #tpu.memory_space<vmem>>) target_semaphore(%run_scoped3A_278 : memref<!tpu.dma_semaphore, #tpu.memory_space<semaphore_mem>>)
          %dma_wait3A_294 = arith.constant 0 : i32
          %dma_wait3A_295 = arith.constant 0 : i32
          %dma_wait3A_296 = tpu.memref_slice %arg7[%rem3A_74, %dma_wait3A_294, %dma_wait3A_295] : memref<2x8x128xi32, #tpu.memory_space<vmem>> -> memref<1x8x128xi32, #tpu.memory_space<vmem>>
          %dma_wait3A_297 = tpu.memref_squeeze %dma_wait3A_296 : memref<1x8x128xi32, #tpu.memory_space<vmem>> -> memref<8x128xi32, #tpu.memory_space<vmem>>
          %dma_wait3A_298 = arith.constant 0 : i32
          %dma_wait3A_299 = arith.constant 0 : i32
          %dma_wait3A_300 = tpu.memref_slice %arg3[%add3A_274, %dma_wait3A_298, %dma_wait3A_299] : memref<320x8x128xi32, #tpu.memory_space<hbm>> -> memref<1x8x128xi32, #tpu.memory_space<hbm>>
          %dma_wait3A_301 = tpu.memref_squeeze %dma_wait3A_300 : memref<1x8x128xi32, #tpu.memory_space<hbm>> -> memref<8x128xi32, #tpu.memory_space<hbm>>
          %dma_wait3A_302 = arith.constant 0 : i32
          %dma_wait3A_303 = arith.constant 0 : i32
          %dma_wait3A_304 = tpu.memref_slice %arg7[%rem3A_74, %dma_wait3A_302, %dma_wait3A_303] : memref<2x8x128xi32, #tpu.memory_space<vmem>> -> memref<1x8x128xi32, #tpu.memory_space<vmem>>
          %dma_wait3A_305 = tpu.memref_squeeze %dma_wait3A_304 : memref<1x8x128xi32, #tpu.memory_space<vmem>> -> memref<8x128xi32, #tpu.memory_space<vmem>>
          %dma_wait3A_306 = arith.constant 0 : i32
          %dma_wait3A_307 = arith.constant 0 : i32
          %dma_wait3A_308 = tpu.memref_slice %arg3[%add3A_274, %dma_wait3A_306, %dma_wait3A_307] : memref<320x8x128xi32, #tpu.memory_space<hbm>> -> memref<1x8x128xi32, #tpu.memory_space<hbm>>
          %dma_wait3A_309 = tpu.memref_squeeze %dma_wait3A_308 : memref<1x8x128xi32, #tpu.memory_space<hbm>> -> memref<8x128xi32, #tpu.memory_space<hbm>>
          tpu.wait_dma2 semaphore(%run_scoped3A_278 : memref<!tpu.dma_semaphore, #tpu.memory_space<semaphore_mem>>) src(%dma_wait3A_309 : memref<8x128xi32, #tpu.memory_space<hbm>>) dst(%dma_wait3A_305 : memref<8x128xi32, #tpu.memory_space<vmem>>)
          tpu.yield
        }) : () -> ()
        %add3A_275 = arith.addi %min3A_27, %while3A_67 : i32
        %add3A_276 = arith.constant 1 : i32
        %add3A_277 = arith.addi %add3A_275, %add3A_276 : i32
        "tpu.region"() ({
          %run_scoped3A_278 = tpu.sem_alloc : memref<!tpu.dma_semaphore, #tpu.memory_space<semaphore_mem>>
          %dma_start3A = arith.constant 0 : i32
          %dma_start3A_279 = arith.constant 0 : i32
          %dma_start3A_280 = tpu.memref_slice %arg8[%rem3A_74, %dma_start3A, %dma_start3A_279] : memref<2x8x128xi32, #tpu.memory_space<vmem>> -> memref<1x8x128xi32, #tpu.memory_space<vmem>>
          %dma_start3A_281 = tpu.memref_squeeze %dma_start3A_280 : memref<1x8x128xi32, #tpu.memory_space<vmem>> -> memref<8x128xi32, #tpu.memory_space<vmem>>
          %dma_start3A_282 = arith.constant 0 : i32
          %dma_start3A_283 = arith.constant 0 : i32
          %dma_start3A_284 = tpu.memref_slice %arg4[%add3A_277, %dma_start3A_282, %dma_start3A_283] : memref<320x8x128xi32, #tpu.memory_space<hbm>> -> memref<1x8x128xi32, #tpu.memory_space<hbm>>
          %dma_start3A_285 = tpu.memref_squeeze %dma_start3A_284 : memref<1x8x128xi32, #tpu.memory_space<hbm>> -> memref<8x128xi32, #tpu.memory_space<hbm>>
          %dma_start3A_286 = arith.constant 0 : i32
          %dma_start3A_287 = arith.constant 0 : i32
          %dma_start3A_288 = tpu.memref_slice %arg8[%rem3A_74, %dma_start3A_286, %dma_start3A_287] : memref<2x8x128xi32, #tpu.memory_space<vmem>> -> memref<1x8x128xi32, #tpu.memory_space<vmem>>
          %dma_start3A_289 = tpu.memref_squeeze %dma_start3A_288 : memref<1x8x128xi32, #tpu.memory_space<vmem>> -> memref<8x128xi32, #tpu.memory_space<vmem>>
          %dma_start3A_290 = arith.constant 0 : i32
          %dma_start3A_291 = arith.constant 0 : i32
          %dma_start3A_292 = tpu.memref_slice %arg4[%add3A_277, %dma_start3A_290, %dma_start3A_291] : memref<320x8x128xi32, #tpu.memory_space<hbm>> -> memref<1x8x128xi32, #tpu.memory_space<hbm>>
          %dma_start3A_293 = tpu.memref_squeeze %dma_start3A_292 : memref<1x8x128xi32, #tpu.memory_space<hbm>> -> memref<8x128xi32, #tpu.memory_space<hbm>>
          tpu.enqueue_dma source(%dma_start3A_293 : memref<8x128xi32, #tpu.memory_space<hbm>>) target(%dma_start3A_289 : memref<8x128xi32, #tpu.memory_space<vmem>>) target_semaphore(%run_scoped3A_278 : memref<!tpu.dma_semaphore, #tpu.memory_space<semaphore_mem>>)
          %dma_wait3A_294 = arith.constant 0 : i32
          %dma_wait3A_295 = arith.constant 0 : i32
          %dma_wait3A_296 = tpu.memref_slice %arg8[%rem3A_74, %dma_wait3A_294, %dma_wait3A_295] : memref<2x8x128xi32, #tpu.memory_space<vmem>> -> memref<1x8x128xi32, #tpu.memory_space<vmem>>
          %dma_wait3A_297 = tpu.memref_squeeze %dma_wait3A_296 : memref<1x8x128xi32, #tpu.memory_space<vmem>> -> memref<8x128xi32, #tpu.memory_space<vmem>>
          %dma_wait3A_298 = arith.constant 0 : i32
          %dma_wait3A_299 = arith.constant 0 : i32
          %dma_wait3A_300 = tpu.memref_slice %arg4[%add3A_277, %dma_wait3A_298, %dma_wait3A_299] : memref<320x8x128xi32, #tpu.memory_space<hbm>> -> memref<1x8x128xi32, #tpu.memory_space<hbm>>
          %dma_wait3A_301 = tpu.memref_squeeze %dma_wait3A_300 : memref<1x8x128xi32, #tpu.memory_space<hbm>> -> memref<8x128xi32, #tpu.memory_space<hbm>>
          %dma_wait3A_302 = arith.constant 0 : i32
          %dma_wait3A_303 = arith.constant 0 : i32
          %dma_wait3A_304 = tpu.memref_slice %arg8[%rem3A_74, %dma_wait3A_302, %dma_wait3A_303] : memref<2x8x128xi32, #tpu.memory_space<vmem>> -> memref<1x8x128xi32, #tpu.memory_space<vmem>>
          %dma_wait3A_305 = tpu.memref_squeeze %dma_wait3A_304 : memref<1x8x128xi32, #tpu.memory_space<vmem>> -> memref<8x128xi32, #tpu.memory_space<vmem>>
          %dma_wait3A_306 = arith.constant 0 : i32
          %dma_wait3A_307 = arith.constant 0 : i32
          %dma_wait3A_308 = tpu.memref_slice %arg4[%add3A_277, %dma_wait3A_306, %dma_wait3A_307] : memref<320x8x128xi32, #tpu.memory_space<hbm>> -> memref<1x8x128xi32, #tpu.memory_space<hbm>>
          %dma_wait3A_309 = tpu.memref_squeeze %dma_wait3A_308 : memref<1x8x128xi32, #tpu.memory_space<hbm>> -> memref<8x128xi32, #tpu.memory_space<hbm>>
          tpu.wait_dma2 semaphore(%run_scoped3A_278 : memref<!tpu.dma_semaphore, #tpu.memory_space<semaphore_mem>>) src(%dma_wait3A_309 : memref<8x128xi32, #tpu.memory_space<hbm>>) dst(%dma_wait3A_305 : memref<8x128xi32, #tpu.memory_space<vmem>>)
          tpu.yield
        }) : () -> ()
      } else {
      }
      %mul3A_80 = arith.constant 8 : i32
      %mul3A_81 = arith.muli %while3A_67, %mul3A_80 : i32
      %add3A_82 = arith.constant 0 : i32
      %add3A_83 = arith.addi %mul3A_81, %add3A_82 : i32
      %add3A_84 = arith.constant 1 : i32
      %add3A_85 = arith.addi %add3A_83, %add3A_84 : i32
      %lt3A_86 = arith.cmpi slt, %add3A_85, %select_n3A : i32
      %convert_element_type3A_87 = arith.extui %lt3A_86 : i1 to i32
      %cond3A_88 = arith.constant 0 : i32
      %cond3A_89 = arith.cmpi ne, %convert_element_type3A_87, %cond3A_88 : i32
      scf.if %cond3A_89 {
        %dma_start3A = arith.constant 1 : i32
        %dma_start3A_272 = arith.constant 1 : i32
        %dma_start3A_273 = arith.constant 0 : i32
        %dma_start3A_274 = arith.constant 0 : i32
        %dma_start3A_275 = tpu.memref_slice %arg9[%dma_start3A_272, %dma_start3A_273, %dma_start3A_274] : memref<2x128x128xf32, #tpu.memory_space<vmem>> -> memref<1x128x128xf32, #tpu.memory_space<vmem>>
        %dma_start3A_276 = tpu.memref_squeeze %dma_start3A_275 : memref<1x128x128xf32, #tpu.memory_space<vmem>> -> memref<128x128xf32, #tpu.memory_space<vmem>>
        %dma_start3A_277 = arith.constant 0 : i32
        %dma_start3A_278 = tpu.memref_slice %arg7[%rem3A_70, %dma_start3A, %dma_start3A_277] : memref<2x8x128xi32, #tpu.memory_space<vmem>> -> memref<1x1x128xi32, #tpu.memory_space<vmem>>
        %dma_start3A_279 = tpu.memref_squeeze %dma_start3A_278 : memref<1x1x128xi32, #tpu.memory_space<vmem>> -> memref<128xi32, #tpu.memory_space<vmem>>
        %dma_start3A_280 = arith.constant 0 : i32
        %dma_start3A_281 = arith.constant 0 : i32
        %dma_start3A_282 = tpu.memref_slice %arg2[%dma_start3A_280, %dma_start3A_281] : memref<10000x128xf32, #tpu.memory_space<hbm>> -> memref<10000x128xf32, #tpu.memory_space<hbm>>
        tpu.enqueue_indirect_dma source(%dma_start3A_282 : memref<10000x128xf32, #tpu.memory_space<hbm>>) target(%dma_start3A_276 : memref<128x128xf32, #tpu.memory_space<vmem>>) offsets(%dma_start3A_279 : memref<128xi32, #tpu.memory_space<vmem>>) semaphore(%arg11 : memref<!tpu.dma_semaphore, #tpu.memory_space<semaphore_mem>>)
      } else {
      }
      %dma_wait3A = arith.constant 0 : i32
      %dma_wait3A_90 = arith.constant 0 : i32
      %dma_wait3A_91 = arith.constant 0 : i32
      %dma_wait3A_92 = arith.constant 0 : i32
      %dma_wait3A_93 = tpu.memref_slice %arg9[%dma_wait3A_90, %dma_wait3A_91, %dma_wait3A_92] : memref<2x128x128xf32, #tpu.memory_space<vmem>> -> memref<1x128x128xf32, #tpu.memory_space<vmem>>
      %dma_wait3A_94 = tpu.memref_squeeze %dma_wait3A_93 : memref<1x128x128xf32, #tpu.memory_space<vmem>> -> memref<128x128xf32, #tpu.memory_space<vmem>>
      %dma_wait3A_95 = arith.constant 0 : i32
      %dma_wait3A_96 = tpu.memref_slice %arg7[%rem3A_70, %dma_wait3A, %dma_wait3A_95] : memref<2x8x128xi32, #tpu.memory_space<vmem>> -> memref<1x1x128xi32, #tpu.memory_space<vmem>>
      %dma_wait3A_97 = tpu.memref_squeeze %dma_wait3A_96 : memref<1x1x128xi32, #tpu.memory_space<vmem>> -> memref<128xi32, #tpu.memory_space<vmem>>
      %dma_wait3A_98 = arith.constant 0 : i32
      %dma_wait3A_99 = arith.constant 0 : i32
      %dma_wait3A_100 = tpu.memref_slice %arg2[%dma_wait3A_98, %dma_wait3A_99] : memref<10000x128xf32, #tpu.memory_space<hbm>> -> memref<10000x128xf32, #tpu.memory_space<hbm>>
      tpu.wait_indirect_dma semaphore(%arg11 : memref<!tpu.dma_semaphore, #tpu.memory_space<semaphore_mem>>) src(%dma_wait3A_100 : memref<10000x128xf32, #tpu.memory_space<hbm>>) dst(%dma_wait3A_94 : memref<128x128xf32, #tpu.memory_space<vmem>>)
      %run_scoped3A_101 = arith.constant 0 : i32
      %run_scoped3A_102 = arith.constant 0 : i32
      "tpu.region"() ({
        %run_scoped3A_272 = tpu.sem_alloc : memref<!tpu.dma_semaphore, #tpu.memory_space<semaphore_mem>>
        %dma_start3A = arith.constant 0 : i32
        %dma_start3A_273 = arith.constant 0 : i32
        %dma_start3A_274 = tpu.memref_slice %arg9[%run_scoped3A_101, %dma_start3A, %dma_start3A_273] : memref<2x128x128xf32, #tpu.memory_space<vmem>> -> memref<1x128x128xf32, #tpu.memory_space<vmem>>
        %dma_start3A_275 = tpu.memref_squeeze %dma_start3A_274 : memref<1x128x128xf32, #tpu.memory_space<vmem>> -> memref<128x128xf32, #tpu.memory_space<vmem>>
        %dma_start3A_276 = arith.constant 0 : i32
        %dma_start3A_277 = tpu.memref_slice %arg8[%rem3A_70, %run_scoped3A_102, %dma_start3A_276] : memref<2x8x128xi32, #tpu.memory_space<vmem>> -> memref<1x1x128xi32, #tpu.memory_space<vmem>>
        %dma_start3A_278 = tpu.memref_squeeze %dma_start3A_277 : memref<1x1x128xi32, #tpu.memory_space<vmem>> -> memref<128xi32, #tpu.memory_space<vmem>>
        %dma_start3A_279 = arith.constant 0 : i32
        %dma_start3A_280 = arith.constant 0 : i32
        %dma_start3A_281 = tpu.memref_slice %arg10[%dma_start3A_279, %dma_start3A_280] : memref<10112x128xf32, #tpu.memory_space<vmem_shared>> -> memref<10112x128xf32, #tpu.memory_space<vmem_shared>>
        tpu.enqueue_indirect_dma source(%dma_start3A_275 : memref<128x128xf32, #tpu.memory_space<vmem>>) target(%dma_start3A_281 : memref<10112x128xf32, #tpu.memory_space<vmem_shared>>) offsets(%dma_start3A_278 : memref<128xi32, #tpu.memory_space<vmem>>) semaphore(%run_scoped3A_272 : memref<!tpu.dma_semaphore, #tpu.memory_space<semaphore_mem>>) {add = true}
        %dma_wait3A_282 = arith.constant 0 : i32
        %dma_wait3A_283 = arith.constant 0 : i32
        %dma_wait3A_284 = tpu.memref_slice %arg9[%run_scoped3A_101, %dma_wait3A_282, %dma_wait3A_283] : memref<2x128x128xf32, #tpu.memory_space<vmem>> -> memref<1x128x128xf32, #tpu.memory_space<vmem>>
        %dma_wait3A_285 = tpu.memref_squeeze %dma_wait3A_284 : memref<1x128x128xf32, #tpu.memory_space<vmem>> -> memref<128x128xf32, #tpu.memory_space<vmem>>
        %dma_wait3A_286 = arith.constant 0 : i32
        %dma_wait3A_287 = tpu.memref_slice %arg8[%rem3A_70, %run_scoped3A_102, %dma_wait3A_286] : memref<2x8x128xi32, #tpu.memory_space<vmem>> -> memref<1x1x128xi32, #tpu.memory_space<vmem>>
        %dma_wait3A_288 = tpu.memref_squeeze %dma_wait3A_287 : memref<1x1x128xi32, #tpu.memory_space<vmem>> -> memref<128xi32, #tpu.memory_space<vmem>>
        %dma_wait3A_289 = arith.constant 0 : i32
        %dma_wait3A_290 = arith.constant 0 : i32
        %dma_wait3A_291 = tpu.memref_slice %arg10[%dma_wait3A_289, %dma_wait3A_290] : memref<10112x128xf32, #tpu.memory_space<vmem_shared>> -> memref<10112x128xf32, #tpu.memory_space<vmem_shared>>
        tpu.wait_indirect_dma semaphore(%run_scoped3A_272 : memref<!tpu.dma_semaphore, #tpu.memory_space<semaphore_mem>>) src(%dma_wait3A_285 : memref<128x128xf32, #tpu.memory_space<vmem>>) dst(%dma_wait3A_291 : memref<10112x128xf32, #tpu.memory_space<vmem_shared>>)
        tpu.yield
      }) : () -> ()
      %mul3A_103 = arith.constant 8 : i32
      %mul3A_104 = arith.muli %while3A_67, %mul3A_103 : i32
      %add3A_105 = arith.constant 1 : i32
      %add3A_106 = arith.addi %mul3A_104, %add3A_105 : i32
      %add3A_107 = arith.constant 1 : i32
      %add3A_108 = arith.addi %add3A_106, %add3A_107 : i32
      %lt3A_109 = arith.cmpi slt, %add3A_108, %select_n3A : i32
      %convert_element_type3A_110 = arith.extui %lt3A_109 : i1 to i32
      %cond3A_111 = arith.constant 0 : i32
      %cond3A_112 = arith.cmpi ne, %convert_element_type3A_110, %cond3A_111 : i32
      scf.if %cond3A_112 {
        %dma_start3A = arith.constant 2 : i32
        %dma_start3A_272 = arith.constant 0 : i32
        %dma_start3A_273 = arith.constant 0 : i32
        %dma_start3A_274 = arith.constant 0 : i32
        %dma_start3A_275 = tpu.memref_slice %arg9[%dma_start3A_272, %dma_start3A_273, %dma_start3A_274] : memref<2x128x128xf32, #tpu.memory_space<vmem>> -> memref<1x128x128xf32, #tpu.memory_space<vmem>>
        %dma_start3A_276 = tpu.memref_squeeze %dma_start3A_275 : memref<1x128x128xf32, #tpu.memory_space<vmem>> -> memref<128x128xf32, #tpu.memory_space<vmem>>
        %dma_start3A_277 = arith.constant 0 : i32
        %dma_start3A_278 = tpu.memref_slice %arg7[%rem3A_70, %dma_start3A, %dma_start3A_277] : memref<2x8x128xi32, #tpu.memory_space<vmem>> -> memref<1x1x128xi32, #tpu.memory_space<vmem>>
        %dma_start3A_279 = tpu.memref_squeeze %dma_start3A_278 : memref<1x1x128xi32, #tpu.memory_space<vmem>> -> memref<128xi32, #tpu.memory_space<vmem>>
        %dma_start3A_280 = arith.constant 0 : i32
        %dma_start3A_281 = arith.constant 0 : i32
        %dma_start3A_282 = tpu.memref_slice %arg2[%dma_start3A_280, %dma_start3A_281] : memref<10000x128xf32, #tpu.memory_space<hbm>> -> memref<10000x128xf32, #tpu.memory_space<hbm>>
        tpu.enqueue_indirect_dma source(%dma_start3A_282 : memref<10000x128xf32, #tpu.memory_space<hbm>>) target(%dma_start3A_276 : memref<128x128xf32, #tpu.memory_space<vmem>>) offsets(%dma_start3A_279 : memref<128xi32, #tpu.memory_space<vmem>>) semaphore(%arg11 : memref<!tpu.dma_semaphore, #tpu.memory_space<semaphore_mem>>)
      } else {
      }
      %dma_wait3A_113 = arith.constant 1 : i32
      %dma_wait3A_114 = arith.constant 1 : i32
      %dma_wait3A_115 = arith.constant 0 : i32
      %dma_wait3A_116 = arith.constant 0 : i32
      %dma_wait3A_117 = tpu.memref_slice %arg9[%dma_wait3A_114, %dma_wait3A_115, %dma_wait3A_116] : memref<2x128x128xf32, #tpu.memory_space<vmem>> -> memref<1x128x128xf32, #tpu.memory_space<vmem>>
      %dma_wait3A_118 = tpu.memref_squeeze %dma_wait3A_117 : memref<1x128x128xf32, #tpu.memory_space<vmem>> -> memref<128x128xf32, #tpu.memory_space<vmem>>
      %dma_wait3A_119 = arith.constant 0 : i32
      %dma_wait3A_120 = tpu.memref_slice %arg7[%rem3A_70, %dma_wait3A_113, %dma_wait3A_119] : memref<2x8x128xi32, #tpu.memory_space<vmem>> -> memref<1x1x128xi32, #tpu.memory_space<vmem>>
      %dma_wait3A_121 = tpu.memref_squeeze %dma_wait3A_120 : memref<1x1x128xi32, #tpu.memory_space<vmem>> -> memref<128xi32, #tpu.memory_space<vmem>>
      %dma_wait3A_122 = arith.constant 0 : i32
      %dma_wait3A_123 = arith.constant 0 : i32
      %dma_wait3A_124 = tpu.memref_slice %arg2[%dma_wait3A_122, %dma_wait3A_123] : memref<10000x128xf32, #tpu.memory_space<hbm>> -> memref<10000x128xf32, #tpu.memory_space<hbm>>
      tpu.wait_indirect_dma semaphore(%arg11 : memref<!tpu.dma_semaphore, #tpu.memory_space<semaphore_mem>>) src(%dma_wait3A_124 : memref<10000x128xf32, #tpu.memory_space<hbm>>) dst(%dma_wait3A_118 : memref<128x128xf32, #tpu.memory_space<vmem>>)
      %run_scoped3A_125 = arith.constant 1 : i32
      %run_scoped3A_126 = arith.constant 1 : i32
      "tpu.region"() ({
        %run_scoped3A_272 = tpu.sem_alloc : memref<!tpu.dma_semaphore, #tpu.memory_space<semaphore_mem>>
        %dma_start3A = arith.constant 0 : i32
        %dma_start3A_273 = arith.constant 0 : i32
        %dma_start3A_274 = tpu.memref_slice %arg9[%run_scoped3A_125, %dma_start3A, %dma_start3A_273] : memref<2x128x128xf32, #tpu.memory_space<vmem>> -> memref<1x128x128xf32, #tpu.memory_space<vmem>>
        %dma_start3A_275 = tpu.memref_squeeze %dma_start3A_274 : memref<1x128x128xf32, #tpu.memory_space<vmem>> -> memref<128x128xf32, #tpu.memory_space<vmem>>
        %dma_start3A_276 = arith.constant 0 : i32
        %dma_start3A_277 = tpu.memref_slice %arg8[%rem3A_70, %run_scoped3A_126, %dma_start3A_276] : memref<2x8x128xi32, #tpu.memory_space<vmem>> -> memref<1x1x128xi32, #tpu.memory_space<vmem>>
        %dma_start3A_278 = tpu.memref_squeeze %dma_start3A_277 : memref<1x1x128xi32, #tpu.memory_space<vmem>> -> memref<128xi32, #tpu.memory_space<vmem>>
        %dma_start3A_279 = arith.constant 0 : i32
        %dma_start3A_280 = arith.constant 0 : i32
        %dma_start3A_281 = tpu.memref_slice %arg10[%dma_start3A_279, %dma_start3A_280] : memref<10112x128xf32, #tpu.memory_space<vmem_shared>> -> memref<10112x128xf32, #tpu.memory_space<vmem_shared>>
        tpu.enqueue_indirect_dma source(%dma_start3A_275 : memref<128x128xf32, #tpu.memory_space<vmem>>) target(%dma_start3A_281 : memref<10112x128xf32, #tpu.memory_space<vmem_shared>>) offsets(%dma_start3A_278 : memref<128xi32, #tpu.memory_space<vmem>>) semaphore(%run_scoped3A_272 : memref<!tpu.dma_semaphore, #tpu.memory_space<semaphore_mem>>) {add = true}
        %dma_wait3A_282 = arith.constant 0 : i32
        %dma_wait3A_283 = arith.constant 0 : i32
        %dma_wait3A_284 = tpu.memref_slice %arg9[%run_scoped3A_125, %dma_wait3A_282, %dma_wait3A_283] : memref<2x128x128xf32, #tpu.memory_space<vmem>> -> memref<1x128x128xf32, #tpu.memory_space<vmem>>
        %dma_wait3A_285 = tpu.memref_squeeze %dma_wait3A_284 : memref<1x128x128xf32, #tpu.memory_space<vmem>> -> memref<128x128xf32, #tpu.memory_space<vmem>>
        %dma_wait3A_286 = arith.constant 0 : i32
        %dma_wait3A_287 = tpu.memref_slice %arg8[%rem3A_70, %run_scoped3A_126, %dma_wait3A_286] : memref<2x8x128xi32, #tpu.memory_space<vmem>> -> memref<1x1x128xi32, #tpu.memory_space<vmem>>
        %dma_wait3A_288 = tpu.memref_squeeze %dma_wait3A_287 : memref<1x1x128xi32, #tpu.memory_space<vmem>> -> memref<128xi32, #tpu.memory_space<vmem>>
        %dma_wait3A_289 = arith.constant 0 : i32
        %dma_wait3A_290 = arith.constant 0 : i32
        %dma_wait3A_291 = tpu.memref_slice %arg10[%dma_wait3A_289, %dma_wait3A_290] : memref<10112x128xf32, #tpu.memory_space<vmem_shared>> -> memref<10112x128xf32, #tpu.memory_space<vmem_shared>>
        tpu.wait_indirect_dma semaphore(%run_scoped3A_272 : memref<!tpu.dma_semaphore, #tpu.memory_space<semaphore_mem>>) src(%dma_wait3A_285 : memref<128x128xf32, #tpu.memory_space<vmem>>) dst(%dma_wait3A_291 : memref<10112x128xf32, #tpu.memory_space<vmem_shared>>)
        tpu.yield
      }) : () -> ()
      %mul3A_127 = arith.constant 8 : i32
      %mul3A_128 = arith.muli %while3A_67, %mul3A_127 : i32
      %add3A_129 = arith.constant 2 : i32
      %add3A_130 = arith.addi %mul3A_128, %add3A_129 : i32
      %add3A_131 = arith.constant 1 : i32
      %add3A_132 = arith.addi %add3A_130, %add3A_131 : i32
      %lt3A_133 = arith.cmpi slt, %add3A_132, %select_n3A : i32
      %convert_element_type3A_134 = arith.extui %lt3A_133 : i1 to i32
      %cond3A_135 = arith.constant 0 : i32
      %cond3A_136 = arith.cmpi ne, %convert_element_type3A_134, %cond3A_135 : i32
      scf.if %cond3A_136 {
        %dma_start3A = arith.constant 3 : i32
        %dma_start3A_272 = arith.constant 1 : i32
        %dma_start3A_273 = arith.constant 0 : i32
        %dma_start3A_274 = arith.constant 0 : i32
        %dma_start3A_275 = tpu.memref_slice %arg9[%dma_start3A_272, %dma_start3A_273, %dma_start3A_274] : memref<2x128x128xf32, #tpu.memory_space<vmem>> -> memref<1x128x128xf32, #tpu.memory_space<vmem>>
        %dma_start3A_276 = tpu.memref_squeeze %dma_start3A_275 : memref<1x128x128xf32, #tpu.memory_space<vmem>> -> memref<128x128xf32, #tpu.memory_space<vmem>>
        %dma_start3A_277 = arith.constant 0 : i32
        %dma_start3A_278 = tpu.memref_slice %arg7[%rem3A_70, %dma_start3A, %dma_start3A_277] : memref<2x8x128xi32, #tpu.memory_space<vmem>> -> memref<1x1x128xi32, #tpu.memory_space<vmem>>
        %dma_start3A_279 = tpu.memref_squeeze %dma_start3A_278 : memref<1x1x128xi32, #tpu.memory_space<vmem>> -> memref<128xi32, #tpu.memory_space<vmem>>
        %dma_start3A_280 = arith.constant 0 : i32
        %dma_start3A_281 = arith.constant 0 : i32
        %dma_start3A_282 = tpu.memref_slice %arg2[%dma_start3A_280, %dma_start3A_281] : memref<10000x128xf32, #tpu.memory_space<hbm>> -> memref<10000x128xf32, #tpu.memory_space<hbm>>
        tpu.enqueue_indirect_dma source(%dma_start3A_282 : memref<10000x128xf32, #tpu.memory_space<hbm>>) target(%dma_start3A_276 : memref<128x128xf32, #tpu.memory_space<vmem>>) offsets(%dma_start3A_279 : memref<128xi32, #tpu.memory_space<vmem>>) semaphore(%arg11 : memref<!tpu.dma_semaphore, #tpu.memory_space<semaphore_mem>>)
      } else {
      }
      %dma_wait3A_137 = arith.constant 2 : i32
      %dma_wait3A_138 = arith.constant 0 : i32
      %dma_wait3A_139 = arith.constant 0 : i32
      %dma_wait3A_140 = arith.constant 0 : i32
      %dma_wait3A_141 = tpu.memref_slice %arg9[%dma_wait3A_138, %dma_wait3A_139, %dma_wait3A_140] : memref<2x128x128xf32, #tpu.memory_space<vmem>> -> memref<1x128x128xf32, #tpu.memory_space<vmem>>
      %dma_wait3A_142 = tpu.memref_squeeze %dma_wait3A_141 : memref<1x128x128xf32, #tpu.memory_space<vmem>> -> memref<128x128xf32, #tpu.memory_space<vmem>>
      %dma_wait3A_143 = arith.constant 0 : i32
      %dma_wait3A_144 = tpu.memref_slice %arg7[%rem3A_70, %dma_wait3A_137, %dma_wait3A_143] : memref<2x8x128xi32, #tpu.memory_space<vmem>> -> memref<1x1x128xi32, #tpu.memory_space<vmem>>
      %dma_wait3A_145 = tpu.memref_squeeze %dma_wait3A_144 : memref<1x1x128xi32, #tpu.memory_space<vmem>> -> memref<128xi32, #tpu.memory_space<vmem>>
      %dma_wait3A_146 = arith.constant 0 : i32
      %dma_wait3A_147 = arith.constant 0 : i32
      %dma_wait3A_148 = tpu.memref_slice %arg2[%dma_wait3A_146, %dma_wait3A_147] : memref<10000x128xf32, #tpu.memory_space<hbm>> -> memref<10000x128xf32, #tpu.memory_space<hbm>>
      tpu.wait_indirect_dma semaphore(%arg11 : memref<!tpu.dma_semaphore, #tpu.memory_space<semaphore_mem>>) src(%dma_wait3A_148 : memref<10000x128xf32, #tpu.memory_space<hbm>>) dst(%dma_wait3A_142 : memref<128x128xf32, #tpu.memory_space<vmem>>)
      %run_scoped3A_149 = arith.constant 0 : i32
      %run_scoped3A_150 = arith.constant 2 : i32
      "tpu.region"() ({
        %run_scoped3A_272 = tpu.sem_alloc : memref<!tpu.dma_semaphore, #tpu.memory_space<semaphore_mem>>
        %dma_start3A = arith.constant 0 : i32
        %dma_start3A_273 = arith.constant 0 : i32
        %dma_start3A_274 = tpu.memref_slice %arg9[%run_scoped3A_149, %dma_start3A, %dma_start3A_273] : memref<2x128x128xf32, #tpu.memory_space<vmem>> -> memref<1x128x128xf32, #tpu.memory_space<vmem>>
        %dma_start3A_275 = tpu.memref_squeeze %dma_start3A_274 : memref<1x128x128xf32, #tpu.memory_space<vmem>> -> memref<128x128xf32, #tpu.memory_space<vmem>>
        %dma_start3A_276 = arith.constant 0 : i32
        %dma_start3A_277 = tpu.memref_slice %arg8[%rem3A_70, %run_scoped3A_150, %dma_start3A_276] : memref<2x8x128xi32, #tpu.memory_space<vmem>> -> memref<1x1x128xi32, #tpu.memory_space<vmem>>
        %dma_start3A_278 = tpu.memref_squeeze %dma_start3A_277 : memref<1x1x128xi32, #tpu.memory_space<vmem>> -> memref<128xi32, #tpu.memory_space<vmem>>
        %dma_start3A_279 = arith.constant 0 : i32
        %dma_start3A_280 = arith.constant 0 : i32
        %dma_start3A_281 = tpu.memref_slice %arg10[%dma_start3A_279, %dma_start3A_280] : memref<10112x128xf32, #tpu.memory_space<vmem_shared>> -> memref<10112x128xf32, #tpu.memory_space<vmem_shared>>
        tpu.enqueue_indirect_dma source(%dma_start3A_275 : memref<128x128xf32, #tpu.memory_space<vmem>>) target(%dma_start3A_281 : memref<10112x128xf32, #tpu.memory_space<vmem_shared>>) offsets(%dma_start3A_278 : memref<128xi32, #tpu.memory_space<vmem>>) semaphore(%run_scoped3A_272 : memref<!tpu.dma_semaphore, #tpu.memory_space<semaphore_mem>>) {add = true}
        %dma_wait3A_282 = arith.constant 0 : i32
        %dma_wait3A_283 = arith.constant 0 : i32
        %dma_wait3A_284 = tpu.memref_slice %arg9[%run_scoped3A_149, %dma_wait3A_282, %dma_wait3A_283] : memref<2x128x128xf32, #tpu.memory_space<vmem>> -> memref<1x128x128xf32, #tpu.memory_space<vmem>>
        %dma_wait3A_285 = tpu.memref_squeeze %dma_wait3A_284 : memref<1x128x128xf32, #tpu.memory_space<vmem>> -> memref<128x128xf32, #tpu.memory_space<vmem>>
        %dma_wait3A_286 = arith.constant 0 : i32
        %dma_wait3A_287 = tpu.memref_slice %arg8[%rem3A_70, %run_scoped3A_150, %dma_wait3A_286] : memref<2x8x128xi32, #tpu.memory_space<vmem>> -> memref<1x1x128xi32, #tpu.memory_space<vmem>>
        %dma_wait3A_288 = tpu.memref_squeeze %dma_wait3A_287 : memref<1x1x128xi32, #tpu.memory_space<vmem>> -> memref<128xi32, #tpu.memory_space<vmem>>
        %dma_wait3A_289 = arith.constant 0 : i32
        %dma_wait3A_290 = arith.constant 0 : i32
        %dma_wait3A_291 = tpu.memref_slice %arg10[%dma_wait3A_289, %dma_wait3A_290] : memref<10112x128xf32, #tpu.memory_space<vmem_shared>> -> memref<10112x128xf32, #tpu.memory_space<vmem_shared>>
        tpu.wait_indirect_dma semaphore(%run_scoped3A_272 : memref<!tpu.dma_semaphore, #tpu.memory_space<semaphore_mem>>) src(%dma_wait3A_285 : memref<128x128xf32, #tpu.memory_space<vmem>>) dst(%dma_wait3A_291 : memref<10112x128xf32, #tpu.memory_space<vmem_shared>>)
        tpu.yield
      }) : () -> ()
      %mul3A_151 = arith.constant 8 : i32
      %mul3A_152 = arith.muli %while3A_67, %mul3A_151 : i32
      %add3A_153 = arith.constant 3 : i32
      %add3A_154 = arith.addi %mul3A_152, %add3A_153 : i32
      %add3A_155 = arith.constant 1 : i32
      %add3A_156 = arith.addi %add3A_154, %add3A_155 : i32
      %lt3A_157 = arith.cmpi slt, %add3A_156, %select_n3A : i32
      %convert_element_type3A_158 = arith.extui %lt3A_157 : i1 to i32
      %cond3A_159 = arith.constant 0 : i32
      %cond3A_160 = arith.cmpi ne, %convert_element_type3A_158, %cond3A_159 : i32
      scf.if %cond3A_160 {
        %dma_start3A = arith.constant 4 : i32
        %dma_start3A_272 = arith.constant 0 : i32
        %dma_start3A_273 = arith.constant 0 : i32
        %dma_start3A_274 = arith.constant 0 : i32
        %dma_start3A_275 = tpu.memref_slice %arg9[%dma_start3A_272, %dma_start3A_273, %dma_start3A_274] : memref<2x128x128xf32, #tpu.memory_space<vmem>> -> memref<1x128x128xf32, #tpu.memory_space<vmem>>
        %dma_start3A_276 = tpu.memref_squeeze %dma_start3A_275 : memref<1x128x128xf32, #tpu.memory_space<vmem>> -> memref<128x128xf32, #tpu.memory_space<vmem>>
        %dma_start3A_277 = arith.constant 0 : i32
        %dma_start3A_278 = tpu.memref_slice %arg7[%rem3A_70, %dma_start3A, %dma_start3A_277] : memref<2x8x128xi32, #tpu.memory_space<vmem>> -> memref<1x1x128xi32, #tpu.memory_space<vmem>>
        %dma_start3A_279 = tpu.memref_squeeze %dma_start3A_278 : memref<1x1x128xi32, #tpu.memory_space<vmem>> -> memref<128xi32, #tpu.memory_space<vmem>>
        %dma_start3A_280 = arith.constant 0 : i32
        %dma_start3A_281 = arith.constant 0 : i32
        %dma_start3A_282 = tpu.memref_slice %arg2[%dma_start3A_280, %dma_start3A_281] : memref<10000x128xf32, #tpu.memory_space<hbm>> -> memref<10000x128xf32, #tpu.memory_space<hbm>>
        tpu.enqueue_indirect_dma source(%dma_start3A_282 : memref<10000x128xf32, #tpu.memory_space<hbm>>) target(%dma_start3A_276 : memref<128x128xf32, #tpu.memory_space<vmem>>) offsets(%dma_start3A_279 : memref<128xi32, #tpu.memory_space<vmem>>) semaphore(%arg11 : memref<!tpu.dma_semaphore, #tpu.memory_space<semaphore_mem>>)
      } else {
      }
      %dma_wait3A_161 = arith.constant 3 : i32
      %dma_wait3A_162 = arith.constant 1 : i32
      %dma_wait3A_163 = arith.constant 0 : i32
      %dma_wait3A_164 = arith.constant 0 : i32
      %dma_wait3A_165 = tpu.memref_slice %arg9[%dma_wait3A_162, %dma_wait3A_163, %dma_wait3A_164] : memref<2x128x128xf32, #tpu.memory_space<vmem>> -> memref<1x128x128xf32, #tpu.memory_space<vmem>>
      %dma_wait3A_166 = tpu.memref_squeeze %dma_wait3A_165 : memref<1x128x128xf32, #tpu.memory_space<vmem>> -> memref<128x128xf32, #tpu.memory_space<vmem>>
      %dma_wait3A_167 = arith.constant 0 : i32
      %dma_wait3A_168 = tpu.memref_slice %arg7[%rem3A_70, %dma_wait3A_161, %dma_wait3A_167] : memref<2x8x128xi32, #tpu.memory_space<vmem>> -> memref<1x1x128xi32, #tpu.memory_space<vmem>>
      %dma_wait3A_169 = tpu.memref_squeeze %dma_wait3A_168 : memref<1x1x128xi32, #tpu.memory_space<vmem>> -> memref<128xi32, #tpu.memory_space<vmem>>
      %dma_wait3A_170 = arith.constant 0 : i32
      %dma_wait3A_171 = arith.constant 0 : i32
      %dma_wait3A_172 = tpu.memref_slice %arg2[%dma_wait3A_170, %dma_wait3A_171] : memref<10000x128xf32, #tpu.memory_space<hbm>> -> memref<10000x128xf32, #tpu.memory_space<hbm>>
      tpu.wait_indirect_dma semaphore(%arg11 : memref<!tpu.dma_semaphore, #tpu.memory_space<semaphore_mem>>) src(%dma_wait3A_172 : memref<10000x128xf32, #tpu.memory_space<hbm>>) dst(%dma_wait3A_166 : memref<128x128xf32, #tpu.memory_space<vmem>>)
      %run_scoped3A_173 = arith.constant 1 : i32
      %run_scoped3A_174 = arith.constant 3 : i32
      "tpu.region"() ({
        %run_scoped3A_272 = tpu.sem_alloc : memref<!tpu.dma_semaphore, #tpu.memory_space<semaphore_mem>>
        %dma_start3A = arith.constant 0 : i32
        %dma_start3A_273 = arith.constant 0 : i32
        %dma_start3A_274 = tpu.memref_slice %arg9[%run_scoped3A_173, %dma_start3A, %dma_start3A_273] : memref<2x128x128xf32, #tpu.memory_space<vmem>> -> memref<1x128x128xf32, #tpu.memory_space<vmem>>
        %dma_start3A_275 = tpu.memref_squeeze %dma_start3A_274 : memref<1x128x128xf32, #tpu.memory_space<vmem>> -> memref<128x128xf32, #tpu.memory_space<vmem>>
        %dma_start3A_276 = arith.constant 0 : i32
        %dma_start3A_277 = tpu.memref_slice %arg8[%rem3A_70, %run_scoped3A_174, %dma_start3A_276] : memref<2x8x128xi32, #tpu.memory_space<vmem>> -> memref<1x1x128xi32, #tpu.memory_space<vmem>>
        %dma_start3A_278 = tpu.memref_squeeze %dma_start3A_277 : memref<1x1x128xi32, #tpu.memory_space<vmem>> -> memref<128xi32, #tpu.memory_space<vmem>>
        %dma_start3A_279 = arith.constant 0 : i32
        %dma_start3A_280 = arith.constant 0 : i32
        %dma_start3A_281 = tpu.memref_slice %arg10[%dma_start3A_279, %dma_start3A_280] : memref<10112x128xf32, #tpu.memory_space<vmem_shared>> -> memref<10112x128xf32, #tpu.memory_space<vmem_shared>>
        tpu.enqueue_indirect_dma source(%dma_start3A_275 : memref<128x128xf32, #tpu.memory_space<vmem>>) target(%dma_start3A_281 : memref<10112x128xf32, #tpu.memory_space<vmem_shared>>) offsets(%dma_start3A_278 : memref<128xi32, #tpu.memory_space<vmem>>) semaphore(%run_scoped3A_272 : memref<!tpu.dma_semaphore, #tpu.memory_space<semaphore_mem>>) {add = true}
        %dma_wait3A_282 = arith.constant 0 : i32
        %dma_wait3A_283 = arith.constant 0 : i32
        %dma_wait3A_284 = tpu.memref_slice %arg9[%run_scoped3A_173, %dma_wait3A_282, %dma_wait3A_283] : memref<2x128x128xf32, #tpu.memory_space<vmem>> -> memref<1x128x128xf32, #tpu.memory_space<vmem>>
        %dma_wait3A_285 = tpu.memref_squeeze %dma_wait3A_284 : memref<1x128x128xf32, #tpu.memory_space<vmem>> -> memref<128x128xf32, #tpu.memory_space<vmem>>
        %dma_wait3A_286 = arith.constant 0 : i32
        %dma_wait3A_287 = tpu.memref_slice %arg8[%rem3A_70, %run_scoped3A_174, %dma_wait3A_286] : memref<2x8x128xi32, #tpu.memory_space<vmem>> -> memref<1x1x128xi32, #tpu.memory_space<vmem>>
        %dma_wait3A_288 = tpu.memref_squeeze %dma_wait3A_287 : memref<1x1x128xi32, #tpu.memory_space<vmem>> -> memref<128xi32, #tpu.memory_space<vmem>>
        %dma_wait3A_289 = arith.constant 0 : i32
        %dma_wait3A_290 = arith.constant 0 : i32
        %dma_wait3A_291 = tpu.memref_slice %arg10[%dma_wait3A_289, %dma_wait3A_290] : memref<10112x128xf32, #tpu.memory_space<vmem_shared>> -> memref<10112x128xf32, #tpu.memory_space<vmem_shared>>
        tpu.wait_indirect_dma semaphore(%run_scoped3A_272 : memref<!tpu.dma_semaphore, #tpu.memory_space<semaphore_mem>>) src(%dma_wait3A_285 : memref<128x128xf32, #tpu.memory_space<vmem>>) dst(%dma_wait3A_291 : memref<10112x128xf32, #tpu.memory_space<vmem_shared>>)
        tpu.yield
      }) : () -> ()
      %mul3A_175 = arith.constant 8 : i32
      %mul3A_176 = arith.muli %while3A_67, %mul3A_175 : i32
      %add3A_177 = arith.constant 4 : i32
      %add3A_178 = arith.addi %mul3A_176, %add3A_177 : i32
      %add3A_179 = arith.constant 1 : i32
      %add3A_180 = arith.addi %add3A_178, %add3A_179 : i32
      %lt3A_181 = arith.cmpi slt, %add3A_180, %select_n3A : i32
      %convert_element_type3A_182 = arith.extui %lt3A_181 : i1 to i32
      %cond3A_183 = arith.constant 0 : i32
      %cond3A_184 = arith.cmpi ne, %convert_element_type3A_182, %cond3A_183 : i32
      scf.if %cond3A_184 {
        %dma_start3A = arith.constant 5 : i32
        %dma_start3A_272 = arith.constant 1 : i32
        %dma_start3A_273 = arith.constant 0 : i32
        %dma_start3A_274 = arith.constant 0 : i32
        %dma_start3A_275 = tpu.memref_slice %arg9[%dma_start3A_272, %dma_start3A_273, %dma_start3A_274] : memref<2x128x128xf32, #tpu.memory_space<vmem>> -> memref<1x128x128xf32, #tpu.memory_space<vmem>>
        %dma_start3A_276 = tpu.memref_squeeze %dma_start3A_275 : memref<1x128x128xf32, #tpu.memory_space<vmem>> -> memref<128x128xf32, #tpu.memory_space<vmem>>
        %dma_start3A_277 = arith.constant 0 : i32
        %dma_start3A_278 = tpu.memref_slice %arg7[%rem3A_70, %dma_start3A, %dma_start3A_277] : memref<2x8x128xi32, #tpu.memory_space<vmem>> -> memref<1x1x128xi32, #tpu.memory_space<vmem>>
        %dma_start3A_279 = tpu.memref_squeeze %dma_start3A_278 : memref<1x1x128xi32, #tpu.memory_space<vmem>> -> memref<128xi32, #tpu.memory_space<vmem>>
        %dma_start3A_280 = arith.constant 0 : i32
        %dma_start3A_281 = arith.constant 0 : i32
        %dma_start3A_282 = tpu.memref_slice %arg2[%dma_start3A_280, %dma_start3A_281] : memref<10000x128xf32, #tpu.memory_space<hbm>> -> memref<10000x128xf32, #tpu.memory_space<hbm>>
        tpu.enqueue_indirect_dma source(%dma_start3A_282 : memref<10000x128xf32, #tpu.memory_space<hbm>>) target(%dma_start3A_276 : memref<128x128xf32, #tpu.memory_space<vmem>>) offsets(%dma_start3A_279 : memref<128xi32, #tpu.memory_space<vmem>>) semaphore(%arg11 : memref<!tpu.dma_semaphore, #tpu.memory_space<semaphore_mem>>)
      } else {
      }
      %dma_wait3A_185 = arith.constant 4 : i32
      %dma_wait3A_186 = arith.constant 0 : i32
      %dma_wait3A_187 = arith.constant 0 : i32
      %dma_wait3A_188 = arith.constant 0 : i32
      %dma_wait3A_189 = tpu.memref_slice %arg9[%dma_wait3A_186, %dma_wait3A_187, %dma_wait3A_188] : memref<2x128x128xf32, #tpu.memory_space<vmem>> -> memref<1x128x128xf32, #tpu.memory_space<vmem>>
      %dma_wait3A_190 = tpu.memref_squeeze %dma_wait3A_189 : memref<1x128x128xf32, #tpu.memory_space<vmem>> -> memref<128x128xf32, #tpu.memory_space<vmem>>
      %dma_wait3A_191 = arith.constant 0 : i32
      %dma_wait3A_192 = tpu.memref_slice %arg7[%rem3A_70, %dma_wait3A_185, %dma_wait3A_191] : memref<2x8x128xi32, #tpu.memory_space<vmem>> -> memref<1x1x128xi32, #tpu.memory_space<vmem>>
      %dma_wait3A_193 = tpu.memref_squeeze %dma_wait3A_192 : memref<1x1x128xi32, #tpu.memory_space<vmem>> -> memref<128xi32, #tpu.memory_space<vmem>>
      %dma_wait3A_194 = arith.constant 0 : i32
      %dma_wait3A_195 = arith.constant 0 : i32
      %dma_wait3A_196 = tpu.memref_slice %arg2[%dma_wait3A_194, %dma_wait3A_195] : memref<10000x128xf32, #tpu.memory_space<hbm>> -> memref<10000x128xf32, #tpu.memory_space<hbm>>
      tpu.wait_indirect_dma semaphore(%arg11 : memref<!tpu.dma_semaphore, #tpu.memory_space<semaphore_mem>>) src(%dma_wait3A_196 : memref<10000x128xf32, #tpu.memory_space<hbm>>) dst(%dma_wait3A_190 : memref<128x128xf32, #tpu.memory_space<vmem>>)
      %run_scoped3A_197 = arith.constant 0 : i32
      %run_scoped3A_198 = arith.constant 4 : i32
      "tpu.region"() ({
        %run_scoped3A_272 = tpu.sem_alloc : memref<!tpu.dma_semaphore, #tpu.memory_space<semaphore_mem>>
        %dma_start3A = arith.constant 0 : i32
        %dma_start3A_273 = arith.constant 0 : i32
        %dma_start3A_274 = tpu.memref_slice %arg9[%run_scoped3A_197, %dma_start3A, %dma_start3A_273] : memref<2x128x128xf32, #tpu.memory_space<vmem>> -> memref<1x128x128xf32, #tpu.memory_space<vmem>>
        %dma_start3A_275 = tpu.memref_squeeze %dma_start3A_274 : memref<1x128x128xf32, #tpu.memory_space<vmem>> -> memref<128x128xf32, #tpu.memory_space<vmem>>
        %dma_start3A_276 = arith.constant 0 : i32
        %dma_start3A_277 = tpu.memref_slice %arg8[%rem3A_70, %run_scoped3A_198, %dma_start3A_276] : memref<2x8x128xi32, #tpu.memory_space<vmem>> -> memref<1x1x128xi32, #tpu.memory_space<vmem>>
        %dma_start3A_278 = tpu.memref_squeeze %dma_start3A_277 : memref<1x1x128xi32, #tpu.memory_space<vmem>> -> memref<128xi32, #tpu.memory_space<vmem>>
        %dma_start3A_279 = arith.constant 0 : i32
        %dma_start3A_280 = arith.constant 0 : i32
        %dma_start3A_281 = tpu.memref_slice %arg10[%dma_start3A_279, %dma_start3A_280] : memref<10112x128xf32, #tpu.memory_space<vmem_shared>> -> memref<10112x128xf32, #tpu.memory_space<vmem_shared>>
        tpu.enqueue_indirect_dma source(%dma_start3A_275 : memref<128x128xf32, #tpu.memory_space<vmem>>) target(%dma_start3A_281 : memref<10112x128xf32, #tpu.memory_space<vmem_shared>>) offsets(%dma_start3A_278 : memref<128xi32, #tpu.memory_space<vmem>>) semaphore(%run_scoped3A_272 : memref<!tpu.dma_semaphore, #tpu.memory_space<semaphore_mem>>) {add = true}
        %dma_wait3A_282 = arith.constant 0 : i32
        %dma_wait3A_283 = arith.constant 0 : i32
        %dma_wait3A_284 = tpu.memref_slice %arg9[%run_scoped3A_197, %dma_wait3A_282, %dma_wait3A_283] : memref<2x128x128xf32, #tpu.memory_space<vmem>> -> memref<1x128x128xf32, #tpu.memory_space<vmem>>
        %dma_wait3A_285 = tpu.memref_squeeze %dma_wait3A_284 : memref<1x128x128xf32, #tpu.memory_space<vmem>> -> memref<128x128xf32, #tpu.memory_space<vmem>>
        %dma_wait3A_286 = arith.constant 0 : i32
        %dma_wait3A_287 = tpu.memref_slice %arg8[%rem3A_70, %run_scoped3A_198, %dma_wait3A_286] : memref<2x8x128xi32, #tpu.memory_space<vmem>> -> memref<1x1x128xi32, #tpu.memory_space<vmem>>
        %dma_wait3A_288 = tpu.memref_squeeze %dma_wait3A_287 : memref<1x1x128xi32, #tpu.memory_space<vmem>> -> memref<128xi32, #tpu.memory_space<vmem>>
        %dma_wait3A_289 = arith.constant 0 : i32
        %dma_wait3A_290 = arith.constant 0 : i32
        %dma_wait3A_291 = tpu.memref_slice %arg10[%dma_wait3A_289, %dma_wait3A_290] : memref<10112x128xf32, #tpu.memory_space<vmem_shared>> -> memref<10112x128xf32, #tpu.memory_space<vmem_shared>>
        tpu.wait_indirect_dma semaphore(%run_scoped3A_272 : memref<!tpu.dma_semaphore, #tpu.memory_space<semaphore_mem>>) src(%dma_wait3A_285 : memref<128x128xf32, #tpu.memory_space<vmem>>) dst(%dma_wait3A_291 : memref<10112x128xf32, #tpu.memory_space<vmem_shared>>)
        tpu.yield
      }) : () -> ()
      %mul3A_199 = arith.constant 8 : i32
      %mul3A_200 = arith.muli %while3A_67, %mul3A_199 : i32
      %add3A_201 = arith.constant 5 : i32
      %add3A_202 = arith.addi %mul3A_200, %add3A_201 : i32
      %add3A_203 = arith.constant 1 : i32
      %add3A_204 = arith.addi %add3A_202, %add3A_203 : i32
      %lt3A_205 = arith.cmpi slt, %add3A_204, %select_n3A : i32
      %convert_element_type3A_206 = arith.extui %lt3A_205 : i1 to i32
      %cond3A_207 = arith.constant 0 : i32
      %cond3A_208 = arith.cmpi ne, %convert_element_type3A_206, %cond3A_207 : i32
      scf.if %cond3A_208 {
        %dma_start3A = arith.constant 6 : i32
        %dma_start3A_272 = arith.constant 0 : i32
        %dma_start3A_273 = arith.constant 0 : i32
        %dma_start3A_274 = arith.constant 0 : i32
        %dma_start3A_275 = tpu.memref_slice %arg9[%dma_start3A_272, %dma_start3A_273, %dma_start3A_274] : memref<2x128x128xf32, #tpu.memory_space<vmem>> -> memref<1x128x128xf32, #tpu.memory_space<vmem>>
        %dma_start3A_276 = tpu.memref_squeeze %dma_start3A_275 : memref<1x128x128xf32, #tpu.memory_space<vmem>> -> memref<128x128xf32, #tpu.memory_space<vmem>>
        %dma_start3A_277 = arith.constant 0 : i32
        %dma_start3A_278 = tpu.memref_slice %arg7[%rem3A_70, %dma_start3A, %dma_start3A_277] : memref<2x8x128xi32, #tpu.memory_space<vmem>> -> memref<1x1x128xi32, #tpu.memory_space<vmem>>
        %dma_start3A_279 = tpu.memref_squeeze %dma_start3A_278 : memref<1x1x128xi32, #tpu.memory_space<vmem>> -> memref<128xi32, #tpu.memory_space<vmem>>
        %dma_start3A_280 = arith.constant 0 : i32
        %dma_start3A_281 = arith.constant 0 : i32
        %dma_start3A_282 = tpu.memref_slice %arg2[%dma_start3A_280, %dma_start3A_281] : memref<10000x128xf32, #tpu.memory_space<hbm>> -> memref<10000x128xf32, #tpu.memory_space<hbm>>
        tpu.enqueue_indirect_dma source(%dma_start3A_282 : memref<10000x128xf32, #tpu.memory_space<hbm>>) target(%dma_start3A_276 : memref<128x128xf32, #tpu.memory_space<vmem>>) offsets(%dma_start3A_279 : memref<128xi32, #tpu.memory_space<vmem>>) semaphore(%arg11 : memref<!tpu.dma_semaphore, #tpu.memory_space<semaphore_mem>>)
      } else {
      }
      %dma_wait3A_209 = arith.constant 5 : i32
      %dma_wait3A_210 = arith.constant 1 : i32
      %dma_wait3A_211 = arith.constant 0 : i32
      %dma_wait3A_212 = arith.constant 0 : i32
      %dma_wait3A_213 = tpu.memref_slice %arg9[%dma_wait3A_210, %dma_wait3A_211, %dma_wait3A_212] : memref<2x128x128xf32, #tpu.memory_space<vmem>> -> memref<1x128x128xf32, #tpu.memory_space<vmem>>
      %dma_wait3A_214 = tpu.memref_squeeze %dma_wait3A_213 : memref<1x128x128xf32, #tpu.memory_space<vmem>> -> memref<128x128xf32, #tpu.memory_space<vmem>>
      %dma_wait3A_215 = arith.constant 0 : i32
      %dma_wait3A_216 = tpu.memref_slice %arg7[%rem3A_70, %dma_wait3A_209, %dma_wait3A_215] : memref<2x8x128xi32, #tpu.memory_space<vmem>> -> memref<1x1x128xi32, #tpu.memory_space<vmem>>
      %dma_wait3A_217 = tpu.memref_squeeze %dma_wait3A_216 : memref<1x1x128xi32, #tpu.memory_space<vmem>> -> memref<128xi32, #tpu.memory_space<vmem>>
      %dma_wait3A_218 = arith.constant 0 : i32
      %dma_wait3A_219 = arith.constant 0 : i32
      %dma_wait3A_220 = tpu.memref_slice %arg2[%dma_wait3A_218, %dma_wait3A_219] : memref<10000x128xf32, #tpu.memory_space<hbm>> -> memref<10000x128xf32, #tpu.memory_space<hbm>>
      tpu.wait_indirect_dma semaphore(%arg11 : memref<!tpu.dma_semaphore, #tpu.memory_space<semaphore_mem>>) src(%dma_wait3A_220 : memref<10000x128xf32, #tpu.memory_space<hbm>>) dst(%dma_wait3A_214 : memref<128x128xf32, #tpu.memory_space<vmem>>)
      %run_scoped3A_221 = arith.constant 1 : i32
      %run_scoped3A_222 = arith.constant 5 : i32
      "tpu.region"() ({
        %run_scoped3A_272 = tpu.sem_alloc : memref<!tpu.dma_semaphore, #tpu.memory_space<semaphore_mem>>
        %dma_start3A = arith.constant 0 : i32
        %dma_start3A_273 = arith.constant 0 : i32
        %dma_start3A_274 = tpu.memref_slice %arg9[%run_scoped3A_221, %dma_start3A, %dma_start3A_273] : memref<2x128x128xf32, #tpu.memory_space<vmem>> -> memref<1x128x128xf32, #tpu.memory_space<vmem>>
        %dma_start3A_275 = tpu.memref_squeeze %dma_start3A_274 : memref<1x128x128xf32, #tpu.memory_space<vmem>> -> memref<128x128xf32, #tpu.memory_space<vmem>>
        %dma_start3A_276 = arith.constant 0 : i32
        %dma_start3A_277 = tpu.memref_slice %arg8[%rem3A_70, %run_scoped3A_222, %dma_start3A_276] : memref<2x8x128xi32, #tpu.memory_space<vmem>> -> memref<1x1x128xi32, #tpu.memory_space<vmem>>
        %dma_start3A_278 = tpu.memref_squeeze %dma_start3A_277 : memref<1x1x128xi32, #tpu.memory_space<vmem>> -> memref<128xi32, #tpu.memory_space<vmem>>
        %dma_start3A_279 = arith.constant 0 : i32
        %dma_start3A_280 = arith.constant 0 : i32
        %dma_start3A_281 = tpu.memref_slice %arg10[%dma_start3A_279, %dma_start3A_280] : memref<10112x128xf32, #tpu.memory_space<vmem_shared>> -> memref<10112x128xf32, #tpu.memory_space<vmem_shared>>
        tpu.enqueue_indirect_dma source(%dma_start3A_275 : memref<128x128xf32, #tpu.memory_space<vmem>>) target(%dma_start3A_281 : memref<10112x128xf32, #tpu.memory_space<vmem_shared>>) offsets(%dma_start3A_278 : memref<128xi32, #tpu.memory_space<vmem>>) semaphore(%run_scoped3A_272 : memref<!tpu.dma_semaphore, #tpu.memory_space<semaphore_mem>>) {add = true}
        %dma_wait3A_282 = arith.constant 0 : i32
        %dma_wait3A_283 = arith.constant 0 : i32
        %dma_wait3A_284 = tpu.memref_slice %arg9[%run_scoped3A_221, %dma_wait3A_282, %dma_wait3A_283] : memref<2x128x128xf32, #tpu.memory_space<vmem>> -> memref<1x128x128xf32, #tpu.memory_space<vmem>>
        %dma_wait3A_285 = tpu.memref_squeeze %dma_wait3A_284 : memref<1x128x128xf32, #tpu.memory_space<vmem>> -> memref<128x128xf32, #tpu.memory_space<vmem>>
        %dma_wait3A_286 = arith.constant 0 : i32
        %dma_wait3A_287 = tpu.memref_slice %arg8[%rem3A_70, %run_scoped3A_222, %dma_wait3A_286] : memref<2x8x128xi32, #tpu.memory_space<vmem>> -> memref<1x1x128xi32, #tpu.memory_space<vmem>>
        %dma_wait3A_288 = tpu.memref_squeeze %dma_wait3A_287 : memref<1x1x128xi32, #tpu.memory_space<vmem>> -> memref<128xi32, #tpu.memory_space<vmem>>
        %dma_wait3A_289 = arith.constant 0 : i32
        %dma_wait3A_290 = arith.constant 0 : i32
        %dma_wait3A_291 = tpu.memref_slice %arg10[%dma_wait3A_289, %dma_wait3A_290] : memref<10112x128xf32, #tpu.memory_space<vmem_shared>> -> memref<10112x128xf32, #tpu.memory_space<vmem_shared>>
        tpu.wait_indirect_dma semaphore(%run_scoped3A_272 : memref<!tpu.dma_semaphore, #tpu.memory_space<semaphore_mem>>) src(%dma_wait3A_285 : memref<128x128xf32, #tpu.memory_space<vmem>>) dst(%dma_wait3A_291 : memref<10112x128xf32, #tpu.memory_space<vmem_shared>>)
        tpu.yield
      }) : () -> ()
      %mul3A_223 = arith.constant 8 : i32
      %mul3A_224 = arith.muli %while3A_67, %mul3A_223 : i32
      %add3A_225 = arith.constant 6 : i32
      %add3A_226 = arith.addi %mul3A_224, %add3A_225 : i32
      %add3A_227 = arith.constant 1 : i32
      %add3A_228 = arith.addi %add3A_226, %add3A_227 : i32
      %lt3A_229 = arith.cmpi slt, %add3A_228, %select_n3A : i32
      %convert_element_type3A_230 = arith.extui %lt3A_229 : i1 to i32
      %cond3A_231 = arith.constant 0 : i32
      %cond3A_232 = arith.cmpi ne, %convert_element_type3A_230, %cond3A_231 : i32
      scf.if %cond3A_232 {
        %dma_start3A = arith.constant 7 : i32
        %dma_start3A_272 = arith.constant 1 : i32
        %dma_start3A_273 = arith.constant 0 : i32
        %dma_start3A_274 = arith.constant 0 : i32
        %dma_start3A_275 = tpu.memref_slice %arg9[%dma_start3A_272, %dma_start3A_273, %dma_start3A_274] : memref<2x128x128xf32, #tpu.memory_space<vmem>> -> memref<1x128x128xf32, #tpu.memory_space<vmem>>
        %dma_start3A_276 = tpu.memref_squeeze %dma_start3A_275 : memref<1x128x128xf32, #tpu.memory_space<vmem>> -> memref<128x128xf32, #tpu.memory_space<vmem>>
        %dma_start3A_277 = arith.constant 0 : i32
        %dma_start3A_278 = tpu.memref_slice %arg7[%rem3A_70, %dma_start3A, %dma_start3A_277] : memref<2x8x128xi32, #tpu.memory_space<vmem>> -> memref<1x1x128xi32, #tpu.memory_space<vmem>>
        %dma_start3A_279 = tpu.memref_squeeze %dma_start3A_278 : memref<1x1x128xi32, #tpu.memory_space<vmem>> -> memref<128xi32, #tpu.memory_space<vmem>>
        %dma_start3A_280 = arith.constant 0 : i32
        %dma_start3A_281 = arith.constant 0 : i32
        %dma_start3A_282 = tpu.memref_slice %arg2[%dma_start3A_280, %dma_start3A_281] : memref<10000x128xf32, #tpu.memory_space<hbm>> -> memref<10000x128xf32, #tpu.memory_space<hbm>>
        tpu.enqueue_indirect_dma source(%dma_start3A_282 : memref<10000x128xf32, #tpu.memory_space<hbm>>) target(%dma_start3A_276 : memref<128x128xf32, #tpu.memory_space<vmem>>) offsets(%dma_start3A_279 : memref<128xi32, #tpu.memory_space<vmem>>) semaphore(%arg11 : memref<!tpu.dma_semaphore, #tpu.memory_space<semaphore_mem>>)
      } else {
      }
      %dma_wait3A_233 = arith.constant 6 : i32
      %dma_wait3A_234 = arith.constant 0 : i32
      %dma_wait3A_235 = arith.constant 0 : i32
      %dma_wait3A_236 = arith.constant 0 : i32
      %dma_wait3A_237 = tpu.memref_slice %arg9[%dma_wait3A_234, %dma_wait3A_235, %dma_wait3A_236] : memref<2x128x128xf32, #tpu.memory_space<vmem>> -> memref<1x128x128xf32, #tpu.memory_space<vmem>>
      %dma_wait3A_238 = tpu.memref_squeeze %dma_wait3A_237 : memref<1x128x128xf32, #tpu.memory_space<vmem>> -> memref<128x128xf32, #tpu.memory_space<vmem>>
      %dma_wait3A_239 = arith.constant 0 : i32
      %dma_wait3A_240 = tpu.memref_slice %arg7[%rem3A_70, %dma_wait3A_233, %dma_wait3A_239] : memref<2x8x128xi32, #tpu.memory_space<vmem>> -> memref<1x1x128xi32, #tpu.memory_space<vmem>>
      %dma_wait3A_241 = tpu.memref_squeeze %dma_wait3A_240 : memref<1x1x128xi32, #tpu.memory_space<vmem>> -> memref<128xi32, #tpu.memory_space<vmem>>
      %dma_wait3A_242 = arith.constant 0 : i32
      %dma_wait3A_243 = arith.constant 0 : i32
      %dma_wait3A_244 = tpu.memref_slice %arg2[%dma_wait3A_242, %dma_wait3A_243] : memref<10000x128xf32, #tpu.memory_space<hbm>> -> memref<10000x128xf32, #tpu.memory_space<hbm>>
      tpu.wait_indirect_dma semaphore(%arg11 : memref<!tpu.dma_semaphore, #tpu.memory_space<semaphore_mem>>) src(%dma_wait3A_244 : memref<10000x128xf32, #tpu.memory_space<hbm>>) dst(%dma_wait3A_238 : memref<128x128xf32, #tpu.memory_space<vmem>>)
      %run_scoped3A_245 = arith.constant 0 : i32
      %run_scoped3A_246 = arith.constant 6 : i32
      "tpu.region"() ({
        %run_scoped3A_272 = tpu.sem_alloc : memref<!tpu.dma_semaphore, #tpu.memory_space<semaphore_mem>>
        %dma_start3A = arith.constant 0 : i32
        %dma_start3A_273 = arith.constant 0 : i32
        %dma_start3A_274 = tpu.memref_slice %arg9[%run_scoped3A_245, %dma_start3A, %dma_start3A_273] : memref<2x128x128xf32, #tpu.memory_space<vmem>> -> memref<1x128x128xf32, #tpu.memory_space<vmem>>
        %dma_start3A_275 = tpu.memref_squeeze %dma_start3A_274 : memref<1x128x128xf32, #tpu.memory_space<vmem>> -> memref<128x128xf32, #tpu.memory_space<vmem>>
        %dma_start3A_276 = arith.constant 0 : i32
        %dma_start3A_277 = tpu.memref_slice %arg8[%rem3A_70, %run_scoped3A_246, %dma_start3A_276] : memref<2x8x128xi32, #tpu.memory_space<vmem>> -> memref<1x1x128xi32, #tpu.memory_space<vmem>>
        %dma_start3A_278 = tpu.memref_squeeze %dma_start3A_277 : memref<1x1x128xi32, #tpu.memory_space<vmem>> -> memref<128xi32, #tpu.memory_space<vmem>>
        %dma_start3A_279 = arith.constant 0 : i32
        %dma_start3A_280 = arith.constant 0 : i32
        %dma_start3A_281 = tpu.memref_slice %arg10[%dma_start3A_279, %dma_start3A_280] : memref<10112x128xf32, #tpu.memory_space<vmem_shared>> -> memref<10112x128xf32, #tpu.memory_space<vmem_shared>>
        tpu.enqueue_indirect_dma source(%dma_start3A_275 : memref<128x128xf32, #tpu.memory_space<vmem>>) target(%dma_start3A_281 : memref<10112x128xf32, #tpu.memory_space<vmem_shared>>) offsets(%dma_start3A_278 : memref<128xi32, #tpu.memory_space<vmem>>) semaphore(%run_scoped3A_272 : memref<!tpu.dma_semaphore, #tpu.memory_space<semaphore_mem>>) {add = true}
        %dma_wait3A_282 = arith.constant 0 : i32
        %dma_wait3A_283 = arith.constant 0 : i32
        %dma_wait3A_284 = tpu.memref_slice %arg9[%run_scoped3A_245, %dma_wait3A_282, %dma_wait3A_283] : memref<2x128x128xf32, #tpu.memory_space<vmem>> -> memref<1x128x128xf32, #tpu.memory_space<vmem>>
        %dma_wait3A_285 = tpu.memref_squeeze %dma_wait3A_284 : memref<1x128x128xf32, #tpu.memory_space<vmem>> -> memref<128x128xf32, #tpu.memory_space<vmem>>
        %dma_wait3A_286 = arith.constant 0 : i32
        %dma_wait3A_287 = tpu.memref_slice %arg8[%rem3A_70, %run_scoped3A_246, %dma_wait3A_286] : memref<2x8x128xi32, #tpu.memory_space<vmem>> -> memref<1x1x128xi32, #tpu.memory_space<vmem>>
        %dma_wait3A_288 = tpu.memref_squeeze %dma_wait3A_287 : memref<1x1x128xi32, #tpu.memory_space<vmem>> -> memref<128xi32, #tpu.memory_space<vmem>>
        %dma_wait3A_289 = arith.constant 0 : i32
        %dma_wait3A_290 = arith.constant 0 : i32
        %dma_wait3A_291 = tpu.memref_slice %arg10[%dma_wait3A_289, %dma_wait3A_290] : memref<10112x128xf32, #tpu.memory_space<vmem_shared>> -> memref<10112x128xf32, #tpu.memory_space<vmem_shared>>
        tpu.wait_indirect_dma semaphore(%run_scoped3A_272 : memref<!tpu.dma_semaphore, #tpu.memory_space<semaphore_mem>>) src(%dma_wait3A_285 : memref<128x128xf32, #tpu.memory_space<vmem>>) dst(%dma_wait3A_291 : memref<10112x128xf32, #tpu.memory_space<vmem_shared>>)
        tpu.yield
      }) : () -> ()
      %mul3A_247 = arith.constant 8 : i32
      %mul3A_248 = arith.muli %while3A_67, %mul3A_247 : i32
      %add3A_249 = arith.constant 7 : i32
      %add3A_250 = arith.addi %mul3A_248, %add3A_249 : i32
      %add3A_251 = arith.constant 1 : i32
      %add3A_252 = arith.addi %add3A_250, %add3A_251 : i32
      %lt3A_253 = arith.cmpi slt, %add3A_252, %select_n3A : i32
      %convert_element_type3A_254 = arith.extui %lt3A_253 : i1 to i32
      %cond3A_255 = arith.constant 0 : i32
      %cond3A_256 = arith.cmpi ne, %convert_element_type3A_254, %cond3A_255 : i32
      scf.if %cond3A_256 {
        %dma_start3A = arith.constant 0 : i32
        %dma_start3A_272 = arith.constant 0 : i32
        %dma_start3A_273 = arith.constant 0 : i32
        %dma_start3A_274 = arith.constant 0 : i32
        %dma_start3A_275 = tpu.memref_slice %arg9[%dma_start3A_272, %dma_start3A_273, %dma_start3A_274] : memref<2x128x128xf32, #tpu.memory_space<vmem>> -> memref<1x128x128xf32, #tpu.memory_space<vmem>>
        %dma_start3A_276 = tpu.memref_squeeze %dma_start3A_275 : memref<1x128x128xf32, #tpu.memory_space<vmem>> -> memref<128x128xf32, #tpu.memory_space<vmem>>
        %dma_start3A_277 = arith.constant 0 : i32
        %dma_start3A_278 = tpu.memref_slice %arg7[%rem3A_74, %dma_start3A, %dma_start3A_277] : memref<2x8x128xi32, #tpu.memory_space<vmem>> -> memref<1x1x128xi32, #tpu.memory_space<vmem>>
        %dma_start3A_279 = tpu.memref_squeeze %dma_start3A_278 : memref<1x1x128xi32, #tpu.memory_space<vmem>> -> memref<128xi32, #tpu.memory_space<vmem>>
        %dma_start3A_280 = arith.constant 0 : i32
        %dma_start3A_281 = arith.constant 0 : i32
        %dma_start3A_282 = tpu.memref_slice %arg2[%dma_start3A_280, %dma_start3A_281] : memref<10000x128xf32, #tpu.memory_space<hbm>> -> memref<10000x128xf32, #tpu.memory_space<hbm>>
        tpu.enqueue_indirect_dma source(%dma_start3A_282 : memref<10000x128xf32, #tpu.memory_space<hbm>>) target(%dma_start3A_276 : memref<128x128xf32, #tpu.memory_space<vmem>>) offsets(%dma_start3A_279 : memref<128xi32, #tpu.memory_space<vmem>>) semaphore(%arg11 : memref<!tpu.dma_semaphore, #tpu.memory_space<semaphore_mem>>)
      } else {
      }
      %dma_wait3A_257 = arith.constant 7 : i32
      %dma_wait3A_258 = arith.constant 1 : i32
      %dma_wait3A_259 = arith.constant 0 : i32
      %dma_wait3A_260 = arith.constant 0 : i32
      %dma_wait3A_261 = tpu.memref_slice %arg9[%dma_wait3A_258, %dma_wait3A_259, %dma_wait3A_260] : memref<2x128x128xf32, #tpu.memory_space<vmem>> -> memref<1x128x128xf32, #tpu.memory_space<vmem>>
      %dma_wait3A_262 = tpu.memref_squeeze %dma_wait3A_261 : memref<1x128x128xf32, #tpu.memory_space<vmem>> -> memref<128x128xf32, #tpu.memory_space<vmem>>
      %dma_wait3A_263 = arith.constant 0 : i32
      %dma_wait3A_264 = tpu.memref_slice %arg7[%rem3A_70, %dma_wait3A_257, %dma_wait3A_263] : memref<2x8x128xi32, #tpu.memory_space<vmem>> -> memref<1x1x128xi32, #tpu.memory_space<vmem>>
      %dma_wait3A_265 = tpu.memref_squeeze %dma_wait3A_264 : memref<1x1x128xi32, #tpu.memory_space<vmem>> -> memref<128xi32, #tpu.memory_space<vmem>>
      %dma_wait3A_266 = arith.constant 0 : i32
      %dma_wait3A_267 = arith.constant 0 : i32
      %dma_wait3A_268 = tpu.memref_slice %arg2[%dma_wait3A_266, %dma_wait3A_267] : memref<10000x128xf32, #tpu.memory_space<hbm>> -> memref<10000x128xf32, #tpu.memory_space<hbm>>
      tpu.wait_indirect_dma semaphore(%arg11 : memref<!tpu.dma_semaphore, #tpu.memory_space<semaphore_mem>>) src(%dma_wait3A_268 : memref<10000x128xf32, #tpu.memory_space<hbm>>) dst(%dma_wait3A_262 : memref<128x128xf32, #tpu.memory_space<vmem>>)
      %run_scoped3A_269 = arith.constant 1 : i32
      %run_scoped3A_270 = arith.constant 7 : i32
      "tpu.region"() ({
        %run_scoped3A_272 = tpu.sem_alloc : memref<!tpu.dma_semaphore, #tpu.memory_space<semaphore_mem>>
        %dma_start3A = arith.constant 0 : i32
        %dma_start3A_273 = arith.constant 0 : i32
        %dma_start3A_274 = tpu.memref_slice %arg9[%run_scoped3A_269, %dma_start3A, %dma_start3A_273] : memref<2x128x128xf32, #tpu.memory_space<vmem>> -> memref<1x128x128xf32, #tpu.memory_space<vmem>>
        %dma_start3A_275 = tpu.memref_squeeze %dma_start3A_274 : memref<1x128x128xf32, #tpu.memory_space<vmem>> -> memref<128x128xf32, #tpu.memory_space<vmem>>
        %dma_start3A_276 = arith.constant 0 : i32
        %dma_start3A_277 = tpu.memref_slice %arg8[%rem3A_70, %run_scoped3A_270, %dma_start3A_276] : memref<2x8x128xi32, #tpu.memory_space<vmem>> -> memref<1x1x128xi32, #tpu.memory_space<vmem>>
        %dma_start3A_278 = tpu.memref_squeeze %dma_start3A_277 : memref<1x1x128xi32, #tpu.memory_space<vmem>> -> memref<128xi32, #tpu.memory_space<vmem>>
        %dma_start3A_279 = arith.constant 0 : i32
        %dma_start3A_280 = arith.constant 0 : i32
        %dma_start3A_281 = tpu.memref_slice %arg10[%dma_start3A_279, %dma_start3A_280] : memref<10112x128xf32, #tpu.memory_space<vmem_shared>> -> memref<10112x128xf32, #tpu.memory_space<vmem_shared>>
        tpu.enqueue_indirect_dma source(%dma_start3A_275 : memref<128x128xf32, #tpu.memory_space<vmem>>) target(%dma_start3A_281 : memref<10112x128xf32, #tpu.memory_space<vmem_shared>>) offsets(%dma_start3A_278 : memref<128xi32, #tpu.memory_space<vmem>>) semaphore(%run_scoped3A_272 : memref<!tpu.dma_semaphore, #tpu.memory_space<semaphore_mem>>) {add = true}
        %dma_wait3A_282 = arith.constant 0 : i32
        %dma_wait3A_283 = arith.constant 0 : i32
        %dma_wait3A_284 = tpu.memref_slice %arg9[%run_scoped3A_269, %dma_wait3A_282, %dma_wait3A_283] : memref<2x128x128xf32, #tpu.memory_space<vmem>> -> memref<1x128x128xf32, #tpu.memory_space<vmem>>
        %dma_wait3A_285 = tpu.memref_squeeze %dma_wait3A_284 : memref<1x128x128xf32, #tpu.memory_space<vmem>> -> memref<128x128xf32, #tpu.memory_space<vmem>>
        %dma_wait3A_286 = arith.constant 0 : i32
        %dma_wait3A_287 = tpu.memref_slice %arg8[%rem3A_70, %run_scoped3A_270, %dma_wait3A_286] : memref<2x8x128xi32, #tpu.memory_space<vmem>> -> memref<1x1x128xi32, #tpu.memory_space<vmem>>
        %dma_wait3A_288 = tpu.memref_squeeze %dma_wait3A_287 : memref<1x1x128xi32, #tpu.memory_space<vmem>> -> memref<128xi32, #tpu.memory_space<vmem>>
        %dma_wait3A_289 = arith.constant 0 : i32
        %dma_wait3A_290 = arith.constant 0 : i32
        %dma_wait3A_291 = tpu.memref_slice %arg10[%dma_wait3A_289, %dma_wait3A_290] : memref<10112x128xf32, #tpu.memory_space<vmem_shared>> -> memref<10112x128xf32, #tpu.memory_space<vmem_shared>>
        tpu.wait_indirect_dma semaphore(%run_scoped3A_272 : memref<!tpu.dma_semaphore, #tpu.memory_space<semaphore_mem>>) src(%dma_wait3A_285 : memref<128x128xf32, #tpu.memory_space<vmem>>) dst(%dma_wait3A_291 : memref<10112x128xf32, #tpu.memory_space<vmem_shared>>)
        tpu.yield
      }) : () -> ()
      %while3A_271 = arith.constant 0 : i32
      scf.yield %while3A_271 : i32
    }
    %barrier3A_66 = arith.constant 0 : index
    tpu.barrier barrier_id(%barrier3A_66)
    "tpu.region"() ({
      %run_scoped3A_67 = tpu.sem_alloc : memref<!tpu.dma_semaphore, #tpu.memory_space<semaphore_mem>>
      %dma_start3A = arith.constant 0 : i32
      %dma_start3A_68 = tpu.memref_slice %arg6[%arg0, %mul3A_0, %dma_start3A] : memref<2x10112x128xf32, #tpu.memory_space<hbm>> -> memref<1x632x128xf32, #tpu.memory_space<hbm>>
      %dma_start3A_69 = tpu.memref_squeeze %dma_start3A_68 : memref<1x632x128xf32, #tpu.memory_space<hbm>> -> memref<632x128xf32, #tpu.memory_space<hbm>>
      %dma_start3A_70 = arith.constant 0 : i32
      %dma_start3A_71 = tpu.memref_slice %arg10[%mul3A_0, %dma_start3A_70] : memref<10112x128xf32, #tpu.memory_space<vmem_shared>> -> memref<632x128xf32, #tpu.memory_space<vmem_shared>>
      tpu.enqueue_dma source(%dma_start3A_71 : memref<632x128xf32, #tpu.memory_space<vmem_shared>>) target(%dma_start3A_69 : memref<632x128xf32, #tpu.memory_space<hbm>>) target_semaphore(%run_scoped3A_67 : memref<!tpu.dma_semaphore, #tpu.memory_space<semaphore_mem>>)
      %dma_wait3A = arith.constant 0 : i32
      %dma_wait3A_72 = tpu.memref_slice %arg6[%arg0, %mul3A_0, %dma_wait3A] : memref<2x10112x128xf32, #tpu.memory_space<hbm>> -> memref<1x632x128xf32, #tpu.memory_space<hbm>>
      %dma_wait3A_73 = tpu.memref_squeeze %dma_wait3A_72 : memref<1x632x128xf32, #tpu.memory_space<hbm>> -> memref<632x128xf32, #tpu.memory_space<hbm>>
      %dma_wait3A_74 = arith.constant 0 : i32
      %dma_wait3A_75 = tpu.memref_slice %arg10[%mul3A_0, %dma_wait3A_74] : memref<10112x128xf32, #tpu.memory_space<vmem_shared>> -> memref<632x128xf32, #tpu.memory_space<vmem_shared>>
      tpu.wait_dma2 semaphore(%run_scoped3A_67 : memref<!tpu.dma_semaphore, #tpu.memory_space<semaphore_mem>>) src(%dma_wait3A_75 : memref<632x128xf32, #tpu.memory_space<vmem_shared>>) dst(%dma_wait3A_73 : memref<632x128xf32, #tpu.memory_space<hbm>>)
      tpu.yield
    }) : () -> ()
    return
  }
}

module attributes {stable_mosaic.version = 14 : i64} {
  func.func @_dense_body(%arg0: i32, %arg1: memref<632x128xf32, #tpu.memory_space<vmem>>, %arg2: memref<2x632x128xf32, #tpu.memory_space<vmem>>, %arg3: memref<632x1xf32, #tpu.memory_space<vmem>>, %arg4: memref<632x1xf32, #tpu.memory_space<vmem>>, %arg5: memref<128x128xf32, #tpu.memory_space<vmem>>, %arg6: memref<128x128xf32, #tpu.memory_space<vmem>>, %arg7: memref<1x128xf32, #tpu.memory_space<vmem>>, %arg8: memref<632x128xf32, #tpu.memory_space<vmem>>) attributes {dimension_semantics = [#tpu.dimension_semantics<arbitrary>], iteration_bounds = array<i64: 16>, scalar_prefetch = 0 : i64, scratch_operands = 0 : i64, tpu.core_type = #tpu.core_type<tc>, window_params = [{transform_indices = @transform_0, window_bounds = array<i64: 632, 128>}, {transform_indices = @transform_1, window_bounds = array<i64: 2, 632, 128>}, {transform_indices = @transform_2, window_bounds = array<i64: 632, 1>}, {transform_indices = @transform_3, window_bounds = array<i64: 632, 1>}, {pipeline_mode = #tpu.pipeline_mode<synchronous>, transform_indices = @transform_4, window_bounds = array<i64: 128, 128>}, {pipeline_mode = #tpu.pipeline_mode<synchronous>, transform_indices = @transform_5, window_bounds = array<i64: 128, 128>}, {pipeline_mode = #tpu.pipeline_mode<synchronous>, transform_indices = @transform_6, window_bounds = array<i64: 1, 128>}, {transform_indices = @transform_7, window_bounds = array<i64: 632, 128>}]} {
    %get3A = arith.constant 0 : index
    %get3A_0 = arith.constant 0 : index
    %get3A_1 = vector.load %arg3[%get3A, %get3A_0] : memref<632x1xf32, #tpu.memory_space<vmem>>, vector<632x1xf32>
    %get3A_2 = arith.constant 0 : index
    %get3A_3 = arith.constant 0 : index
    %get3A_4 = vector.load %arg4[%get3A_2, %get3A_3] : memref<632x1xf32, #tpu.memory_space<vmem>>, vector<632x1xf32>
    %add3A = arith.addf %get3A_1, %get3A_4 : vector<632x1xf32>
    %max3A = arith.constant 1.000000e+00 : f32
    %max3A_5 = vector.broadcast %max3A : f32 to vector<632x1xf32>
    %max3A_6 = arith.maximumf %add3A, %max3A_5 : vector<632x1xf32>
    %div3A = arith.constant 1.000000e+00 : f32
    %div3A_7 = vector.broadcast %div3A : f32 to vector<632x1xf32>
    %div3A_8 = arith.divf %div3A_7, %max3A_6 : vector<632x1xf32>
    %get3A_9 = arith.constant 0 : index
    %get3A_10 = arith.constant 0 : index
    %get3A_11 = arith.constant 0 : index
    %get3A_12 = vector.load %arg2[%get3A_9, %get3A_10, %get3A_11] : memref<2x632x128xf32, #tpu.memory_space<vmem>>, vector<1x632x128xf32>
    %get3A_13 = vector.shape_cast %get3A_12 : vector<1x632x128xf32> to vector<632x128xf32>
    %get3A_14 = arith.constant 1 : index
    %get3A_15 = arith.constant 0 : index
    %get3A_16 = arith.constant 0 : index
    %get3A_17 = vector.load %arg2[%get3A_14, %get3A_15, %get3A_16] : memref<2x632x128xf32, #tpu.memory_space<vmem>>, vector<1x632x128xf32>
    %get3A_18 = vector.shape_cast %get3A_17 : vector<1x632x128xf32> to vector<632x128xf32>
    %add3A_19 = arith.addf %get3A_13, %get3A_18 : vector<632x128xf32>
    %mul3A = vector.broadcast %div3A_8 : vector<632x1xf32> to vector<632x128xf32>
    %mul3A_20 = arith.mulf %add3A_19, %mul3A : vector<632x128xf32>
    %get3A_21 = arith.constant 0 : index
    %get3A_22 = arith.constant 0 : index
    %get3A_23 = vector.load %arg1[%get3A_21, %get3A_22] : memref<632x128xf32, #tpu.memory_space<vmem>>, vector<632x128xf32>
    %get3A_24 = arith.constant 0 : index
    %get3A_25 = arith.constant 0 : index
    %get3A_26 = vector.load %arg5[%get3A_24, %get3A_25] : memref<128x128xf32, #tpu.memory_space<vmem>>, vector<128x128xf32>
    %dot_general3A = arith.constant dense<0.000000e+00> : vector<632x128xf32>
    %dot_general3A_27 = tpu.matmul %get3A_23, %get3A_26, %dot_general3A {dimension_numbers = #tpu.dot_dimension_numbers<[1], [0], [0], [1], [0, 0, 1, 1], [], []>, transpose_lhs_hint = false} : vector<632x128xf32>, vector<128x128xf32>, vector<632x128xf32> -> vector<632x128xf32>
    %get3A_28 = arith.constant 0 : index
    %get3A_29 = arith.constant 0 : index
    %get3A_30 = vector.load %arg6[%get3A_28, %get3A_29] : memref<128x128xf32, #tpu.memory_space<vmem>>, vector<128x128xf32>
    %dot_general3A_31 = arith.constant dense<0.000000e+00> : vector<632x128xf32>
    %dot_general3A_32 = tpu.matmul %mul3A_20, %get3A_30, %dot_general3A_31 {dimension_numbers = #tpu.dot_dimension_numbers<[1], [0], [0], [1], [0, 0, 1, 1], [], []>, transpose_lhs_hint = false} : vector<632x128xf32>, vector<128x128xf32>, vector<632x128xf32> -> vector<632x128xf32>
    %add3A_33 = arith.addf %dot_general3A_27, %dot_general3A_32 : vector<632x128xf32>
    %get3A_34 = arith.constant 0 : index
    %get3A_35 = arith.constant 0 : index
    %get3A_36 = vector.load %arg7[%get3A_34, %get3A_35] : memref<1x128xf32, #tpu.memory_space<vmem>>, vector<1x128xf32>
    %add3A_37 = vector.broadcast %get3A_36 : vector<1x128xf32> to vector<632x128xf32>
    %add3A_38 = arith.addf %add3A_33, %add3A_37 : vector<632x128xf32>
    %max3A_39 = arith.constant 0.000000e+00 : f32
    %max3A_40 = vector.broadcast %max3A_39 : f32 to vector<632x128xf32>
    %max3A_41 = arith.maximumf %add3A_38, %max3A_40 : vector<632x128xf32>
    %swap3A = arith.constant 0 : index
    %swap3A_42 = arith.constant 0 : index
    %swap3A_43 = vector.load %arg8[%swap3A, %swap3A_42] : memref<632x128xf32, #tpu.memory_space<vmem>>, vector<632x128xf32>
    tpu.vector_store %arg8[%swap3A, %swap3A_42], %max3A_41 {strides = array<i32>} : memref<632x128xf32, #tpu.memory_space<vmem>>, vector<632x128xf32>,
    return
  }
  func.func @transform_0(%arg0: i32) -> (i32, i32) {
    %c0_i32 = arith.constant 0 : i32
    %c0_i32_0 = arith.constant 0 : i32
    return %arg0, %c0_i32 : i32, i32
  }
  func.func @transform_1(%arg0: i32) -> (i32, i32, i32) {
    %c0_i32 = arith.constant 0 : i32
    %c0_i32_0 = arith.constant 0 : i32
    %c0_i32_1 = arith.constant 0 : i32
    return %c0_i32, %arg0, %c0_i32_0 : i32, i32, i32
  }
  func.func @transform_2(%arg0: i32) -> (i32, i32) {
    %c0_i32 = arith.constant 0 : i32
    %c0_i32_0 = arith.constant 0 : i32
    return %arg0, %c0_i32 : i32, i32
  }
  func.func @transform_3(%arg0: i32) -> (i32, i32) {
    %c0_i32 = arith.constant 0 : i32
    %c0_i32_0 = arith.constant 0 : i32
    return %arg0, %c0_i32 : i32, i32
  }
  func.func @transform_4(%arg0: i32) -> (i32, i32) {
    %c0_i32 = arith.constant 0 : i32
    %c0_i32_0 = arith.constant 0 : i32
    %c0_i32_1 = arith.constant 0 : i32
    return %c0_i32, %c0_i32_0 : i32, i32
  }
  func.func @transform_5(%arg0: i32) -> (i32, i32) {
    %c0_i32 = arith.constant 0 : i32
    %c0_i32_0 = arith.constant 0 : i32
    %c0_i32_1 = arith.constant 0 : i32
    return %c0_i32, %c0_i32_0 : i32, i32
  }
  func.func @transform_6(%arg0: i32) -> (i32, i32) {
    %c0_i32 = arith.constant 0 : i32
    %c0_i32_0 = arith.constant 0 : i32
    %c0_i32_1 = arith.constant 0 : i32
    return %c0_i32, %c0_i32_0 : i32, i32
  }
  func.func @transform_7(%arg0: i32) -> (i32, i32) {
    %c0_i32 = arith.constant 0 : i32
    %c0_i32_0 = arith.constant 0 : i32
    return %arg0, %c0_i32 : i32, i32
  }
}

module attributes {stable_mosaic.version = 14 : i64} {
  func.func @_dense_body(%arg0: i32, %arg1: memref<632x128xf32, #tpu.memory_space<vmem>>, %arg2: memref<2x632x128xf32, #tpu.memory_space<vmem>>, %arg3: memref<632x1xf32, #tpu.memory_space<vmem>>, %arg4: memref<632x1xf32, #tpu.memory_space<vmem>>, %arg5: memref<128x128xf32, #tpu.memory_space<vmem>>, %arg6: memref<128x128xf32, #tpu.memory_space<vmem>>, %arg7: memref<1x128xf32, #tpu.memory_space<vmem>>, %arg8: memref<632x128xf32, #tpu.memory_space<vmem>>) attributes {dimension_semantics = [#tpu.dimension_semantics<arbitrary>], iteration_bounds = array<i64: 16>, scalar_prefetch = 0 : i64, scratch_operands = 0 : i64, tpu.core_type = #tpu.core_type<tc>, window_params = [{transform_indices = @transform_0, window_bounds = array<i64: 632, 128>}, {transform_indices = @transform_1, window_bounds = array<i64: 2, 632, 128>}, {transform_indices = @transform_2, window_bounds = array<i64: 632, 1>}, {transform_indices = @transform_3, window_bounds = array<i64: 632, 1>}, {pipeline_mode = #tpu.pipeline_mode<synchronous>, transform_indices = @transform_4, window_bounds = array<i64: 128, 128>}, {pipeline_mode = #tpu.pipeline_mode<synchronous>, transform_indices = @transform_5, window_bounds = array<i64: 128, 128>}, {pipeline_mode = #tpu.pipeline_mode<synchronous>, transform_indices = @transform_6, window_bounds = array<i64: 1, 128>}, {transform_indices = @transform_7, window_bounds = array<i64: 632, 128>}]} {
    %get3A = arith.constant 0 : index
    %get3A_0 = arith.constant 0 : index
    %get3A_1 = vector.load %arg3[%get3A, %get3A_0] : memref<632x1xf32, #tpu.memory_space<vmem>>, vector<632x1xf32>
    %get3A_2 = arith.constant 0 : index
    %get3A_3 = arith.constant 0 : index
    %get3A_4 = vector.load %arg4[%get3A_2, %get3A_3] : memref<632x1xf32, #tpu.memory_space<vmem>>, vector<632x1xf32>
    %add3A = arith.addf %get3A_1, %get3A_4 : vector<632x1xf32>
    %max3A = arith.constant 1.000000e+00 : f32
    %max3A_5 = vector.broadcast %max3A : f32 to vector<632x1xf32>
    %max3A_6 = arith.maximumf %add3A, %max3A_5 : vector<632x1xf32>
    %div3A = arith.constant 1.000000e+00 : f32
    %div3A_7 = vector.broadcast %div3A : f32 to vector<632x1xf32>
    %div3A_8 = arith.divf %div3A_7, %max3A_6 : vector<632x1xf32>
    %get3A_9 = arith.constant 0 : index
    %get3A_10 = arith.constant 0 : index
    %get3A_11 = arith.constant 0 : index
    %get3A_12 = vector.load %arg2[%get3A_9, %get3A_10, %get3A_11] : memref<2x632x128xf32, #tpu.memory_space<vmem>>, vector<1x632x128xf32>
    %get3A_13 = vector.shape_cast %get3A_12 : vector<1x632x128xf32> to vector<632x128xf32>
    %get3A_14 = arith.constant 1 : index
    %get3A_15 = arith.constant 0 : index
    %get3A_16 = arith.constant 0 : index
    %get3A_17 = vector.load %arg2[%get3A_14, %get3A_15, %get3A_16] : memref<2x632x128xf32, #tpu.memory_space<vmem>>, vector<1x632x128xf32>
    %get3A_18 = vector.shape_cast %get3A_17 : vector<1x632x128xf32> to vector<632x128xf32>
    %add3A_19 = arith.addf %get3A_13, %get3A_18 : vector<632x128xf32>
    %mul3A = vector.broadcast %div3A_8 : vector<632x1xf32> to vector<632x128xf32>
    %mul3A_20 = arith.mulf %add3A_19, %mul3A : vector<632x128xf32>
    %get3A_21 = arith.constant 0 : index
    %get3A_22 = arith.constant 0 : index
    %get3A_23 = vector.load %arg1[%get3A_21, %get3A_22] : memref<632x128xf32, #tpu.memory_space<vmem>>, vector<632x128xf32>
    %get3A_24 = arith.constant 0 : index
    %get3A_25 = arith.constant 0 : index
    %get3A_26 = vector.load %arg5[%get3A_24, %get3A_25] : memref<128x128xf32, #tpu.memory_space<vmem>>, vector<128x128xf32>
    %dot_general3A = arith.constant dense<0.000000e+00> : vector<632x128xf32>
    %dot_general3A_27 = tpu.matmul %get3A_23, %get3A_26, %dot_general3A {dimension_numbers = #tpu.dot_dimension_numbers<[1], [0], [0], [1], [0, 0, 1, 1], [], []>, transpose_lhs_hint = false} : vector<632x128xf32>, vector<128x128xf32>, vector<632x128xf32> -> vector<632x128xf32>
    %get3A_28 = arith.constant 0 : index
    %get3A_29 = arith.constant 0 : index
    %get3A_30 = vector.load %arg6[%get3A_28, %get3A_29] : memref<128x128xf32, #tpu.memory_space<vmem>>, vector<128x128xf32>
    %dot_general3A_31 = arith.constant dense<0.000000e+00> : vector<632x128xf32>
    %dot_general3A_32 = tpu.matmul %mul3A_20, %get3A_30, %dot_general3A_31 {dimension_numbers = #tpu.dot_dimension_numbers<[1], [0], [0], [1], [0, 0, 1, 1], [], []>, transpose_lhs_hint = false} : vector<632x128xf32>, vector<128x128xf32>, vector<632x128xf32> -> vector<632x128xf32>
    %add3A_33 = arith.addf %dot_general3A_27, %dot_general3A_32 : vector<632x128xf32>
    %get3A_34 = arith.constant 0 : index
    %get3A_35 = arith.constant 0 : index
    %get3A_36 = vector.load %arg7[%get3A_34, %get3A_35] : memref<1x128xf32, #tpu.memory_space<vmem>>, vector<1x128xf32>
    %add3A_37 = vector.broadcast %get3A_36 : vector<1x128xf32> to vector<632x128xf32>
    %add3A_38 = arith.addf %add3A_33, %add3A_37 : vector<632x128xf32>
    %swap3A = arith.constant 0 : index
    %swap3A_39 = arith.constant 0 : index
    %swap3A_40 = vector.load %arg8[%swap3A, %swap3A_39] : memref<632x128xf32, #tpu.memory_space<vmem>>, vector<632x128xf32>
    tpu.vector_store %arg8[%swap3A, %swap3A_39], %add3A_38 {strides = array<i32>} : memref<632x128xf32, #tpu.memory_space<vmem>>, vector<632x128xf32>,
    return
  }
  func.func @transform_0(%arg0: i32) -> (i32, i32) {
    %c0_i32 = arith.constant 0 : i32
    %c0_i32_0 = arith.constant 0 : i32
    return %arg0, %c0_i32 : i32, i32
  }
  func.func @transform_1(%arg0: i32) -> (i32, i32, i32) {
    %c0_i32 = arith.constant 0 : i32
    %c0_i32_0 = arith.constant 0 : i32
    %c0_i32_1 = arith.constant 0 : i32
    return %c0_i32, %arg0, %c0_i32_0 : i32, i32, i32
  }
  func.func @transform_2(%arg0: i32) -> (i32, i32) {
    %c0_i32 = arith.constant 0 : i32
    %c0_i32_0 = arith.constant 0 : i32
    return %arg0, %c0_i32 : i32, i32
  }
  func.func @transform_3(%arg0: i32) -> (i32, i32) {
    %c0_i32 = arith.constant 0 : i32
    %c0_i32_0 = arith.constant 0 : i32
    return %arg0, %c0_i32 : i32, i32
  }
  func.func @transform_4(%arg0: i32) -> (i32, i32) {
    %c0_i32 = arith.constant 0 : i32
    %c0_i32_0 = arith.constant 0 : i32
    %c0_i32_1 = arith.constant 0 : i32
    return %c0_i32, %c0_i32_0 : i32, i32
  }
  func.func @transform_5(%arg0: i32) -> (i32, i32) {
    %c0_i32 = arith.constant 0 : i32
    %c0_i32_0 = arith.constant 0 : i32
    %c0_i32_1 = arith.constant 0 : i32
    return %c0_i32, %c0_i32_0 : i32, i32
  }
  func.func @transform_6(%arg0: i32) -> (i32, i32) {
    %c0_i32 = arith.constant 0 : i32
    %c0_i32_0 = arith.constant 0 : i32
    %c0_i32_1 = arith.constant 0 : i32
    return %c0_i32, %c0_i32_0 : i32, i32
  }
  func.func @transform_7(%arg0: i32) -> (i32, i32) {
    %c0_i32 = arith.constant 0 : i32
    %c0_i32_0 = arith.constant 0 : i32
    return %arg0, %c0_i32 : i32, i32
  }
}

</mosaic_0001>

<sc_bundles>
// kernel: kernel.10.cloned.1.call-start
scs
__scs_entry_jumppad:
0x0: {  	(pc) =	sbr.rel $0x88, $3  }
0x1: {  	(tag) =	ssettag $0x0;
	lr =	simm.s32 $0x1  }
0x2: {  	[smem:$0x3F99] =	sst lr;
	_ =	strace $0xD0000000  }
0x3: {  	_ = 	snop  }
0x4: {  	_ = 	snop  }
0x5: {  	_ = 	snop  }
0x6: {  	_ = 	snop  }
0x7: {  	_ = 	snop  }
__scs_overlays_trampoline_lowered:
0x8: {  	[smem:$0x3FA8] =	sst s0  }
0x9: {  	[smem:$0x3FA9] =	sst s1  }
0xa: {  	[smem:$0x3FAA] =	sst s2  }
0xb: {  	[smem:$0x3FAB] =	sst s3  }
0xc: {  	[smem:$0x3FAC] =	sst s4  }
0xd: {  	[smem:$0x3FAD] =	sst s5  }
0xe: {  	[smem:$0x3FAE] =	sst s6  }
0xf: {  	[smem:$0x3FAF] =	sst s7  }
0x10: {  	[smem:$0x3FB0] =	sst s8  }
0x11: {  	[smem:$0x3FB1] =	sst s9;
	s0 =	simm.s32 @!p0 $0x0  }
0x12: {  	s1 =	sld [smem:$0x3F97];
	s0 =	simm.s32 @p0 $0x1  }
0x13: {  	[smem:$0x3FB2] =	sst s0;
	s0 =	simm.s32 @!p1 $0x0  }
0x14: {  	s2 =	sld [smem:$0x3F96];
	s0 =	simm.s32 @p1 $0x1  }
0x15: {  	[smem:$0x3FB3] =	sst s0;
	s0 =	simm.s32 @!p2 $0x0  }
0x16: {  	s3 =	sld [smem:$0x3FDB];
	s0 =	simm.s32 @p2 $0x1  }
0x17: {  	s4 =	simm.s32 $0x1BF5;
	[smem:$0x3FB5] =	sst s0  }
0x18: {  	s0 =	sld [smem:$0x3F98];
	_ =	swait.ge [sflag:s4], $0x0  }
0x19: {  	s7 =	sld [smem:$0x3F99]  }
0x1a: {  	s8 =	sadd.s32 $0xFFFFE003, lr  }
0x1b: {  	s9 =	sadd.s32 $0xFFFFFEF7, lr;
	s5 =	simm.s32 $0xFFFFFFFF;
	p2 =	slt.u32 s8, $0xFFFFF086  }
0x1c: {  	p1 =	slt.u32 s9, $0xF7A;
	s5 =	simm.s32 @!p2 $0x0  }
0x1d: {  	s5 =	simm.s32 @p1 $0x1;
	p0 =	seq.s32 s7, s2  }
0x1e: {  	s7 =	smul.u32 @!p0 $0xF7A, s2;
	p2 =	seq.s32 @!p0 s5, $0x0  }
0x1f: {  	s9 =	smul.u32 $0xF7A, s1;
	s8 =	simm.s32 @!p0 $0x1BF5;
	p2 =	por !p2, p0  }
0x20: {  	[sflag:s8] =	ssyncset.s32 @!p0 $0xFFFFF086;
	s6 =	sadd.s32 @!p0 s3, s7;
	s7 =	simm.s32 @!p0 $0x108  }
0x21: {  	s3 =	sadd.s32 s3, s9;
	s6 =	sadd.s32 @!p0 $0x88, s6;
	s7 =	simm.s32 @p2 $0x1082  }
0x22: {  	[simem:s7], [sflag:s8] =	dma.local @!p0 [hbm:s6], $0xF7A  }
0x23: {  	s9 =	sor.u32 $0xD0000000, s2;
	s6 =	simm.s32 $0x108;
	_ =	swait.ge @!p0 [sflag:s8], $0x0  }
0x24: {  	s3 =	sadd.s32 $0x88, s3;
	s6 =	simm.s32 @!p1 $0x1082;
	[sflag:s4] =	ssyncset.s32 $0xFFFFF086  }
0x25: {  	[simem:s6], [sflag:s4] =	dma.local [hbm:s3], $0xF7A  }
0x26: {  	[smem:$0x3F99] =	sst s1;
	(tag) =	ssettag s2;
	_ =	strace s9  }
0x27: {  	s1 =	sld [smem:$0x3FA9]  }
0x28: {  	s2 =	sld [smem:$0x3FAA]  }
0x29: {  	s4 =	sld [smem:$0x3FAC]  }
0x2a: {  	p0 =	seq.s32 s5, $0x0;
	s5 =	sld [smem:$0x3FAD]  }
0x2b: {  	s6 =	sld [smem:$0x3FAE]  }
0x2c: {  	s7 =	sld [smem:$0x3FAF]  }
0x2d: {  	s3 =	simm.s32 $0x108;
	s8 =	sld [smem:$0x3FB0]  }
0x2e: {  	s3 =	simm.s32 @!p0 $0x1082;
	s9 =	sld [smem:$0x3FB1]  }
0x2f: {  	lr =	sadd.s32 s0, s3;
	s0 =	sld [smem:$0x3FA8]  }
0x30: {  	s3 =	sld [smem:$0x3FAB]  }
0x31: {  	[smem:$0x3FB4] =	sst s10  }
0x32: {  	s10 =	sld [smem:$0x3FB2];
	_ =	sdelay $0x3  }
0x33: {  	p0 =	seq.s32 s10, $0x1;
	s10 =	sld [smem:$0x3FB4];
	_ =	sdelay $0x3  }
0x34: {  	[smem:$0x3FB4] =	sst s10  }
0x35: {  	s10 =	sld [smem:$0x3FB3];
	_ =	sdelay $0x3  }
0x36: {  	p1 =	seq.s32 s10, $0x1;
	s10 =	sld [smem:$0x3FB4];
	_ =	sdelay $0x3  }
0x37: {  	[smem:$0x3FB4] =	sst s10  }
0x38: {  	s10 =	sld [smem:$0x3FB5]  }
0x39: {  	_ = 	snop;
	(pc) =	sbr.ind lr, $3  }
0x3a: {  	_ = 	snop  }
0x3b: {  	_ = 	snop  }
0x3c: {  	p2 =	seq.s32 s10, $0x1;
	s10 =	sld [smem:$0x3FB4]  }
0x3d: {  	_ =	shalt  }
0x3e: {  	_ =	shalt  }
0x3f: {  	_ =	shalt  }
0x40: {  	_ =	shalt  }
0x41: {  	_ =	shalt  }
0x42: {  	_ =	shalt  }
0x43: {  	_ =	shalt  }
0x44: {  	_ =	shalt  }
0x45: {  	_ =	shalt  }
0x46: {  	_ =	shalt  }
0x47: {  	_ =	shalt  }
0x48: {  	_ =	shalt  }
0x49: {  	_ =	shalt  }
0x4a: {  	_ =	shalt  }
0x4b: {  	_ =	shalt  }
0x4c: {  	_ =	shalt  }
0x4d: {  	_ =	shalt  }
0x4e: {  	_ =	shalt  }
0x4f: {  	_ =	shalt  }
0x50: {  	_ =	shalt  }
0x51: {  	_ =	shalt  }
0x52: {  	_ =	shalt  }
0x53: {  	_ =	shalt  }
0x54: {  	_ =	shalt  }
0x55: {  	_ =	shalt  }
0x56: {  	_ =	shalt  }
0x57: {  	_ =	shalt  }
0x58: {  	_ =	shalt  }
0x59: {  	_ =	shalt  }
0x5a: {  	_ =	shalt  }
0x5b: {  	_ =	shalt  }
0x5c: {  	_ =	shalt  }
0x5d: {  	_ =	shalt  }
0x5e: {  	_ =	shalt  }
0x5f: {  	_ =	shalt  }
0x60: {  	_ =	shalt  }
0x61: {  	_ =	shalt  }
0x62: {  	_ =	shalt  }
0x63: {  	_ =	shalt  }
0x64: {  	_ =	shalt  }
0x65: {  	_ =	shalt  }
0x66: {  	_ =	shalt  }
0x67: {  	_ =	shalt  }
0x68: {  	_ =	shalt  }
0x69: {  	_ =	shalt  }
0x6a: {  	_ =	shalt  }
0x6b: {  	_ =	shalt  }
0x6c: {  	_ =	shalt  }
0x6d: {  	_ =	shalt  }
0x6e: {  	_ =	shalt  }
0x6f: {  	_ =	shalt  }
0x70: {  	_ =	shalt  }
0x71: {  	_ =	shalt  }
0x72: {  	_ =	shalt  }
0x73: {  	_ =	shalt  }
0x74: {  	_ =	shalt  }
0x75: {  	_ =	shalt  }
0x76: {  	_ =	shalt  }
0x77: {  	_ =	shalt  }
0x78: {  	_ =	shalt  }
0x79: {  	_ =	shalt  }
0x7a: {  	_ =	shalt  }
0x7b: {  	_ =	shalt  }
0x7c: {  	_ =	shalt  }
0x7d: {  	_ =	shalt  }
0x7e: {  	_ =	shalt  }
0x7f: {  	_ =	shalt  }
0x80: {  	_ =	shalt  }
0x81: {  	_ =	shalt  }
0x82: {  	_ =	shalt  }
0x83: {  	_ =	shalt  }
0x84: {  	_ =	shalt  }
0x85: {  	_ =	shalt  }
0x86: {  	_ =	shalt  }
0x87: {  	_ =	shalt  }
.Lfunc_end0:
.L_simem_size_0:
called_computation.1_lowered:
.L_overlay_start_0:
0x88: {  	s2 =	sld [smem:$0x3FD9]  }
0x89: {  	s3 =	sld [smem:$0x3FFE];
	_ =	sdelay $0x1  }
0x8a: {  	s1 =	srdreg.scid  }
0x8b: {  	s0 =	sand.u32 $0x1, s1  }
0x8c: {  	s17 =	sshll.u32 s0, $0xA;
	s2 =	sadd.s32 s3, s2  }
0x8d: {  	s2 =	sadd.s32 s2, s17  }
0x8e: {  	[smem:$0x3FC0] =	sst s2  }
0x8f: {  	_ = 	snop  }
0x90: {  	s18 =	sld [smem:$0x3FC9];
	(tm) =	ssettm $0x1  }
0x91: {  	s19 =	sld [smem:$0x3FFB];
	_ =	sdelay $0x3  }
0x92: {  	_ =	strace s19  }
0x93: {  	s2 =	sld [smem:$0x3FFC];
	_ =	sdelay $0x3  }
0x94: {  	_ =	strace s2  }
0x95: {  	s2 =	sld [smem:$0x3FFD];
	_ =	sdelay $0x3  }
0x96: {  	_ =	strace s2  }
0x97: {  	_ =	strace $0x8FFFFFFF  }
0x98: {  	s20 =	sld [smem:$0x3FDB];
	_ =	sdelay $0x1  }
0x99: {  	s4 =	simm.s32 $_scs_section_size  }
0x9a: {  	s5 =	simm.s32 $_size__tile_overlayer_lowered;
	s6 =	simm.s32 $_tile_overlayer_lowered  }
0x9b: {  	s7 =	simm.s32 $0x1BFF;
	s21 =	sshll.u32 s6, $0x1;
	s4 =	sadd.s32 s4, s20  }
0x9c: {  	s22 =	simm.s32 $0x0;
	s5 =	sshll.u32 s5, $0x1;
	s6 =	sadd.s32 s21, s4  }
0x9d: {  	[timem:s22], [sflag:s7] =	dma.local [hbm:s6], s5  }
0x9e: {  	_ =	swait.ge [sflag:s7], s5  }
0x9f: {  	s5 =	ssub.s32 $0x0, s5;
	[sflag:s7] =	ssyncset.done $0x0  }
0xa0: {  	[sflag:s7] =	ssyncadd.s32 s5;
	_ =	sdelay $0x1  }
0xa1: {  	s23 =	simm.s32 $0x1B8B  }
0xa2: {  	_ =	swait.ge [sflag:s23], $0x1  }
0xa3: {  	[sflag:s23] =	ssyncset.done $0x0  }
0xa4: {  	[sflag:s23] =	ssyncadd.s32 $0xFFFFFFFF  }
0xa5: {  	s5 =	sld [smem:$0x0]  }
0xa6: {  	s6 =	sand.u32 $0xFFFFFFFE, s1  }
0xa7: {  	p0 =	sne.s32 s1, s6  }
0xa8: {  	s6 =	sshll.u32 @p0 s6, $0xE  }
0xa9: {  	s6 =	sadd.s32 @p0 $0x11B8D, s6;
	s7 =	sshll.u32 @p0 s5, $0x11  }
0xaa: {  	s6 =	sor.u32 @p0 s7, s6  }
0xab: {  	[sflag:s6] =	ssyncadd.remote.s32 @p0 $0x1;
	_ =	sdelay $0x1  }
0xac: {  	s6 =	simm.s32 @p0 $0x1B8D  }
0xad: {  	_ =	swait.eq @p0 [sflag:s6], $0x1  }
0xae: {  	[sflag:s6] =	ssyncadd.s32 @p0 $0xFFFFFFFF  }
0xaf: {  	s7 =	sshll.u32 @!p0 s1, $0xE  }
0xb0: {  	s7 =	sor.u32 @!p0 $0x4000, s7;
	s6 =	simm.s32 @!p0 $0x1B8D  }
0xb1: {  	s5 =	sshll.u32 @!p0 s5, $0x11;
	s7 =	sadd.s32 @!p0 $0x11B8D, s7;
	_ =	swait.eq @!p0 [sflag:s6], $0x1  }
0xb2: {  	s5 =	sor.u32 @!p0 s5, s7;
	[sflag:s6] =	ssyncadd.s32 @!p0 $0xFFFFFFFF  }
0xb3: {  	s25 =	simm.s32 $0x1B8E;
	s24 =	sld [smem:$0x3FFE];
	[sflag:s5] =	ssyncadd.remote.s32 @!p0 $0x1  }
0xb4: {  	s26 =	simm.s32 $execute0_lowered;
	[smem:$0x3FD2] =	sst s25  }
0xb5: {  	s6 =	sshll.u32 s26, $0x1;
	_ =	strace $0x80000049;
	[dreg:$0x1] =	wrdreg $0xFFFFFFFF  }
0xb6: {  	s28 =	simm.s32 $_size_execute0_lowered;
	s4 =	sadd.s32 s4, s6;
	[dreg:$0x0] =	wrdreg $0x0  }
0xb7: {  	s6 =	sshll.u32 s28, $0x1;
	[dreg:$0x2] =	wrdreg s4  }
0xb8: {  	[dreg:$0x3] =	wrdreg s6  }
0xb9: {  	[dreg:$0x4] =	wrdreg $0xC0  }
0xba: {  	_ =	task [dreg:s22], $0x5FFFF  }
0xbb: {  	[dreg:$0x1] =	wrdreg $0xFFFFFFFF  }
0xbc: {  	[dreg:$0x0] =	wrdreg $0x60  }
0xbd: {  	[dreg:$0x2] =	wrdreg s18  }
0xbe: {  	[dreg:$0x3] =	wrdreg s24  }
0xbf: {  	[dreg:$0x4] =	wrdreg $0x90000  }
0xc0: {  	[dreg:$0x5] =	wrdreg $0xA  }
0xc1: {  	_ =	task.clear_ibuf [dreg:s22], $0x6FFFF;
	_ =	strace $0x90000049  }
0xc2: {  	s29 =	simm.s32 $0xA;
	_ =	strace $0x8000004B  }
0xc3: {  	_ =	swait.ge [sflag:s29], $0x1  }
0xc4: {  	[sflag:s29] =	ssyncadd.s32 $0xFFFFFFFF  }
0xc5: {  	_ =	strace $0x9000004B  }
0xc6: {  	_ =	sfence  }
0xc7: {  	s30 =	sld [smem:$0x0];
	_ =	sdelay $0x2  }
0xc8: {  	s31 =	sshll.u32 s1, $0xD;
	s1 =	sshrl.u32 s1, $0x2  }
0xc9: {  	s4 =	sand.u32 $0x4000, s31;
	s1 =	sadd.s32 s1, s30  }
0xca: {  	s0 =	sor.u32 s4, s0;
	s1 =	sshll.u32 s1, $0x11  }
0xcb: {  	s0 =	sor.u32 s1, s0  }
0xcc: {  	s0 =	sadd.s32 $0x8F2B, s0  }
0xcd: {  	[sflag:s0] =	ssyncadd.remote.s32 $0x1  }
0xce: {  	_ =	sfence.sel $0xFFFF  }
0xcf: {  	[dreg:$0x0] =	wrdreg $0xFFFFFFFF;
	(pc) =	sbr.abs _section_cstart, $3  }
0xd0: {  	[dreg:$0x1] =	wrdreg $0xFFFFFFFF  }
0xd1: {  	_ =	task.clear_ibuf [dreg:s22], $0x2FFFF;
	_ =	strace $0x9FFFFFFF  }
0xd2: {  	(tm) =	ssettm $0x7FFFFFFF  }
0xd3: {  	_ =	shalt  }
tec
execute0_lowered:
.L_overlay_start_1:
0x0: {  	(tag) =	ssettag $0x1  }
0x1: {  	s0 =	srdreg.scid;
	s1 =	rddreg [dreg:$0x0]  }
0x2: {  	s11 =	simm.s32 $0x10;
	s2 =	simm.s32 $0x900;
	s7 =	rddreg [dreg:$0x1]  }
0x3: {  	s3 =	rddreg [dreg:$0x2];
	s16 =	simm.s32 $0x800;
	s17 =	simm.s32 $0x80  }
0x4: {  	s18 =	simm.s32 $0x1000;
	s19 =	simm.s32 $0x1;
	s6 =	sand.u32 $0x1, s0  }
0x5: {  	s20 =	simm.s32 $0x5000;
	s0 =	stileid.u32;
	s8 =	smul.u32 $0x13C000, s6  }
0x6: {  	p0 =	seq.s32 s6, $0x0;
	s9 =	smul.u32 $0x13C00, s0;
	s6 =	ssub.s32 $0x2, s6  }
0x7: {  	s22 =	smul.u32 $0x4F000, s0;
	s26 =	sshll.u32 s0, $0x6;
	s11 =	simm.s32 @!p0 $0x90  }
0x8: {  	s2 =	simm.s32 @!p0 $0x0;
	s21 =	sshrl.u32 s6, $0x1;
	s4 =	smul.u32 s0, s11  }
0x9: {  	s8 =	sadd.s32 s9, s8;
	s12 =	ssub.s32 s6, s21;
	s6 =	sshrl.u32 s11, $0x3  }
0xa: {  	s23 =	sadd.s32 $0xFFFFFFFF, s11;
	s24 =	sadd.s32 $0xFFFFFFFE, s11;
	s4 =	sadd.s32 s2, s4  }
0xb: {  	s25 =	sadd.s32 $0xFFFFFFFD, s11;
	s5 =	sshrl.u32 s4, $0x3;
	s4 =	simm.s32 $0x0  }
0xc: {  	s28 =	sadd.s32 $0xFFFFFFFC, s11;
	s29 =	sadd.s32 $0xFFFFFFFB, s11;
	[smem:$0x7FF] =	sst s4  }
0xd: {  	s15 =	sadd.s32 $0xFFFFFFFA, s11;
	_ =	strace $0x8000004A;
	[dreg:$0x4] =	wrdreg s23  }
0xe: {  	s30 =	sadd.s32 $0xFFFFFFF9, s11;
	s31 =	sadd.s32 $0xFFFFFFF8, s11;
	[dreg:$0x5] =	wrdreg s24  }
0xf: {  	s21 =	simm.s32 $0x0;
	s8 =	sshrl.u32 s8, $0x3;
	[dreg:$0x6] =	wrdreg s25  }
0x10: {  	s10 =	sadd.s32 s8, s7;
	s8 =	sshrl.u32 s22, $0x2;
	[dreg:$0x7] =	wrdreg s28  }
0x11: {  	s11 =	smax.u32 s12, $0x1;
	s14 =	sadd.s32 s8, s3;
	[dreg:$0x8] =	wrdreg s29  }
0x12: {  	s10 =	sadd.s32 $0x68000, s10;
	s5 =	smin.u32 s5, $0x13F;
	[dreg:$0x9] =	wrdreg s15  }
0x13: {  	s14 =	sshrl.u32 s14, $0x3;
	s5 =	sshll.u32 s5, $0x7;
	[dreg:$0xa] =	wrdreg s30  }
0x14: {  	[dreg:$0xb] =	wrdreg s31;
	s15 =	simm.s32 $0x2;
	s13 =	sadd.s32 s5, s7  }
0x15: {  	s5 =	sadd.s32 $0xC800, s7;
	s7 =	sor.u32 $0x1C02, s26;
	s8 =	sadd.s32 $0x5E000, s13  }
0x16: {  	s9 =	sadd.s32 $0x2000, s13;
	s12 =	sadd.s32 $0x2080, s13;
	s13 =	sadd.s32 $0x5E080, s13  }
.LBB2_1:
0x17: {  	[spmem:s14], [sflag:s7] =	dma.local [hbm:s5], $0x2780  }
0x18: {  	_ =	swait.ge [sflag:s15], $0x2780  }
0x19: {  	[sflag:s15] =	ssyncset.done $0x0  }
0x1a: {  	[sflag:s15] =	ssyncadd.s32 $0xFFFFD880  }
0x1b: {  	[tilespmem:s4], [sflag:$0x2] =	stream.linear.gather [hbm4b:s8+s4], $0x400, $0x38;
	[tilespmem:$0x1CC00] =	vst v63  }
0x1c: {  	_ =	swait.ge [sflag:s15], $0x400  }
0x1d: {  	[sflag:s15] =	ssyncset.done $0x0  }
0x1e: {  	[sflag:s15] =	ssyncadd.s32 $0xFFFFFC00  }
0x1f: {  	[tilespmem:s16], [sflag:$0x2] =	stream.linear.gather [hbm4b:s9+s4], $0x400, $0x38;
	[tilespmem:$0x1CC00] =	vst v63  }
0x20: {  	_ =	swait.ge [sflag:s15], $0x400  }
0x21: {  	[sflag:s15] =	ssyncset.done $0x0  }
0x22: {  	s22 =	simm.s32 $0x1;
	[sflag:s15] =	ssyncadd.s32 $0xFFFFFC00  }
0x23: {  	p0 =	sle.u32 s6, $0x1;
	s24 =	sand.u32 $0x1, s22;
	[bflag:$0x0] =	sbarrier.arrive $0xFFFF  }
0x24: {  	[tilespmem:s18], [sflag:$0x1] =	stream.indirect.gather [hbm4b:s1+s17], $0x80, s4, s17, $0xb8;
	[tilespmem:$0x1CC00] =	vst v63  }
0x25: {  	s25 =	simm.s32 @!p0 $0x2;
	s26 =	simm.s32 @!p0 $0x0;
	s23 =	sshll.u32 @!p0 s24, $0xA  }
0x26: {  	[tilespmem:s23], [sflag:$0x2] =	stream.linear.gather @!p0 [hbm4b:s13+s26], $0x400, $0x38;
	[tilespmem:$0x1CC00] =	vst v63  }
0x27: {  	_ =	swait.ge @!p0 [sflag:s25], $0x400  }
0x28: {  	[sflag:s25] =	ssyncset.done @!p0 $0x0  }
0x29: {  	s23 =	sor.u32 @!p0 $0x800, s23;
	[sflag:s25] =	ssyncadd.s32 @!p0 $0xFFFFFC00  }
0x2a: {  	[tilespmem:s23], [sflag:$0x2] =	stream.linear.gather @!p0 [hbm4b:s12+s26], $0x400, $0x38;
	[tilespmem:$0x1CC00] =	vst v63  }
0x2b: {  	_ =	swait.ge @!p0 [sflag:s25], $0x400  }
0x2c: {  	s29 =	rddreg [dreg:$0x4]  }
0x2d: {  	s26 =	sand.u32 $0x1, s4;
	[sflag:s25] =	ssyncset.done @!p0 $0x0;
	p1 =	sle.u32 s29, $0x0  }
0x2e: {  	[sflag:s25] =	ssyncadd.s32 @!p0 $0xFFFFFC00;
	s23 =	sshll.u32 @!p1 s26, $0xA  }
0x2f: {  	s25 =	simm.s32 @!p1 $0x80;
	s28 =	simm.s32 @!p1 $0x5000;
	s23 =	sor.u32 @!p1 $0x80, s23  }
0x30: {  	[tilespmem:s28], [sflag:$0x1] =	stream.indirect.gather @!p1 [hbm4b:s1+s25], $0x80, s23, s25, $0xb8;
	[tilespmem:$0x1CC00] =	vst v63  }
0x31: {  	_ =	swait.ge [sflag:s19], $0x4000  }
0x32: {  	s23 =	sshll.u32 s26, $0xA;
	[sflag:s19] =	ssyncset.done $0x0  }
0x33: {  	s30 =	sor.u32 $0x800, s23;
	[sflag:s19] =	ssyncadd.s32 $0xFFFFC000  }
0x34: {  	[spmem:s3] =	stream.indirect.scatter.add.f32 [tilespmem:s18], [sflag:$0x2], $0x80, s30, s17, $0xb8;
	[tilespmem:$0x1CC00] =	vst v63  }
0x35: {  	_ =	swait.ge [sflag:s15], $0x4000  }
0x36: {  	s31 =	rddreg [dreg:$0x5];
	[sflag:s15] =	ssyncset.done $0x0  }
0x37: {  	[sflag:s15] =	ssyncadd.s32 $0xFFFFC000;
	p0 =	sle.u32 s31, $0x0  }
0x38: {  	s25 =	sadd.s32 @!p0 $0x100, s23;
	s26 =	simm.s32 @!p0 $0x80;
	s28 =	simm.s32 @!p0 $0x1000  }
0x39: {  	[tilespmem:s28], [sflag:$0x1] =	stream.indirect.gather @!p0 [hbm4b:s1+s26], $0x80, s25, s26, $0xb8;
	[tilespmem:$0x1CC00] =	vst v63  }
0x3a: {  	_ =	swait.ge [sflag:s19], $0x4000  }
0x3b: {  	[sflag:s19] =	ssyncset.done $0x0  }
0x3c: {  	s2 =	sadd.s32 $0x880, s23;
	[sflag:s19] =	ssyncadd.s32 $0xFFFFC000  }
0x3d: {  	[spmem:s3] =	stream.indirect.scatter.add.f32 [tilespmem:s20], [sflag:$0x2], $0x80, s2, s17, $0xb8;
	[tilespmem:$0x1CC00] =	vst v63  }
0x3e: {  	_ =	swait.ge [sflag:s15], $0x4000  }
0x3f: {  	s26 =	rddreg [dreg:$0x6];
	[sflag:s15] =	ssyncset.done $0x0  }
0x40: {  	p0 =	sle.u32 s26, $0x0;
	[sflag:s15] =	ssyncadd.s32 $0xFFFFC000  }
0x41: {  	s25 =	sadd.s32 @!p0 $0x180, s23;
	s26 =	simm.s32 @!p0 $0x80;
	s28 =	simm.s32 @!p0 $0x5000  }
0x42: {  	[tilespmem:s28], [sflag:$0x1] =	stream.indirect.gather @!p0 [hbm4b:s1+s26], $0x80, s25, s26, $0xb8;
	[tilespmem:$0x1CC00] =	vst v63  }
0x43: {  	_ =	swait.ge [sflag:s19], $0x4000  }
0x44: {  	[sflag:s19] =	ssyncset.done $0x0  }
0x45: {  	s28 =	sadd.s32 $0x900, s23;
	[sflag:s19] =	ssyncadd.s32 $0xFFFFC000  }
0x46: {  	[spmem:s3] =	stream.indirect.scatter.add.f32 [tilespmem:s18], [sflag:$0x2], $0x80, s28, s17, $0xb8;
	[tilespmem:$0x1CC00] =	vst v63  }
0x47: {  	_ =	swait.ge [sflag:s15], $0x4000  }
0x48: {  	s29 =	rddreg [dreg:$0x7];
	[sflag:s15] =	ssyncset.done $0x0  }
0x49: {  	[sflag:s15] =	ssyncadd.s32 $0xFFFFC000;
	p0 =	sle.u32 s29, $0x0  }
0x4a: {  	s25 =	sadd.s32 @!p0 $0x200, s23;
	s26 =	simm.s32 @!p0 $0x80;
	s28 =	simm.s32 @!p0 $0x1000  }
0x4b: {  	[tilespmem:s28], [sflag:$0x1] =	stream.indirect.gather @!p0 [hbm4b:s1+s26], $0x80, s25, s26, $0xb8;
	[tilespmem:$0x1CC00] =	vst v63  }
0x4c: {  	_ =	swait.ge [sflag:s19], $0x4000  }
0x4d: {  	[sflag:s19] =	ssyncset.done $0x0  }
0x4e: {  	s30 =	sadd.s32 $0x980, s23;
	[sflag:s19] =	ssyncadd.s32 $0xFFFFC000  }
0x4f: {  	[spmem:s3] =	stream.indirect.scatter.add.f32 [tilespmem:s20], [sflag:$0x2], $0x80, s30, s17, $0xb8;
	[tilespmem:$0x1CC00] =	vst v63  }
0x50: {  	_ =	swait.ge [sflag:s15], $0x4000  }
0x51: {  	s31 =	rddreg [dreg:$0x8];
	[sflag:s15] =	ssyncset.done $0x0  }
0x52: {  	[sflag:s15] =	ssyncadd.s32 $0xFFFFC000;
	p0 =	sle.u32 s31, $0x0  }
0x53: {  	s25 =	sadd.s32 @!p0 $0x280, s23;
	s26 =	simm.s32 @!p0 $0x80;
	s28 =	simm.s32 @!p0 $0x5000  }
0x54: {  	[tilespmem:s28], [sflag:$0x1] =	stream.indirect.gather @!p0 [hbm4b:s1+s26], $0x80, s25, s26, $0xb8;
	[tilespmem:$0x1CC00] =	vst v63  }
0x55: {  	_ =	swait.ge [sflag:s19], $0x4000  }
0x56: {  	[sflag:s19] =	ssyncset.done $0x0  }
0x57: {  	s2 =	sadd.s32 $0xA00, s23;
	[sflag:s19] =	ssyncadd.s32 $0xFFFFC000  }
0x58: {  	[spmem:s3] =	stream.indirect.scatter.add.f32 [tilespmem:s18], [sflag:$0x2], $0x80, s2, s17, $0xb8;
	[tilespmem:$0x1CC00] =	vst v63  }
0x59: {  	_ =	swait.ge [sflag:s15], $0x4000  }
0x5a: {  	s26 =	rddreg [dreg:$0x9];
	[sflag:s15] =	ssyncset.done $0x0  }
0x5b: {  	[sflag:s15] =	ssyncadd.s32 $0xFFFFC000;
	p0 =	sle.u32 s26, $0x0  }
0x5c: {  	s25 =	sadd.s32 @!p0 $0x300, s23;
	s26 =	simm.s32 @!p0 $0x80;
	s28 =	simm.s32 @!p0 $0x1000  }
0x5d: {  	[tilespmem:s28], [sflag:$0x1] =	stream.indirect.gather @!p0 [hbm4b:s1+s26], $0x80, s25, s26, $0xb8;
	[tilespmem:$0x1CC00] =	vst v63  }
0x5e: {  	_ =	swait.ge [sflag:s19], $0x4000  }
0x5f: {  	[sflag:s19] =	ssyncset.done $0x0  }
0x60: {  	s28 =	sadd.s32 $0xA80, s23;
	[sflag:s19] =	ssyncadd.s32 $0xFFFFC000  }
0x61: {  	[spmem:s3] =	stream.indirect.scatter.add.f32 [tilespmem:s20], [sflag:$0x2], $0x80, s28, s17, $0xb8;
	[tilespmem:$0x1CC00] =	vst v63  }
0x62: {  	_ =	swait.ge [sflag:s15], $0x4000  }
0x63: {  	s29 =	rddreg [dreg:$0xa];
	[sflag:s15] =	ssyncset.done $0x0  }
0x64: {  	[sflag:s15] =	ssyncadd.s32 $0xFFFFC000;
	p0 =	sle.u32 s29, $0x0  }
0x65: {  	s25 =	sadd.s32 @!p0 $0x380, s23;
	s26 =	simm.s32 @!p0 $0x80;
	s28 =	simm.s32 @!p0 $0x5000  }
0x66: {  	[tilespmem:s28], [sflag:$0x1] =	stream.indirect.gather @!p0 [hbm4b:s1+s26], $0x80, s25, s26, $0xb8;
	[tilespmem:$0x1CC00] =	vst v63  }
0x67: {  	_ =	swait.ge [sflag:s19], $0x4000  }
0x68: {  	[sflag:s19] =	ssyncset.done $0x0  }
0x69: {  	s30 =	sadd.s32 $0xB00, s23;
	[sflag:s19] =	ssyncadd.s32 $0xFFFFC000  }
0x6a: {  	[spmem:s3] =	stream.indirect.scatter.add.f32 [tilespmem:s18], [sflag:$0x2], $0x80, s30, s17, $0xb8;
	[tilespmem:$0x1CC00] =	vst v63  }
0x6b: {  	_ =	swait.ge [sflag:s15], $0x4000  }
0x6c: {  	s31 =	rddreg [dreg:$0xb];
	[sflag:s15] =	ssyncset.done $0x0  }
0x6d: {  	[sflag:s15] =	ssyncadd.s32 $0xFFFFC000;
	p0 =	sle.u32 s31, $0x0  }
0x6e: {  	s24 =	sshll.u32 @!p0 s24, $0xA;
	s25 =	simm.s32 @!p0 $0x80;
	s26 =	simm.s32 @!p0 $0x1000  }
0x6f: {  	[tilespmem:s26], [sflag:$0x1] =	stream.indirect.gather @!p0 [hbm4b:s1+s25], $0x80, s24, s25, $0xb8;
	[tilespmem:$0x1CC00] =	vst v63  }
0x70: {  	p0 =	sne.s32 s6, $0x1  }
.Ltmp0:
0x71: {  	_ = 	snop;
	(pc) =	sbr.rel @!p0 .LBB2_3-.Ltmp0, $2  }
0x72: {  	_ =	sdelay $0x2  }
0x73: {  	s24 =	smov.u32 s13;
	s25 =	smov.u32 s12;
	s26 =	simm.s32 $0x0  }
.LBB2_2:
0x74: {  	_ =	swait.ge [sflag:s19], $0x4000  }
0x75: {  	s23 =	sadd.s32 $0xB80, s23;
	[sflag:s19] =	ssyncset.done $0x0  }
0x76: {  	s29 =	smov.u32 s22;
	s22 =	sadd.s32 $0x1, s22;
	[sflag:s19] =	ssyncadd.s32 $0xFFFFC000  }
0x77: {  	[spmem:s3] =	stream.indirect.scatter.add.f32 [tilespmem:s20], [sflag:$0x2], $0x80, s23, s17, $0xb8;
	[tilespmem:$0x1CC00] =	vst v63  }
0x78: {  	s28 =	sand.u32 $0x1, s22;
	p1 =	sge.u32 s22, s6;
	_ =	swait.ge [sflag:s15], $0x4000  }
0x79: {  	s24 =	sadd.s32 $0x80, s24;
	s30 =	sshll.u32 @!p1 s28, $0xA;
	[sflag:s15] =	ssyncset.done $0x0  }
0x7a: {  	s2 =	simm.s32 @!p1 $0x0;
	s23 =	simm.s32 @!p1 $0x2;
	[sflag:s15] =	ssyncadd.s32 $0xFFFFC000  }
0x7b: {  	[tilespmem:s30], [sflag:$0x2] =	stream.linear.gather @!p1 [hbm4b:s24+s2], $0x400, $0x38;
	[tilespmem:$0x1CC00] =	vst v63  }
0x7c: {  	_ =	swait.ge @!p1 [sflag:s23], $0x400  }
0x7d: {  	[sflag:s23] =	ssyncset.done @!p1 $0x0  }
0x7e: {  	s25 =	sadd.s32 $0x80, s25;
	s31 =	sor.u32 @!p1 $0x800, s30;
	[sflag:s23] =	ssyncadd.s32 @!p1 $0xFFFFFC00  }
0x7f: {  	[tilespmem:s31], [sflag:$0x2] =	stream.linear.gather @!p1 [hbm4b:s25+s2], $0x400, $0x38;
	[tilespmem:$0x1CC00] =	vst v63  }
0x80: {  	_ =	swait.ge @!p1 [sflag:s23], $0x400  }
0x81: {  	s26 =	sadd.s32 $0x8, s26;
	[sflag:s23] =	ssyncset.done @!p1 $0x0;
	s31 =	rddreg [dreg:$0x4]  }
0x82: {  	[sflag:s23] =	ssyncadd.s32 @!p1 $0xFFFFFC00;
	s23 =	sand.u32 $0x1, s29;
	p1 =	sge.u32 s26, s31  }
0x83: {  	s2 =	sshll.u32 @!p1 s23, $0xA  }
0x84: {  	s29 =	simm.s32 @!p1 $0x80;
	s30 =	simm.s32 @!p1 $0x5000;
	s2 =	sor.u32 @!p1 $0x80, s2  }
0x85: {  	[tilespmem:s30], [sflag:$0x1] =	stream.indirect.gather @!p1 [hbm4b:s1+s29], $0x80, s2, s29, $0xb8;
	[tilespmem:$0x1CC00] =	vst v63  }
0x86: {  	_ =	swait.ge [sflag:s19], $0x4000  }
0x87: {  	s23 =	sshll.u32 s23, $0xA;
	[sflag:s19] =	ssyncset.done $0x0  }
0x88: {  	s30 =	sor.u32 $0x800, s23;
	[sflag:s19] =	ssyncadd.s32 $0xFFFFC000  }
0x89: {  	[spmem:s3] =	stream.indirect.scatter.add.f32 [tilespmem:s18], [sflag:$0x2], $0x80, s30, s17, $0xb8;
	[tilespmem:$0x1CC00] =	vst v63  }
0x8a: {  	_ =	swait.ge [sflag:s15], $0x4000  }
0x8b: {  	s31 =	rddreg [dreg:$0x5];
	[sflag:s15] =	ssyncset.done $0x0  }
0x8c: {  	[sflag:s15] =	ssyncadd.s32 $0xFFFFC000;
	p1 =	sge.u32 s26, s31  }
0x8d: {  	s2 =	sadd.s32 @!p1 $0x100, s23;
	s29 =	simm.s32 @!p1 $0x80;
	s30 =	simm.s32 @!p1 $0x1000  }
0x8e: {  	[tilespmem:s30], [sflag:$0x1] =	stream.indirect.gather @!p1 [hbm4b:s1+s29], $0x80, s2, s29, $0xb8;
	[tilespmem:$0x1CC00] =	vst v63  }
0x8f: {  	_ =	swait.ge [sflag:s19], $0x4000  }
0x90: {  	[sflag:s19] =	ssyncset.done $0x0  }
0x91: {  	s29 =	sadd.s32 $0x880, s23;
	[sflag:s19] =	ssyncadd.s32 $0xFFFFC000  }
0x92: {  	[spmem:s3] =	stream.indirect.scatter.add.f32 [tilespmem:s20], [sflag:$0x2], $0x80, s29, s17, $0xb8;
	[tilespmem:$0x1CC00] =	vst v63  }
0x93: {  	_ =	swait.ge [sflag:s15], $0x4000  }
0x94: {  	s30 =	rddreg [dreg:$0x6];
	[sflag:s15] =	ssyncset.done $0x0  }
0x95: {  	p1 =	sge.u32 s26, s30;
	[sflag:s15] =	ssyncadd.s32 $0xFFFFC000  }
0x96: {  	s2 =	sadd.s32 @!p1 $0x180, s23;
	s29 =	simm.s32 @!p1 $0x80;
	s30 =	simm.s32 @!p1 $0x5000  }
0x97: {  	[tilespmem:s30], [sflag:$0x1] =	stream.indirect.gather @!p1 [hbm4b:s1+s29], $0x80, s2, s29, $0xb8;
	[tilespmem:$0x1CC00] =	vst v63  }
0x98: {  	_ =	swait.ge [sflag:s19], $0x4000  }
0x99: {  	[sflag:s19] =	ssyncset.done $0x0  }
0x9a: {  	s31 =	sadd.s32 $0x900, s23;
	[sflag:s19] =	ssyncadd.s32 $0xFFFFC000  }
0x9b: {  	[spmem:s3] =	stream.indirect.scatter.add.f32 [tilespmem:s18], [sflag:$0x2], $0x80, s31, s17, $0xb8;
	[tilespmem:$0x1CC00] =	vst v63  }
0x9c: {  	_ =	swait.ge [sflag:s15], $0x4000  }
0x9d: {  	s29 =	rddreg [dreg:$0x7];
	[sflag:s15] =	ssyncset.done $0x0  }
0x9e: {  	[sflag:s15] =	ssyncadd.s32 $0xFFFFC000;
	p1 =	sge.u32 s26, s29  }
0x9f: {  	s2 =	sadd.s32 @!p1 $0x200, s23;
	s29 =	simm.s32 @!p1 $0x80;
	s30 =	simm.s32 @!p1 $0x1000  }
0xa0: {  	[tilespmem:s30], [sflag:$0x1] =	stream.indirect.gather @!p1 [hbm4b:s1+s29], $0x80, s2, s29, $0xb8;
	[tilespmem:$0x1CC00] =	vst v63  }
0xa1: {  	_ =	swait.ge [sflag:s19], $0x4000  }
0xa2: {  	[sflag:s19] =	ssyncset.done $0x0  }
0xa3: {  	s30 =	sadd.s32 $0x980, s23;
	[sflag:s19] =	ssyncadd.s32 $0xFFFFC000  }
0xa4: {  	[spmem:s3] =	stream.indirect.scatter.add.f32 [tilespmem:s20], [sflag:$0x2], $0x80, s30, s17, $0xb8;
	[tilespmem:$0x1CC00] =	vst v63  }
0xa5: {  	_ =	swait.ge [sflag:s15], $0x4000  }
0xa6: {  	s31 =	rddreg [dreg:$0x8];
	[sflag:s15] =	ssyncset.done $0x0  }
0xa7: {  	[sflag:s15] =	ssyncadd.s32 $0xFFFFC000;
	p1 =	sge.u32 s26, s31  }
0xa8: {  	s2 =	sadd.s32 @!p1 $0x280, s23;
	s29 =	simm.s32 @!p1 $0x80;
	s30 =	simm.s32 @!p1 $0x5000  }
0xa9: {  	[tilespmem:s30], [sflag:$0x1] =	stream.indirect.gather @!p1 [hbm4b:s1+s29], $0x80, s2, s29, $0xb8;
	[tilespmem:$0x1CC00] =	vst v63  }
0xaa: {  	_ =	swait.ge [sflag:s19], $0x4000  }
0xab: {  	[sflag:s19] =	ssyncset.done $0x0  }
0xac: {  	s29 =	sadd.s32 $0xA00, s23;
	[sflag:s19] =	ssyncadd.s32 $0xFFFFC000  }
0xad: {  	[spmem:s3] =	stream.indirect.scatter.add.f32 [tilespmem:s18], [sflag:$0x2], $0x80, s29, s17, $0xb8;
	[tilespmem:$0x1CC00] =	vst v63  }
0xae: {  	_ =	swait.ge [sflag:s15], $0x4000  }
0xaf: {  	s30 =	rddreg [dreg:$0x9];
	[sflag:s15] =	ssyncset.done $0x0  }
0xb0: {  	[sflag:s15] =	ssyncadd.s32 $0xFFFFC000;
	p1 =	sge.u32 s26, s30  }
0xb1: {  	s2 =	sadd.s32 @!p1 $0x300, s23;
	s29 =	simm.s32 @!p1 $0x80;
	s30 =	simm.s32 @!p1 $0x1000  }
0xb2: {  	[tilespmem:s30], [sflag:$0x1] =	stream.indirect.gather @!p1 [hbm4b:s1+s29], $0x80, s2, s29, $0xb8;
	[tilespmem:$0x1CC00] =	vst v63  }
0xb3: {  	_ =	swait.ge [sflag:s19], $0x4000  }
0xb4: {  	[sflag:s19] =	ssyncset.done $0x0  }
0xb5: {  	s31 =	sadd.s32 $0xA80, s23;
	[sflag:s19] =	ssyncadd.s32 $0xFFFFC000  }
0xb6: {  	[spmem:s3] =	stream.indirect.scatter.add.f32 [tilespmem:s20], [sflag:$0x2], $0x80, s31, s17, $0xb8;
	[tilespmem:$0x1CC00] =	vst v63  }
0xb7: {  	_ =	swait.ge [sflag:s15], $0x4000  }
0xb8: {  	s29 =	rddreg [dreg:$0xa];
	[sflag:s15] =	ssyncset.done $0x0  }
0xb9: {  	[sflag:s15] =	ssyncadd.s32 $0xFFFFC000;
	p1 =	sge.u32 s26, s29  }
0xba: {  	s2 =	sadd.s32 @!p1 $0x380, s23;
	s29 =	simm.s32 @!p1 $0x80;
	s30 =	simm.s32 @!p1 $0x5000  }
0xbb: {  	[tilespmem:s30], [sflag:$0x1] =	stream.indirect.gather @!p1 [hbm4b:s1+s29], $0x80, s2, s29, $0xb8;
	[tilespmem:$0x1CC00] =	vst v63  }
0xbc: {  	_ =	swait.ge [sflag:s19], $0x4000  }
0xbd: {  	[sflag:s19] =	ssyncset.done $0x0  }
0xbe: {  	p0 =	sne.s32 s6, s22;
	s30 =	sadd.s32 $0xB00, s23;
	[sflag:s19] =	ssyncadd.s32 $0xFFFFC000  }
0xbf: {  	[spmem:s3] =	stream.indirect.scatter.add.f32 [tilespmem:s18], [sflag:$0x2], $0x80, s30, s17, $0xb8;
	[tilespmem:$0x1CC00] =	vst v63  }
.Ltmp1:
0xc0: {  	_ =	swait.ge [sflag:s15], $0x4000;
	(pc) =	sbr.rel @p0 .LBB2_2-.Ltmp1, $4  }
0xc1: {  	s31 =	rddreg [dreg:$0xb];
	[sflag:s15] =	ssyncset.done $0x0  }
0xc2: {  	[sflag:s15] =	ssyncadd.s32 $0xFFFFC000;
	p1 =	sge.u32 s26, s31  }
0xc3: {  	s2 =	sshll.u32 @!p1 s28, $0xA;
	s28 =	simm.s32 @!p1 $0x80;
	s29 =	simm.s32 @!p1 $0x1000  }
0xc4: {  	[tilespmem:s29], [sflag:$0x1] =	stream.indirect.gather @!p1 [hbm4b:s1+s28], $0x80, s2, s28, $0xb8;
	[tilespmem:$0x1CC00] =	vst v63  }
.LBB2_3:
0xc5: {  	_ =	swait.ge [sflag:s19], $0x4000  }
0xc6: {  	[sflag:s19] =	ssyncset.done $0x0  }
0xc7: {  	s2 =	sadd.s32 $0xB80, s23;
	[sflag:s19] =	ssyncadd.s32 $0xFFFFC000  }
0xc8: {  	[spmem:s3] =	stream.indirect.scatter.add.f32 [tilespmem:s20], [sflag:$0x2], $0x80, s2, s17, $0xb8;
	[tilespmem:$0x1CC00] =	vst v63  }
0xc9: {  	_ =	swait.ge [sflag:s15], $0x4000  }
0xca: {  	s21 =	sadd.s32 $0x1, s21;
	[sflag:s15] =	ssyncset.done $0x0  }
0xcb: {  	p0 =	sne.s32 s21, s11;
	[sflag:s15] =	ssyncadd.s32 $0xFFFFC000  }
.Ltmp2:
0xcc: {  	[bflag:$0x0] =	sbarrier.arrive $0xFFFF;
	(pc) =	sbr.rel @p0 .LBB2_1-.Ltmp2, $4  }
0xcd: {  	[hbm:s10], [sflag:s7] =	dma.local [spmem:s14], $0x2780  }
0xce: {  	_ =	swait.ge [sflag:s15], $0x2780  }
0xcf: {  	[sflag:s15] =	ssyncset.done $0x0  }
0xd0: {  	[sflag:s15] =	ssyncadd.s32 $0xFFFFD880  }
0xd1: {  	_ =	sfence.sel $0x180000  }
0xd2: {  	[bflag:$0x0] =	sbarrier.arrive $0xFFFF  }
0xd3: {  	_ =	strace $0x9000004A  }
0xd4: {  	[bflag:$0x2] =	sbarrier.arrive $0xFFFF  }
0xd5: {  	p0 =	sne.s32 s0, $0x0;
	s0 =	rddreg [dreg:$0x3]  }
0xd6: {  	s0 =	sadd.s32 @!p0 $0x100000, s0  }
0xd7: {  	[sflag:s0] =	ssyncadd.tile.s32 @!p0 $0x1;
	_ =	shalt  }
.Lfunc_end2:
_tile_overlayer_lowered:
.L_overlay_start_2:
0xd8: {  	(tag) =	ssettag $0x2  }
0xd9: {  	s0 =	rddreg [dreg:$0x0];
	s2 =	stileid.u32  }
0xda: {  	s1 =	rddreg [dreg:$0x1];
	p0 =	sne.s32 s2, $0x0  }
0xdb: {  	s3 =	rddreg [dreg:$0x2];
	[bflag:$0x3] =	sbarrier.arrive $0xFFFF;
	s2 =	simm.s32 @!p0 $0x1C02  }
0xdc: {  	[timem:s3], [sflag:s2] =	dma.local @!p0 [hbm:s0], s1  }
0xdd: {  	s0 =	simm.s32 @!p0 $0x2  }
0xde: {  	_ =	swait.ge @!p0 [sflag:s0], s1  }
0xdf: {  	s1 =	ssub.s32 @!p0 $0x0, s1;
	[sflag:s0] =	ssyncset.done @!p0 $0x0  }
0xe0: {  	[sflag:s0] =	ssyncadd.s32 @!p0 s1  }
0xe1: {  	[bflag:$0x3] =	sbarrier.arrive $0xFFFF  }
0xe2: {  	_ =	shalt  }

// kernel: kernel.13.cloned.1.call-start
scs
__scs_entry_jumppad:
0x0: {  	(pc) =	sbr.rel $0x88, $3  }
0x1: {  	(tag) =	ssettag $0x0;
	lr =	simm.s32 $0x1  }
0x2: {  	[smem:$0x3F99] =	sst lr;
	_ =	strace $0xD0000000  }
0x3: {  	_ = 	snop  }
0x4: {  	_ = 	snop  }
0x5: {  	_ = 	snop  }
0x6: {  	_ = 	snop  }
0x7: {  	_ = 	snop  }
__scs_overlays_trampoline_lowered:
0x8: {  	[smem:$0x3FA8] =	sst s0  }
0x9: {  	[smem:$0x3FA9] =	sst s1  }
0xa: {  	[smem:$0x3FAA] =	sst s2  }
0xb: {  	[smem:$0x3FAB] =	sst s3  }
0xc: {  	[smem:$0x3FAC] =	sst s4  }
0xd: {  	[smem:$0x3FAD] =	sst s5  }
0xe: {  	[smem:$0x3FAE] =	sst s6  }
0xf: {  	[smem:$0x3FAF] =	sst s7  }
0x10: {  	[smem:$0x3FB0] =	sst s8  }
0x11: {  	[smem:$0x3FB1] =	sst s9;
	s0 =	simm.s32 @!p0 $0x0  }
0x12: {  	s1 =	sld [smem:$0x3F97];
	s0 =	simm.s32 @p0 $0x1  }
0x13: {  	[smem:$0x3FB2] =	sst s0;
	s0 =	simm.s32 @!p1 $0x0  }
0x14: {  	s2 =	sld [smem:$0x3F96];
	s0 =	simm.s32 @p1 $0x1  }
0x15: {  	[smem:$0x3FB3] =	sst s0;
	s0 =	simm.s32 @!p2 $0x0  }
0x16: {  	s3 =	sld [smem:$0x3FDB];
	s0 =	simm.s32 @p2 $0x1  }
0x17: {  	s4 =	simm.s32 $0x1BF5;
	[smem:$0x3FB5] =	sst s0  }
0x18: {  	s0 =	sld [smem:$0x3F98];
	_ =	swait.ge [sflag:s4], $0x0  }
0x19: {  	s7 =	sld [smem:$0x3F99]  }
0x1a: {  	s8 =	sadd.s32 $0xFFFFE003, lr  }
0x1b: {  	s9 =	sadd.s32 $0xFFFFFEF7, lr;
	s5 =	simm.s32 $0xFFFFFFFF;
	p2 =	slt.u32 s8, $0xFFFFF086  }
0x1c: {  	p1 =	slt.u32 s9, $0xF7A;
	s5 =	simm.s32 @!p2 $0x0  }
0x1d: {  	s5 =	simm.s32 @p1 $0x1;
	p0 =	seq.s32 s7, s2  }
0x1e: {  	s7 =	smul.u32 @!p0 $0xF7A, s2;
	p2 =	seq.s32 @!p0 s5, $0x0  }
0x1f: {  	s9 =	smul.u32 $0xF7A, s1;
	s8 =	simm.s32 @!p0 $0x1BF5;
	p2 =	por !p2, p0  }
0x20: {  	[sflag:s8] =	ssyncset.s32 @!p0 $0xFFFFF086;
	s6 =	sadd.s32 @!p0 s3, s7;
	s7 =	simm.s32 @!p0 $0x108  }
0x21: {  	s3 =	sadd.s32 s3, s9;
	s6 =	sadd.s32 @!p0 $0x88, s6;
	s7 =	simm.s32 @p2 $0x1082  }
0x22: {  	[simem:s7], [sflag:s8] =	dma.local @!p0 [hbm:s6], $0xF7A  }
0x23: {  	s9 =	sor.u32 $0xD0000000, s2;
	s6 =	simm.s32 $0x108;
	_ =	swait.ge @!p0 [sflag:s8], $0x0  }
0x24: {  	s3 =	sadd.s32 $0x88, s3;
	s6 =	simm.s32 @!p1 $0x1082;
	[sflag:s4] =	ssyncset.s32 $0xFFFFF086  }
0x25: {  	[simem:s6], [sflag:s4] =	dma.local [hbm:s3], $0xF7A  }
0x26: {  	[smem:$0x3F99] =	sst s1;
	(tag) =	ssettag s2;
	_ =	strace s9  }
0x27: {  	s1 =	sld [smem:$0x3FA9]  }
0x28: {  	s2 =	sld [smem:$0x3FAA]  }
0x29: {  	s4 =	sld [smem:$0x3FAC]  }
0x2a: {  	p0 =	seq.s32 s5, $0x0;
	s5 =	sld [smem:$0x3FAD]  }
0x2b: {  	s6 =	sld [smem:$0x3FAE]  }
0x2c: {  	s7 =	sld [smem:$0x3FAF]  }
0x2d: {  	s3 =	simm.s32 $0x108;
	s8 =	sld [smem:$0x3FB0]  }
0x2e: {  	s3 =	simm.s32 @!p0 $0x1082;
	s9 =	sld [smem:$0x3FB1]  }
0x2f: {  	lr =	sadd.s32 s0, s3;
	s0 =	sld [smem:$0x3FA8]  }
0x30: {  	s3 =	sld [smem:$0x3FAB]  }
0x31: {  	[smem:$0x3FB4] =	sst s10  }
0x32: {  	s10 =	sld [smem:$0x3FB2];
	_ =	sdelay $0x3  }
0x33: {  	p0 =	seq.s32 s10, $0x1;
	s10 =	sld [smem:$0x3FB4];
	_ =	sdelay $0x3  }
0x34: {  	[smem:$0x3FB4] =	sst s10  }
0x35: {  	s10 =	sld [smem:$0x3FB3];
	_ =	sdelay $0x3  }
0x36: {  	p1 =	seq.s32 s10, $0x1;
	s10 =	sld [smem:$0x3FB4];
	_ =	sdelay $0x3  }
0x37: {  	[smem:$0x3FB4] =	sst s10  }
0x38: {  	s10 =	sld [smem:$0x3FB5]  }
0x39: {  	_ = 	snop;
	(pc) =	sbr.ind lr, $3  }
0x3a: {  	_ = 	snop  }
0x3b: {  	_ = 	snop  }
0x3c: {  	p2 =	seq.s32 s10, $0x1;
	s10 =	sld [smem:$0x3FB4]  }
0x3d: {  	_ =	shalt  }
0x3e: {  	_ =	shalt  }
0x3f: {  	_ =	shalt  }
0x40: {  	_ =	shalt  }
0x41: {  	_ =	shalt  }
0x42: {  	_ =	shalt  }
0x43: {  	_ =	shalt  }
0x44: {  	_ =	shalt  }
0x45: {  	_ =	shalt  }
0x46: {  	_ =	shalt  }
0x47: {  	_ =	shalt  }
0x48: {  	_ =	shalt  }
0x49: {  	_ =	shalt  }
0x4a: {  	_ =	shalt  }
0x4b: {  	_ =	shalt  }
0x4c: {  	_ =	shalt  }
0x4d: {  	_ =	shalt  }
0x4e: {  	_ =	shalt  }
0x4f: {  	_ =	shalt  }
0x50: {  	_ =	shalt  }
0x51: {  	_ =	shalt  }
0x52: {  	_ =	shalt  }
0x53: {  	_ =	shalt  }
0x54: {  	_ =	shalt  }
0x55: {  	_ =	shalt  }
0x56: {  	_ =	shalt  }
0x57: {  	_ =	shalt  }
0x58: {  	_ =	shalt  }
0x59: {  	_ =	shalt  }
0x5a: {  	_ =	shalt  }
0x5b: {  	_ =	shalt  }
0x5c: {  	_ =	shalt  }
0x5d: {  	_ =	shalt  }
0x5e: {  	_ =	shalt  }
0x5f: {  	_ =	shalt  }
0x60: {  	_ =	shalt  }
0x61: {  	_ =	shalt  }
0x62: {  	_ =	shalt  }
0x63: {  	_ =	shalt  }
0x64: {  	_ =	shalt  }
0x65: {  	_ =	shalt  }
0x66: {  	_ =	shalt  }
0x67: {  	_ =	shalt  }
0x68: {  	_ =	shalt  }
0x69: {  	_ =	shalt  }
0x6a: {  	_ =	shalt  }
0x6b: {  	_ =	shalt  }
0x6c: {  	_ =	shalt  }
0x6d: {  	_ =	shalt  }
0x6e: {  	_ =	shalt  }
0x6f: {  	_ =	shalt  }
0x70: {  	_ =	shalt  }
0x71: {  	_ =	shalt  }
0x72: {  	_ =	shalt  }
0x73: {  	_ =	shalt  }
0x74: {  	_ =	shalt  }
0x75: {  	_ =	shalt  }
0x76: {  	_ =	shalt  }
0x77: {  	_ =	shalt  }
0x78: {  	_ =	shalt  }
0x79: {  	_ =	shalt  }
0x7a: {  	_ =	shalt  }
0x7b: {  	_ =	shalt  }
0x7c: {  	_ =	shalt  }
0x7d: {  	_ =	shalt  }
0x7e: {  	_ =	shalt  }
0x7f: {  	_ =	shalt  }
0x80: {  	_ =	shalt  }
0x81: {  	_ =	shalt  }
0x82: {  	_ =	shalt  }
0x83: {  	_ =	shalt  }
0x84: {  	_ =	shalt  }
0x85: {  	_ =	shalt  }
0x86: {  	_ =	shalt  }
0x87: {  	_ =	shalt  }
.Lfunc_end0:
.L_simem_size_0:
called_computation.2_lowered:
.L_overlay_start_0:
0x88: {  	s2 =	sld [smem:$0x3FD9]  }
0x89: {  	s3 =	sld [smem:$0x3FFE];
	_ =	sdelay $0x1  }
0x8a: {  	s1 =	srdreg.scid  }
0x8b: {  	s0 =	sand.u32 $0x1, s1  }
0x8c: {  	s17 =	sshll.u32 s0, $0xA;
	s2 =	sadd.s32 s3, s2  }
0x8d: {  	s2 =	sadd.s32 s2, s17  }
0x8e: {  	[smem:$0x3FC0] =	sst s2  }
0x8f: {  	_ = 	snop  }
0x90: {  	s2 =	sld [smem:$0x3FD0];
	(tm) =	ssettm $0x1  }
0x91: {  	s18 =	sld [smem:$0x3FFB];
	_ =	sdelay $0x3  }
0x92: {  	_ =	strace s18  }
0x93: {  	s3 =	sld [smem:$0x3FFC];
	_ =	sdelay $0x3  }
0x94: {  	_ =	strace s3  }
0x95: {  	s3 =	sld [smem:$0x3FFD];
	_ =	sdelay $0x3  }
0x96: {  	_ =	strace s3  }
0x97: {  	_ =	strace $0x8FFFFFFF  }
0x98: {  	s19 =	sld [smem:$0x3FDB];
	_ =	sdelay $0x1  }
0x99: {  	s4 =	simm.s32 $_scs_section_size  }
0x9a: {  	s5 =	simm.s32 $_size__tile_overlayer_lowered;
	s6 =	simm.s32 $_tile_overlayer_lowered  }
0x9b: {  	s22 =	simm.s32 $0x1BFF;
	s21 =	sshll.u32 s6, $0x1;
	s3 =	sadd.s32 s4, s19  }
0x9c: {  	s7 =	simm.s32 $0x0;
	s20 =	sshll.u32 s5, $0x1;
	s5 =	sadd.s32 s21, s3  }
0x9d: {  	[timem:s7], [sflag:s22] =	dma.local [hbm:s5], s20  }
0x9e: {  	_ =	swait.ge [sflag:s22], s20  }
0x9f: {  	s4 =	ssub.s32 $0x0, s20;
	[sflag:s22] =	ssyncset.done $0x0  }
0xa0: {  	[sflag:s22] =	ssyncadd.s32 s4;
	_ =	sdelay $0x1  }
0xa1: {  	s23 =	simm.s32 $0x1B8B  }
0xa2: {  	_ =	swait.ge [sflag:s23], $0x1  }
0xa3: {  	[sflag:s23] =	ssyncset.done $0x0  }
0xa4: {  	s25 =	simm.s32 $0x1B8E;
	s24 =	sld [smem:$0x3FFE];
	[sflag:s23] =	ssyncadd.s32 $0xFFFFFFFF  }
0xa5: {  	s26 =	simm.s32 $execute0_lowered;
	[smem:$0x3FD2] =	sst s25  }
0xa6: {  	s5 =	sshll.u32 s26, $0x1;
	_ =	strace $0x8000004C;
	[dreg:$0x1] =	wrdreg $0xFFFFFFFF  }
0xa7: {  	s28 =	simm.s32 $_size_execute0_lowered;
	s3 =	sadd.s32 s3, s5;
	[dreg:$0x0] =	wrdreg $0x0  }
0xa8: {  	s5 =	sshll.u32 s28, $0x1;
	[dreg:$0x2] =	wrdreg s3  }
0xa9: {  	[dreg:$0x3] =	wrdreg s5  }
0xaa: {  	[dreg:$0x4] =	wrdreg $0xC0  }
0xab: {  	_ =	task [dreg:s7], $0x5FFFF  }
0xac: {  	[dreg:$0x1] =	wrdreg $0xFFFFFFFF  }
0xad: {  	[dreg:$0x0] =	wrdreg $0x60  }
0xae: {  	[dreg:$0x2] =	wrdreg s2  }
0xaf: {  	[dreg:$0x3] =	wrdreg s24  }
0xb0: {  	[dreg:$0x4] =	wrdreg $0x90000  }
0xb1: {  	[dreg:$0x5] =	wrdreg $0x9  }
0xb2: {  	_ =	task.clear_ibuf [dreg:s7], $0x6FFFF;
	_ =	strace $0x9000004C  }
0xb3: {  	s29 =	simm.s32 $0x9;
	_ =	strace $0x8000004E  }
0xb4: {  	_ =	swait.ge [sflag:s29], $0x1  }
0xb5: {  	[sflag:s29] =	ssyncadd.s32 $0xFFFFFFFF  }
0xb6: {  	_ =	strace $0x9000004E  }
0xb7: {  	_ =	sfence  }
0xb8: {  	s30 =	sld [smem:$0x0];
	_ =	sdelay $0x2  }
0xb9: {  	s31 =	sshll.u32 s1, $0xD;
	s1 =	sshrl.u32 s1, $0x2  }
0xba: {  	s3 =	sand.u32 $0x4000, s31;
	s1 =	sadd.s32 s1, s30  }
0xbb: {  	s0 =	sor.u32 s3, s0;
	s1 =	sshll.u32 s1, $0x11  }
0xbc: {  	s0 =	sor.u32 s1, s0  }
0xbd: {  	s0 =	sadd.s32 $0x8F2B, s0  }
0xbe: {  	[sflag:s0] =	ssyncadd.remote.s32 $0x1  }
0xbf: {  	_ =	sfence.sel $0xFFFF  }
0xc0: {  	[dreg:$0x0] =	wrdreg $0xFFFFFFFF;
	(pc) =	sbr.abs _section_cstart, $3  }
0xc1: {  	[dreg:$0x1] =	wrdreg $0xFFFFFFFF  }
0xc2: {  	_ =	task.clear_ibuf [dreg:s7], $0x2FFFF;
	_ =	strace $0x9FFFFFFF  }
0xc3: {  	(tm) =	ssettm $0x7FFFFFFF  }
tec
execute0_lowered:
.L_overlay_start_1:
0x0: {  	(tag) =	ssettag $0x1  }
0x1: {  	s0 =	srdreg.scid;
	s1 =	rddreg [dreg:$0x0]  }
0x2: {  	s11 =	simm.s32 $0x10;
	s2 =	simm.s32 $0x900;
	s7 =	rddreg [dreg:$0x1]  }
0x3: {  	s3 =	rddreg [dreg:$0x2];
	s16 =	simm.s32 $0x800;
	s17 =	simm.s32 $0x80  }
0x4: {  	s18 =	simm.s32 $0x1000;
	s19 =	simm.s32 $0x1;
	s6 =	sand.u32 $0x1, s0  }
0x5: {  	s20 =	simm.s32 $0x5000;
	s0 =	stileid.u32;
	s8 =	smul.u32 $0x13C000, s6  }
0x6: {  	p0 =	seq.s32 s6, $0x0;
	s9 =	smul.u32 $0x13C00, s0;
	s6 =	ssub.s32 $0x2, s6  }
0x7: {  	s22 =	smul.u32 $0x4F000, s0;
	s26 =	sshll.u32 s0, $0x6;
	s11 =	simm.s32 @!p0 $0x90  }
0x8: {  	s2 =	simm.s32 @!p0 $0x0;
	s21 =	sshrl.u32 s6, $0x1;
	s4 =	smul.u32 s0, s11  }
0x9: {  	s8 =	sadd.s32 s9, s8;
	s12 =	ssub.s32 s6, s21;
	s6 =	sshrl.u32 s11, $0x3  }
0xa: {  	s23 =	sadd.s32 $0xFFFFFFFF, s11;
	s24 =	sadd.s32 $0xFFFFFFFE, s11;
	s4 =	sadd.s32 s2, s4  }
0xb: {  	s25 =	sadd.s32 $0xFFFFFFFD, s11;
	s5 =	sshrl.u32 s4, $0x3;
	s4 =	simm.s32 $0x0  }
0xc: {  	s28 =	sadd.s32 $0xFFFFFFFC, s11;
	s29 =	sadd.s32 $0xFFFFFFFB, s11;
	[smem:$0x7FF] =	sst s4  }
0xd: {  	s15 =	sadd.s32 $0xFFFFFFFA, s11;
	_ =	strace $0x8000004D;
	[dreg:$0x4] =	wrdreg s23  }
0xe: {  	s30 =	sadd.s32 $0xFFFFFFF9, s11;
	s31 =	sadd.s32 $0xFFFFFFF8, s11;
	[dreg:$0x5] =	wrdreg s24  }
0xf: {  	s21 =	simm.s32 $0x0;
	s8 =	sshrl.u32 s8, $0x3;
	[dreg:$0x6] =	wrdreg s25  }
0x10: {  	s10 =	sadd.s32 s8, s7;
	s8 =	sshrl.u32 s22, $0x2;
	[dreg:$0x7] =	wrdreg s28  }
0x11: {  	s11 =	smax.u32 s12, $0x1;
	s14 =	sadd.s32 s8, s3;
	[dreg:$0x8] =	wrdreg s29  }
0x12: {  	s10 =	sadd.s32 $0xF000, s10;
	s5 =	smin.u32 s5, $0x13F;
	[dreg:$0x9] =	wrdreg s15  }
0x13: {  	s14 =	sshrl.u32 s14, $0x3;
	s5 =	sshll.u32 s5, $0x7;
	[dreg:$0xa] =	wrdreg s30  }
0x14: {  	[dreg:$0xb] =	wrdreg s31;
	s15 =	simm.s32 $0x2;
	s13 =	sadd.s32 s5, s7  }
0x15: {  	s5 =	sadd.s32 $0xC800, s7;
	s7 =	sor.u32 $0x1C02, s26;
	s8 =	sadd.s32 $0x5E000, s13  }
0x16: {  	s9 =	sadd.s32 $0x2000, s13;
	s12 =	sadd.s32 $0x2080, s13;
	s13 =	sadd.s32 $0x5E080, s13  }
.LBB2_1:
0x17: {  	[spmem:s14], [sflag:s7] =	dma.local [hbm:s5], $0x2780  }
0x18: {  	_ =	swait.ge [sflag:s15], $0x2780  }
0x19: {  	[sflag:s15] =	ssyncset.done $0x0  }
0x1a: {  	[sflag:s15] =	ssyncadd.s32 $0xFFFFD880  }
0x1b: {  	[tilespmem:s4], [sflag:$0x2] =	stream.linear.gather [hbm4b:s8+s4], $0x400, $0x38;
	[tilespmem:$0x1CC00] =	vst v63  }
0x1c: {  	_ =	swait.ge [sflag:s15], $0x400  }
0x1d: {  	[sflag:s15] =	ssyncset.done $0x0  }
0x1e: {  	[sflag:s15] =	ssyncadd.s32 $0xFFFFFC00  }
0x1f: {  	[tilespmem:s16], [sflag:$0x2] =	stream.linear.gather [hbm4b:s9+s4], $0x400, $0x38;
	[tilespmem:$0x1CC00] =	vst v63  }
0x20: {  	_ =	swait.ge [sflag:s15], $0x400  }
0x21: {  	[sflag:s15] =	ssyncset.done $0x0  }
0x22: {  	s22 =	simm.s32 $0x1;
	[sflag:s15] =	ssyncadd.s32 $0xFFFFFC00  }
0x23: {  	p0 =	sle.u32 s6, $0x1;
	s24 =	sand.u32 $0x1, s22;
	[bflag:$0x0] =	sbarrier.arrive $0xFFFF  }
0x24: {  	[tilespmem:s18], [sflag:$0x1] =	stream.indirect.gather [hbm4b:s1+s17], $0x80, s4, s17, $0xb8;
	[tilespmem:$0x1CC00] =	vst v63  }
0x25: {  	s25 =	simm.s32 @!p0 $0x2;
	s26 =	simm.s32 @!p0 $0x0;
	s23 =	sshll.u32 @!p0 s24, $0xA  }
0x26: {  	[tilespmem:s23], [sflag:$0x2] =	stream.linear.gather @!p0 [hbm4b:s13+s26], $0x400, $0x38;
	[tilespmem:$0x1CC00] =	vst v63  }
0x27: {  	_ =	swait.ge @!p0 [sflag:s25], $0x400  }
0x28: {  	[sflag:s25] =	ssyncset.done @!p0 $0x0  }
0x29: {  	s23 =	sor.u32 @!p0 $0x800, s23;
	[sflag:s25] =	ssyncadd.s32 @!p0 $0xFFFFFC00  }
0x2a: {  	[tilespmem:s23], [sflag:$0x2] =	stream.linear.gather @!p0 [hbm4b:s12+s26], $0x400, $0x38;
	[tilespmem:$0x1CC00] =	vst v63  }
0x2b: {  	_ =	swait.ge @!p0 [sflag:s25], $0x400  }
0x2c: {  	s29 =	rddreg [dreg:$0x4]  }
0x2d: {  	s26 =	sand.u32 $0x1, s4;
	[sflag:s25] =	ssyncset.done @!p0 $0x0;
	p1 =	sle.u32 s29, $0x0  }
0x2e: {  	[sflag:s25] =	ssyncadd.s32 @!p0 $0xFFFFFC00;
	s23 =	sshll.u32 @!p1 s26, $0xA  }
0x2f: {  	s25 =	simm.s32 @!p1 $0x80;
	s28 =	simm.s32 @!p1 $0x5000;
	s23 =	sor.u32 @!p1 $0x80, s23  }
0x30: {  	[tilespmem:s28], [sflag:$0x1] =	stream.indirect.gather @!p1 [hbm4b:s1+s25], $0x80, s23, s25, $0xb8;
	[tilespmem:$0x1CC00] =	vst v63  }
0x31: {  	_ =	swait.ge [sflag:s19], $0x4000  }
0x32: {  	s23 =	sshll.u32 s26, $0xA;
	[sflag:s19] =	ssyncset.done $0x0  }
0x33: {  	s30 =	sor.u32 $0x800, s23;
	[sflag:s19] =	ssyncadd.s32 $0xFFFFC000  }
0x34: {  	[spmem:s3] =	stream.indirect.scatter.add.f32 [tilespmem:s18], [sflag:$0x2], $0x80, s30, s17, $0xb8;
	[tilespmem:$0x1CC00] =	vst v63  }
0x35: {  	_ =	swait.ge [sflag:s15], $0x4000  }
0x36: {  	s31 =	rddreg [dreg:$0x5];
	[sflag:s15] =	ssyncset.done $0x0  }
0x37: {  	[sflag:s15] =	ssyncadd.s32 $0xFFFFC000;
	p0 =	sle.u32 s31, $0x0  }
0x38: {  	s25 =	sadd.s32 @!p0 $0x100, s23;
	s26 =	simm.s32 @!p0 $0x80;
	s28 =	simm.s32 @!p0 $0x1000  }
0x39: {  	[tilespmem:s28], [sflag:$0x1] =	stream.indirect.gather @!p0 [hbm4b:s1+s26], $0x80, s25, s26, $0xb8;
	[tilespmem:$0x1CC00] =	vst v63  }
0x3a: {  	_ =	swait.ge [sflag:s19], $0x4000  }
0x3b: {  	[sflag:s19] =	ssyncset.done $0x0  }
0x3c: {  	s2 =	sadd.s32 $0x880, s23;
	[sflag:s19] =	ssyncadd.s32 $0xFFFFC000  }
0x3d: {  	[spmem:s3] =	stream.indirect.scatter.add.f32 [tilespmem:s20], [sflag:$0x2], $0x80, s2, s17, $0xb8;
	[tilespmem:$0x1CC00] =	vst v63  }
0x3e: {  	_ =	swait.ge [sflag:s15], $0x4000  }
0x3f: {  	s26 =	rddreg [dreg:$0x6];
	[sflag:s15] =	ssyncset.done $0x0  }
0x40: {  	p0 =	sle.u32 s26, $0x0;
	[sflag:s15] =	ssyncadd.s32 $0xFFFFC000  }
0x41: {  	s25 =	sadd.s32 @!p0 $0x180, s23;
	s26 =	simm.s32 @!p0 $0x80;
	s28 =	simm.s32 @!p0 $0x5000  }
0x42: {  	[tilespmem:s28], [sflag:$0x1] =	stream.indirect.gather @!p0 [hbm4b:s1+s26], $0x80, s25, s26, $0xb8;
	[tilespmem:$0x1CC00] =	vst v63  }
0x43: {  	_ =	swait.ge [sflag:s19], $0x4000  }
0x44: {  	[sflag:s19] =	ssyncset.done $0x0  }
0x45: {  	s28 =	sadd.s32 $0x900, s23;
	[sflag:s19] =	ssyncadd.s32 $0xFFFFC000  }
0x46: {  	[spmem:s3] =	stream.indirect.scatter.add.f32 [tilespmem:s18], [sflag:$0x2], $0x80, s28, s17, $0xb8;
	[tilespmem:$0x1CC00] =	vst v63  }
0x47: {  	_ =	swait.ge [sflag:s15], $0x4000  }
0x48: {  	s29 =	rddreg [dreg:$0x7];
	[sflag:s15] =	ssyncset.done $0x0  }
0x49: {  	[sflag:s15] =	ssyncadd.s32 $0xFFFFC000;
	p0 =	sle.u32 s29, $0x0  }
0x4a: {  	s25 =	sadd.s32 @!p0 $0x200, s23;
	s26 =	simm.s32 @!p0 $0x80;
	s28 =	simm.s32 @!p0 $0x1000  }
0x4b: {  	[tilespmem:s28], [sflag:$0x1] =	stream.indirect.gather @!p0 [hbm4b:s1+s26], $0x80, s25, s26, $0xb8;
	[tilespmem:$0x1CC00] =	vst v63  }
0x4c: {  	_ =	swait.ge [sflag:s19], $0x4000  }
0x4d: {  	[sflag:s19] =	ssyncset.done $0x0  }
0x4e: {  	s30 =	sadd.s32 $0x980, s23;
	[sflag:s19] =	ssyncadd.s32 $0xFFFFC000  }
0x4f: {  	[spmem:s3] =	stream.indirect.scatter.add.f32 [tilespmem:s20], [sflag:$0x2], $0x80, s30, s17, $0xb8;
	[tilespmem:$0x1CC00] =	vst v63  }
0x50: {  	_ =	swait.ge [sflag:s15], $0x4000  }
0x51: {  	s31 =	rddreg [dreg:$0x8];
	[sflag:s15] =	ssyncset.done $0x0  }
0x52: {  	[sflag:s15] =	ssyncadd.s32 $0xFFFFC000;
	p0 =	sle.u32 s31, $0x0  }
0x53: {  	s25 =	sadd.s32 @!p0 $0x280, s23;
	s26 =	simm.s32 @!p0 $0x80;
	s28 =	simm.s32 @!p0 $0x5000  }
0x54: {  	[tilespmem:s28], [sflag:$0x1] =	stream.indirect.gather @!p0 [hbm4b:s1+s26], $0x80, s25, s26, $0xb8;
	[tilespmem:$0x1CC00] =	vst v63  }
0x55: {  	_ =	swait.ge [sflag:s19], $0x4000  }
0x56: {  	[sflag:s19] =	ssyncset.done $0x0  }
0x57: {  	s2 =	sadd.s32 $0xA00, s23;
	[sflag:s19] =	ssyncadd.s32 $0xFFFFC000  }
0x58: {  	[spmem:s3] =	stream.indirect.scatter.add.f32 [tilespmem:s18], [sflag:$0x2], $0x80, s2, s17, $0xb8;
	[tilespmem:$0x1CC00] =	vst v63  }
0x59: {  	_ =	swait.ge [sflag:s15], $0x4000  }
0x5a: {  	s26 =	rddreg [dreg:$0x9];
	[sflag:s15] =	ssyncset.done $0x0  }
0x5b: {  	[sflag:s15] =	ssyncadd.s32 $0xFFFFC000;
	p0 =	sle.u32 s26, $0x0  }
0x5c: {  	s25 =	sadd.s32 @!p0 $0x300, s23;
	s26 =	simm.s32 @!p0 $0x80;
	s28 =	simm.s32 @!p0 $0x1000  }
0x5d: {  	[tilespmem:s28], [sflag:$0x1] =	stream.indirect.gather @!p0 [hbm4b:s1+s26], $0x80, s25, s26, $0xb8;
	[tilespmem:$0x1CC00] =	vst v63  }
0x5e: {  	_ =	swait.ge [sflag:s19], $0x4000  }
0x5f: {  	[sflag:s19] =	ssyncset.done $0x0  }
0x60: {  	s28 =	sadd.s32 $0xA80, s23;
	[sflag:s19] =	ssyncadd.s32 $0xFFFFC000  }
0x61: {  	[spmem:s3] =	stream.indirect.scatter.add.f32 [tilespmem:s20], [sflag:$0x2], $0x80, s28, s17, $0xb8;
	[tilespmem:$0x1CC00] =	vst v63  }
0x62: {  	_ =	swait.ge [sflag:s15], $0x4000  }
0x63: {  	s29 =	rddreg [dreg:$0xa];
	[sflag:s15] =	ssyncset.done $0x0  }
0x64: {  	[sflag:s15] =	ssyncadd.s32 $0xFFFFC000;
	p0 =	sle.u32 s29, $0x0  }
0x65: {  	s25 =	sadd.s32 @!p0 $0x380, s23;
	s26 =	simm.s32 @!p0 $0x80;
	s28 =	simm.s32 @!p0 $0x5000  }
0x66: {  	[tilespmem:s28], [sflag:$0x1] =	stream.indirect.gather @!p0 [hbm4b:s1+s26], $0x80, s25, s26, $0xb8;
	[tilespmem:$0x1CC00] =	vst v63  }
0x67: {  	_ =	swait.ge [sflag:s19], $0x4000  }
0x68: {  	[sflag:s19] =	ssyncset.done $0x0  }
0x69: {  	s30 =	sadd.s32 $0xB00, s23;
	[sflag:s19] =	ssyncadd.s32 $0xFFFFC000  }
0x6a: {  	[spmem:s3] =	stream.indirect.scatter.add.f32 [tilespmem:s18], [sflag:$0x2], $0x80, s30, s17, $0xb8;
	[tilespmem:$0x1CC00] =	vst v63  }
0x6b: {  	_ =	swait.ge [sflag:s15], $0x4000  }
0x6c: {  	s31 =	rddreg [dreg:$0xb];
	[sflag:s15] =	ssyncset.done $0x0  }
0x6d: {  	[sflag:s15] =	ssyncadd.s32 $0xFFFFC000;
	p0 =	sle.u32 s31, $0x0  }
0x6e: {  	s24 =	sshll.u32 @!p0 s24, $0xA;
	s25 =	simm.s32 @!p0 $0x80;
	s26 =	simm.s32 @!p0 $0x1000  }
0x6f: {  	[tilespmem:s26], [sflag:$0x1] =	stream.indirect.gather @!p0 [hbm4b:s1+s25], $0x80, s24, s25, $0xb8;
	[tilespmem:$0x1CC00] =	vst v63  }
0x70: {  	p0 =	sne.s32 s6, $0x1  }
.Ltmp0:
0x71: {  	_ = 	snop;
	(pc) =	sbr.rel @!p0 .LBB2_3-.Ltmp0, $2  }
0x72: {  	_ =	sdelay $0x2  }
0x73: {  	s24 =	smov.u32 s13;
	s25 =	smov.u32 s12;
	s26 =	simm.s32 $0x0  }
.LBB2_2:
0x74: {  	_ =	swait.ge [sflag:s19], $0x4000  }
0x75: {  	s23 =	sadd.s32 $0xB80, s23;
	[sflag:s19] =	ssyncset.done $0x0  }
0x76: {  	s29 =	smov.u32 s22;
	s22 =	sadd.s32 $0x1, s22;
	[sflag:s19] =	ssyncadd.s32 $0xFFFFC000  }
0x77: {  	[spmem:s3] =	stream.indirect.scatter.add.f32 [tilespmem:s20], [sflag:$0x2], $0x80, s23, s17, $0xb8;
	[tilespmem:$0x1CC00] =	vst v63  }
0x78: {  	s28 =	sand.u32 $0x1, s22;
	p1 =	sge.u32 s22, s6;
	_ =	swait.ge [sflag:s15], $0x4000  }
0x79: {  	s24 =	sadd.s32 $0x80, s24;
	s30 =	sshll.u32 @!p1 s28, $0xA;
	[sflag:s15] =	ssyncset.done $0x0  }
0x7a: {  	s2 =	simm.s32 @!p1 $0x0;
	s23 =	simm.s32 @!p1 $0x2;
	[sflag:s15] =	ssyncadd.s32 $0xFFFFC000  }
0x7b: {  	[tilespmem:s30], [sflag:$0x2] =	stream.linear.gather @!p1 [hbm4b:s24+s2], $0x400, $0x38;
	[tilespmem:$0x1CC00] =	vst v63  }
0x7c: {  	_ =	swait.ge @!p1 [sflag:s23], $0x400  }
0x7d: {  	[sflag:s23] =	ssyncset.done @!p1 $0x0  }
0x7e: {  	s25 =	sadd.s32 $0x80, s25;
	s31 =	sor.u32 @!p1 $0x800, s30;
	[sflag:s23] =	ssyncadd.s32 @!p1 $0xFFFFFC00  }
0x7f: {  	[tilespmem:s31], [sflag:$0x2] =	stream.linear.gather @!p1 [hbm4b:s25+s2], $0x400, $0x38;
	[tilespmem:$0x1CC00] =	vst v63  }
0x80: {  	_ =	swait.ge @!p1 [sflag:s23], $0x400  }
0x81: {  	s26 =	sadd.s32 $0x8, s26;
	[sflag:s23] =	ssyncset.done @!p1 $0x0;
	s31 =	rddreg [dreg:$0x4]  }
0x82: {  	[sflag:s23] =	ssyncadd.s32 @!p1 $0xFFFFFC00;
	s23 =	sand.u32 $0x1, s29;
	p1 =	sge.u32 s26, s31  }
0x83: {  	s2 =	sshll.u32 @!p1 s23, $0xA  }
0x84: {  	s29 =	simm.s32 @!p1 $0x80;
	s30 =	simm.s32 @!p1 $0x5000;
	s2 =	sor.u32 @!p1 $0x80, s2  }
0x85: {  	[tilespmem:s30], [sflag:$0x1] =	stream.indirect.gather @!p1 [hbm4b:s1+s29], $0x80, s2, s29, $0xb8;
	[tilespmem:$0x1CC00] =	vst v63  }
0x86: {  	_ =	swait.ge [sflag:s19], $0x4000  }
0x87: {  	s23 =	sshll.u32 s23, $0xA;
	[sflag:s19] =	ssyncset.done $0x0  }
0x88: {  	s30 =	sor.u32 $0x800, s23;
	[sflag:s19] =	ssyncadd.s32 $0xFFFFC000  }
0x89: {  	[spmem:s3] =	stream.indirect.scatter.add.f32 [tilespmem:s18], [sflag:$0x2], $0x80, s30, s17, $0xb8;
	[tilespmem:$0x1CC00] =	vst v63  }
0x8a: {  	_ =	swait.ge [sflag:s15], $0x4000  }
0x8b: {  	s31 =	rddreg [dreg:$0x5];
	[sflag:s15] =	ssyncset.done $0x0  }
0x8c: {  	[sflag:s15] =	ssyncadd.s32 $0xFFFFC000;
	p1 =	sge.u32 s26, s31  }
0x8d: {  	s2 =	sadd.s32 @!p1 $0x100, s23;
	s29 =	simm.s32 @!p1 $0x80;
	s30 =	simm.s32 @!p1 $0x1000  }
0x8e: {  	[tilespmem:s30], [sflag:$0x1] =	stream.indirect.gather @!p1 [hbm4b:s1+s29], $0x80, s2, s29, $0xb8;
	[tilespmem:$0x1CC00] =	vst v63  }
0x8f: {  	_ =	swait.ge [sflag:s19], $0x4000  }
0x90: {  	[sflag:s19] =	ssyncset.done $0x0  }
0x91: {  	s29 =	sadd.s32 $0x880, s23;
	[sflag:s19] =	ssyncadd.s32 $0xFFFFC000  }
0x92: {  	[spmem:s3] =	stream.indirect.scatter.add.f32 [tilespmem:s20], [sflag:$0x2], $0x80, s29, s17, $0xb8;
	[tilespmem:$0x1CC00] =	vst v63  }
0x93: {  	_ =	swait.ge [sflag:s15], $0x4000  }
0x94: {  	s30 =	rddreg [dreg:$0x6];
	[sflag:s15] =	ssyncset.done $0x0  }
0x95: {  	p1 =	sge.u32 s26, s30;
	[sflag:s15] =	ssyncadd.s32 $0xFFFFC000  }
0x96: {  	s2 =	sadd.s32 @!p1 $0x180, s23;
	s29 =	simm.s32 @!p1 $0x80;
	s30 =	simm.s32 @!p1 $0x5000  }
0x97: {  	[tilespmem:s30], [sflag:$0x1] =	stream.indirect.gather @!p1 [hbm4b:s1+s29], $0x80, s2, s29, $0xb8;
	[tilespmem:$0x1CC00] =	vst v63  }
0x98: {  	_ =	swait.ge [sflag:s19], $0x4000  }
0x99: {  	[sflag:s19] =	ssyncset.done $0x0  }
0x9a: {  	s31 =	sadd.s32 $0x900, s23;
	[sflag:s19] =	ssyncadd.s32 $0xFFFFC000  }
0x9b: {  	[spmem:s3] =	stream.indirect.scatter.add.f32 [tilespmem:s18], [sflag:$0x2], $0x80, s31, s17, $0xb8;
	[tilespmem:$0x1CC00] =	vst v63  }
0x9c: {  	_ =	swait.ge [sflag:s15], $0x4000  }
0x9d: {  	s29 =	rddreg [dreg:$0x7];
	[sflag:s15] =	ssyncset.done $0x0  }
0x9e: {  	[sflag:s15] =	ssyncadd.s32 $0xFFFFC000;
	p1 =	sge.u32 s26, s29  }
0x9f: {  	s2 =	sadd.s32 @!p1 $0x200, s23;
	s29 =	simm.s32 @!p1 $0x80;
	s30 =	simm.s32 @!p1 $0x1000  }
0xa0: {  	[tilespmem:s30], [sflag:$0x1] =	stream.indirect.gather @!p1 [hbm4b:s1+s29], $0x80, s2, s29, $0xb8;
	[tilespmem:$0x1CC00] =	vst v63  }
0xa1: {  	_ =	swait.ge [sflag:s19], $0x4000  }
0xa2: {  	[sflag:s19] =	ssyncset.done $0x0  }
0xa3: {  	s30 =	sadd.s32 $0x980, s23;
	[sflag:s19] =	ssyncadd.s32 $0xFFFFC000  }
0xa4: {  	[spmem:s3] =	stream.indirect.scatter.add.f32 [tilespmem:s20], [sflag:$0x2], $0x80, s30, s17, $0xb8;
	[tilespmem:$0x1CC00] =	vst v63  }
0xa5: {  	_ =	swait.ge [sflag:s15], $0x4000  }
0xa6: {  	s31 =	rddreg [dreg:$0x8];
	[sflag:s15] =	ssyncset.done $0x0  }
0xa7: {  	[sflag:s15] =	ssyncadd.s32 $0xFFFFC000;
	p1 =	sge.u32 s26, s31  }
0xa8: {  	s2 =	sadd.s32 @!p1 $0x280, s23;
	s29 =	simm.s32 @!p1 $0x80;
	s30 =	simm.s32 @!p1 $0x5000  }
0xa9: {  	[tilespmem:s30], [sflag:$0x1] =	stream.indirect.gather @!p1 [hbm4b:s1+s29], $0x80, s2, s29, $0xb8;
	[tilespmem:$0x1CC00] =	vst v63  }
0xaa: {  	_ =	swait.ge [sflag:s19], $0x4000  }
0xab: {  	[sflag:s19] =	ssyncset.done $0x0  }
0xac: {  	s29 =	sadd.s32 $0xA00, s23;
	[sflag:s19] =	ssyncadd.s32 $0xFFFFC000  }
0xad: {  	[spmem:s3] =	stream.indirect.scatter.add.f32 [tilespmem:s18], [sflag:$0x2], $0x80, s29, s17, $0xb8;
	[tilespmem:$0x1CC00] =	vst v63  }
0xae: {  	_ =	swait.ge [sflag:s15], $0x4000  }
0xaf: {  	s30 =	rddreg [dreg:$0x9];
	[sflag:s15] =	ssyncset.done $0x0  }
0xb0: {  	[sflag:s15] =	ssyncadd.s32 $0xFFFFC000;
	p1 =	sge.u32 s26, s30  }
0xb1: {  	s2 =	sadd.s32 @!p1 $0x300, s23;
	s29 =	simm.s32 @!p1 $0x80;
	s30 =	simm.s32 @!p1 $0x1000  }
0xb2: {  	[tilespmem:s30], [sflag:$0x1] =	stream.indirect.gather @!p1 [hbm4b:s1+s29], $0x80, s2, s29, $0xb8;
	[tilespmem:$0x1CC00] =	vst v63  }
0xb3: {  	_ =	swait.ge [sflag:s19], $0x4000  }
0xb4: {  	[sflag:s19] =	ssyncset.done $0x0  }
0xb5: {  	s31 =	sadd.s32 $0xA80, s23;
	[sflag:s19] =	ssyncadd.s32 $0xFFFFC000  }
0xb6: {  	[spmem:s3] =	stream.indirect.scatter.add.f32 [tilespmem:s20], [sflag:$0x2], $0x80, s31, s17, $0xb8;
	[tilespmem:$0x1CC00] =	vst v63  }
0xb7: {  	_ =	swait.ge [sflag:s15], $0x4000  }
0xb8: {  	s29 =	rddreg [dreg:$0xa];
	[sflag:s15] =	ssyncset.done $0x0  }
0xb9: {  	[sflag:s15] =	ssyncadd.s32 $0xFFFFC000;
	p1 =	sge.u32 s26, s29  }
0xba: {  	s2 =	sadd.s32 @!p1 $0x380, s23;
	s29 =	simm.s32 @!p1 $0x80;
	s30 =	simm.s32 @!p1 $0x5000  }
0xbb: {  	[tilespmem:s30], [sflag:$0x1] =	stream.indirect.gather @!p1 [hbm4b:s1+s29], $0x80, s2, s29, $0xb8;
	[tilespmem:$0x1CC00] =	vst v63  }
0xbc: {  	_ =	swait.ge [sflag:s19], $0x4000  }
0xbd: {  	[sflag:s19] =	ssyncset.done $0x0  }
0xbe: {  	p0 =	sne.s32 s6, s22;
	s30 =	sadd.s32 $0xB00, s23;
	[sflag:s19] =	ssyncadd.s32 $0xFFFFC000  }
0xbf: {  	[spmem:s3] =	stream.indirect.scatter.add.f32 [tilespmem:s18], [sflag:$0x2], $0x80, s30, s17, $0xb8;
	[tilespmem:$0x1CC00] =	vst v63  }
.Ltmp1:
0xc0: {  	_ =	swait.ge [sflag:s15], $0x4000;
	(pc) =	sbr.rel @p0 .LBB2_2-.Ltmp1, $4  }
0xc1: {  	s31 =	rddreg [dreg:$0xb];
	[sflag:s15] =	ssyncset.done $0x0  }
0xc2: {  	[sflag:s15] =	ssyncadd.s32 $0xFFFFC000;
	p1 =	sge.u32 s26, s31  }
0xc3: {  	s2 =	sshll.u32 @!p1 s28, $0xA;
	s28 =	simm.s32 @!p1 $0x80;
	s29 =	simm.s32 @!p1 $0x1000  }
0xc4: {  	[tilespmem:s29], [sflag:$0x1] =	stream.indirect.gather @!p1 [hbm4b:s1+s28], $0x80, s2, s28, $0xb8;
	[tilespmem:$0x1CC00] =	vst v63  }
.LBB2_3:
0xc5: {  	_ =	swait.ge [sflag:s19], $0x4000  }
0xc6: {  	[sflag:s19] =	ssyncset.done $0x0  }
0xc7: {  	s2 =	sadd.s32 $0xB80, s23;
	[sflag:s19] =	ssyncadd.s32 $0xFFFFC000  }
0xc8: {  	[spmem:s3] =	stream.indirect.scatter.add.f32 [tilespmem:s20], [sflag:$0x2], $0x80, s2, s17, $0xb8;
	[tilespmem:$0x1CC00] =	vst v63  }
0xc9: {  	_ =	swait.ge [sflag:s15], $0x4000  }
0xca: {  	s21 =	sadd.s32 $0x1, s21;
	[sflag:s15] =	ssyncset.done $0x0  }
0xcb: {  	p0 =	sne.s32 s21, s11;
	[sflag:s15] =	ssyncadd.s32 $0xFFFFC000  }
.Ltmp2:
0xcc: {  	[bflag:$0x0] =	sbarrier.arrive $0xFFFF;
	(pc) =	sbr.rel @p0 .LBB2_1-.Ltmp2, $4  }
0xcd: {  	[hbm:s10], [sflag:s7] =	dma.local [spmem:s14], $0x2780  }
0xce: {  	_ =	swait.ge [sflag:s15], $0x2780  }
0xcf: {  	[sflag:s15] =	ssyncset.done $0x0  }
0xd0: {  	[sflag:s15] =	ssyncadd.s32 $0xFFFFD880  }
0xd1: {  	_ =	sfence.sel $0x180000  }
0xd2: {  	[bflag:$0x0] =	sbarrier.arrive $0xFFFF  }
0xd3: {  	_ =	strace $0x9000004D  }
0xd4: {  	[bflag:$0x2] =	sbarrier.arrive $0xFFFF  }
0xd5: {  	p0 =	sne.s32 s0, $0x0;
	s0 =	rddreg [dreg:$0x3]  }
0xd6: {  	s0 =	sadd.s32 @!p0 $0x100000, s0  }
0xd7: {  	[sflag:s0] =	ssyncadd.tile.s32 @!p0 $0x1;
	_ =	shalt  }
.Lfunc_end2:
_tile_overlayer_lowered:
.L_overlay_start_2:
0xd8: {  	(tag) =	ssettag $0x2  }
0xd9: {  	s0 =	rddreg [dreg:$0x0];
	s2 =	stileid.u32  }
0xda: {  	s1 =	rddreg [dreg:$0x1];
	p0 =	sne.s32 s2, $0x0  }
0xdb: {  	s3 =	rddreg [dreg:$0x2];
	[bflag:$0x3] =	sbarrier.arrive $0xFFFF;
	s2 =	simm.s32 @!p0 $0x1C02  }
0xdc: {  	[timem:s3], [sflag:s2] =	dma.local @!p0 [hbm:s0], s1  }
0xdd: {  	s0 =	simm.s32 @!p0 $0x2  }
0xde: {  	_ =	swait.ge @!p0 [sflag:s0], s1  }
0xdf: {  	s1 =	ssub.s32 @!p0 $0x0, s1;
	[sflag:s0] =	ssyncset.done @!p0 $0x0  }
0xe0: {  	[sflag:s0] =	ssyncadd.s32 @!p0 s1  }
0xe1: {  	[bflag:$0x3] =	sbarrier.arrive $0xFFFF  }
0xe2: {  	_ =	shalt  }

// kernel: kernel.7.cloned.1.call-start
scs
__scs_entry_jumppad:
0x0: {  	(pc) =	sbr.rel $0x88, $3  }
0x1: {  	(tag) =	ssettag $0x0;
	lr =	simm.s32 $0x1  }
0x2: {  	[smem:$0x3F99] =	sst lr;
	_ =	strace $0xD0000000  }
0x3: {  	_ = 	snop  }
0x4: {  	_ = 	snop  }
0x5: {  	_ = 	snop  }
0x6: {  	_ = 	snop  }
0x7: {  	_ = 	snop  }
__scs_overlays_trampoline_lowered:
0x8: {  	[smem:$0x3FA8] =	sst s0  }
0x9: {  	[smem:$0x3FA9] =	sst s1  }
0xa: {  	[smem:$0x3FAA] =	sst s2  }
0xb: {  	[smem:$0x3FAB] =	sst s3  }
0xc: {  	[smem:$0x3FAC] =	sst s4  }
0xd: {  	[smem:$0x3FAD] =	sst s5  }
0xe: {  	[smem:$0x3FAE] =	sst s6  }
0xf: {  	[smem:$0x3FAF] =	sst s7  }
0x10: {  	[smem:$0x3FB0] =	sst s8  }
0x11: {  	[smem:$0x3FB1] =	sst s9;
	s0 =	simm.s32 @!p0 $0x0  }
0x12: {  	s1 =	sld [smem:$0x3F97];
	s0 =	simm.s32 @p0 $0x1  }
0x13: {  	[smem:$0x3FB2] =	sst s0;
	s0 =	simm.s32 @!p1 $0x0  }
0x14: {  	s2 =	sld [smem:$0x3F96];
	s0 =	simm.s32 @p1 $0x1  }
0x15: {  	[smem:$0x3FB3] =	sst s0;
	s0 =	simm.s32 @!p2 $0x0  }
0x16: {  	s3 =	sld [smem:$0x3FDB];
	s0 =	simm.s32 @p2 $0x1  }
0x17: {  	s4 =	simm.s32 $0x1BF5;
	[smem:$0x3FB5] =	sst s0  }
0x18: {  	s0 =	sld [smem:$0x3F98];
	_ =	swait.ge [sflag:s4], $0x0  }
0x19: {  	s7 =	sld [smem:$0x3F99]  }
0x1a: {  	s8 =	sadd.s32 $0xFFFFE003, lr  }
0x1b: {  	s9 =	sadd.s32 $0xFFFFFEF7, lr;
	s5 =	simm.s32 $0xFFFFFFFF;
	p2 =	slt.u32 s8, $0xFFFFF086  }
0x1c: {  	p1 =	slt.u32 s9, $0xF7A;
	s5 =	simm.s32 @!p2 $0x0  }
0x1d: {  	s5 =	simm.s32 @p1 $0x1;
	p0 =	seq.s32 s7, s2  }
0x1e: {  	s7 =	smul.u32 @!p0 $0xF7A, s2;
	p2 =	seq.s32 @!p0 s5, $0x0  }
0x1f: {  	s9 =	smul.u32 $0xF7A, s1;
	s8 =	simm.s32 @!p0 $0x1BF5;
	p2 =	por !p2, p0  }
0x20: {  	[sflag:s8] =	ssyncset.s32 @!p0 $0xFFFFF086;
	s6 =	sadd.s32 @!p0 s3, s7;
	s7 =	simm.s32 @!p0 $0x108  }
0x21: {  	s3 =	sadd.s32 s3, s9;
	s6 =	sadd.s32 @!p0 $0x88, s6;
	s7 =	simm.s32 @p2 $0x1082  }
0x22: {  	[simem:s7], [sflag:s8] =	dma.local @!p0 [hbm:s6], $0xF7A  }
0x23: {  	s9 =	sor.u32 $0xD0000000, s2;
	s6 =	simm.s32 $0x108;
	_ =	swait.ge @!p0 [sflag:s8], $0x0  }
0x24: {  	s3 =	sadd.s32 $0x88, s3;
	s6 =	simm.s32 @!p1 $0x1082;
	[sflag:s4] =	ssyncset.s32 $0xFFFFF086  }
0x25: {  	[simem:s6], [sflag:s4] =	dma.local [hbm:s3], $0xF7A  }
0x26: {  	[smem:$0x3F99] =	sst s1;
	(tag) =	ssettag s2;
	_ =	strace s9  }
0x27: {  	s1 =	sld [smem:$0x3FA9]  }
0x28: {  	s2 =	sld [smem:$0x3FAA]  }
0x29: {  	s4 =	sld [smem:$0x3FAC]  }
0x2a: {  	p0 =	seq.s32 s5, $0x0;
	s5 =	sld [smem:$0x3FAD]  }
0x2b: {  	s6 =	sld [smem:$0x3FAE]  }
0x2c: {  	s7 =	sld [smem:$0x3FAF]  }
0x2d: {  	s3 =	simm.s32 $0x108;
	s8 =	sld [smem:$0x3FB0]  }
0x2e: {  	s3 =	simm.s32 @!p0 $0x1082;
	s9 =	sld [smem:$0x3FB1]  }
0x2f: {  	lr =	sadd.s32 s0, s3;
	s0 =	sld [smem:$0x3FA8]  }
0x30: {  	s3 =	sld [smem:$0x3FAB]  }
0x31: {  	[smem:$0x3FB4] =	sst s10  }
0x32: {  	s10 =	sld [smem:$0x3FB2];
	_ =	sdelay $0x3  }
0x33: {  	p0 =	seq.s32 s10, $0x1;
	s10 =	sld [smem:$0x3FB4];
	_ =	sdelay $0x3  }
0x34: {  	[smem:$0x3FB4] =	sst s10  }
0x35: {  	s10 =	sld [smem:$0x3FB3];
	_ =	sdelay $0x3  }
0x36: {  	p1 =	seq.s32 s10, $0x1;
	s10 =	sld [smem:$0x3FB4];
	_ =	sdelay $0x3  }
0x37: {  	[smem:$0x3FB4] =	sst s10  }
0x38: {  	s10 =	sld [smem:$0x3FB5]  }
0x39: {  	_ = 	snop;
	(pc) =	sbr.ind lr, $3  }
0x3a: {  	_ = 	snop  }
0x3b: {  	_ = 	snop  }
0x3c: {  	p2 =	seq.s32 s10, $0x1;
	s10 =	sld [smem:$0x3FB4]  }
0x3d: {  	_ =	shalt  }
0x3e: {  	_ =	shalt  }
0x3f: {  	_ =	shalt  }
0x40: {  	_ =	shalt  }
0x41: {  	_ =	shalt  }
0x42: {  	_ =	shalt  }
0x43: {  	_ =	shalt  }
0x44: {  	_ =	shalt  }
0x45: {  	_ =	shalt  }
0x46: {  	_ =	shalt  }
0x47: {  	_ =	shalt  }
0x48: {  	_ =	shalt  }
0x49: {  	_ =	shalt  }
0x4a: {  	_ =	shalt  }
0x4b: {  	_ =	shalt  }
0x4c: {  	_ =	shalt  }
0x4d: {  	_ =	shalt  }
0x4e: {  	_ =	shalt  }
0x4f: {  	_ =	shalt  }
0x50: {  	_ =	shalt  }
0x51: {  	_ =	shalt  }
0x52: {  	_ =	shalt  }
0x53: {  	_ =	shalt  }
0x54: {  	_ =	shalt  }
0x55: {  	_ =	shalt  }
0x56: {  	_ =	shalt  }
0x57: {  	_ =	shalt  }
0x58: {  	_ =	shalt  }
0x59: {  	_ =	shalt  }
0x5a: {  	_ =	shalt  }
0x5b: {  	_ =	shalt  }
0x5c: {  	_ =	shalt  }
0x5d: {  	_ =	shalt  }
0x5e: {  	_ =	shalt  }
0x5f: {  	_ =	shalt  }
0x60: {  	_ =	shalt  }
0x61: {  	_ =	shalt  }
0x62: {  	_ =	shalt  }
0x63: {  	_ =	shalt  }
0x64: {  	_ =	shalt  }
0x65: {  	_ =	shalt  }
0x66: {  	_ =	shalt  }
0x67: {  	_ =	shalt  }
0x68: {  	_ =	shalt  }
0x69: {  	_ =	shalt  }
0x6a: {  	_ =	shalt  }
0x6b: {  	_ =	shalt  }
0x6c: {  	_ =	shalt  }
0x6d: {  	_ =	shalt  }
0x6e: {  	_ =	shalt  }
0x6f: {  	_ =	shalt  }
0x70: {  	_ =	shalt  }
0x71: {  	_ =	shalt  }
0x72: {  	_ =	shalt  }
0x73: {  	_ =	shalt  }
0x74: {  	_ =	shalt  }
0x75: {  	_ =	shalt  }
0x76: {  	_ =	shalt  }
0x77: {  	_ =	shalt  }
0x78: {  	_ =	shalt  }
0x79: {  	_ =	shalt  }
0x7a: {  	_ =	shalt  }
0x7b: {  	_ =	shalt  }
0x7c: {  	_ =	shalt  }
0x7d: {  	_ =	shalt  }
0x7e: {  	_ =	shalt  }
0x7f: {  	_ =	shalt  }
0x80: {  	_ =	shalt  }
0x81: {  	_ =	shalt  }
0x82: {  	_ =	shalt  }
0x83: {  	_ =	shalt  }
0x84: {  	_ =	shalt  }
0x85: {  	_ =	shalt  }
0x86: {  	_ =	shalt  }
0x87: {  	_ =	shalt  }
.Lfunc_end0:
.L_simem_size_0:
called_computation_lowered:
.L_overlay_start_0:
0x88: {  	s2 =	sld [smem:$0x3FD9]  }
0x89: {  	s3 =	sld [smem:$0x3FFE];
	_ =	sdelay $0x1  }
0x8a: {  	s1 =	srdreg.scid  }
0x8b: {  	s0 =	sand.u32 $0x1, s1  }
0x8c: {  	s17 =	sshll.u32 s0, $0xA;
	s2 =	sadd.s32 s3, s2  }
0x8d: {  	s2 =	sadd.s32 s2, s17  }
0x8e: {  	[smem:$0x3FC0] =	sst s2  }
0x8f: {  	_ = 	snop  }
0x90: {  	s2 =	sld [smem:$0x3FD0];
	(tm) =	ssettm $0x1  }
0x91: {  	s18 =	sld [smem:$0x3FFB];
	_ =	sdelay $0x3  }
0x92: {  	_ =	strace s18  }
0x93: {  	s3 =	sld [smem:$0x3FFC];
	_ =	sdelay $0x3  }
0x94: {  	_ =	strace s3  }
0x95: {  	s3 =	sld [smem:$0x3FFD];
	_ =	sdelay $0x3  }
0x96: {  	_ =	strace s3  }
0x97: {  	_ =	strace $0x8FFFFFFF  }
0x98: {  	s19 =	sld [smem:$0x3FDB];
	_ =	sdelay $0x1  }
0x99: {  	s4 =	simm.s32 $_scs_section_size  }
0x9a: {  	s5 =	simm.s32 $_size__tile_overlayer_lowered;
	s6 =	simm.s32 $_tile_overlayer_lowered  }
0x9b: {  	s22 =	simm.s32 $0x1BFF;
	s21 =	sshll.u32 s6, $0x1;
	s3 =	sadd.s32 s4, s19  }
0x9c: {  	s7 =	simm.s32 $0x0;
	s20 =	sshll.u32 s5, $0x1;
	s5 =	sadd.s32 s21, s3  }
0x9d: {  	[timem:s7], [sflag:s22] =	dma.local [hbm:s5], s20  }
0x9e: {  	_ =	swait.ge [sflag:s22], s20  }
0x9f: {  	s4 =	ssub.s32 $0x0, s20;
	[sflag:s22] =	ssyncset.done $0x0  }
0xa0: {  	[sflag:s22] =	ssyncadd.s32 s4;
	_ =	sdelay $0x1  }
0xa1: {  	s23 =	simm.s32 $0x1B8B  }
0xa2: {  	_ =	swait.ge [sflag:s23], $0x1  }
0xa3: {  	[sflag:s23] =	ssyncset.done $0x0  }
0xa4: {  	s25 =	simm.s32 $0x1B8E;
	s24 =	sld [smem:$0x3FFE];
	[sflag:s23] =	ssyncadd.s32 $0xFFFFFFFF  }
0xa5: {  	s26 =	simm.s32 $execute0_lowered;
	[smem:$0x3FD2] =	sst s25  }
0xa6: {  	s5 =	sshll.u32 s26, $0x1;
	_ =	strace $0x80000046;
	[dreg:$0x1] =	wrdreg $0xFFFFFFFF  }
0xa7: {  	s28 =	simm.s32 $_size_execute0_lowered;
	s3 =	sadd.s32 s3, s5;
	[dreg:$0x0] =	wrdreg $0x0  }
0xa8: {  	s5 =	sshll.u32 s28, $0x1;
	[dreg:$0x2] =	wrdreg s3  }
0xa9: {  	[dreg:$0x3] =	wrdreg s5  }
0xaa: {  	[dreg:$0x4] =	wrdreg $0xC0  }
0xab: {  	_ =	task [dreg:s7], $0x5FFFF  }
0xac: {  	[dreg:$0x1] =	wrdreg $0xFFFFFFFF  }
0xad: {  	[dreg:$0x0] =	wrdreg $0x60  }
0xae: {  	[dreg:$0x2] =	wrdreg s2  }
0xaf: {  	[dreg:$0x3] =	wrdreg s24  }
0xb0: {  	[dreg:$0x4] =	wrdreg $0x68000  }
0xb1: {  	[dreg:$0x5] =	wrdreg $0x9  }
0xb2: {  	_ =	task.clear_ibuf [dreg:s7], $0x6FFFF;
	_ =	strace $0x90000046  }
0xb3: {  	s29 =	simm.s32 $0x9;
	_ =	strace $0x80000048  }
0xb4: {  	_ =	swait.ge [sflag:s29], $0x1  }
0xb5: {  	[sflag:s29] =	ssyncadd.s32 $0xFFFFFFFF  }
0xb6: {  	_ =	strace $0x90000048  }
0xb7: {  	_ =	sfence  }
0xb8: {  	s30 =	sld [smem:$0x0];
	_ =	sdelay $0x2  }
0xb9: {  	s31 =	sshll.u32 s1, $0xD;
	s1 =	sshrl.u32 s1, $0x2  }
0xba: {  	s3 =	sand.u32 $0x4000, s31;
	s1 =	sadd.s32 s1, s30  }
0xbb: {  	s0 =	sor.u32 s3, s0;
	s1 =	sshll.u32 s1, $0x11  }
0xbc: {  	s0 =	sor.u32 s1, s0  }
0xbd: {  	s0 =	sadd.s32 $0x8F2B, s0  }
0xbe: {  	[sflag:s0] =	ssyncadd.remote.s32 $0x1  }
0xbf: {  	_ =	sfence.sel $0xFFFF  }
0xc0: {  	[dreg:$0x0] =	wrdreg $0xFFFFFFFF;
	(pc) =	sbr.abs _section_cstart, $3  }
0xc1: {  	[dreg:$0x1] =	wrdreg $0xFFFFFFFF  }
0xc2: {  	_ =	task.clear_ibuf [dreg:s7], $0x2FFFF;
	_ =	strace $0x9FFFFFFF  }
0xc3: {  	(tm) =	ssettm $0x7FFFFFFF  }
tec
execute0_lowered:
.L_overlay_start_1:
0x0: {  	(tag) =	ssettag $0x1  }
0x1: {  	s7 =	rddreg [dreg:$0x0]  }
0x2: {  	s6 =	rddreg [dreg:$0x1]  }
0x3: {  	s1 =	rddreg [dreg:$0x2]  }
0x4: {  	s2 =	srdreg.scid;
	s0 =	rddreg [dreg:$0x3];
	s3 =	simm.s32 $0x0  }
0x5: {  	s12 =	simm.s32 $0x2800;
	s13 =	simm.s32 $0x80;
	s8 =	sand.u32 $0x1, s2  }
0x6: {  	s14 =	simm.s32 $0x0;
	s2 =	stileid.u32;
	s9 =	smul.u32 $0x13C000, s8  }
0x7: {  	[smem:$0x7FF] =	sst s3;
	s4 =	sadd.s32 $0xC800, s6;
	s10 =	smul.u32 $0x13C00, s2  }
0x8: {  	s5 =	sadd.s32 $0xC000, s6;
	_ =	strace $0x80000047;
	s26 =	smul.u32 $0x4F000, s2  }
0x9: {  	s11 =	sshll.u32 s8, $0x4;
	s28 =	ssub.s32 $0x2, s8;
	s31 =	sshll.u32 s2, $0x6  }
0xa: {  	s29 =	sor.u32 s2, s11;
	s30 =	sshrl.u32 s28, $0x1;
	s9 =	sadd.s32 s10, s9  }
0xb: {  	s10 =	sshrl.u32 s26, $0x2;
	s8 =	smul.u32 $0x500, s29;
	s9 =	sshrl.u32 s9, $0x3  }
0xc: {  	s11 =	ssub.s32 s28, s30;
	s10 =	sadd.s32 s10, s1;
	s9 =	sadd.s32 s9, s6  }
0xd: {  	s6 =	sor.u32 $0x1C01, s31;
	s7 =	sadd.s32 s7, s8;
	s10 =	sshrl.u32 s10, $0x3  }
0xe: {  	s8 =	sadd.s32 $0xF000, s9;
	s9 =	smax.u32 s11, $0x1;
	s11 =	simm.s32 $0x1  }
.LBB2_1:
0xf: {  	[spmem:s10], [sflag:s6] =	dma.local [hbm:s4], $0x2780  }
0x10: {  	_ =	swait.ge [sflag:s11], $0x2780  }
0x11: {  	[sflag:s11] =	ssyncset.done $0x0  }
0x12: {  	[sflag:s11] =	ssyncadd.s32 $0xFFFFD880  }
0x13: {  	[tilespmem:s12], [sflag:$0x1] =	stream.linear.gather [hbm4b:s5+s3], $0x4000, $0x38;
	[tilespmem:$0x1A400] =	vst v63  }
0x14: {  	_ =	swait.ge [sflag:s11], $0x4000  }
0x15: {  	[sflag:s11] =	ssyncset.done $0x0  }
0x16: {  	[sflag:s11] =	ssyncadd.s32 $0xFFFFC000  }
0x17: {  	[tilespmem:s3], [sflag:$0x1] =	stream.linear.gather [hbm4b:s7+s3], $0x2800, $0x38;
	[tilespmem:$0x1A400] =	vst v63  }
0x18: {  	_ =	swait.ge [sflag:s11], $0x2800  }
0x19: {  	[sflag:s11] =	ssyncset.done $0x0  }
0x1a: {  	[sflag:s11] =	ssyncadd.s32 $0xFFFFD800  }
0x1b: {  	s15 =	simm.s32 $0x0;
	[bflag:$0x0] =	sbarrier.arrive $0xFFFF  }
0x1c: {  	[spmem:s1] =	stream.indirect.scatter.add.f32 [tilespmem:s12], [sflag:$0x1], $0x80, s15, s13, $0xb8;
	[tilespmem:$0x1A400] =	vst v63  }
0x1d: {  	_ =	swait.ge [sflag:s11], $0x4000  }
0x1e: {  	s15 =	simm.s32 $0x200;
	[sflag:s11] =	ssyncset.done $0x0  }
.LBB2_2:
0x1f: {  	s16 =	sshra.s32 s15, $0x2;
	[sflag:s11] =	ssyncadd.s32 $0xFFFFC000;
	p0 =	sne.s32 s15, $0x9E00  }
0x20: {  	[spmem:s1] =	stream.indirect.scatter.add.f32 [tilespmem:s12], [sflag:$0x1], $0x80, s16, s13, $0xb8;
	[tilespmem:$0x1A400] =	vst v63  }
.Ltmp0:
0x21: {  	_ = 	snop;
	(pc) =	sbr.rel @p0 .LBB2_2-.Ltmp0, $4  }
0x22: {  	_ = 	snop  }
0x23: {  	s15 =	sadd.s32 $0x200, s15  }
0x24: {  	_ =	swait.ge [sflag:s11], $0x4000  }
0x25: {  	[sflag:s11] =	ssyncset.done $0x0  }
0x26: {  	s14 =	sadd.s32 $0x1, s14  }
0x27: {  	[sflag:s11] =	ssyncadd.s32 $0xFFFFC000;
	p0 =	sne.s32 s14, s9  }
.Ltmp1:
0x28: {  	[bflag:$0x0] =	sbarrier.arrive $0xFFFF;
	(pc) =	sbr.rel @p0 .LBB2_1-.Ltmp1, $4  }
0x29: {  	[hbm:s8], [sflag:s6] =	dma.local [spmem:s10], $0x2780  }
0x2a: {  	_ =	swait.ge [sflag:s11], $0x2780  }
0x2b: {  	[sflag:s11] =	ssyncset.done $0x0  }
0x2c: {  	[sflag:s11] =	ssyncadd.s32 $0xFFFFD880  }
0x2d: {  	_ =	sfence.sel $0x180000  }
0x2e: {  	[bflag:$0x0] =	sbarrier.arrive $0xFFFF  }
0x2f: {  	p0 =	sne.s32 s2, $0x0;
	_ =	strace $0x90000047  }
0x30: {  	s0 =	sadd.s32 @!p0 $0x100000, s0;
	[bflag:$0x2] =	sbarrier.arrive $0xFFFF  }
0x31: {  	[sflag:s0] =	ssyncadd.tile.s32 @!p0 $0x1;
	_ =	shalt  }
.Lfunc_end2:
_tile_overlayer_lowered:
.L_overlay_start_2:
0x32: {  	(tag) =	ssettag $0x2  }
0x33: {  	s0 =	rddreg [dreg:$0x0];
	s2 =	stileid.u32  }
0x34: {  	s1 =	rddreg [dreg:$0x1];
	p0 =	sne.s32 s2, $0x0  }
0x35: {  	s3 =	rddreg [dreg:$0x2];
	[bflag:$0x3] =	sbarrier.arrive $0xFFFF;
	s2 =	simm.s32 @!p0 $0x1C01  }
0x36: {  	[timem:s3], [sflag:s2] =	dma.local @!p0 [hbm:s0], s1  }
0x37: {  	s0 =	simm.s32 @!p0 $0x1  }
0x38: {  	_ =	swait.ge @!p0 [sflag:s0], s1  }
0x39: {  	s1 =	ssub.s32 @!p0 $0x0, s1;
	[sflag:s0] =	ssyncset.done @!p0 $0x0  }
0x3a: {  	[sflag:s0] =	ssyncadd.s32 @!p0 s1  }
0x3b: {  	[bflag:$0x3] =	sbarrier.arrive $0xFFFF  }
0x3c: {  	_ =	shalt  }

</sc_bundles>
